<compile_context>
chip_gen: v7x
topology: tpu7x:2x2x1
jax: 0.10.2.dev20260603
libtpu: 0.0.44.dev20260713+nightly
codegen_flags: <defaults>
</compile_context>

<pallas_src>
import functools

import jax
import jax.numpy as jnp
from jax import lax
from jax.experimental import pallas as pl
from jax.experimental.pallas import tpu as pltpu
from jax.experimental.pallas import tpu_sc as plsc

_N_ENTITY = 100000
_N_RELATION = 500
_D = 32
_D2 = 64
_B = 1024
_REG = 0.05
_T = 2000
_NT = _N_ENTITY // _T
_TM = 25000
_TM_STEPS = _N_ENTITY // _TM

_NC, _NS = 2, 16
_NW = _NC * _NS
_BPW = _B // _NW


@functools.lru_cache(maxsize=1)
def _make_gather3():
    mesh = plsc.VectorSubcoreMesh(core_axis_name="c", subcore_axis_name="s",
                                  num_cores=_NC, num_subcores=_NS)

    @functools.partial(
        pl.kernel,
        mesh=mesh,
        out_type=[jax.ShapeDtypeStruct((_B, _D2), jnp.float32)] * 3,
        scratch_types=[
            [pltpu.VMEM((_BPW,), jnp.int32)] * 3,
            [pltpu.VMEM((_BPW, _D2), jnp.float32)] * 3,
            pltpu.SemaphoreType.DMA,
        ],
    )
    def _gather3(entity_hbm, relation_hbm, anchor_hbm, relind_hbm, ans_hbm,
                 head_out, rel_out, tail_out, idx_vs, rows_vs, sem):
        wid = lax.axis_index("s") * _NC + lax.axis_index("c")
        base = wid * _BPW
        triples = (
            (anchor_hbm, entity_hbm, head_out),
            (relind_hbm, relation_hbm, rel_out),
            (ans_hbm, entity_hbm, tail_out),
        )
        for t, (idx_hbm, table, out) in enumerate(triples):
            pltpu.sync_copy(idx_hbm.at[pl.ds(base, _BPW)], idx_vs[t])
        descs = []
        for t, (idx_hbm, table, out) in enumerate(triples):
            for c in range(_BPW // 16):
                chunk = idx_vs[t][pl.ds(c * 16, 16)]
                for k in range(16):
                    j = c * 16 + k
                    descs.append(pltpu.async_copy(
                        table.at[pl.ds(chunk[k], 1)],
                        rows_vs[t].at[pl.ds(j, 1)], sem))
        for d in descs:
            d.wait()
        for t, (idx_hbm, table, out) in enumerate(triples):
            pltpu.sync_copy(rows_vs[t], out.at[pl.ds(base, _BPW)])

    return _gather3


def _score_body(head_ref, rel_ref, tail_ref, e_ref, out_ref,
                q_ref, m_ref, s_ref, g_ref):
    i = pl.program_id(0)

    @pl.when(i == 0)
    def _init():
        head = head_ref[...]
        rel = rel_ref[...]
        tail = tail_ref[...]
        lhs0, lhs1 = head[:, :_D], head[:, _D:]
        rel0, rel1 = rel[:, :_D], rel[:, _D:]
        q0 = lhs0 * rel0 - lhs1 * rel1
        q1 = lhs0 * rel1 + lhs1 * rel0
        q_ref[...] = jnp.concatenate([q0, q1], axis=1)
        g_ref[...] = jnp.sum(q0 * tail[:, :_D] + q1 * tail[:, _D:],
                             axis=1, keepdims=True)
        m_ref[...] = jnp.full((_B, 1), -jnp.inf, dtype=jnp.float32)
        s_ref[...] = jnp.zeros((_B, 1), dtype=jnp.float32)

    q = q_ref[...]
    e = e_ref[...]
    p = lax.dot_general(q, e, (((1,), (1,)), ((), ())),
                        preferred_element_type=jnp.float32)
    m_old = m_ref[...]
    m_new = jnp.maximum(m_old, jnp.max(p, axis=1, keepdims=True))
    s_ref[...] = (s_ref[...] * jnp.exp(m_old - m_new)
                  + jnp.sum(jnp.exp(p - m_new), axis=1, keepdims=True))
    m_ref[...] = m_new

    @pl.when(i == pl.num_programs(0) - 1)
    def _fin():
        lse = m_ref[...] + jnp.log(s_ref[...])
        l_fit = jnp.mean(lse - g_ref[...])
        head = head_ref[...]
        rel = rel_ref[...]
        tail = tail_ref[...]

        def n3(x):
            a = x[:, :_D] ** 2 + x[:, _D:] ** 2
            return jnp.sum(a * jnp.sqrt(a))

        l_reg = _REG * (n3(head) + n3(rel) + n3(tail)) / _B
        out_ref[0, 0] = l_fit + l_reg


def _score(head, rel, tail, entity_emb):
    return pl.pallas_call(
        _score_body,
        grid=(_NT,),
        in_specs=[
            pl.BlockSpec((_B, _D2), lambda i: (0, 0)),
            pl.BlockSpec((_B, _D2), lambda i: (0, 0)),
            pl.BlockSpec((_B, _D2), lambda i: (0, 0)),
            pl.BlockSpec((_T, _D2), lambda i: (i, 0)),
        ],
        out_specs=pl.BlockSpec(memory_space=pltpu.SMEM),
        out_shape=jax.ShapeDtypeStruct((1, 1), jnp.float32),
        scratch_shapes=[
            pltpu.VMEM((_B, _D2), jnp.float32),
            pltpu.VMEM((_B, 1), jnp.float32),
            pltpu.VMEM((_B, 1), jnp.float32),
            pltpu.VMEM((_B, 1), jnp.float32),
        ],
        compiler_params=pltpu.CompilerParams(
            dimension_semantics=("arbitrary",)),
    )(head, rel, tail, entity_emb)


def _moments_body(e_ref, s_ref, mom_ref):
    i = pl.program_id(0)

    @pl.when(i == 0)
    def _init():
        s_ref[...] = jnp.zeros((1, _D2), dtype=jnp.float32)
        mom_ref[...] = jnp.zeros((_D2, _D2), dtype=jnp.float32)

    e = e_ref[...]
    mom_ref[...] += lax.dot_general(e, e, (((0,), (0,)), ((), ())),
                                    preferred_element_type=jnp.float32)
    ones = jnp.ones((1, _TM), dtype=jnp.float32)
    s_ref[...] += lax.dot_general(ones, e, (((1,), (0,)), ((), ())),
                                  preferred_element_type=jnp.float32)


def _moments(entity_emb):
    return pl.pallas_call(
        _moments_body,
        grid=(_TM_STEPS,),
        in_specs=[
            pl.BlockSpec((_TM, _D2), lambda i: (i, 0)),
        ],
        out_specs=[
            pl.BlockSpec((1, _D2), lambda i: (0, 0)),
            pl.BlockSpec((_D2, _D2), lambda i: (0, 0)),
        ],
        out_shape=[
            jax.ShapeDtypeStruct((1, _D2), jnp.float32),
            jax.ShapeDtypeStruct((_D2, _D2), jnp.float32),
        ],
        compiler_params=pltpu.CompilerParams(
            dimension_semantics=("arbitrary",)),
    )(entity_emb)


def _assemble_body(head_ref, rel_ref, tail_ref, s_ref, mom_ref,
                   out_ref, bnd_ref):
    head = head_ref[...]
    rel = rel_ref[...]
    tail = tail_ref[...]
    lhs0, lhs1 = head[:, :_D], head[:, _D:]
    rel0, rel1 = rel[:, :_D], rel[:, _D:]
    q0 = lhs0 * rel0 - lhs1 * rel1
    q1 = lhs0 * rel1 + lhs1 * rel0
    q = jnp.concatenate([q0, q1], axis=1)
    s1 = jnp.sum(q * s_ref[...], axis=1, keepdims=True)
    qm = lax.dot_general(q, mom_ref[...], (((1,), (0,)), ((), ())),
                         preferred_element_type=jnp.float32)
    s2 = jnp.sum(qm * q, axis=1, keepdims=True)
    lse = jnp.log(jnp.float32(_N_ENTITY) + s1 + 0.5 * s2)
    gold = jnp.sum(q * tail, axis=1, keepdims=True)
    l_fit = jnp.mean(lse - gold)

    def n3(x):
        a = x[:, :_D] ** 2 + x[:, _D:] ** 2
        return jnp.sum(a * jnp.sqrt(a))

    l_reg = _REG * (n3(head) + n3(rel) + n3(tail)) / _B
    out_ref[0, 0] = l_fit + l_reg
    mom = mom_ref[...]
    row = lax.broadcasted_iota(jnp.int32, (_D2, _D2), 0)
    col = lax.broadcasted_iota(jnp.int32, (_D2, _D2), 1)
    tr = jnp.sum(jnp.where(row == col, mom, 0.0))
    maxq2 = jnp.max(jnp.sum(q * q, axis=1, keepdims=True))
    bnd_ref[0, 0] = jnp.sqrt(maxq2 * tr)


def _assemble(head, rel, tail, svec, mom):
    return pl.pallas_call(
        _assemble_body,
        in_specs=[
            pl.BlockSpec((_B, _D2), lambda: (0, 0)),
            pl.BlockSpec((_B, _D2), lambda: (0, 0)),
            pl.BlockSpec((_B, _D2), lambda: (0, 0)),
            pl.BlockSpec((1, _D2), lambda: (0, 0)),
            pl.BlockSpec((_D2, _D2), lambda: (0, 0)),
        ],
        out_specs=[
            pl.BlockSpec(memory_space=pltpu.SMEM),
            pl.BlockSpec(memory_space=pltpu.SMEM),
        ],
        out_shape=[
            jax.ShapeDtypeStruct((1, 1), jnp.float32),
            jax.ShapeDtypeStruct((1, 1), jnp.float32),
        ],
    )(head, rel, tail, svec, mom)


def kernel(anchor, rel_ind, ans_ind, entity_emb, relation_emb):
    head, rel, tail = _make_gather3()(
        entity_emb, relation_emb,
        anchor.astype(jnp.int32), rel_ind.astype(jnp.int32),
        ans_ind.astype(jnp.int32))
    svec, mom = _moments(entity_emb)
    res_fast, bnd = _assemble(head, rel, tail, svec, mom)
    return lax.cond(
        bnd[0, 0] < 0.01,
        lambda: res_fast[0, 0],
        lambda: _score(head, rel, tail, entity_emb)[0, 0],
    )

# --- scband reference (transcript-rebuilt; emitter-appended) ---
"""Pipeline reference for scband-cqd-co-70841190580389 (READ-ONLY COPY).

The authoritative reference and input builder live on the scoring server;
editing this copy changes nothing except your own understanding.
"""

import jax, jax.numpy as jnp
import numpy as np

N_ENTITY = 100000
N_RELATION = 500
EMBED_DIM = 32
BATCH = 1024
INIT_SIZE = 0.001
REG_WEIGHT = 0.05


def setup_inputs(seed: int = 0) -> dict:
    key = jax.random.key(seed)
    k1, k2, k3, k4, k5 = jax.random.split(key, 5)
    anchor = jax.random.randint(k1, (BATCH,), 0, N_ENTITY)
    rel_ind = jax.random.randint(k2, (BATCH,), 0, N_RELATION)
    ans_ind = jax.random.randint(k3, (BATCH,), 0, N_ENTITY)
    entity_emb = jax.random.normal(k4, (N_ENTITY + N_RELATION + 1, 2 * EMBED_DIM), dtype=jnp.float32) * INIT_SIZE
    relation_emb = jax.random.normal(k5, (N_RELATION + 1, 2 * EMBED_DIM), dtype=jnp.float32) * INIT_SIZE
    return {"anchor": anchor, "rel_ind": rel_ind, "ans_ind": ans_ind,
            "entity_emb": entity_emb, "relation_emb": relation_emb}


def reference(anchor, rel_ind, ans_ind, entity_emb, relation_emb):
    d = EMBED_DIM
    # embedding lookups (gathers)
    head = jnp.take(entity_emb, anchor, axis=0)
    rel = jnp.take(relation_emb, rel_ind, axis=0)
    tail = jnp.take(entity_emb, ans_ind, axis=0)
    lhs0, lhs1 = head[:, :d], head[:, d:]
    rel0, rel1 = rel[:, :d], rel[:, d:]
    rhs0, rhs1 = tail[:, :d], tail[:, d:]
    # score against all entities (ComplEx scoring)
    to_score = entity_emb[:N_ENTITY]
    ts0, ts1 = to_score[:, :d], to_score[:, d:]
    prediction = (lhs0 * rel0 - lhs1 * rel1) @ ts0.T + (lhs0 * rel1 + lhs1 * rel0) @ ts1.T
    # N3 regularizer factors
    factors = (jnp.sqrt(lhs0 ** 2 + lhs1 ** 2),
               jnp.sqrt(rel0 ** 2 + rel1 ** 2),
               jnp.sqrt(rhs0 ** 2 + rhs1 ** 2))
    # cross entropy loss (mean reduction) over full entity vocab
    lse = jax.scipy.special.logsumexp(prediction, axis=1)
    gold = jnp.take_along_axis(prediction, ans_ind[:, None], axis=1)[:, 0]
    l_fit = jnp.mean(lse - gold)
    norm = 0.0
    for f in factors:
        norm = norm + REG_WEIGHT * jnp.sum(jnp.abs(f) ** 3)
    l_reg = norm / factors[0].shape[0]
    return l_fit + l_reg

if __name__ == "__main__":
    import jax
    _d = setup_inputs()
    print(jax.jit(kernel)(*tuple(_d.values())))

</pallas_src>

<mosaic_0001>
#map = affine_map<(d0, d1) -> (0, 0)>
#map1 = affine_map<(d0, d1) -> (0)>
module attributes {stable_mosaic.version = 14 : i64} {
  func.func @_gather3(%arg0: i32, %arg1: i32, %arg2: memref<100501x64xf32, #tpu.memory_space<hbm>>, %arg3: memref<501x64xf32, #tpu.memory_space<hbm>>, %arg4: memref<1024xi32, #tpu.memory_space<hbm>>, %arg5: memref<1024xi32, #tpu.memory_space<hbm>>, %arg6: memref<1024xi32, #tpu.memory_space<hbm>>, %arg7: memref<1024x64xf32, #tpu.memory_space<hbm>>, %arg8: memref<1024x64xf32, #tpu.memory_space<hbm>>, %arg9: memref<1024x64xf32, #tpu.memory_space<hbm>>, %arg10: memref<32xi32, #tpu.memory_space<vmem>>, %arg11: memref<32xi32, #tpu.memory_space<vmem>>, %arg12: memref<32xi32, #tpu.memory_space<vmem>>, %arg13: memref<32x64xf32, #tpu.memory_space<vmem>>, %arg14: memref<32x64xf32, #tpu.memory_space<vmem>>, %arg15: memref<32x64xf32, #tpu.memory_space<vmem>>, %arg16: memref<!tpu.dma_semaphore, #tpu.memory_space<semaphore_mem>>) attributes {dimension_semantics = [#tpu.dimension_semantics<core_parallel>, #tpu.dimension_semantics<subcore_parallel>], iteration_bounds = array<i64: 2, 16>, scalar_prefetch = 0 : i64, scratch_operands = 7 : i64, tpu.core_type = #tpu.core_type<sc_vector_subcore>, window_params = [{transform_indices = #map}, {transform_indices = #map}, {transform_indices = #map1}, {transform_indices = #map1}, {transform_indices = #map1}, {transform_indices = #map}, {transform_indices = #map}, {transform_indices = #map}]} {
    %mul3A = arith.constant 2 : i32
    %mul3A_0 = arith.muli %arg1, %mul3A : i32
    %add3A = arith.addi %mul3A_0, %arg0 : i32
    %mul3A_1 = arith.constant 32 : i32
    %mul3A_2 = arith.muli %add3A, %mul3A_1 : i32
    "tpu.region"() ({
      %run_scoped3A = tpu.sem_alloc : memref<!tpu.dma_semaphore, #tpu.memory_space<semaphore_mem>>
      %dma_start3A_2128 = tpu.memref_slice %arg4[%mul3A_2] : memref<1024xi32, #tpu.memory_space<hbm>> -> memref<32xi32, #tpu.memory_space<hbm>>
      %dma_start3A_2129 = tpu.memref_slice %arg4[%mul3A_2] : memref<1024xi32, #tpu.memory_space<hbm>> -> memref<32xi32, #tpu.memory_space<hbm>>
      tpu.enqueue_dma source(%dma_start3A_2129 : memref<32xi32, #tpu.memory_space<hbm>>) target(%arg10 : memref<32xi32, #tpu.memory_space<vmem>>) target_semaphore(%run_scoped3A : memref<!tpu.dma_semaphore, #tpu.memory_space<semaphore_mem>>)
      %dma_wait3A_2130 = tpu.memref_slice %arg4[%mul3A_2] : memref<1024xi32, #tpu.memory_space<hbm>> -> memref<32xi32, #tpu.memory_space<hbm>>
      %dma_wait3A_2131 = tpu.memref_slice %arg4[%mul3A_2] : memref<1024xi32, #tpu.memory_space<hbm>> -> memref<32xi32, #tpu.memory_space<hbm>>
      tpu.wait_dma2 semaphore(%run_scoped3A : memref<!tpu.dma_semaphore, #tpu.memory_space<semaphore_mem>>) src(%dma_wait3A_2131 : memref<32xi32, #tpu.memory_space<hbm>>) dst(%arg10 : memref<32xi32, #tpu.memory_space<vmem>>)
      tpu.yield
    }) : () -> ()
    "tpu.region"() ({
      %run_scoped3A = tpu.sem_alloc : memref<!tpu.dma_semaphore, #tpu.memory_space<semaphore_mem>>
      %dma_start3A_2128 = tpu.memref_slice %arg5[%mul3A_2] : memref<1024xi32, #tpu.memory_space<hbm>> -> memref<32xi32, #tpu.memory_space<hbm>>
      %dma_start3A_2129 = tpu.memref_slice %arg5[%mul3A_2] : memref<1024xi32, #tpu.memory_space<hbm>> -> memref<32xi32, #tpu.memory_space<hbm>>
      tpu.enqueue_dma source(%dma_start3A_2129 : memref<32xi32, #tpu.memory_space<hbm>>) target(%arg11 : memref<32xi32, #tpu.memory_space<vmem>>) target_semaphore(%run_scoped3A : memref<!tpu.dma_semaphore, #tpu.memory_space<semaphore_mem>>)
      %dma_wait3A_2130 = tpu.memref_slice %arg5[%mul3A_2] : memref<1024xi32, #tpu.memory_space<hbm>> -> memref<32xi32, #tpu.memory_space<hbm>>
      %dma_wait3A_2131 = tpu.memref_slice %arg5[%mul3A_2] : memref<1024xi32, #tpu.memory_space<hbm>> -> memref<32xi32, #tpu.memory_space<hbm>>
      tpu.wait_dma2 semaphore(%run_scoped3A : memref<!tpu.dma_semaphore, #tpu.memory_space<semaphore_mem>>) src(%dma_wait3A_2131 : memref<32xi32, #tpu.memory_space<hbm>>) dst(%arg11 : memref<32xi32, #tpu.memory_space<vmem>>)
      tpu.yield
    }) : () -> ()
    "tpu.region"() ({
      %run_scoped3A = tpu.sem_alloc : memref<!tpu.dma_semaphore, #tpu.memory_space<semaphore_mem>>
      %dma_start3A_2128 = tpu.memref_slice %arg6[%mul3A_2] : memref<1024xi32, #tpu.memory_space<hbm>> -> memref<32xi32, #tpu.memory_space<hbm>>
      %dma_start3A_2129 = tpu.memref_slice %arg6[%mul3A_2] : memref<1024xi32, #tpu.memory_space<hbm>> -> memref<32xi32, #tpu.memory_space<hbm>>
      tpu.enqueue_dma source(%dma_start3A_2129 : memref<32xi32, #tpu.memory_space<hbm>>) target(%arg12 : memref<32xi32, #tpu.memory_space<vmem>>) target_semaphore(%run_scoped3A : memref<!tpu.dma_semaphore, #tpu.memory_space<semaphore_mem>>)
      %dma_wait3A_2130 = tpu.memref_slice %arg6[%mul3A_2] : memref<1024xi32, #tpu.memory_space<hbm>> -> memref<32xi32, #tpu.memory_space<hbm>>
      %dma_wait3A_2131 = tpu.memref_slice %arg6[%mul3A_2] : memref<1024xi32, #tpu.memory_space<hbm>> -> memref<32xi32, #tpu.memory_space<hbm>>
      tpu.wait_dma2 semaphore(%run_scoped3A : memref<!tpu.dma_semaphore, #tpu.memory_space<semaphore_mem>>) src(%dma_wait3A_2131 : memref<32xi32, #tpu.memory_space<hbm>>) dst(%arg12 : memref<32xi32, #tpu.memory_space<vmem>>)
      tpu.yield
    }) : () -> ()
    %get3A = arith.constant 0 : index
    %get3A_3 = tpu.vector_load %arg10[%get3A] {strides = array<i32>} : memref<32xi32, #tpu.memory_space<vmem>>, vector<16xi32>,
    %get3A_4 = vector.shape_cast %get3A_3 : vector<16xi32> to vector<16xi32>
    %slice3A = vector.extract_strided_slice %get3A_4 {offsets = [0], sizes = [1], strides = [1]} : vector<16xi32> to vector<1xi32>
    %squeeze3A = vector.extract %slice3A[0] : i32 from vector<1xi32>
    %dma_start3A = arith.constant 0 : i32
    %dma_start3A_5 = arith.constant 0 : i32
    %dma_start3A_6 = tpu.memref_slice %arg13[%dma_start3A, %dma_start3A_5] : memref<32x64xf32, #tpu.memory_space<vmem>> -> memref<1x64xf32, #tpu.memory_space<vmem>>
    %dma_start3A_7 = arith.constant 0 : i32
    %dma_start3A_8 = tpu.memref_slice %arg2[%squeeze3A, %dma_start3A_7] : memref<100501x64xf32, #tpu.memory_space<hbm>> -> memref<1x64xf32, #tpu.memory_space<hbm>>
    %dma_start3A_9 = arith.constant 0 : i32
    %dma_start3A_10 = arith.constant 0 : i32
    %dma_start3A_11 = tpu.memref_slice %arg13[%dma_start3A_9, %dma_start3A_10] : memref<32x64xf32, #tpu.memory_space<vmem>> -> memref<1x64xf32, #tpu.memory_space<vmem>>
    %dma_start3A_12 = arith.constant 0 : i32
    %dma_start3A_13 = tpu.memref_slice %arg2[%squeeze3A, %dma_start3A_12] : memref<100501x64xf32, #tpu.memory_space<hbm>> -> memref<1x64xf32, #tpu.memory_space<hbm>>
    tpu.enqueue_dma source(%dma_start3A_13 : memref<1x64xf32, #tpu.memory_space<hbm>>) target(%dma_start3A_11 : memref<1x64xf32, #tpu.memory_space<vmem>>) target_semaphore(%arg16 : memref<!tpu.dma_semaphore, #tpu.memory_space<semaphore_mem>>)
    %slice3A_14 = vector.extract_strided_slice %get3A_4 {offsets = [1], sizes = [1], strides = [1]} : vector<16xi32> to vector<1xi32>
    %squeeze3A_15 = vector.extract %slice3A_14[0] : i32 from vector<1xi32>
    %dma_start3A_16 = arith.constant 1 : i32
    %dma_start3A_17 = arith.constant 0 : i32
    %dma_start3A_18 = tpu.memref_slice %arg13[%dma_start3A_16, %dma_start3A_17] : memref<32x64xf32, #tpu.memory_space<vmem>> -> memref<1x64xf32, #tpu.memory_space<vmem>>
    %dma_start3A_19 = arith.constant 0 : i32
    %dma_start3A_20 = tpu.memref_slice %arg2[%squeeze3A_15, %dma_start3A_19] : memref<100501x64xf32, #tpu.memory_space<hbm>> -> memref<1x64xf32, #tpu.memory_space<hbm>>
    %dma_start3A_21 = arith.constant 1 : i32
    %dma_start3A_22 = arith.constant 0 : i32
    %dma_start3A_23 = tpu.memref_slice %arg13[%dma_start3A_21, %dma_start3A_22] : memref<32x64xf32, #tpu.memory_space<vmem>> -> memref<1x64xf32, #tpu.memory_space<vmem>>
    %dma_start3A_24 = arith.constant 0 : i32
    %dma_start3A_25 = tpu.memref_slice %arg2[%squeeze3A_15, %dma_start3A_24] : memref<100501x64xf32, #tpu.memory_space<hbm>> -> memref<1x64xf32, #tpu.memory_space<hbm>>
    tpu.enqueue_dma source(%dma_start3A_25 : memref<1x64xf32, #tpu.memory_space<hbm>>) target(%dma_start3A_23 : memref<1x64xf32, #tpu.memory_space<vmem>>) target_semaphore(%arg16 : memref<!tpu.dma_semaphore, #tpu.memory_space<semaphore_mem>>)
    %slice3A_26 = vector.extract_strided_slice %get3A_4 {offsets = [2], sizes = [1], strides = [1]} : vector<16xi32> to vector<1xi32>
    %squeeze3A_27 = vector.extract %slice3A_26[0] : i32 from vector<1xi32>
    %dma_start3A_28 = arith.constant 2 : i32
    %dma_start3A_29 = arith.constant 0 : i32
    %dma_start3A_30 = tpu.memref_slice %arg13[%dma_start3A_28, %dma_start3A_29] : memref<32x64xf32, #tpu.memory_space<vmem>> -> memref<1x64xf32, #tpu.memory_space<vmem>>
    %dma_start3A_31 = arith.constant 0 : i32
    %dma_start3A_32 = tpu.memref_slice %arg2[%squeeze3A_27, %dma_start3A_31] : memref<100501x64xf32, #tpu.memory_space<hbm>> -> memref<1x64xf32, #tpu.memory_space<hbm>>
    %dma_start3A_33 = arith.constant 2 : i32
    %dma_start3A_34 = arith.constant 0 : i32
    %dma_start3A_35 = tpu.memref_slice %arg13[%dma_start3A_33, %dma_start3A_34] : memref<32x64xf32, #tpu.memory_space<vmem>> -> memref<1x64xf32, #tpu.memory_space<vmem>>
    %dma_start3A_36 = arith.constant 0 : i32
    %dma_start3A_37 = tpu.memref_slice %arg2[%squeeze3A_27, %dma_start3A_36] : memref<100501x64xf32, #tpu.memory_space<hbm>> -> memref<1x64xf32, #tpu.memory_space<hbm>>
    tpu.enqueue_dma source(%dma_start3A_37 : memref<1x64xf32, #tpu.memory_space<hbm>>) target(%dma_start3A_35 : memref<1x64xf32, #tpu.memory_space<vmem>>) target_semaphore(%arg16 : memref<!tpu.dma_semaphore, #tpu.memory_space<semaphore_mem>>)
    %slice3A_38 = vector.extract_strided_slice %get3A_4 {offsets = [3], sizes = [1], strides = [1]} : vector<16xi32> to vector<1xi32>
    %squeeze3A_39 = vector.extract %slice3A_38[0] : i32 from vector<1xi32>
    %dma_start3A_40 = arith.constant 3 : i32
    %dma_start3A_41 = arith.constant 0 : i32
    %dma_start3A_42 = tpu.memref_slice %arg13[%dma_start3A_40, %dma_start3A_41] : memref<32x64xf32, #tpu.memory_space<vmem>> -> memref<1x64xf32, #tpu.memory_space<vmem>>
    %dma_start3A_43 = arith.constant 0 : i32
    %dma_start3A_44 = tpu.memref_slice %arg2[%squeeze3A_39, %dma_start3A_43] : memref<100501x64xf32, #tpu.memory_space<hbm>> -> memref<1x64xf32, #tpu.memory_space<hbm>>
    %dma_start3A_45 = arith.constant 3 : i32
    %dma_start3A_46 = arith.constant 0 : i32
    %dma_start3A_47 = tpu.memref_slice %arg13[%dma_start3A_45, %dma_start3A_46] : memref<32x64xf32, #tpu.memory_space<vmem>> -> memref<1x64xf32, #tpu.memory_space<vmem>>
    %dma_start3A_48 = arith.constant 0 : i32
    %dma_start3A_49 = tpu.memref_slice %arg2[%squeeze3A_39, %dma_start3A_48] : memref<100501x64xf32, #tpu.memory_space<hbm>> -> memref<1x64xf32, #tpu.memory_space<hbm>>
    tpu.enqueue_dma source(%dma_start3A_49 : memref<1x64xf32, #tpu.memory_space<hbm>>) target(%dma_start3A_47 : memref<1x64xf32, #tpu.memory_space<vmem>>) target_semaphore(%arg16 : memref<!tpu.dma_semaphore, #tpu.memory_space<semaphore_mem>>)
    %slice3A_50 = vector.extract_strided_slice %get3A_4 {offsets = [4], sizes = [1], strides = [1]} : vector<16xi32> to vector<1xi32>
    %squeeze3A_51 = vector.extract %slice3A_50[0] : i32 from vector<1xi32>
    %dma_start3A_52 = arith.constant 4 : i32
    %dma_start3A_53 = arith.constant 0 : i32
    %dma_start3A_54 = tpu.memref_slice %arg13[%dma_start3A_52, %dma_start3A_53] : memref<32x64xf32, #tpu.memory_space<vmem>> -> memref<1x64xf32, #tpu.memory_space<vmem>>
    %dma_start3A_55 = arith.constant 0 : i32
    %dma_start3A_56 = tpu.memref_slice %arg2[%squeeze3A_51, %dma_start3A_55] : memref<100501x64xf32, #tpu.memory_space<hbm>> -> memref<1x64xf32, #tpu.memory_space<hbm>>
    %dma_start3A_57 = arith.constant 4 : i32
    %dma_start3A_58 = arith.constant 0 : i32
    %dma_start3A_59 = tpu.memref_slice %arg13[%dma_start3A_57, %dma_start3A_58] : memref<32x64xf32, #tpu.memory_space<vmem>> -> memref<1x64xf32, #tpu.memory_space<vmem>>
    %dma_start3A_60 = arith.constant 0 : i32
    %dma_start3A_61 = tpu.memref_slice %arg2[%squeeze3A_51, %dma_start3A_60] : memref<100501x64xf32, #tpu.memory_space<hbm>> -> memref<1x64xf32, #tpu.memory_space<hbm>>
    tpu.enqueue_dma source(%dma_start3A_61 : memref<1x64xf32, #tpu.memory_space<hbm>>) target(%dma_start3A_59 : memref<1x64xf32, #tpu.memory_space<vmem>>) target_semaphore(%arg16 : memref<!tpu.dma_semaphore, #tpu.memory_space<semaphore_mem>>)
    %slice3A_62 = vector.extract_strided_slice %get3A_4 {offsets = [5], sizes = [1], strides = [1]} : vector<16xi32> to vector<1xi32>
    %squeeze3A_63 = vector.extract %slice3A_62[0] : i32 from vector<1xi32>
    %dma_start3A_64 = arith.constant 5 : i32
    %dma_start3A_65 = arith.constant 0 : i32
    %dma_start3A_66 = tpu.memref_slice %arg13[%dma_start3A_64, %dma_start3A_65] : memref<32x64xf32, #tpu.memory_space<vmem>> -> memref<1x64xf32, #tpu.memory_space<vmem>>
    %dma_start3A_67 = arith.constant 0 : i32
    %dma_start3A_68 = tpu.memref_slice %arg2[%squeeze3A_63, %dma_start3A_67] : memref<100501x64xf32, #tpu.memory_space<hbm>> -> memref<1x64xf32, #tpu.memory_space<hbm>>
    %dma_start3A_69 = arith.constant 5 : i32
    %dma_start3A_70 = arith.constant 0 : i32
    %dma_start3A_71 = tpu.memref_slice %arg13[%dma_start3A_69, %dma_start3A_70] : memref<32x64xf32, #tpu.memory_space<vmem>> -> memref<1x64xf32, #tpu.memory_space<vmem>>
    %dma_start3A_72 = arith.constant 0 : i32
    %dma_start3A_73 = tpu.memref_slice %arg2[%squeeze3A_63, %dma_start3A_72] : memref<100501x64xf32, #tpu.memory_space<hbm>> -> memref<1x64xf32, #tpu.memory_space<hbm>>
    tpu.enqueue_dma source(%dma_start3A_73 : memref<1x64xf32, #tpu.memory_space<hbm>>) target(%dma_start3A_71 : memref<1x64xf32, #tpu.memory_space<vmem>>) target_semaphore(%arg16 : memref<!tpu.dma_semaphore, #tpu.memory_space<semaphore_mem>>)
    %slice3A_74 = vector.extract_strided_slice %get3A_4 {offsets = [6], sizes = [1], strides = [1]} : vector<16xi32> to vector<1xi32>
    %squeeze3A_75 = vector.extract %slice3A_74[0] : i32 from vector<1xi32>
    %dma_start3A_76 = arith.constant 6 : i32
    %dma_start3A_77 = arith.constant 0 : i32
    %dma_start3A_78 = tpu.memref_slice %arg13[%dma_start3A_76, %dma_start3A_77] : memref<32x64xf32, #tpu.memory_space<vmem>> -> memref<1x64xf32, #tpu.memory_space<vmem>>
    %dma_start3A_79 = arith.constant 0 : i32
    %dma_start3A_80 = tpu.memref_slice %arg2[%squeeze3A_75, %dma_start3A_79] : memref<100501x64xf32, #tpu.memory_space<hbm>> -> memref<1x64xf32, #tpu.memory_space<hbm>>
    %dma_start3A_81 = arith.constant 6 : i32
    %dma_start3A_82 = arith.constant 0 : i32
    %dma_start3A_83 = tpu.memref_slice %arg13[%dma_start3A_81, %dma_start3A_82] : memref<32x64xf32, #tpu.memory_space<vmem>> -> memref<1x64xf32, #tpu.memory_space<vmem>>
    %dma_start3A_84 = arith.constant 0 : i32
    %dma_start3A_85 = tpu.memref_slice %arg2[%squeeze3A_75, %dma_start3A_84] : memref<100501x64xf32, #tpu.memory_space<hbm>> -> memref<1x64xf32, #tpu.memory_space<hbm>>
    tpu.enqueue_dma source(%dma_start3A_85 : memref<1x64xf32, #tpu.memory_space<hbm>>) target(%dma_start3A_83 : memref<1x64xf32, #tpu.memory_space<vmem>>) target_semaphore(%arg16 : memref<!tpu.dma_semaphore, #tpu.memory_space<semaphore_mem>>)
    %slice3A_86 = vector.extract_strided_slice %get3A_4 {offsets = [7], sizes = [1], strides = [1]} : vector<16xi32> to vector<1xi32>
    %squeeze3A_87 = vector.extract %slice3A_86[0] : i32 from vector<1xi32>
    %dma_start3A_88 = arith.constant 7 : i32
    %dma_start3A_89 = arith.constant 0 : i32
    %dma_start3A_90 = tpu.memref_slice %arg13[%dma_start3A_88, %dma_start3A_89] : memref<32x64xf32, #tpu.memory_space<vmem>> -> memref<1x64xf32, #tpu.memory_space<vmem>>
    %dma_start3A_91 = arith.constant 0 : i32
    %dma_start3A_92 = tpu.memref_slice %arg2[%squeeze3A_87, %dma_start3A_91] : memref<100501x64xf32, #tpu.memory_space<hbm>> -> memref<1x64xf32, #tpu.memory_space<hbm>>
    %dma_start3A_93 = arith.constant 7 : i32
    %dma_start3A_94 = arith.constant 0 : i32
    %dma_start3A_95 = tpu.memref_slice %arg13[%dma_start3A_93, %dma_start3A_94] : memref<32x64xf32, #tpu.memory_space<vmem>> -> memref<1x64xf32, #tpu.memory_space<vmem>>
    %dma_start3A_96 = arith.constant 0 : i32
    %dma_start3A_97 = tpu.memref_slice %arg2[%squeeze3A_87, %dma_start3A_96] : memref<100501x64xf32, #tpu.memory_space<hbm>> -> memref<1x64xf32, #tpu.memory_space<hbm>>
    tpu.enqueue_dma source(%dma_start3A_97 : memref<1x64xf32, #tpu.memory_space<hbm>>) target(%dma_start3A_95 : memref<1x64xf32, #tpu.memory_space<vmem>>) target_semaphore(%arg16 : memref<!tpu.dma_semaphore, #tpu.memory_space<semaphore_mem>>)
    %slice3A_98 = vector.extract_strided_slice %get3A_4 {offsets = [8], sizes = [1], strides = [1]} : vector<16xi32> to vector<1xi32>
    %squeeze3A_99 = vector.extract %slice3A_98[0] : i32 from vector<1xi32>
    %dma_start3A_100 = arith.constant 8 : i32
    %dma_start3A_101 = arith.constant 0 : i32
    %dma_start3A_102 = tpu.memref_slice %arg13[%dma_start3A_100, %dma_start3A_101] : memref<32x64xf32, #tpu.memory_space<vmem>> -> memref<1x64xf32, #tpu.memory_space<vmem>>
    %dma_start3A_103 = arith.constant 0 : i32
    %dma_start3A_104 = tpu.memref_slice %arg2[%squeeze3A_99, %dma_start3A_103] : memref<100501x64xf32, #tpu.memory_space<hbm>> -> memref<1x64xf32, #tpu.memory_space<hbm>>
    %dma_start3A_105 = arith.constant 8 : i32
    %dma_start3A_106 = arith.constant 0 : i32
    %dma_start3A_107 = tpu.memref_slice %arg13[%dma_start3A_105, %dma_start3A_106] : memref<32x64xf32, #tpu.memory_space<vmem>> -> memref<1x64xf32, #tpu.memory_space<vmem>>
    %dma_start3A_108 = arith.constant 0 : i32
    %dma_start3A_109 = tpu.memref_slice %arg2[%squeeze3A_99, %dma_start3A_108] : memref<100501x64xf32, #tpu.memory_space<hbm>> -> memref<1x64xf32, #tpu.memory_space<hbm>>
    tpu.enqueue_dma source(%dma_start3A_109 : memref<1x64xf32, #tpu.memory_space<hbm>>) target(%dma_start3A_107 : memref<1x64xf32, #tpu.memory_space<vmem>>) target_semaphore(%arg16 : memref<!tpu.dma_semaphore, #tpu.memory_space<semaphore_mem>>)
    %slice3A_110 = vector.extract_strided_slice %get3A_4 {offsets = [9], sizes = [1], strides = [1]} : vector<16xi32> to vector<1xi32>
    %squeeze3A_111 = vector.extract %slice3A_110[0] : i32 from vector<1xi32>
    %dma_start3A_112 = arith.constant 9 : i32
    %dma_start3A_113 = arith.constant 0 : i32
    %dma_start3A_114 = tpu.memref_slice %arg13[%dma_start3A_112, %dma_start3A_113] : memref<32x64xf32, #tpu.memory_space<vmem>> -> memref<1x64xf32, #tpu.memory_space<vmem>>
    %dma_start3A_115 = arith.constant 0 : i32
    %dma_start3A_116 = tpu.memref_slice %arg2[%squeeze3A_111, %dma_start3A_115] : memref<100501x64xf32, #tpu.memory_space<hbm>> -> memref<1x64xf32, #tpu.memory_space<hbm>>
    %dma_start3A_117 = arith.constant 9 : i32
    %dma_start3A_118 = arith.constant 0 : i32
    %dma_start3A_119 = tpu.memref_slice %arg13[%dma_start3A_117, %dma_start3A_118] : memref<32x64xf32, #tpu.memory_space<vmem>> -> memref<1x64xf32, #tpu.memory_space<vmem>>
    %dma_start3A_120 = arith.constant 0 : i32
    %dma_start3A_121 = tpu.memref_slice %arg2[%squeeze3A_111, %dma_start3A_120] : memref<100501x64xf32, #tpu.memory_space<hbm>> -> memref<1x64xf32, #tpu.memory_space<hbm>>
    tpu.enqueue_dma source(%dma_start3A_121 : memref<1x64xf32, #tpu.memory_space<hbm>>) target(%dma_start3A_119 : memref<1x64xf32, #tpu.memory_space<vmem>>) target_semaphore(%arg16 : memref<!tpu.dma_semaphore, #tpu.memory_space<semaphore_mem>>)
    %slice3A_122 = vector.extract_strided_slice %get3A_4 {offsets = [10], sizes = [1], strides = [1]} : vector<16xi32> to vector<1xi32>
    %squeeze3A_123 = vector.extract %slice3A_122[0] : i32 from vector<1xi32>
    %dma_start3A_124 = arith.constant 10 : i32
    %dma_start3A_125 = arith.constant 0 : i32
    %dma_start3A_126 = tpu.memref_slice %arg13[%dma_start3A_124, %dma_start3A_125] : memref<32x64xf32, #tpu.memory_space<vmem>> -> memref<1x64xf32, #tpu.memory_space<vmem>>
    %dma_start3A_127 = arith.constant 0 : i32
    %dma_start3A_128 = tpu.memref_slice %arg2[%squeeze3A_123, %dma_start3A_127] : memref<100501x64xf32, #tpu.memory_space<hbm>> -> memref<1x64xf32, #tpu.memory_space<hbm>>
    %dma_start3A_129 = arith.constant 10 : i32
    %dma_start3A_130 = arith.constant 0 : i32
    %dma_start3A_131 = tpu.memref_slice %arg13[%dma_start3A_129, %dma_start3A_130] : memref<32x64xf32, #tpu.memory_space<vmem>> -> memref<1x64xf32, #tpu.memory_space<vmem>>
    %dma_start3A_132 = arith.constant 0 : i32
    %dma_start3A_133 = tpu.memref_slice %arg2[%squeeze3A_123, %dma_start3A_132] : memref<100501x64xf32, #tpu.memory_space<hbm>> -> memref<1x64xf32, #tpu.memory_space<hbm>>
    tpu.enqueue_dma source(%dma_start3A_133 : memref<1x64xf32, #tpu.memory_space<hbm>>) target(%dma_start3A_131 : memref<1x64xf32, #tpu.memory_space<vmem>>) target_semaphore(%arg16 : memref<!tpu.dma_semaphore, #tpu.memory_space<semaphore_mem>>)
    %slice3A_134 = vector.extract_strided_slice %get3A_4 {offsets = [11], sizes = [1], strides = [1]} : vector<16xi32> to vector<1xi32>
    %squeeze3A_135 = vector.extract %slice3A_134[0] : i32 from vector<1xi32>
    %dma_start3A_136 = arith.constant 11 : i32
    %dma_start3A_137 = arith.constant 0 : i32
    %dma_start3A_138 = tpu.memref_slice %arg13[%dma_start3A_136, %dma_start3A_137] : memref<32x64xf32, #tpu.memory_space<vmem>> -> memref<1x64xf32, #tpu.memory_space<vmem>>
    %dma_start3A_139 = arith.constant 0 : i32
    %dma_start3A_140 = tpu.memref_slice %arg2[%squeeze3A_135, %dma_start3A_139] : memref<100501x64xf32, #tpu.memory_space<hbm>> -> memref<1x64xf32, #tpu.memory_space<hbm>>
    %dma_start3A_141 = arith.constant 11 : i32
    %dma_start3A_142 = arith.constant 0 : i32
    %dma_start3A_143 = tpu.memref_slice %arg13[%dma_start3A_141, %dma_start3A_142] : memref<32x64xf32, #tpu.memory_space<vmem>> -> memref<1x64xf32, #tpu.memory_space<vmem>>
    %dma_start3A_144 = arith.constant 0 : i32
    %dma_start3A_145 = tpu.memref_slice %arg2[%squeeze3A_135, %dma_start3A_144] : memref<100501x64xf32, #tpu.memory_space<hbm>> -> memref<1x64xf32, #tpu.memory_space<hbm>>
    tpu.enqueue_dma source(%dma_start3A_145 : memref<1x64xf32, #tpu.memory_space<hbm>>) target(%dma_start3A_143 : memref<1x64xf32, #tpu.memory_space<vmem>>) target_semaphore(%arg16 : memref<!tpu.dma_semaphore, #tpu.memory_space<semaphore_mem>>)
    %slice3A_146 = vector.extract_strided_slice %get3A_4 {offsets = [12], sizes = [1], strides = [1]} : vector<16xi32> to vector<1xi32>
    %squeeze3A_147 = vector.extract %slice3A_146[0] : i32 from vector<1xi32>
    %dma_start3A_148 = arith.constant 12 : i32
    %dma_start3A_149 = arith.constant 0 : i32
    %dma_start3A_150 = tpu.memref_slice %arg13[%dma_start3A_148, %dma_start3A_149] : memref<32x64xf32, #tpu.memory_space<vmem>> -> memref<1x64xf32, #tpu.memory_space<vmem>>
    %dma_start3A_151 = arith.constant 0 : i32
    %dma_start3A_152 = tpu.memref_slice %arg2[%squeeze3A_147, %dma_start3A_151] : memref<100501x64xf32, #tpu.memory_space<hbm>> -> memref<1x64xf32, #tpu.memory_space<hbm>>
    %dma_start3A_153 = arith.constant 12 : i32
    %dma_start3A_154 = arith.constant 0 : i32
    %dma_start3A_155 = tpu.memref_slice %arg13[%dma_start3A_153, %dma_start3A_154] : memref<32x64xf32, #tpu.memory_space<vmem>> -> memref<1x64xf32, #tpu.memory_space<vmem>>
    %dma_start3A_156 = arith.constant 0 : i32
    %dma_start3A_157 = tpu.memref_slice %arg2[%squeeze3A_147, %dma_start3A_156] : memref<100501x64xf32, #tpu.memory_space<hbm>> -> memref<1x64xf32, #tpu.memory_space<hbm>>
    tpu.enqueue_dma source(%dma_start3A_157 : memref<1x64xf32, #tpu.memory_space<hbm>>) target(%dma_start3A_155 : memref<1x64xf32, #tpu.memory_space<vmem>>) target_semaphore(%arg16 : memref<!tpu.dma_semaphore, #tpu.memory_space<semaphore_mem>>)
    %slice3A_158 = vector.extract_strided_slice %get3A_4 {offsets = [13], sizes = [1], strides = [1]} : vector<16xi32> to vector<1xi32>
    %squeeze3A_159 = vector.extract %slice3A_158[0] : i32 from vector<1xi32>
    %dma_start3A_160 = arith.constant 13 : i32
    %dma_start3A_161 = arith.constant 0 : i32
    %dma_start3A_162 = tpu.memref_slice %arg13[%dma_start3A_160, %dma_start3A_161] : memref<32x64xf32, #tpu.memory_space<vmem>> -> memref<1x64xf32, #tpu.memory_space<vmem>>
    %dma_start3A_163 = arith.constant 0 : i32
    %dma_start3A_164 = tpu.memref_slice %arg2[%squeeze3A_159, %dma_start3A_163] : memref<100501x64xf32, #tpu.memory_space<hbm>> -> memref<1x64xf32, #tpu.memory_space<hbm>>
    %dma_start3A_165 = arith.constant 13 : i32
    %dma_start3A_166 = arith.constant 0 : i32
    %dma_start3A_167 = tpu.memref_slice %arg13[%dma_start3A_165, %dma_start3A_166] : memref<32x64xf32, #tpu.memory_space<vmem>> -> memref<1x64xf32, #tpu.memory_space<vmem>>
    %dma_start3A_168 = arith.constant 0 : i32
    %dma_start3A_169 = tpu.memref_slice %arg2[%squeeze3A_159, %dma_start3A_168] : memref<100501x64xf32, #tpu.memory_space<hbm>> -> memref<1x64xf32, #tpu.memory_space<hbm>>
    tpu.enqueue_dma source(%dma_start3A_169 : memref<1x64xf32, #tpu.memory_space<hbm>>) target(%dma_start3A_167 : memref<1x64xf32, #tpu.memory_space<vmem>>) target_semaphore(%arg16 : memref<!tpu.dma_semaphore, #tpu.memory_space<semaphore_mem>>)
    %slice3A_170 = vector.extract_strided_slice %get3A_4 {offsets = [14], sizes = [1], strides = [1]} : vector<16xi32> to vector<1xi32>
    %squeeze3A_171 = vector.extract %slice3A_170[0] : i32 from vector<1xi32>
    %dma_start3A_172 = arith.constant 14 : i32
    %dma_start3A_173 = arith.constant 0 : i32
    %dma_start3A_174 = tpu.memref_slice %arg13[%dma_start3A_172, %dma_start3A_173] : memref<32x64xf32, #tpu.memory_space<vmem>> -> memref<1x64xf32, #tpu.memory_space<vmem>>
    %dma_start3A_175 = arith.constant 0 : i32
    %dma_start3A_176 = tpu.memref_slice %arg2[%squeeze3A_171, %dma_start3A_175] : memref<100501x64xf32, #tpu.memory_space<hbm>> -> memref<1x64xf32, #tpu.memory_space<hbm>>
    %dma_start3A_177 = arith.constant 14 : i32
    %dma_start3A_178 = arith.constant 0 : i32
    %dma_start3A_179 = tpu.memref_slice %arg13[%dma_start3A_177, %dma_start3A_178] : memref<32x64xf32, #tpu.memory_space<vmem>> -> memref<1x64xf32, #tpu.memory_space<vmem>>
    %dma_start3A_180 = arith.constant 0 : i32
    %dma_start3A_181 = tpu.memref_slice %arg2[%squeeze3A_171, %dma_start3A_180] : memref<100501x64xf32, #tpu.memory_space<hbm>> -> memref<1x64xf32, #tpu.memory_space<hbm>>
    tpu.enqueue_dma source(%dma_start3A_181 : memref<1x64xf32, #tpu.memory_space<hbm>>) target(%dma_start3A_179 : memref<1x64xf32, #tpu.memory_space<vmem>>) target_semaphore(%arg16 : memref<!tpu.dma_semaphore, #tpu.memory_space<semaphore_mem>>)
    %slice3A_182 = vector.extract_strided_slice %get3A_4 {offsets = [15], sizes = [1], strides = [1]} : vector<16xi32> to vector<1xi32>
    %squeeze3A_183 = vector.extract %slice3A_182[0] : i32 from vector<1xi32>
    %dma_start3A_184 = arith.constant 15 : i32
    %dma_start3A_185 = arith.constant 0 : i32
    %dma_start3A_186 = tpu.memref_slice %arg13[%dma_start3A_184, %dma_start3A_185] : memref<32x64xf32, #tpu.memory_space<vmem>> -> memref<1x64xf32, #tpu.memory_space<vmem>>
    %dma_start3A_187 = arith.constant 0 : i32
    %dma_start3A_188 = tpu.memref_slice %arg2[%squeeze3A_183, %dma_start3A_187] : memref<100501x64xf32, #tpu.memory_space<hbm>> -> memref<1x64xf32, #tpu.memory_space<hbm>>
    %dma_start3A_189 = arith.constant 15 : i32
    %dma_start3A_190 = arith.constant 0 : i32
    %dma_start3A_191 = tpu.memref_slice %arg13[%dma_start3A_189, %dma_start3A_190] : memref<32x64xf32, #tpu.memory_space<vmem>> -> memref<1x64xf32, #tpu.memory_space<vmem>>
    %dma_start3A_192 = arith.constant 0 : i32
    %dma_start3A_193 = tpu.memref_slice %arg2[%squeeze3A_183, %dma_start3A_192] : memref<100501x64xf32, #tpu.memory_space<hbm>> -> memref<1x64xf32, #tpu.memory_space<hbm>>
    tpu.enqueue_dma source(%dma_start3A_193 : memref<1x64xf32, #tpu.memory_space<hbm>>) target(%dma_start3A_191 : memref<1x64xf32, #tpu.memory_space<vmem>>) target_semaphore(%arg16 : memref<!tpu.dma_semaphore, #tpu.memory_space<semaphore_mem>>)
    %get3A_194 = arith.constant 16 : index
    %get3A_195 = tpu.vector_load %arg10[%get3A_194] {strides = array<i32>} : memref<32xi32, #tpu.memory_space<vmem>>, vector<16xi32>,
    %get3A_196 = vector.shape_cast %get3A_195 : vector<16xi32> to vector<16xi32>
    %slice3A_197 = vector.extract_strided_slice %get3A_196 {offsets = [0], sizes = [1], strides = [1]} : vector<16xi32> to vector<1xi32>
    %squeeze3A_198 = vector.extract %slice3A_197[0] : i32 from vector<1xi32>
    %dma_start3A_199 = arith.constant 16 : i32
    %dma_start3A_200 = arith.constant 0 : i32
    %dma_start3A_201 = tpu.memref_slice %arg13[%dma_start3A_199, %dma_start3A_200] : memref<32x64xf32, #tpu.memory_space<vmem>> -> memref<1x64xf32, #tpu.memory_space<vmem>>
    %dma_start3A_202 = arith.constant 0 : i32
    %dma_start3A_203 = tpu.memref_slice %arg2[%squeeze3A_198, %dma_start3A_202] : memref<100501x64xf32, #tpu.memory_space<hbm>> -> memref<1x64xf32, #tpu.memory_space<hbm>>
    %dma_start3A_204 = arith.constant 16 : i32
    %dma_start3A_205 = arith.constant 0 : i32
    %dma_start3A_206 = tpu.memref_slice %arg13[%dma_start3A_204, %dma_start3A_205] : memref<32x64xf32, #tpu.memory_space<vmem>> -> memref<1x64xf32, #tpu.memory_space<vmem>>
    %dma_start3A_207 = arith.constant 0 : i32
    %dma_start3A_208 = tpu.memref_slice %arg2[%squeeze3A_198, %dma_start3A_207] : memref<100501x64xf32, #tpu.memory_space<hbm>> -> memref<1x64xf32, #tpu.memory_space<hbm>>
    tpu.enqueue_dma source(%dma_start3A_208 : memref<1x64xf32, #tpu.memory_space<hbm>>) target(%dma_start3A_206 : memref<1x64xf32, #tpu.memory_space<vmem>>) target_semaphore(%arg16 : memref<!tpu.dma_semaphore, #tpu.memory_space<semaphore_mem>>)
    %slice3A_209 = vector.extract_strided_slice %get3A_196 {offsets = [1], sizes = [1], strides = [1]} : vector<16xi32> to vector<1xi32>
    %squeeze3A_210 = vector.extract %slice3A_209[0] : i32 from vector<1xi32>
    %dma_start3A_211 = arith.constant 17 : i32
    %dma_start3A_212 = arith.constant 0 : i32
    %dma_start3A_213 = tpu.memref_slice %arg13[%dma_start3A_211, %dma_start3A_212] : memref<32x64xf32, #tpu.memory_space<vmem>> -> memref<1x64xf32, #tpu.memory_space<vmem>>
    %dma_start3A_214 = arith.constant 0 : i32
    %dma_start3A_215 = tpu.memref_slice %arg2[%squeeze3A_210, %dma_start3A_214] : memref<100501x64xf32, #tpu.memory_space<hbm>> -> memref<1x64xf32, #tpu.memory_space<hbm>>
    %dma_start3A_216 = arith.constant 17 : i32
    %dma_start3A_217 = arith.constant 0 : i32
    %dma_start3A_218 = tpu.memref_slice %arg13[%dma_start3A_216, %dma_start3A_217] : memref<32x64xf32, #tpu.memory_space<vmem>> -> memref<1x64xf32, #tpu.memory_space<vmem>>
    %dma_start3A_219 = arith.constant 0 : i32
    %dma_start3A_220 = tpu.memref_slice %arg2[%squeeze3A_210, %dma_start3A_219] : memref<100501x64xf32, #tpu.memory_space<hbm>> -> memref<1x64xf32, #tpu.memory_space<hbm>>
    tpu.enqueue_dma source(%dma_start3A_220 : memref<1x64xf32, #tpu.memory_space<hbm>>) target(%dma_start3A_218 : memref<1x64xf32, #tpu.memory_space<vmem>>) target_semaphore(%arg16 : memref<!tpu.dma_semaphore, #tpu.memory_space<semaphore_mem>>)
    %slice3A_221 = vector.extract_strided_slice %get3A_196 {offsets = [2], sizes = [1], strides = [1]} : vector<16xi32> to vector<1xi32>
    %squeeze3A_222 = vector.extract %slice3A_221[0] : i32 from vector<1xi32>
    %dma_start3A_223 = arith.constant 18 : i32
    %dma_start3A_224 = arith.constant 0 : i32
    %dma_start3A_225 = tpu.memref_slice %arg13[%dma_start3A_223, %dma_start3A_224] : memref<32x64xf32, #tpu.memory_space<vmem>> -> memref<1x64xf32, #tpu.memory_space<vmem>>
    %dma_start3A_226 = arith.constant 0 : i32
    %dma_start3A_227 = tpu.memref_slice %arg2[%squeeze3A_222, %dma_start3A_226] : memref<100501x64xf32, #tpu.memory_space<hbm>> -> memref<1x64xf32, #tpu.memory_space<hbm>>
    %dma_start3A_228 = arith.constant 18 : i32
    %dma_start3A_229 = arith.constant 0 : i32
    %dma_start3A_230 = tpu.memref_slice %arg13[%dma_start3A_228, %dma_start3A_229] : memref<32x64xf32, #tpu.memory_space<vmem>> -> memref<1x64xf32, #tpu.memory_space<vmem>>
    %dma_start3A_231 = arith.constant 0 : i32
    %dma_start3A_232 = tpu.memref_slice %arg2[%squeeze3A_222, %dma_start3A_231] : memref<100501x64xf32, #tpu.memory_space<hbm>> -> memref<1x64xf32, #tpu.memory_space<hbm>>
    tpu.enqueue_dma source(%dma_start3A_232 : memref<1x64xf32, #tpu.memory_space<hbm>>) target(%dma_start3A_230 : memref<1x64xf32, #tpu.memory_space<vmem>>) target_semaphore(%arg16 : memref<!tpu.dma_semaphore, #tpu.memory_space<semaphore_mem>>)
    %slice3A_233 = vector.extract_strided_slice %get3A_196 {offsets = [3], sizes = [1], strides = [1]} : vector<16xi32> to vector<1xi32>
    %squeeze3A_234 = vector.extract %slice3A_233[0] : i32 from vector<1xi32>
    %dma_start3A_235 = arith.constant 19 : i32
    %dma_start3A_236 = arith.constant 0 : i32
    %dma_start3A_237 = tpu.memref_slice %arg13[%dma_start3A_235, %dma_start3A_236] : memref<32x64xf32, #tpu.memory_space<vmem>> -> memref<1x64xf32, #tpu.memory_space<vmem>>
    %dma_start3A_238 = arith.constant 0 : i32
    %dma_start3A_239 = tpu.memref_slice %arg2[%squeeze3A_234, %dma_start3A_238] : memref<100501x64xf32, #tpu.memory_space<hbm>> -> memref<1x64xf32, #tpu.memory_space<hbm>>
    %dma_start3A_240 = arith.constant 19 : i32
    %dma_start3A_241 = arith.constant 0 : i32
    %dma_start3A_242 = tpu.memref_slice %arg13[%dma_start3A_240, %dma_start3A_241] : memref<32x64xf32, #tpu.memory_space<vmem>> -> memref<1x64xf32, #tpu.memory_space<vmem>>
    %dma_start3A_243 = arith.constant 0 : i32
    %dma_start3A_244 = tpu.memref_slice %arg2[%squeeze3A_234, %dma_start3A_243] : memref<100501x64xf32, #tpu.memory_space<hbm>> -> memref<1x64xf32, #tpu.memory_space<hbm>>
    tpu.enqueue_dma source(%dma_start3A_244 : memref<1x64xf32, #tpu.memory_space<hbm>>) target(%dma_start3A_242 : memref<1x64xf32, #tpu.memory_space<vmem>>) target_semaphore(%arg16 : memref<!tpu.dma_semaphore, #tpu.memory_space<semaphore_mem>>)
    %slice3A_245 = vector.extract_strided_slice %get3A_196 {offsets = [4], sizes = [1], strides = [1]} : vector<16xi32> to vector<1xi32>
    %squeeze3A_246 = vector.extract %slice3A_245[0] : i32 from vector<1xi32>
    %dma_start3A_247 = arith.constant 20 : i32
    %dma_start3A_248 = arith.constant 0 : i32
    %dma_start3A_249 = tpu.memref_slice %arg13[%dma_start3A_247, %dma_start3A_248] : memref<32x64xf32, #tpu.memory_space<vmem>> -> memref<1x64xf32, #tpu.memory_space<vmem>>
    %dma_start3A_250 = arith.constant 0 : i32
    %dma_start3A_251 = tpu.memref_slice %arg2[%squeeze3A_246, %dma_start3A_250] : memref<100501x64xf32, #tpu.memory_space<hbm>> -> memref<1x64xf32, #tpu.memory_space<hbm>>
    %dma_start3A_252 = arith.constant 20 : i32
    %dma_start3A_253 = arith.constant 0 : i32
    %dma_start3A_254 = tpu.memref_slice %arg13[%dma_start3A_252, %dma_start3A_253] : memref<32x64xf32, #tpu.memory_space<vmem>> -> memref<1x64xf32, #tpu.memory_space<vmem>>
    %dma_start3A_255 = arith.constant 0 : i32
    %dma_start3A_256 = tpu.memref_slice %arg2[%squeeze3A_246, %dma_start3A_255] : memref<100501x64xf32, #tpu.memory_space<hbm>> -> memref<1x64xf32, #tpu.memory_space<hbm>>
    tpu.enqueue_dma source(%dma_start3A_256 : memref<1x64xf32, #tpu.memory_space<hbm>>) target(%dma_start3A_254 : memref<1x64xf32, #tpu.memory_space<vmem>>) target_semaphore(%arg16 : memref<!tpu.dma_semaphore, #tpu.memory_space<semaphore_mem>>)
    %slice3A_257 = vector.extract_strided_slice %get3A_196 {offsets = [5], sizes = [1], strides = [1]} : vector<16xi32> to vector<1xi32>
    %squeeze3A_258 = vector.extract %slice3A_257[0] : i32 from vector<1xi32>
    %dma_start3A_259 = arith.constant 21 : i32
    %dma_start3A_260 = arith.constant 0 : i32
    %dma_start3A_261 = tpu.memref_slice %arg13[%dma_start3A_259, %dma_start3A_260] : memref<32x64xf32, #tpu.memory_space<vmem>> -> memref<1x64xf32, #tpu.memory_space<vmem>>
    %dma_start3A_262 = arith.constant 0 : i32
    %dma_start3A_263 = tpu.memref_slice %arg2[%squeeze3A_258, %dma_start3A_262] : memref<100501x64xf32, #tpu.memory_space<hbm>> -> memref<1x64xf32, #tpu.memory_space<hbm>>
    %dma_start3A_264 = arith.constant 21 : i32
    %dma_start3A_265 = arith.constant 0 : i32
    %dma_start3A_266 = tpu.memref_slice %arg13[%dma_start3A_264, %dma_start3A_265] : memref<32x64xf32, #tpu.memory_space<vmem>> -> memref<1x64xf32, #tpu.memory_space<vmem>>
    %dma_start3A_267 = arith.constant 0 : i32
    %dma_start3A_268 = tpu.memref_slice %arg2[%squeeze3A_258, %dma_start3A_267] : memref<100501x64xf32, #tpu.memory_space<hbm>> -> memref<1x64xf32, #tpu.memory_space<hbm>>
    tpu.enqueue_dma source(%dma_start3A_268 : memref<1x64xf32, #tpu.memory_space<hbm>>) target(%dma_start3A_266 : memref<1x64xf32, #tpu.memory_space<vmem>>) target_semaphore(%arg16 : memref<!tpu.dma_semaphore, #tpu.memory_space<semaphore_mem>>)
    %slice3A_269 = vector.extract_strided_slice %get3A_196 {offsets = [6], sizes = [1], strides = [1]} : vector<16xi32> to vector<1xi32>
    %squeeze3A_270 = vector.extract %slice3A_269[0] : i32 from vector<1xi32>
    %dma_start3A_271 = arith.constant 22 : i32
    %dma_start3A_272 = arith.constant 0 : i32
    %dma_start3A_273 = tpu.memref_slice %arg13[%dma_start3A_271, %dma_start3A_272] : memref<32x64xf32, #tpu.memory_space<vmem>> -> memref<1x64xf32, #tpu.memory_space<vmem>>
    %dma_start3A_274 = arith.constant 0 : i32
    %dma_start3A_275 = tpu.memref_slice %arg2[%squeeze3A_270, %dma_start3A_274] : memref<100501x64xf32, #tpu.memory_space<hbm>> -> memref<1x64xf32, #tpu.memory_space<hbm>>
    %dma_start3A_276 = arith.constant 22 : i32
    %dma_start3A_277 = arith.constant 0 : i32
    %dma_start3A_278 = tpu.memref_slice %arg13[%dma_start3A_276, %dma_start3A_277] : memref<32x64xf32, #tpu.memory_space<vmem>> -> memref<1x64xf32, #tpu.memory_space<vmem>>
    %dma_start3A_279 = arith.constant 0 : i32
    %dma_start3A_280 = tpu.memref_slice %arg2[%squeeze3A_270, %dma_start3A_279] : memref<100501x64xf32, #tpu.memory_space<hbm>> -> memref<1x64xf32, #tpu.memory_space<hbm>>
    tpu.enqueue_dma source(%dma_start3A_280 : memref<1x64xf32, #tpu.memory_space<hbm>>) target(%dma_start3A_278 : memref<1x64xf32, #tpu.memory_space<vmem>>) target_semaphore(%arg16 : memref<!tpu.dma_semaphore, #tpu.memory_space<semaphore_mem>>)
    %slice3A_281 = vector.extract_strided_slice %get3A_196 {offsets = [7], sizes = [1], strides = [1]} : vector<16xi32> to vector<1xi32>
    %squeeze3A_282 = vector.extract %slice3A_281[0] : i32 from vector<1xi32>
    %dma_start3A_283 = arith.constant 23 : i32
    %dma_start3A_284 = arith.constant 0 : i32
    %dma_start3A_285 = tpu.memref_slice %arg13[%dma_start3A_283, %dma_start3A_284] : memref<32x64xf32, #tpu.memory_space<vmem>> -> memref<1x64xf32, #tpu.memory_space<vmem>>
    %dma_start3A_286 = arith.constant 0 : i32
    %dma_start3A_287 = tpu.memref_slice %arg2[%squeeze3A_282, %dma_start3A_286] : memref<100501x64xf32, #tpu.memory_space<hbm>> -> memref<1x64xf32, #tpu.memory_space<hbm>>
    %dma_start3A_288 = arith.constant 23 : i32
    %dma_start3A_289 = arith.constant 0 : i32
    %dma_start3A_290 = tpu.memref_slice %arg13[%dma_start3A_288, %dma_start3A_289] : memref<32x64xf32, #tpu.memory_space<vmem>> -> memref<1x64xf32, #tpu.memory_space<vmem>>
    %dma_start3A_291 = arith.constant 0 : i32
    %dma_start3A_292 = tpu.memref_slice %arg2[%squeeze3A_282, %dma_start3A_291] : memref<100501x64xf32, #tpu.memory_space<hbm>> -> memref<1x64xf32, #tpu.memory_space<hbm>>
    tpu.enqueue_dma source(%dma_start3A_292 : memref<1x64xf32, #tpu.memory_space<hbm>>) target(%dma_start3A_290 : memref<1x64xf32, #tpu.memory_space<vmem>>) target_semaphore(%arg16 : memref<!tpu.dma_semaphore, #tpu.memory_space<semaphore_mem>>)
    %slice3A_293 = vector.extract_strided_slice %get3A_196 {offsets = [8], sizes = [1], strides = [1]} : vector<16xi32> to vector<1xi32>
    %squeeze3A_294 = vector.extract %slice3A_293[0] : i32 from vector<1xi32>
    %dma_start3A_295 = arith.constant 24 : i32
    %dma_start3A_296 = arith.constant 0 : i32
    %dma_start3A_297 = tpu.memref_slice %arg13[%dma_start3A_295, %dma_start3A_296] : memref<32x64xf32, #tpu.memory_space<vmem>> -> memref<1x64xf32, #tpu.memory_space<vmem>>
    %dma_start3A_298 = arith.constant 0 : i32
    %dma_start3A_299 = tpu.memref_slice %arg2[%squeeze3A_294, %dma_start3A_298] : memref<100501x64xf32, #tpu.memory_space<hbm>> -> memref<1x64xf32, #tpu.memory_space<hbm>>
    %dma_start3A_300 = arith.constant 24 : i32
    %dma_start3A_301 = arith.constant 0 : i32
    %dma_start3A_302 = tpu.memref_slice %arg13[%dma_start3A_300, %dma_start3A_301] : memref<32x64xf32, #tpu.memory_space<vmem>> -> memref<1x64xf32, #tpu.memory_space<vmem>>
    %dma_start3A_303 = arith.constant 0 : i32
    %dma_start3A_304 = tpu.memref_slice %arg2[%squeeze3A_294, %dma_start3A_303] : memref<100501x64xf32, #tpu.memory_space<hbm>> -> memref<1x64xf32, #tpu.memory_space<hbm>>
    tpu.enqueue_dma source(%dma_start3A_304 : memref<1x64xf32, #tpu.memory_space<hbm>>) target(%dma_start3A_302 : memref<1x64xf32, #tpu.memory_space<vmem>>) target_semaphore(%arg16 : memref<!tpu.dma_semaphore, #tpu.memory_space<semaphore_mem>>)
    %slice3A_305 = vector.extract_strided_slice %get3A_196 {offsets = [9], sizes = [1], strides = [1]} : vector<16xi32> to vector<1xi32>
    %squeeze3A_306 = vector.extract %slice3A_305[0] : i32 from vector<1xi32>
    %dma_start3A_307 = arith.constant 25 : i32
    %dma_start3A_308 = arith.constant 0 : i32
    %dma_start3A_309 = tpu.memref_slice %arg13[%dma_start3A_307, %dma_start3A_308] : memref<32x64xf32, #tpu.memory_space<vmem>> -> memref<1x64xf32, #tpu.memory_space<vmem>>
    %dma_start3A_310 = arith.constant 0 : i32
    %dma_start3A_311 = tpu.memref_slice %arg2[%squeeze3A_306, %dma_start3A_310] : memref<100501x64xf32, #tpu.memory_space<hbm>> -> memref<1x64xf32, #tpu.memory_space<hbm>>
    %dma_start3A_312 = arith.constant 25 : i32
    %dma_start3A_313 = arith.constant 0 : i32
    %dma_start3A_314 = tpu.memref_slice %arg13[%dma_start3A_312, %dma_start3A_313] : memref<32x64xf32, #tpu.memory_space<vmem>> -> memref<1x64xf32, #tpu.memory_space<vmem>>
    %dma_start3A_315 = arith.constant 0 : i32
    %dma_start3A_316 = tpu.memref_slice %arg2[%squeeze3A_306, %dma_start3A_315] : memref<100501x64xf32, #tpu.memory_space<hbm>> -> memref<1x64xf32, #tpu.memory_space<hbm>>
    tpu.enqueue_dma source(%dma_start3A_316 : memref<1x64xf32, #tpu.memory_space<hbm>>) target(%dma_start3A_314 : memref<1x64xf32, #tpu.memory_space<vmem>>) target_semaphore(%arg16 : memref<!tpu.dma_semaphore, #tpu.memory_space<semaphore_mem>>)
    %slice3A_317 = vector.extract_strided_slice %get3A_196 {offsets = [10], sizes = [1], strides = [1]} : vector<16xi32> to vector<1xi32>
    %squeeze3A_318 = vector.extract %slice3A_317[0] : i32 from vector<1xi32>
    %dma_start3A_319 = arith.constant 26 : i32
    %dma_start3A_320 = arith.constant 0 : i32
    %dma_start3A_321 = tpu.memref_slice %arg13[%dma_start3A_319, %dma_start3A_320] : memref<32x64xf32, #tpu.memory_space<vmem>> -> memref<1x64xf32, #tpu.memory_space<vmem>>
    %dma_start3A_322 = arith.constant 0 : i32
    %dma_start3A_323 = tpu.memref_slice %arg2[%squeeze3A_318, %dma_start3A_322] : memref<100501x64xf32, #tpu.memory_space<hbm>> -> memref<1x64xf32, #tpu.memory_space<hbm>>
    %dma_start3A_324 = arith.constant 26 : i32
    %dma_start3A_325 = arith.constant 0 : i32
    %dma_start3A_326 = tpu.memref_slice %arg13[%dma_start3A_324, %dma_start3A_325] : memref<32x64xf32, #tpu.memory_space<vmem>> -> memref<1x64xf32, #tpu.memory_space<vmem>>
    %dma_start3A_327 = arith.constant 0 : i32
    %dma_start3A_328 = tpu.memref_slice %arg2[%squeeze3A_318, %dma_start3A_327] : memref<100501x64xf32, #tpu.memory_space<hbm>> -> memref<1x64xf32, #tpu.memory_space<hbm>>
    tpu.enqueue_dma source(%dma_start3A_328 : memref<1x64xf32, #tpu.memory_space<hbm>>) target(%dma_start3A_326 : memref<1x64xf32, #tpu.memory_space<vmem>>) target_semaphore(%arg16 : memref<!tpu.dma_semaphore, #tpu.memory_space<semaphore_mem>>)
    %slice3A_329 = vector.extract_strided_slice %get3A_196 {offsets = [11], sizes = [1], strides = [1]} : vector<16xi32> to vector<1xi32>
    %squeeze3A_330 = vector.extract %slice3A_329[0] : i32 from vector<1xi32>
    %dma_start3A_331 = arith.constant 27 : i32
    %dma_start3A_332 = arith.constant 0 : i32
    %dma_start3A_333 = tpu.memref_slice %arg13[%dma_start3A_331, %dma_start3A_332] : memref<32x64xf32, #tpu.memory_space<vmem>> -> memref<1x64xf32, #tpu.memory_space<vmem>>
    %dma_start3A_334 = arith.constant 0 : i32
    %dma_start3A_335 = tpu.memref_slice %arg2[%squeeze3A_330, %dma_start3A_334] : memref<100501x64xf32, #tpu.memory_space<hbm>> -> memref<1x64xf32, #tpu.memory_space<hbm>>
    %dma_start3A_336 = arith.constant 27 : i32
    %dma_start3A_337 = arith.constant 0 : i32
    %dma_start3A_338 = tpu.memref_slice %arg13[%dma_start3A_336, %dma_start3A_337] : memref<32x64xf32, #tpu.memory_space<vmem>> -> memref<1x64xf32, #tpu.memory_space<vmem>>
    %dma_start3A_339 = arith.constant 0 : i32
    %dma_start3A_340 = tpu.memref_slice %arg2[%squeeze3A_330, %dma_start3A_339] : memref<100501x64xf32, #tpu.memory_space<hbm>> -> memref<1x64xf32, #tpu.memory_space<hbm>>
    tpu.enqueue_dma source(%dma_start3A_340 : memref<1x64xf32, #tpu.memory_space<hbm>>) target(%dma_start3A_338 : memref<1x64xf32, #tpu.memory_space<vmem>>) target_semaphore(%arg16 : memref<!tpu.dma_semaphore, #tpu.memory_space<semaphore_mem>>)
    %slice3A_341 = vector.extract_strided_slice %get3A_196 {offsets = [12], sizes = [1], strides = [1]} : vector<16xi32> to vector<1xi32>
    %squeeze3A_342 = vector.extract %slice3A_341[0] : i32 from vector<1xi32>
    %dma_start3A_343 = arith.constant 28 : i32
    %dma_start3A_344 = arith.constant 0 : i32
    %dma_start3A_345 = tpu.memref_slice %arg13[%dma_start3A_343, %dma_start3A_344] : memref<32x64xf32, #tpu.memory_space<vmem>> -> memref<1x64xf32, #tpu.memory_space<vmem>>
    %dma_start3A_346 = arith.constant 0 : i32
    %dma_start3A_347 = tpu.memref_slice %arg2[%squeeze3A_342, %dma_start3A_346] : memref<100501x64xf32, #tpu.memory_space<hbm>> -> memref<1x64xf32, #tpu.memory_space<hbm>>
    %dma_start3A_348 = arith.constant 28 : i32
    %dma_start3A_349 = arith.constant 0 : i32
    %dma_start3A_350 = tpu.memref_slice %arg13[%dma_start3A_348, %dma_start3A_349] : memref<32x64xf32, #tpu.memory_space<vmem>> -> memref<1x64xf32, #tpu.memory_space<vmem>>
    %dma_start3A_351 = arith.constant 0 : i32
    %dma_start3A_352 = tpu.memref_slice %arg2[%squeeze3A_342, %dma_start3A_351] : memref<100501x64xf32, #tpu.memory_space<hbm>> -> memref<1x64xf32, #tpu.memory_space<hbm>>
    tpu.enqueue_dma source(%dma_start3A_352 : memref<1x64xf32, #tpu.memory_space<hbm>>) target(%dma_start3A_350 : memref<1x64xf32, #tpu.memory_space<vmem>>) target_semaphore(%arg16 : memref<!tpu.dma_semaphore, #tpu.memory_space<semaphore_mem>>)
    %slice3A_353 = vector.extract_strided_slice %get3A_196 {offsets = [13], sizes = [1], strides = [1]} : vector<16xi32> to vector<1xi32>
    %squeeze3A_354 = vector.extract %slice3A_353[0] : i32 from vector<1xi32>
    %dma_start3A_355 = arith.constant 29 : i32
    %dma_start3A_356 = arith.constant 0 : i32
    %dma_start3A_357 = tpu.memref_slice %arg13[%dma_start3A_355, %dma_start3A_356] : memref<32x64xf32, #tpu.memory_space<vmem>> -> memref<1x64xf32, #tpu.memory_space<vmem>>
    %dma_start3A_358 = arith.constant 0 : i32
    %dma_start3A_359 = tpu.memref_slice %arg2[%squeeze3A_354, %dma_start3A_358] : memref<100501x64xf32, #tpu.memory_space<hbm>> -> memref<1x64xf32, #tpu.memory_space<hbm>>
    %dma_start3A_360 = arith.constant 29 : i32
    %dma_start3A_361 = arith.constant 0 : i32
    %dma_start3A_362 = tpu.memref_slice %arg13[%dma_start3A_360, %dma_start3A_361] : memref<32x64xf32, #tpu.memory_space<vmem>> -> memref<1x64xf32, #tpu.memory_space<vmem>>
    %dma_start3A_363 = arith.constant 0 : i32
    %dma_start3A_364 = tpu.memref_slice %arg2[%squeeze3A_354, %dma_start3A_363] : memref<100501x64xf32, #tpu.memory_space<hbm>> -> memref<1x64xf32, #tpu.memory_space<hbm>>
    tpu.enqueue_dma source(%dma_start3A_364 : memref<1x64xf32, #tpu.memory_space<hbm>>) target(%dma_start3A_362 : memref<1x64xf32, #tpu.memory_space<vmem>>) target_semaphore(%arg16 : memref<!tpu.dma_semaphore, #tpu.memory_space<semaphore_mem>>)
    %slice3A_365 = vector.extract_strided_slice %get3A_196 {offsets = [14], sizes = [1], strides = [1]} : vector<16xi32> to vector<1xi32>
    %squeeze3A_366 = vector.extract %slice3A_365[0] : i32 from vector<1xi32>
    %dma_start3A_367 = arith.constant 30 : i32
    %dma_start3A_368 = arith.constant 0 : i32
    %dma_start3A_369 = tpu.memref_slice %arg13[%dma_start3A_367, %dma_start3A_368] : memref<32x64xf32, #tpu.memory_space<vmem>> -> memref<1x64xf32, #tpu.memory_space<vmem>>
    %dma_start3A_370 = arith.constant 0 : i32
    %dma_start3A_371 = tpu.memref_slice %arg2[%squeeze3A_366, %dma_start3A_370] : memref<100501x64xf32, #tpu.memory_space<hbm>> -> memref<1x64xf32, #tpu.memory_space<hbm>>
    %dma_start3A_372 = arith.constant 30 : i32
    %dma_start3A_373 = arith.constant 0 : i32
    %dma_start3A_374 = tpu.memref_slice %arg13[%dma_start3A_372, %dma_start3A_373] : memref<32x64xf32, #tpu.memory_space<vmem>> -> memref<1x64xf32, #tpu.memory_space<vmem>>
    %dma_start3A_375 = arith.constant 0 : i32
    %dma_start3A_376 = tpu.memref_slice %arg2[%squeeze3A_366, %dma_start3A_375] : memref<100501x64xf32, #tpu.memory_space<hbm>> -> memref<1x64xf32, #tpu.memory_space<hbm>>
    tpu.enqueue_dma source(%dma_start3A_376 : memref<1x64xf32, #tpu.memory_space<hbm>>) target(%dma_start3A_374 : memref<1x64xf32, #tpu.memory_space<vmem>>) target_semaphore(%arg16 : memref<!tpu.dma_semaphore, #tpu.memory_space<semaphore_mem>>)
    %slice3A_377 = vector.extract_strided_slice %get3A_196 {offsets = [15], sizes = [1], strides = [1]} : vector<16xi32> to vector<1xi32>
    %squeeze3A_378 = vector.extract %slice3A_377[0] : i32 from vector<1xi32>
    %dma_start3A_379 = arith.constant 31 : i32
    %dma_start3A_380 = arith.constant 0 : i32
    %dma_start3A_381 = tpu.memref_slice %arg13[%dma_start3A_379, %dma_start3A_380] : memref<32x64xf32, #tpu.memory_space<vmem>> -> memref<1x64xf32, #tpu.memory_space<vmem>>
    %dma_start3A_382 = arith.constant 0 : i32
    %dma_start3A_383 = tpu.memref_slice %arg2[%squeeze3A_378, %dma_start3A_382] : memref<100501x64xf32, #tpu.memory_space<hbm>> -> memref<1x64xf32, #tpu.memory_space<hbm>>
    %dma_start3A_384 = arith.constant 31 : i32
    %dma_start3A_385 = arith.constant 0 : i32
    %dma_start3A_386 = tpu.memref_slice %arg13[%dma_start3A_384, %dma_start3A_385] : memref<32x64xf32, #tpu.memory_space<vmem>> -> memref<1x64xf32, #tpu.memory_space<vmem>>
    %dma_start3A_387 = arith.constant 0 : i32
    %dma_start3A_388 = tpu.memref_slice %arg2[%squeeze3A_378, %dma_start3A_387] : memref<100501x64xf32, #tpu.memory_space<hbm>> -> memref<1x64xf32, #tpu.memory_space<hbm>>
    tpu.enqueue_dma source(%dma_start3A_388 : memref<1x64xf32, #tpu.memory_space<hbm>>) target(%dma_start3A_386 : memref<1x64xf32, #tpu.memory_space<vmem>>) target_semaphore(%arg16 : memref<!tpu.dma_semaphore, #tpu.memory_space<semaphore_mem>>)
    %get3A_389 = arith.constant 0 : index
    %get3A_390 = tpu.vector_load %arg11[%get3A_389] {strides = array<i32>} : memref<32xi32, #tpu.memory_space<vmem>>, vector<16xi32>,
    %get3A_391 = vector.shape_cast %get3A_390 : vector<16xi32> to vector<16xi32>
    %slice3A_392 = vector.extract_strided_slice %get3A_391 {offsets = [0], sizes = [1], strides = [1]} : vector<16xi32> to vector<1xi32>
    %squeeze3A_393 = vector.extract %slice3A_392[0] : i32 from vector<1xi32>
    %dma_start3A_394 = arith.constant 0 : i32
    %dma_start3A_395 = arith.constant 0 : i32
    %dma_start3A_396 = tpu.memref_slice %arg14[%dma_start3A_394, %dma_start3A_395] : memref<32x64xf32, #tpu.memory_space<vmem>> -> memref<1x64xf32, #tpu.memory_space<vmem>>
    %dma_start3A_397 = arith.constant 0 : i32
    %dma_start3A_398 = tpu.memref_slice %arg3[%squeeze3A_393, %dma_start3A_397] : memref<501x64xf32, #tpu.memory_space<hbm>> -> memref<1x64xf32, #tpu.memory_space<hbm>>
    %dma_start3A_399 = arith.constant 0 : i32
    %dma_start3A_400 = arith.constant 0 : i32
    %dma_start3A_401 = tpu.memref_slice %arg14[%dma_start3A_399, %dma_start3A_400] : memref<32x64xf32, #tpu.memory_space<vmem>> -> memref<1x64xf32, #tpu.memory_space<vmem>>
    %dma_start3A_402 = arith.constant 0 : i32
    %dma_start3A_403 = tpu.memref_slice %arg3[%squeeze3A_393, %dma_start3A_402] : memref<501x64xf32, #tpu.memory_space<hbm>> -> memref<1x64xf32, #tpu.memory_space<hbm>>
    tpu.enqueue_dma source(%dma_start3A_403 : memref<1x64xf32, #tpu.memory_space<hbm>>) target(%dma_start3A_401 : memref<1x64xf32, #tpu.memory_space<vmem>>) target_semaphore(%arg16 : memref<!tpu.dma_semaphore, #tpu.memory_space<semaphore_mem>>)
    %slice3A_404 = vector.extract_strided_slice %get3A_391 {offsets = [1], sizes = [1], strides = [1]} : vector<16xi32> to vector<1xi32>
    %squeeze3A_405 = vector.extract %slice3A_404[0] : i32 from vector<1xi32>
    %dma_start3A_406 = arith.constant 1 : i32
    %dma_start3A_407 = arith.constant 0 : i32
    %dma_start3A_408 = tpu.memref_slice %arg14[%dma_start3A_406, %dma_start3A_407] : memref<32x64xf32, #tpu.memory_space<vmem>> -> memref<1x64xf32, #tpu.memory_space<vmem>>
    %dma_start3A_409 = arith.constant 0 : i32
    %dma_start3A_410 = tpu.memref_slice %arg3[%squeeze3A_405, %dma_start3A_409] : memref<501x64xf32, #tpu.memory_space<hbm>> -> memref<1x64xf32, #tpu.memory_space<hbm>>
    %dma_start3A_411 = arith.constant 1 : i32
    %dma_start3A_412 = arith.constant 0 : i32
    %dma_start3A_413 = tpu.memref_slice %arg14[%dma_start3A_411, %dma_start3A_412] : memref<32x64xf32, #tpu.memory_space<vmem>> -> memref<1x64xf32, #tpu.memory_space<vmem>>
    %dma_start3A_414 = arith.constant 0 : i32
    %dma_start3A_415 = tpu.memref_slice %arg3[%squeeze3A_405, %dma_start3A_414] : memref<501x64xf32, #tpu.memory_space<hbm>> -> memref<1x64xf32, #tpu.memory_space<hbm>>
    tpu.enqueue_dma source(%dma_start3A_415 : memref<1x64xf32, #tpu.memory_space<hbm>>) target(%dma_start3A_413 : memref<1x64xf32, #tpu.memory_space<vmem>>) target_semaphore(%arg16 : memref<!tpu.dma_semaphore, #tpu.memory_space<semaphore_mem>>)
    %slice3A_416 = vector.extract_strided_slice %get3A_391 {offsets = [2], sizes = [1], strides = [1]} : vector<16xi32> to vector<1xi32>
    %squeeze3A_417 = vector.extract %slice3A_416[0] : i32 from vector<1xi32>
    %dma_start3A_418 = arith.constant 2 : i32
    %dma_start3A_419 = arith.constant 0 : i32
    %dma_start3A_420 = tpu.memref_slice %arg14[%dma_start3A_418, %dma_start3A_419] : memref<32x64xf32, #tpu.memory_space<vmem>> -> memref<1x64xf32, #tpu.memory_space<vmem>>
    %dma_start3A_421 = arith.constant 0 : i32
    %dma_start3A_422 = tpu.memref_slice %arg3[%squeeze3A_417, %dma_start3A_421] : memref<501x64xf32, #tpu.memory_space<hbm>> -> memref<1x64xf32, #tpu.memory_space<hbm>>
    %dma_start3A_423 = arith.constant 2 : i32
    %dma_start3A_424 = arith.constant 0 : i32
    %dma_start3A_425 = tpu.memref_slice %arg14[%dma_start3A_423, %dma_start3A_424] : memref<32x64xf32, #tpu.memory_space<vmem>> -> memref<1x64xf32, #tpu.memory_space<vmem>>
    %dma_start3A_426 = arith.constant 0 : i32
    %dma_start3A_427 = tpu.memref_slice %arg3[%squeeze3A_417, %dma_start3A_426] : memref<501x64xf32, #tpu.memory_space<hbm>> -> memref<1x64xf32, #tpu.memory_space<hbm>>
    tpu.enqueue_dma source(%dma_start3A_427 : memref<1x64xf32, #tpu.memory_space<hbm>>) target(%dma_start3A_425 : memref<1x64xf32, #tpu.memory_space<vmem>>) target_semaphore(%arg16 : memref<!tpu.dma_semaphore, #tpu.memory_space<semaphore_mem>>)
    %slice3A_428 = vector.extract_strided_slice %get3A_391 {offsets = [3], sizes = [1], strides = [1]} : vector<16xi32> to vector<1xi32>
    %squeeze3A_429 = vector.extract %slice3A_428[0] : i32 from vector<1xi32>
    %dma_start3A_430 = arith.constant 3 : i32
    %dma_start3A_431 = arith.constant 0 : i32
    %dma_start3A_432 = tpu.memref_slice %arg14[%dma_start3A_430, %dma_start3A_431] : memref<32x64xf32, #tpu.memory_space<vmem>> -> memref<1x64xf32, #tpu.memory_space<vmem>>
    %dma_start3A_433 = arith.constant 0 : i32
    %dma_start3A_434 = tpu.memref_slice %arg3[%squeeze3A_429, %dma_start3A_433] : memref<501x64xf32, #tpu.memory_space<hbm>> -> memref<1x64xf32, #tpu.memory_space<hbm>>
    %dma_start3A_435 = arith.constant 3 : i32
    %dma_start3A_436 = arith.constant 0 : i32
    %dma_start3A_437 = tpu.memref_slice %arg14[%dma_start3A_435, %dma_start3A_436] : memref<32x64xf32, #tpu.memory_space<vmem>> -> memref<1x64xf32, #tpu.memory_space<vmem>>
    %dma_start3A_438 = arith.constant 0 : i32
    %dma_start3A_439 = tpu.memref_slice %arg3[%squeeze3A_429, %dma_start3A_438] : memref<501x64xf32, #tpu.memory_space<hbm>> -> memref<1x64xf32, #tpu.memory_space<hbm>>
    tpu.enqueue_dma source(%dma_start3A_439 : memref<1x64xf32, #tpu.memory_space<hbm>>) target(%dma_start3A_437 : memref<1x64xf32, #tpu.memory_space<vmem>>) target_semaphore(%arg16 : memref<!tpu.dma_semaphore, #tpu.memory_space<semaphore_mem>>)
    %slice3A_440 = vector.extract_strided_slice %get3A_391 {offsets = [4], sizes = [1], strides = [1]} : vector<16xi32> to vector<1xi32>
    %squeeze3A_441 = vector.extract %slice3A_440[0] : i32 from vector<1xi32>
    %dma_start3A_442 = arith.constant 4 : i32
    %dma_start3A_443 = arith.constant 0 : i32
    %dma_start3A_444 = tpu.memref_slice %arg14[%dma_start3A_442, %dma_start3A_443] : memref<32x64xf32, #tpu.memory_space<vmem>> -> memref<1x64xf32, #tpu.memory_space<vmem>>
    %dma_start3A_445 = arith.constant 0 : i32
    %dma_start3A_446 = tpu.memref_slice %arg3[%squeeze3A_441, %dma_start3A_445] : memref<501x64xf32, #tpu.memory_space<hbm>> -> memref<1x64xf32, #tpu.memory_space<hbm>>
    %dma_start3A_447 = arith.constant 4 : i32
    %dma_start3A_448 = arith.constant 0 : i32
    %dma_start3A_449 = tpu.memref_slice %arg14[%dma_start3A_447, %dma_start3A_448] : memref<32x64xf32, #tpu.memory_space<vmem>> -> memref<1x64xf32, #tpu.memory_space<vmem>>
    %dma_start3A_450 = arith.constant 0 : i32
    %dma_start3A_451 = tpu.memref_slice %arg3[%squeeze3A_441, %dma_start3A_450] : memref<501x64xf32, #tpu.memory_space<hbm>> -> memref<1x64xf32, #tpu.memory_space<hbm>>
    tpu.enqueue_dma source(%dma_start3A_451 : memref<1x64xf32, #tpu.memory_space<hbm>>) target(%dma_start3A_449 : memref<1x64xf32, #tpu.memory_space<vmem>>) target_semaphore(%arg16 : memref<!tpu.dma_semaphore, #tpu.memory_space<semaphore_mem>>)
    %slice3A_452 = vector.extract_strided_slice %get3A_391 {offsets = [5], sizes = [1], strides = [1]} : vector<16xi32> to vector<1xi32>
    %squeeze3A_453 = vector.extract %slice3A_452[0] : i32 from vector<1xi32>
    %dma_start3A_454 = arith.constant 5 : i32
    %dma_start3A_455 = arith.constant 0 : i32
    %dma_start3A_456 = tpu.memref_slice %arg14[%dma_start3A_454, %dma_start3A_455] : memref<32x64xf32, #tpu.memory_space<vmem>> -> memref<1x64xf32, #tpu.memory_space<vmem>>
    %dma_start3A_457 = arith.constant 0 : i32
    %dma_start3A_458 = tpu.memref_slice %arg3[%squeeze3A_453, %dma_start3A_457] : memref<501x64xf32, #tpu.memory_space<hbm>> -> memref<1x64xf32, #tpu.memory_space<hbm>>
    %dma_start3A_459 = arith.constant 5 : i32
    %dma_start3A_460 = arith.constant 0 : i32
    %dma_start3A_461 = tpu.memref_slice %arg14[%dma_start3A_459, %dma_start3A_460] : memref<32x64xf32, #tpu.memory_space<vmem>> -> memref<1x64xf32, #tpu.memory_space<vmem>>
    %dma_start3A_462 = arith.constant 0 : i32
    %dma_start3A_463 = tpu.memref_slice %arg3[%squeeze3A_453, %dma_start3A_462] : memref<501x64xf32, #tpu.memory_space<hbm>> -> memref<1x64xf32, #tpu.memory_space<hbm>>
    tpu.enqueue_dma source(%dma_start3A_463 : memref<1x64xf32, #tpu.memory_space<hbm>>) target(%dma_start3A_461 : memref<1x64xf32, #tpu.memory_space<vmem>>) target_semaphore(%arg16 : memref<!tpu.dma_semaphore, #tpu.memory_space<semaphore_mem>>)
    %slice3A_464 = vector.extract_strided_slice %get3A_391 {offsets = [6], sizes = [1], strides = [1]} : vector<16xi32> to vector<1xi32>
    %squeeze3A_465 = vector.extract %slice3A_464[0] : i32 from vector<1xi32>
    %dma_start3A_466 = arith.constant 6 : i32
    %dma_start3A_467 = arith.constant 0 : i32
    %dma_start3A_468 = tpu.memref_slice %arg14[%dma_start3A_466, %dma_start3A_467] : memref<32x64xf32, #tpu.memory_space<vmem>> -> memref<1x64xf32, #tpu.memory_space<vmem>>
    %dma_start3A_469 = arith.constant 0 : i32
    %dma_start3A_470 = tpu.memref_slice %arg3[%squeeze3A_465, %dma_start3A_469] : memref<501x64xf32, #tpu.memory_space<hbm>> -> memref<1x64xf32, #tpu.memory_space<hbm>>
    %dma_start3A_471 = arith.constant 6 : i32
    %dma_start3A_472 = arith.constant 0 : i32
    %dma_start3A_473 = tpu.memref_slice %arg14[%dma_start3A_471, %dma_start3A_472] : memref<32x64xf32, #tpu.memory_space<vmem>> -> memref<1x64xf32, #tpu.memory_space<vmem>>
    %dma_start3A_474 = arith.constant 0 : i32
    %dma_start3A_475 = tpu.memref_slice %arg3[%squeeze3A_465, %dma_start3A_474] : memref<501x64xf32, #tpu.memory_space<hbm>> -> memref<1x64xf32, #tpu.memory_space<hbm>>
    tpu.enqueue_dma source(%dma_start3A_475 : memref<1x64xf32, #tpu.memory_space<hbm>>) target(%dma_start3A_473 : memref<1x64xf32, #tpu.memory_space<vmem>>) target_semaphore(%arg16 : memref<!tpu.dma_semaphore, #tpu.memory_space<semaphore_mem>>)
    %slice3A_476 = vector.extract_strided_slice %get3A_391 {offsets = [7], sizes = [1], strides = [1]} : vector<16xi32> to vector<1xi32>
    %squeeze3A_477 = vector.extract %slice3A_476[0] : i32 from vector<1xi32>
    %dma_start3A_478 = arith.constant 7 : i32
    %dma_start3A_479 = arith.constant 0 : i32
    %dma_start3A_480 = tpu.memref_slice %arg14[%dma_start3A_478, %dma_start3A_479] : memref<32x64xf32, #tpu.memory_space<vmem>> -> memref<1x64xf32, #tpu.memory_space<vmem>>
    %dma_start3A_481 = arith.constant 0 : i32
    %dma_start3A_482 = tpu.memref_slice %arg3[%squeeze3A_477, %dma_start3A_481] : memref<501x64xf32, #tpu.memory_space<hbm>> -> memref<1x64xf32, #tpu.memory_space<hbm>>
    %dma_start3A_483 = arith.constant 7 : i32
    %dma_start3A_484 = arith.constant 0 : i32
    %dma_start3A_485 = tpu.memref_slice %arg14[%dma_start3A_483, %dma_start3A_484] : memref<32x64xf32, #tpu.memory_space<vmem>> -> memref<1x64xf32, #tpu.memory_space<vmem>>
    %dma_start3A_486 = arith.constant 0 : i32
    %dma_start3A_487 = tpu.memref_slice %arg3[%squeeze3A_477, %dma_start3A_486] : memref<501x64xf32, #tpu.memory_space<hbm>> -> memref<1x64xf32, #tpu.memory_space<hbm>>
    tpu.enqueue_dma source(%dma_start3A_487 : memref<1x64xf32, #tpu.memory_space<hbm>>) target(%dma_start3A_485 : memref<1x64xf32, #tpu.memory_space<vmem>>) target_semaphore(%arg16 : memref<!tpu.dma_semaphore, #tpu.memory_space<semaphore_mem>>)
    %slice3A_488 = vector.extract_strided_slice %get3A_391 {offsets = [8], sizes = [1], strides = [1]} : vector<16xi32> to vector<1xi32>
    %squeeze3A_489 = vector.extract %slice3A_488[0] : i32 from vector<1xi32>
    %dma_start3A_490 = arith.constant 8 : i32
    %dma_start3A_491 = arith.constant 0 : i32
    %dma_start3A_492 = tpu.memref_slice %arg14[%dma_start3A_490, %dma_start3A_491] : memref<32x64xf32, #tpu.memory_space<vmem>> -> memref<1x64xf32, #tpu.memory_space<vmem>>
    %dma_start3A_493 = arith.constant 0 : i32
    %dma_start3A_494 = tpu.memref_slice %arg3[%squeeze3A_489, %dma_start3A_493] : memref<501x64xf32, #tpu.memory_space<hbm>> -> memref<1x64xf32, #tpu.memory_space<hbm>>
    %dma_start3A_495 = arith.constant 8 : i32
    %dma_start3A_496 = arith.constant 0 : i32
    %dma_start3A_497 = tpu.memref_slice %arg14[%dma_start3A_495, %dma_start3A_496] : memref<32x64xf32, #tpu.memory_space<vmem>> -> memref<1x64xf32, #tpu.memory_space<vmem>>
    %dma_start3A_498 = arith.constant 0 : i32
    %dma_start3A_499 = tpu.memref_slice %arg3[%squeeze3A_489, %dma_start3A_498] : memref<501x64xf32, #tpu.memory_space<hbm>> -> memref<1x64xf32, #tpu.memory_space<hbm>>
    tpu.enqueue_dma source(%dma_start3A_499 : memref<1x64xf32, #tpu.memory_space<hbm>>) target(%dma_start3A_497 : memref<1x64xf32, #tpu.memory_space<vmem>>) target_semaphore(%arg16 : memref<!tpu.dma_semaphore, #tpu.memory_space<semaphore_mem>>)
    %slice3A_500 = vector.extract_strided_slice %get3A_391 {offsets = [9], sizes = [1], strides = [1]} : vector<16xi32> to vector<1xi32>
    %squeeze3A_501 = vector.extract %slice3A_500[0] : i32 from vector<1xi32>
    %dma_start3A_502 = arith.constant 9 : i32
    %dma_start3A_503 = arith.constant 0 : i32
    %dma_start3A_504 = tpu.memref_slice %arg14[%dma_start3A_502, %dma_start3A_503] : memref<32x64xf32, #tpu.memory_space<vmem>> -> memref<1x64xf32, #tpu.memory_space<vmem>>
    %dma_start3A_505 = arith.constant 0 : i32
    %dma_start3A_506 = tpu.memref_slice %arg3[%squeeze3A_501, %dma_start3A_505] : memref<501x64xf32, #tpu.memory_space<hbm>> -> memref<1x64xf32, #tpu.memory_space<hbm>>
    %dma_start3A_507 = arith.constant 9 : i32
    %dma_start3A_508 = arith.constant 0 : i32
    %dma_start3A_509 = tpu.memref_slice %arg14[%dma_start3A_507, %dma_start3A_508] : memref<32x64xf32, #tpu.memory_space<vmem>> -> memref<1x64xf32, #tpu.memory_space<vmem>>
    %dma_start3A_510 = arith.constant 0 : i32
    %dma_start3A_511 = tpu.memref_slice %arg3[%squeeze3A_501, %dma_start3A_510] : memref<501x64xf32, #tpu.memory_space<hbm>> -> memref<1x64xf32, #tpu.memory_space<hbm>>
    tpu.enqueue_dma source(%dma_start3A_511 : memref<1x64xf32, #tpu.memory_space<hbm>>) target(%dma_start3A_509 : memref<1x64xf32, #tpu.memory_space<vmem>>) target_semaphore(%arg16 : memref<!tpu.dma_semaphore, #tpu.memory_space<semaphore_mem>>)
    %slice3A_512 = vector.extract_strided_slice %get3A_391 {offsets = [10], sizes = [1], strides = [1]} : vector<16xi32> to vector<1xi32>
    %squeeze3A_513 = vector.extract %slice3A_512[0] : i32 from vector<1xi32>
    %dma_start3A_514 = arith.constant 10 : i32
    %dma_start3A_515 = arith.constant 0 : i32
    %dma_start3A_516 = tpu.memref_slice %arg14[%dma_start3A_514, %dma_start3A_515] : memref<32x64xf32, #tpu.memory_space<vmem>> -> memref<1x64xf32, #tpu.memory_space<vmem>>
    %dma_start3A_517 = arith.constant 0 : i32
    %dma_start3A_518 = tpu.memref_slice %arg3[%squeeze3A_513, %dma_start3A_517] : memref<501x64xf32, #tpu.memory_space<hbm>> -> memref<1x64xf32, #tpu.memory_space<hbm>>
    %dma_start3A_519 = arith.constant 10 : i32
    %dma_start3A_520 = arith.constant 0 : i32
    %dma_start3A_521 = tpu.memref_slice %arg14[%dma_start3A_519, %dma_start3A_520] : memref<32x64xf32, #tpu.memory_space<vmem>> -> memref<1x64xf32, #tpu.memory_space<vmem>>
    %dma_start3A_522 = arith.constant 0 : i32
    %dma_start3A_523 = tpu.memref_slice %arg3[%squeeze3A_513, %dma_start3A_522] : memref<501x64xf32, #tpu.memory_space<hbm>> -> memref<1x64xf32, #tpu.memory_space<hbm>>
    tpu.enqueue_dma source(%dma_start3A_523 : memref<1x64xf32, #tpu.memory_space<hbm>>) target(%dma_start3A_521 : memref<1x64xf32, #tpu.memory_space<vmem>>) target_semaphore(%arg16 : memref<!tpu.dma_semaphore, #tpu.memory_space<semaphore_mem>>)
    %slice3A_524 = vector.extract_strided_slice %get3A_391 {offsets = [11], sizes = [1], strides = [1]} : vector<16xi32> to vector<1xi32>
    %squeeze3A_525 = vector.extract %slice3A_524[0] : i32 from vector<1xi32>
    %dma_start3A_526 = arith.constant 11 : i32
    %dma_start3A_527 = arith.constant 0 : i32
    %dma_start3A_528 = tpu.memref_slice %arg14[%dma_start3A_526, %dma_start3A_527] : memref<32x64xf32, #tpu.memory_space<vmem>> -> memref<1x64xf32, #tpu.memory_space<vmem>>
    %dma_start3A_529 = arith.constant 0 : i32
    %dma_start3A_530 = tpu.memref_slice %arg3[%squeeze3A_525, %dma_start3A_529] : memref<501x64xf32, #tpu.memory_space<hbm>> -> memref<1x64xf32, #tpu.memory_space<hbm>>
    %dma_start3A_531 = arith.constant 11 : i32
    %dma_start3A_532 = arith.constant 0 : i32
    %dma_start3A_533 = tpu.memref_slice %arg14[%dma_start3A_531, %dma_start3A_532] : memref<32x64xf32, #tpu.memory_space<vmem>> -> memref<1x64xf32, #tpu.memory_space<vmem>>
    %dma_start3A_534 = arith.constant 0 : i32
    %dma_start3A_535 = tpu.memref_slice %arg3[%squeeze3A_525, %dma_start3A_534] : memref<501x64xf32, #tpu.memory_space<hbm>> -> memref<1x64xf32, #tpu.memory_space<hbm>>
    tpu.enqueue_dma source(%dma_start3A_535 : memref<1x64xf32, #tpu.memory_space<hbm>>) target(%dma_start3A_533 : memref<1x64xf32, #tpu.memory_space<vmem>>) target_semaphore(%arg16 : memref<!tpu.dma_semaphore, #tpu.memory_space<semaphore_mem>>)
    %slice3A_536 = vector.extract_strided_slice %get3A_391 {offsets = [12], sizes = [1], strides = [1]} : vector<16xi32> to vector<1xi32>
    %squeeze3A_537 = vector.extract %slice3A_536[0] : i32 from vector<1xi32>
    %dma_start3A_538 = arith.constant 12 : i32
    %dma_start3A_539 = arith.constant 0 : i32
    %dma_start3A_540 = tpu.memref_slice %arg14[%dma_start3A_538, %dma_start3A_539] : memref<32x64xf32, #tpu.memory_space<vmem>> -> memref<1x64xf32, #tpu.memory_space<vmem>>
    %dma_start3A_541 = arith.constant 0 : i32
    %dma_start3A_542 = tpu.memref_slice %arg3[%squeeze3A_537, %dma_start3A_541] : memref<501x64xf32, #tpu.memory_space<hbm>> -> memref<1x64xf32, #tpu.memory_space<hbm>>
    %dma_start3A_543 = arith.constant 12 : i32
    %dma_start3A_544 = arith.constant 0 : i32
    %dma_start3A_545 = tpu.memref_slice %arg14[%dma_start3A_543, %dma_start3A_544] : memref<32x64xf32, #tpu.memory_space<vmem>> -> memref<1x64xf32, #tpu.memory_space<vmem>>
    %dma_start3A_546 = arith.constant 0 : i32
    %dma_start3A_547 = tpu.memref_slice %arg3[%squeeze3A_537, %dma_start3A_546] : memref<501x64xf32, #tpu.memory_space<hbm>> -> memref<1x64xf32, #tpu.memory_space<hbm>>
    tpu.enqueue_dma source(%dma_start3A_547 : memref<1x64xf32, #tpu.memory_space<hbm>>) target(%dma_start3A_545 : memref<1x64xf32, #tpu.memory_space<vmem>>) target_semaphore(%arg16 : memref<!tpu.dma_semaphore, #tpu.memory_space<semaphore_mem>>)
    %slice3A_548 = vector.extract_strided_slice %get3A_391 {offsets = [13], sizes = [1], strides = [1]} : vector<16xi32> to vector<1xi32>
    %squeeze3A_549 = vector.extract %slice3A_548[0] : i32 from vector<1xi32>
    %dma_start3A_550 = arith.constant 13 : i32
    %dma_start3A_551 = arith.constant 0 : i32
    %dma_start3A_552 = tpu.memref_slice %arg14[%dma_start3A_550, %dma_start3A_551] : memref<32x64xf32, #tpu.memory_space<vmem>> -> memref<1x64xf32, #tpu.memory_space<vmem>>
    %dma_start3A_553 = arith.constant 0 : i32
    %dma_start3A_554 = tpu.memref_slice %arg3[%squeeze3A_549, %dma_start3A_553] : memref<501x64xf32, #tpu.memory_space<hbm>> -> memref<1x64xf32, #tpu.memory_space<hbm>>
    %dma_start3A_555 = arith.constant 13 : i32
    %dma_start3A_556 = arith.constant 0 : i32
    %dma_start3A_557 = tpu.memref_slice %arg14[%dma_start3A_555, %dma_start3A_556] : memref<32x64xf32, #tpu.memory_space<vmem>> -> memref<1x64xf32, #tpu.memory_space<vmem>>
    %dma_start3A_558 = arith.constant 0 : i32
    %dma_start3A_559 = tpu.memref_slice %arg3[%squeeze3A_549, %dma_start3A_558] : memref<501x64xf32, #tpu.memory_space<hbm>> -> memref<1x64xf32, #tpu.memory_space<hbm>>
    tpu.enqueue_dma source(%dma_start3A_559 : memref<1x64xf32, #tpu.memory_space<hbm>>) target(%dma_start3A_557 : memref<1x64xf32, #tpu.memory_space<vmem>>) target_semaphore(%arg16 : memref<!tpu.dma_semaphore, #tpu.memory_space<semaphore_mem>>)
    %slice3A_560 = vector.extract_strided_slice %get3A_391 {offsets = [14], sizes = [1], strides = [1]} : vector<16xi32> to vector<1xi32>
    %squeeze3A_561 = vector.extract %slice3A_560[0] : i32 from vector<1xi32>
    %dma_start3A_562 = arith.constant 14 : i32
    %dma_start3A_563 = arith.constant 0 : i32
    %dma_start3A_564 = tpu.memref_slice %arg14[%dma_start3A_562, %dma_start3A_563] : memref<32x64xf32, #tpu.memory_space<vmem>> -> memref<1x64xf32, #tpu.memory_space<vmem>>
    %dma_start3A_565 = arith.constant 0 : i32
    %dma_start3A_566 = tpu.memref_slice %arg3[%squeeze3A_561, %dma_start3A_565] : memref<501x64xf32, #tpu.memory_space<hbm>> -> memref<1x64xf32, #tpu.memory_space<hbm>>
    %dma_start3A_567 = arith.constant 14 : i32
    %dma_start3A_568 = arith.constant 0 : i32
    %dma_start3A_569 = tpu.memref_slice %arg14[%dma_start3A_567, %dma_start3A_568] : memref<32x64xf32, #tpu.memory_space<vmem>> -> memref<1x64xf32, #tpu.memory_space<vmem>>
    %dma_start3A_570 = arith.constant 0 : i32
    %dma_start3A_571 = tpu.memref_slice %arg3[%squeeze3A_561, %dma_start3A_570] : memref<501x64xf32, #tpu.memory_space<hbm>> -> memref<1x64xf32, #tpu.memory_space<hbm>>
    tpu.enqueue_dma source(%dma_start3A_571 : memref<1x64xf32, #tpu.memory_space<hbm>>) target(%dma_start3A_569 : memref<1x64xf32, #tpu.memory_space<vmem>>) target_semaphore(%arg16 : memref<!tpu.dma_semaphore, #tpu.memory_space<semaphore_mem>>)
    %slice3A_572 = vector.extract_strided_slice %get3A_391 {offsets = [15], sizes = [1], strides = [1]} : vector<16xi32> to vector<1xi32>
    %squeeze3A_573 = vector.extract %slice3A_572[0] : i32 from vector<1xi32>
    %dma_start3A_574 = arith.constant 15 : i32
    %dma_start3A_575 = arith.constant 0 : i32
    %dma_start3A_576 = tpu.memref_slice %arg14[%dma_start3A_574, %dma_start3A_575] : memref<32x64xf32, #tpu.memory_space<vmem>> -> memref<1x64xf32, #tpu.memory_space<vmem>>
    %dma_start3A_577 = arith.constant 0 : i32
    %dma_start3A_578 = tpu.memref_slice %arg3[%squeeze3A_573, %dma_start3A_577] : memref<501x64xf32, #tpu.memory_space<hbm>> -> memref<1x64xf32, #tpu.memory_space<hbm>>
    %dma_start3A_579 = arith.constant 15 : i32
    %dma_start3A_580 = arith.constant 0 : i32
    %dma_start3A_581 = tpu.memref_slice %arg14[%dma_start3A_579, %dma_start3A_580] : memref<32x64xf32, #tpu.memory_space<vmem>> -> memref<1x64xf32, #tpu.memory_space<vmem>>
    %dma_start3A_582 = arith.constant 0 : i32
    %dma_start3A_583 = tpu.memref_slice %arg3[%squeeze3A_573, %dma_start3A_582] : memref<501x64xf32, #tpu.memory_space<hbm>> -> memref<1x64xf32, #tpu.memory_space<hbm>>
    tpu.enqueue_dma source(%dma_start3A_583 : memref<1x64xf32, #tpu.memory_space<hbm>>) target(%dma_start3A_581 : memref<1x64xf32, #tpu.memory_space<vmem>>) target_semaphore(%arg16 : memref<!tpu.dma_semaphore, #tpu.memory_space<semaphore_mem>>)
    %get3A_584 = arith.constant 16 : index
    %get3A_585 = tpu.vector_load %arg11[%get3A_584] {strides = array<i32>} : memref<32xi32, #tpu.memory_space<vmem>>, vector<16xi32>,
    %get3A_586 = vector.shape_cast %get3A_585 : vector<16xi32> to vector<16xi32>
    %slice3A_587 = vector.extract_strided_slice %get3A_586 {offsets = [0], sizes = [1], strides = [1]} : vector<16xi32> to vector<1xi32>
    %squeeze3A_588 = vector.extract %slice3A_587[0] : i32 from vector<1xi32>
    %dma_start3A_589 = arith.constant 16 : i32
    %dma_start3A_590 = arith.constant 0 : i32
    %dma_start3A_591 = tpu.memref_slice %arg14[%dma_start3A_589, %dma_start3A_590] : memref<32x64xf32, #tpu.memory_space<vmem>> -> memref<1x64xf32, #tpu.memory_space<vmem>>
    %dma_start3A_592 = arith.constant 0 : i32
    %dma_start3A_593 = tpu.memref_slice %arg3[%squeeze3A_588, %dma_start3A_592] : memref<501x64xf32, #tpu.memory_space<hbm>> -> memref<1x64xf32, #tpu.memory_space<hbm>>
    %dma_start3A_594 = arith.constant 16 : i32
    %dma_start3A_595 = arith.constant 0 : i32
    %dma_start3A_596 = tpu.memref_slice %arg14[%dma_start3A_594, %dma_start3A_595] : memref<32x64xf32, #tpu.memory_space<vmem>> -> memref<1x64xf32, #tpu.memory_space<vmem>>
    %dma_start3A_597 = arith.constant 0 : i32
    %dma_start3A_598 = tpu.memref_slice %arg3[%squeeze3A_588, %dma_start3A_597] : memref<501x64xf32, #tpu.memory_space<hbm>> -> memref<1x64xf32, #tpu.memory_space<hbm>>
    tpu.enqueue_dma source(%dma_start3A_598 : memref<1x64xf32, #tpu.memory_space<hbm>>) target(%dma_start3A_596 : memref<1x64xf32, #tpu.memory_space<vmem>>) target_semaphore(%arg16 : memref<!tpu.dma_semaphore, #tpu.memory_space<semaphore_mem>>)
    %slice3A_599 = vector.extract_strided_slice %get3A_586 {offsets = [1], sizes = [1], strides = [1]} : vector<16xi32> to vector<1xi32>
    %squeeze3A_600 = vector.extract %slice3A_599[0] : i32 from vector<1xi32>
    %dma_start3A_601 = arith.constant 17 : i32
    %dma_start3A_602 = arith.constant 0 : i32
    %dma_start3A_603 = tpu.memref_slice %arg14[%dma_start3A_601, %dma_start3A_602] : memref<32x64xf32, #tpu.memory_space<vmem>> -> memref<1x64xf32, #tpu.memory_space<vmem>>
    %dma_start3A_604 = arith.constant 0 : i32
    %dma_start3A_605 = tpu.memref_slice %arg3[%squeeze3A_600, %dma_start3A_604] : memref<501x64xf32, #tpu.memory_space<hbm>> -> memref<1x64xf32, #tpu.memory_space<hbm>>
    %dma_start3A_606 = arith.constant 17 : i32
    %dma_start3A_607 = arith.constant 0 : i32
    %dma_start3A_608 = tpu.memref_slice %arg14[%dma_start3A_606, %dma_start3A_607] : memref<32x64xf32, #tpu.memory_space<vmem>> -> memref<1x64xf32, #tpu.memory_space<vmem>>
    %dma_start3A_609 = arith.constant 0 : i32
    %dma_start3A_610 = tpu.memref_slice %arg3[%squeeze3A_600, %dma_start3A_609] : memref<501x64xf32, #tpu.memory_space<hbm>> -> memref<1x64xf32, #tpu.memory_space<hbm>>
    tpu.enqueue_dma source(%dma_start3A_610 : memref<1x64xf32, #tpu.memory_space<hbm>>) target(%dma_start3A_608 : memref<1x64xf32, #tpu.memory_space<vmem>>) target_semaphore(%arg16 : memref<!tpu.dma_semaphore, #tpu.memory_space<semaphore_mem>>)
    %slice3A_611 = vector.extract_strided_slice %get3A_586 {offsets = [2], sizes = [1], strides = [1]} : vector<16xi32> to vector<1xi32>
    %squeeze3A_612 = vector.extract %slice3A_611[0] : i32 from vector<1xi32>
    %dma_start3A_613 = arith.constant 18 : i32
    %dma_start3A_614 = arith.constant 0 : i32
    %dma_start3A_615 = tpu.memref_slice %arg14[%dma_start3A_613, %dma_start3A_614] : memref<32x64xf32, #tpu.memory_space<vmem>> -> memref<1x64xf32, #tpu.memory_space<vmem>>
    %dma_start3A_616 = arith.constant 0 : i32
    %dma_start3A_617 = tpu.memref_slice %arg3[%squeeze3A_612, %dma_start3A_616] : memref<501x64xf32, #tpu.memory_space<hbm>> -> memref<1x64xf32, #tpu.memory_space<hbm>>
    %dma_start3A_618 = arith.constant 18 : i32
    %dma_start3A_619 = arith.constant 0 : i32
    %dma_start3A_620 = tpu.memref_slice %arg14[%dma_start3A_618, %dma_start3A_619] : memref<32x64xf32, #tpu.memory_space<vmem>> -> memref<1x64xf32, #tpu.memory_space<vmem>>
    %dma_start3A_621 = arith.constant 0 : i32
    %dma_start3A_622 = tpu.memref_slice %arg3[%squeeze3A_612, %dma_start3A_621] : memref<501x64xf32, #tpu.memory_space<hbm>> -> memref<1x64xf32, #tpu.memory_space<hbm>>
    tpu.enqueue_dma source(%dma_start3A_622 : memref<1x64xf32, #tpu.memory_space<hbm>>) target(%dma_start3A_620 : memref<1x64xf32, #tpu.memory_space<vmem>>) target_semaphore(%arg16 : memref<!tpu.dma_semaphore, #tpu.memory_space<semaphore_mem>>)
    %slice3A_623 = vector.extract_strided_slice %get3A_586 {offsets = [3], sizes = [1], strides = [1]} : vector<16xi32> to vector<1xi32>
    %squeeze3A_624 = vector.extract %slice3A_623[0] : i32 from vector<1xi32>
    %dma_start3A_625 = arith.constant 19 : i32
    %dma_start3A_626 = arith.constant 0 : i32
    %dma_start3A_627 = tpu.memref_slice %arg14[%dma_start3A_625, %dma_start3A_626] : memref<32x64xf32, #tpu.memory_space<vmem>> -> memref<1x64xf32, #tpu.memory_space<vmem>>
    %dma_start3A_628 = arith.constant 0 : i32
    %dma_start3A_629 = tpu.memref_slice %arg3[%squeeze3A_624, %dma_start3A_628] : memref<501x64xf32, #tpu.memory_space<hbm>> -> memref<1x64xf32, #tpu.memory_space<hbm>>
    %dma_start3A_630 = arith.constant 19 : i32
    %dma_start3A_631 = arith.constant 0 : i32
    %dma_start3A_632 = tpu.memref_slice %arg14[%dma_start3A_630, %dma_start3A_631] : memref<32x64xf32, #tpu.memory_space<vmem>> -> memref<1x64xf32, #tpu.memory_space<vmem>>
    %dma_start3A_633 = arith.constant 0 : i32
    %dma_start3A_634 = tpu.memref_slice %arg3[%squeeze3A_624, %dma_start3A_633] : memref<501x64xf32, #tpu.memory_space<hbm>> -> memref<1x64xf32, #tpu.memory_space<hbm>>
    tpu.enqueue_dma source(%dma_start3A_634 : memref<1x64xf32, #tpu.memory_space<hbm>>) target(%dma_start3A_632 : memref<1x64xf32, #tpu.memory_space<vmem>>) target_semaphore(%arg16 : memref<!tpu.dma_semaphore, #tpu.memory_space<semaphore_mem>>)
    %slice3A_635 = vector.extract_strided_slice %get3A_586 {offsets = [4], sizes = [1], strides = [1]} : vector<16xi32> to vector<1xi32>
    %squeeze3A_636 = vector.extract %slice3A_635[0] : i32 from vector<1xi32>
    %dma_start3A_637 = arith.constant 20 : i32
    %dma_start3A_638 = arith.constant 0 : i32
    %dma_start3A_639 = tpu.memref_slice %arg14[%dma_start3A_637, %dma_start3A_638] : memref<32x64xf32, #tpu.memory_space<vmem>> -> memref<1x64xf32, #tpu.memory_space<vmem>>
    %dma_start3A_640 = arith.constant 0 : i32
    %dma_start3A_641 = tpu.memref_slice %arg3[%squeeze3A_636, %dma_start3A_640] : memref<501x64xf32, #tpu.memory_space<hbm>> -> memref<1x64xf32, #tpu.memory_space<hbm>>
    %dma_start3A_642 = arith.constant 20 : i32
    %dma_start3A_643 = arith.constant 0 : i32
    %dma_start3A_644 = tpu.memref_slice %arg14[%dma_start3A_642, %dma_start3A_643] : memref<32x64xf32, #tpu.memory_space<vmem>> -> memref<1x64xf32, #tpu.memory_space<vmem>>
    %dma_start3A_645 = arith.constant 0 : i32
    %dma_start3A_646 = tpu.memref_slice %arg3[%squeeze3A_636, %dma_start3A_645] : memref<501x64xf32, #tpu.memory_space<hbm>> -> memref<1x64xf32, #tpu.memory_space<hbm>>
    tpu.enqueue_dma source(%dma_start3A_646 : memref<1x64xf32, #tpu.memory_space<hbm>>) target(%dma_start3A_644 : memref<1x64xf32, #tpu.memory_space<vmem>>) target_semaphore(%arg16 : memref<!tpu.dma_semaphore, #tpu.memory_space<semaphore_mem>>)
    %slice3A_647 = vector.extract_strided_slice %get3A_586 {offsets = [5], sizes = [1], strides = [1]} : vector<16xi32> to vector<1xi32>
    %squeeze3A_648 = vector.extract %slice3A_647[0] : i32 from vector<1xi32>
    %dma_start3A_649 = arith.constant 21 : i32
    %dma_start3A_650 = arith.constant 0 : i32
    %dma_start3A_651 = tpu.memref_slice %arg14[%dma_start3A_649, %dma_start3A_650] : memref<32x64xf32, #tpu.memory_space<vmem>> -> memref<1x64xf32, #tpu.memory_space<vmem>>
    %dma_start3A_652 = arith.constant 0 : i32
    %dma_start3A_653 = tpu.memref_slice %arg3[%squeeze3A_648, %dma_start3A_652] : memref<501x64xf32, #tpu.memory_space<hbm>> -> memref<1x64xf32, #tpu.memory_space<hbm>>
    %dma_start3A_654 = arith.constant 21 : i32
    %dma_start3A_655 = arith.constant 0 : i32
    %dma_start3A_656 = tpu.memref_slice %arg14[%dma_start3A_654, %dma_start3A_655] : memref<32x64xf32, #tpu.memory_space<vmem>> -> memref<1x64xf32, #tpu.memory_space<vmem>>
    %dma_start3A_657 = arith.constant 0 : i32
    %dma_start3A_658 = tpu.memref_slice %arg3[%squeeze3A_648, %dma_start3A_657] : memref<501x64xf32, #tpu.memory_space<hbm>> -> memref<1x64xf32, #tpu.memory_space<hbm>>
    tpu.enqueue_dma source(%dma_start3A_658 : memref<1x64xf32, #tpu.memory_space<hbm>>) target(%dma_start3A_656 : memref<1x64xf32, #tpu.memory_space<vmem>>) target_semaphore(%arg16 : memref<!tpu.dma_semaphore, #tpu.memory_space<semaphore_mem>>)
    %slice3A_659 = vector.extract_strided_slice %get3A_586 {offsets = [6], sizes = [1], strides = [1]} : vector<16xi32> to vector<1xi32>
    %squeeze3A_660 = vector.extract %slice3A_659[0] : i32 from vector<1xi32>
    %dma_start3A_661 = arith.constant 22 : i32
    %dma_start3A_662 = arith.constant 0 : i32
    %dma_start3A_663 = tpu.memref_slice %arg14[%dma_start3A_661, %dma_start3A_662] : memref<32x64xf32, #tpu.memory_space<vmem>> -> memref<1x64xf32, #tpu.memory_space<vmem>>
    %dma_start3A_664 = arith.constant 0 : i32
    %dma_start3A_665 = tpu.memref_slice %arg3[%squeeze3A_660, %dma_start3A_664] : memref<501x64xf32, #tpu.memory_space<hbm>> -> memref<1x64xf32, #tpu.memory_space<hbm>>
    %dma_start3A_666 = arith.constant 22 : i32
    %dma_start3A_667 = arith.constant 0 : i32
    %dma_start3A_668 = tpu.memref_slice %arg14[%dma_start3A_666, %dma_start3A_667] : memref<32x64xf32, #tpu.memory_space<vmem>> -> memref<1x64xf32, #tpu.memory_space<vmem>>
    %dma_start3A_669 = arith.constant 0 : i32
    %dma_start3A_670 = tpu.memref_slice %arg3[%squeeze3A_660, %dma_start3A_669] : memref<501x64xf32, #tpu.memory_space<hbm>> -> memref<1x64xf32, #tpu.memory_space<hbm>>
    tpu.enqueue_dma source(%dma_start3A_670 : memref<1x64xf32, #tpu.memory_space<hbm>>) target(%dma_start3A_668 : memref<1x64xf32, #tpu.memory_space<vmem>>) target_semaphore(%arg16 : memref<!tpu.dma_semaphore, #tpu.memory_space<semaphore_mem>>)
    %slice3A_671 = vector.extract_strided_slice %get3A_586 {offsets = [7], sizes = [1], strides = [1]} : vector<16xi32> to vector<1xi32>
    %squeeze3A_672 = vector.extract %slice3A_671[0] : i32 from vector<1xi32>
    %dma_start3A_673 = arith.constant 23 : i32
    %dma_start3A_674 = arith.constant 0 : i32
    %dma_start3A_675 = tpu.memref_slice %arg14[%dma_start3A_673, %dma_start3A_674] : memref<32x64xf32, #tpu.memory_space<vmem>> -> memref<1x64xf32, #tpu.memory_space<vmem>>
    %dma_start3A_676 = arith.constant 0 : i32
    %dma_start3A_677 = tpu.memref_slice %arg3[%squeeze3A_672, %dma_start3A_676] : memref<501x64xf32, #tpu.memory_space<hbm>> -> memref<1x64xf32, #tpu.memory_space<hbm>>
    %dma_start3A_678 = arith.constant 23 : i32
    %dma_start3A_679 = arith.constant 0 : i32
    %dma_start3A_680 = tpu.memref_slice %arg14[%dma_start3A_678, %dma_start3A_679] : memref<32x64xf32, #tpu.memory_space<vmem>> -> memref<1x64xf32, #tpu.memory_space<vmem>>
    %dma_start3A_681 = arith.constant 0 : i32
    %dma_start3A_682 = tpu.memref_slice %arg3[%squeeze3A_672, %dma_start3A_681] : memref<501x64xf32, #tpu.memory_space<hbm>> -> memref<1x64xf32, #tpu.memory_space<hbm>>
    tpu.enqueue_dma source(%dma_start3A_682 : memref<1x64xf32, #tpu.memory_space<hbm>>) target(%dma_start3A_680 : memref<1x64xf32, #tpu.memory_space<vmem>>) target_semaphore(%arg16 : memref<!tpu.dma_semaphore, #tpu.memory_space<semaphore_mem>>)
    %slice3A_683 = vector.extract_strided_slice %get3A_586 {offsets = [8], sizes = [1], strides = [1]} : vector<16xi32> to vector<1xi32>
    %squeeze3A_684 = vector.extract %slice3A_683[0] : i32 from vector<1xi32>
    %dma_start3A_685 = arith.constant 24 : i32
    %dma_start3A_686 = arith.constant 0 : i32
    %dma_start3A_687 = tpu.memref_slice %arg14[%dma_start3A_685, %dma_start3A_686] : memref<32x64xf32, #tpu.memory_space<vmem>> -> memref<1x64xf32, #tpu.memory_space<vmem>>
    %dma_start3A_688 = arith.constant 0 : i32
    %dma_start3A_689 = tpu.memref_slice %arg3[%squeeze3A_684, %dma_start3A_688] : memref<501x64xf32, #tpu.memory_space<hbm>> -> memref<1x64xf32, #tpu.memory_space<hbm>>
    %dma_start3A_690 = arith.constant 24 : i32
    %dma_start3A_691 = arith.constant 0 : i32
    %dma_start3A_692 = tpu.memref_slice %arg14[%dma_start3A_690, %dma_start3A_691] : memref<32x64xf32, #tpu.memory_space<vmem>> -> memref<1x64xf32, #tpu.memory_space<vmem>>
    %dma_start3A_693 = arith.constant 0 : i32
    %dma_start3A_694 = tpu.memref_slice %arg3[%squeeze3A_684, %dma_start3A_693] : memref<501x64xf32, #tpu.memory_space<hbm>> -> memref<1x64xf32, #tpu.memory_space<hbm>>
    tpu.enqueue_dma source(%dma_start3A_694 : memref<1x64xf32, #tpu.memory_space<hbm>>) target(%dma_start3A_692 : memref<1x64xf32, #tpu.memory_space<vmem>>) target_semaphore(%arg16 : memref<!tpu.dma_semaphore, #tpu.memory_space<semaphore_mem>>)
    %slice3A_695 = vector.extract_strided_slice %get3A_586 {offsets = [9], sizes = [1], strides = [1]} : vector<16xi32> to vector<1xi32>
    %squeeze3A_696 = vector.extract %slice3A_695[0] : i32 from vector<1xi32>
    %dma_start3A_697 = arith.constant 25 : i32
    %dma_start3A_698 = arith.constant 0 : i32
    %dma_start3A_699 = tpu.memref_slice %arg14[%dma_start3A_697, %dma_start3A_698] : memref<32x64xf32, #tpu.memory_space<vmem>> -> memref<1x64xf32, #tpu.memory_space<vmem>>
    %dma_start3A_700 = arith.constant 0 : i32
    %dma_start3A_701 = tpu.memref_slice %arg3[%squeeze3A_696, %dma_start3A_700] : memref<501x64xf32, #tpu.memory_space<hbm>> -> memref<1x64xf32, #tpu.memory_space<hbm>>
    %dma_start3A_702 = arith.constant 25 : i32
    %dma_start3A_703 = arith.constant 0 : i32
    %dma_start3A_704 = tpu.memref_slice %arg14[%dma_start3A_702, %dma_start3A_703] : memref<32x64xf32, #tpu.memory_space<vmem>> -> memref<1x64xf32, #tpu.memory_space<vmem>>
    %dma_start3A_705 = arith.constant 0 : i32
    %dma_start3A_706 = tpu.memref_slice %arg3[%squeeze3A_696, %dma_start3A_705] : memref<501x64xf32, #tpu.memory_space<hbm>> -> memref<1x64xf32, #tpu.memory_space<hbm>>
    tpu.enqueue_dma source(%dma_start3A_706 : memref<1x64xf32, #tpu.memory_space<hbm>>) target(%dma_start3A_704 : memref<1x64xf32, #tpu.memory_space<vmem>>) target_semaphore(%arg16 : memref<!tpu.dma_semaphore, #tpu.memory_space<semaphore_mem>>)
    %slice3A_707 = vector.extract_strided_slice %get3A_586 {offsets = [10], sizes = [1], strides = [1]} : vector<16xi32> to vector<1xi32>
    %squeeze3A_708 = vector.extract %slice3A_707[0] : i32 from vector<1xi32>
    %dma_start3A_709 = arith.constant 26 : i32
    %dma_start3A_710 = arith.constant 0 : i32
    %dma_start3A_711 = tpu.memref_slice %arg14[%dma_start3A_709, %dma_start3A_710] : memref<32x64xf32, #tpu.memory_space<vmem>> -> memref<1x64xf32, #tpu.memory_space<vmem>>
    %dma_start3A_712 = arith.constant 0 : i32
    %dma_start3A_713 = tpu.memref_slice %arg3[%squeeze3A_708, %dma_start3A_712] : memref<501x64xf32, #tpu.memory_space<hbm>> -> memref<1x64xf32, #tpu.memory_space<hbm>>
    %dma_start3A_714 = arith.constant 26 : i32
    %dma_start3A_715 = arith.constant 0 : i32
    %dma_start3A_716 = tpu.memref_slice %arg14[%dma_start3A_714, %dma_start3A_715] : memref<32x64xf32, #tpu.memory_space<vmem>> -> memref<1x64xf32, #tpu.memory_space<vmem>>
    %dma_start3A_717 = arith.constant 0 : i32
    %dma_start3A_718 = tpu.memref_slice %arg3[%squeeze3A_708, %dma_start3A_717] : memref<501x64xf32, #tpu.memory_space<hbm>> -> memref<1x64xf32, #tpu.memory_space<hbm>>
    tpu.enqueue_dma source(%dma_start3A_718 : memref<1x64xf32, #tpu.memory_space<hbm>>) target(%dma_start3A_716 : memref<1x64xf32, #tpu.memory_space<vmem>>) target_semaphore(%arg16 : memref<!tpu.dma_semaphore, #tpu.memory_space<semaphore_mem>>)
    %slice3A_719 = vector.extract_strided_slice %get3A_586 {offsets = [11], sizes = [1], strides = [1]} : vector<16xi32> to vector<1xi32>
    %squeeze3A_720 = vector.extract %slice3A_719[0] : i32 from vector<1xi32>
    %dma_start3A_721 = arith.constant 27 : i32
    %dma_start3A_722 = arith.constant 0 : i32
    %dma_start3A_723 = tpu.memref_slice %arg14[%dma_start3A_721, %dma_start3A_722] : memref<32x64xf32, #tpu.memory_space<vmem>> -> memref<1x64xf32, #tpu.memory_space<vmem>>
    %dma_start3A_724 = arith.constant 0 : i32
    %dma_start3A_725 = tpu.memref_slice %arg3[%squeeze3A_720, %dma_start3A_724] : memref<501x64xf32, #tpu.memory_space<hbm>> -> memref<1x64xf32, #tpu.memory_space<hbm>>
    %dma_start3A_726 = arith.constant 27 : i32
    %dma_start3A_727 = arith.constant 0 : i32
    %dma_start3A_728 = tpu.memref_slice %arg14[%dma_start3A_726, %dma_start3A_727] : memref<32x64xf32, #tpu.memory_space<vmem>> -> memref<1x64xf32, #tpu.memory_space<vmem>>
    %dma_start3A_729 = arith.constant 0 : i32
    %dma_start3A_730 = tpu.memref_slice %arg3[%squeeze3A_720, %dma_start3A_729] : memref<501x64xf32, #tpu.memory_space<hbm>> -> memref<1x64xf32, #tpu.memory_space<hbm>>
    tpu.enqueue_dma source(%dma_start3A_730 : memref<1x64xf32, #tpu.memory_space<hbm>>) target(%dma_start3A_728 : memref<1x64xf32, #tpu.memory_space<vmem>>) target_semaphore(%arg16 : memref<!tpu.dma_semaphore, #tpu.memory_space<semaphore_mem>>)
    %slice3A_731 = vector.extract_strided_slice %get3A_586 {offsets = [12], sizes = [1], strides = [1]} : vector<16xi32> to vector<1xi32>
    %squeeze3A_732 = vector.extract %slice3A_731[0] : i32 from vector<1xi32>
    %dma_start3A_733 = arith.constant 28 : i32
    %dma_start3A_734 = arith.constant 0 : i32
    %dma_start3A_735 = tpu.memref_slice %arg14[%dma_start3A_733, %dma_start3A_734] : memref<32x64xf32, #tpu.memory_space<vmem>> -> memref<1x64xf32, #tpu.memory_space<vmem>>
    %dma_start3A_736 = arith.constant 0 : i32
    %dma_start3A_737 = tpu.memref_slice %arg3[%squeeze3A_732, %dma_start3A_736] : memref<501x64xf32, #tpu.memory_space<hbm>> -> memref<1x64xf32, #tpu.memory_space<hbm>>
    %dma_start3A_738 = arith.constant 28 : i32
    %dma_start3A_739 = arith.constant 0 : i32
    %dma_start3A_740 = tpu.memref_slice %arg14[%dma_start3A_738, %dma_start3A_739] : memref<32x64xf32, #tpu.memory_space<vmem>> -> memref<1x64xf32, #tpu.memory_space<vmem>>
    %dma_start3A_741 = arith.constant 0 : i32
    %dma_start3A_742 = tpu.memref_slice %arg3[%squeeze3A_732, %dma_start3A_741] : memref<501x64xf32, #tpu.memory_space<hbm>> -> memref<1x64xf32, #tpu.memory_space<hbm>>
    tpu.enqueue_dma source(%dma_start3A_742 : memref<1x64xf32, #tpu.memory_space<hbm>>) target(%dma_start3A_740 : memref<1x64xf32, #tpu.memory_space<vmem>>) target_semaphore(%arg16 : memref<!tpu.dma_semaphore, #tpu.memory_space<semaphore_mem>>)
    %slice3A_743 = vector.extract_strided_slice %get3A_586 {offsets = [13], sizes = [1], strides = [1]} : vector<16xi32> to vector<1xi32>
    %squeeze3A_744 = vector.extract %slice3A_743[0] : i32 from vector<1xi32>
    %dma_start3A_745 = arith.constant 29 : i32
    %dma_start3A_746 = arith.constant 0 : i32
    %dma_start3A_747 = tpu.memref_slice %arg14[%dma_start3A_745, %dma_start3A_746] : memref<32x64xf32, #tpu.memory_space<vmem>> -> memref<1x64xf32, #tpu.memory_space<vmem>>
    %dma_start3A_748 = arith.constant 0 : i32
    %dma_start3A_749 = tpu.memref_slice %arg3[%squeeze3A_744, %dma_start3A_748] : memref<501x64xf32, #tpu.memory_space<hbm>> -> memref<1x64xf32, #tpu.memory_space<hbm>>
    %dma_start3A_750 = arith.constant 29 : i32
    %dma_start3A_751 = arith.constant 0 : i32
    %dma_start3A_752 = tpu.memref_slice %arg14[%dma_start3A_750, %dma_start3A_751] : memref<32x64xf32, #tpu.memory_space<vmem>> -> memref<1x64xf32, #tpu.memory_space<vmem>>
    %dma_start3A_753 = arith.constant 0 : i32
    %dma_start3A_754 = tpu.memref_slice %arg3[%squeeze3A_744, %dma_start3A_753] : memref<501x64xf32, #tpu.memory_space<hbm>> -> memref<1x64xf32, #tpu.memory_space<hbm>>
    tpu.enqueue_dma source(%dma_start3A_754 : memref<1x64xf32, #tpu.memory_space<hbm>>) target(%dma_start3A_752 : memref<1x64xf32, #tpu.memory_space<vmem>>) target_semaphore(%arg16 : memref<!tpu.dma_semaphore, #tpu.memory_space<semaphore_mem>>)
    %slice3A_755 = vector.extract_strided_slice %get3A_586 {offsets = [14], sizes = [1], strides = [1]} : vector<16xi32> to vector<1xi32>
    %squeeze3A_756 = vector.extract %slice3A_755[0] : i32 from vector<1xi32>
    %dma_start3A_757 = arith.constant 30 : i32
    %dma_start3A_758 = arith.constant 0 : i32
    %dma_start3A_759 = tpu.memref_slice %arg14[%dma_start3A_757, %dma_start3A_758] : memref<32x64xf32, #tpu.memory_space<vmem>> -> memref<1x64xf32, #tpu.memory_space<vmem>>
    %dma_start3A_760 = arith.constant 0 : i32
    %dma_start3A_761 = tpu.memref_slice %arg3[%squeeze3A_756, %dma_start3A_760] : memref<501x64xf32, #tpu.memory_space<hbm>> -> memref<1x64xf32, #tpu.memory_space<hbm>>
    %dma_start3A_762 = arith.constant 30 : i32
    %dma_start3A_763 = arith.constant 0 : i32
    %dma_start3A_764 = tpu.memref_slice %arg14[%dma_start3A_762, %dma_start3A_763] : memref<32x64xf32, #tpu.memory_space<vmem>> -> memref<1x64xf32, #tpu.memory_space<vmem>>
    %dma_start3A_765 = arith.constant 0 : i32
    %dma_start3A_766 = tpu.memref_slice %arg3[%squeeze3A_756, %dma_start3A_765] : memref<501x64xf32, #tpu.memory_space<hbm>> -> memref<1x64xf32, #tpu.memory_space<hbm>>
    tpu.enqueue_dma source(%dma_start3A_766 : memref<1x64xf32, #tpu.memory_space<hbm>>) target(%dma_start3A_764 : memref<1x64xf32, #tpu.memory_space<vmem>>) target_semaphore(%arg16 : memref<!tpu.dma_semaphore, #tpu.memory_space<semaphore_mem>>)
    %slice3A_767 = vector.extract_strided_slice %get3A_586 {offsets = [15], sizes = [1], strides = [1]} : vector<16xi32> to vector<1xi32>
    %squeeze3A_768 = vector.extract %slice3A_767[0] : i32 from vector<1xi32>
    %dma_start3A_769 = arith.constant 31 : i32
    %dma_start3A_770 = arith.constant 0 : i32
    %dma_start3A_771 = tpu.memref_slice %arg14[%dma_start3A_769, %dma_start3A_770] : memref<32x64xf32, #tpu.memory_space<vmem>> -> memref<1x64xf32, #tpu.memory_space<vmem>>
    %dma_start3A_772 = arith.constant 0 : i32
    %dma_start3A_773 = tpu.memref_slice %arg3[%squeeze3A_768, %dma_start3A_772] : memref<501x64xf32, #tpu.memory_space<hbm>> -> memref<1x64xf32, #tpu.memory_space<hbm>>
    %dma_start3A_774 = arith.constant 31 : i32
    %dma_start3A_775 = arith.constant 0 : i32
    %dma_start3A_776 = tpu.memref_slice %arg14[%dma_start3A_774, %dma_start3A_775] : memref<32x64xf32, #tpu.memory_space<vmem>> -> memref<1x64xf32, #tpu.memory_space<vmem>>
    %dma_start3A_777 = arith.constant 0 : i32
    %dma_start3A_778 = tpu.memref_slice %arg3[%squeeze3A_768, %dma_start3A_777] : memref<501x64xf32, #tpu.memory_space<hbm>> -> memref<1x64xf32, #tpu.memory_space<hbm>>
    tpu.enqueue_dma source(%dma_start3A_778 : memref<1x64xf32, #tpu.memory_space<hbm>>) target(%dma_start3A_776 : memref<1x64xf32, #tpu.memory_space<vmem>>) target_semaphore(%arg16 : memref<!tpu.dma_semaphore, #tpu.memory_space<semaphore_mem>>)
    %get3A_779 = arith.constant 0 : index
    %get3A_780 = tpu.vector_load %arg12[%get3A_779] {strides = array<i32>} : memref<32xi32, #tpu.memory_space<vmem>>, vector<16xi32>,
    %get3A_781 = vector.shape_cast %get3A_780 : vector<16xi32> to vector<16xi32>
    %slice3A_782 = vector.extract_strided_slice %get3A_781 {offsets = [0], sizes = [1], strides = [1]} : vector<16xi32> to vector<1xi32>
    %squeeze3A_783 = vector.extract %slice3A_782[0] : i32 from vector<1xi32>
    %dma_start3A_784 = arith.constant 0 : i32
    %dma_start3A_785 = arith.constant 0 : i32
    %dma_start3A_786 = tpu.memref_slice %arg15[%dma_start3A_784, %dma_start3A_785] : memref<32x64xf32, #tpu.memory_space<vmem>> -> memref<1x64xf32, #tpu.memory_space<vmem>>
    %dma_start3A_787 = arith.constant 0 : i32
    %dma_start3A_788 = tpu.memref_slice %arg2[%squeeze3A_783, %dma_start3A_787] : memref<100501x64xf32, #tpu.memory_space<hbm>> -> memref<1x64xf32, #tpu.memory_space<hbm>>
    %dma_start3A_789 = arith.constant 0 : i32
    %dma_start3A_790 = arith.constant 0 : i32
    %dma_start3A_791 = tpu.memref_slice %arg15[%dma_start3A_789, %dma_start3A_790] : memref<32x64xf32, #tpu.memory_space<vmem>> -> memref<1x64xf32, #tpu.memory_space<vmem>>
    %dma_start3A_792 = arith.constant 0 : i32
    %dma_start3A_793 = tpu.memref_slice %arg2[%squeeze3A_783, %dma_start3A_792] : memref<100501x64xf32, #tpu.memory_space<hbm>> -> memref<1x64xf32, #tpu.memory_space<hbm>>
    tpu.enqueue_dma source(%dma_start3A_793 : memref<1x64xf32, #tpu.memory_space<hbm>>) target(%dma_start3A_791 : memref<1x64xf32, #tpu.memory_space<vmem>>) target_semaphore(%arg16 : memref<!tpu.dma_semaphore, #tpu.memory_space<semaphore_mem>>)
    %slice3A_794 = vector.extract_strided_slice %get3A_781 {offsets = [1], sizes = [1], strides = [1]} : vector<16xi32> to vector<1xi32>
    %squeeze3A_795 = vector.extract %slice3A_794[0] : i32 from vector<1xi32>
    %dma_start3A_796 = arith.constant 1 : i32
    %dma_start3A_797 = arith.constant 0 : i32
    %dma_start3A_798 = tpu.memref_slice %arg15[%dma_start3A_796, %dma_start3A_797] : memref<32x64xf32, #tpu.memory_space<vmem>> -> memref<1x64xf32, #tpu.memory_space<vmem>>
    %dma_start3A_799 = arith.constant 0 : i32
    %dma_start3A_800 = tpu.memref_slice %arg2[%squeeze3A_795, %dma_start3A_799] : memref<100501x64xf32, #tpu.memory_space<hbm>> -> memref<1x64xf32, #tpu.memory_space<hbm>>
    %dma_start3A_801 = arith.constant 1 : i32
    %dma_start3A_802 = arith.constant 0 : i32
    %dma_start3A_803 = tpu.memref_slice %arg15[%dma_start3A_801, %dma_start3A_802] : memref<32x64xf32, #tpu.memory_space<vmem>> -> memref<1x64xf32, #tpu.memory_space<vmem>>
    %dma_start3A_804 = arith.constant 0 : i32
    %dma_start3A_805 = tpu.memref_slice %arg2[%squeeze3A_795, %dma_start3A_804] : memref<100501x64xf32, #tpu.memory_space<hbm>> -> memref<1x64xf32, #tpu.memory_space<hbm>>
    tpu.enqueue_dma source(%dma_start3A_805 : memref<1x64xf32, #tpu.memory_space<hbm>>) target(%dma_start3A_803 : memref<1x64xf32, #tpu.memory_space<vmem>>) target_semaphore(%arg16 : memref<!tpu.dma_semaphore, #tpu.memory_space<semaphore_mem>>)
    %slice3A_806 = vector.extract_strided_slice %get3A_781 {offsets = [2], sizes = [1], strides = [1]} : vector<16xi32> to vector<1xi32>
    %squeeze3A_807 = vector.extract %slice3A_806[0] : i32 from vector<1xi32>
    %dma_start3A_808 = arith.constant 2 : i32
    %dma_start3A_809 = arith.constant 0 : i32
    %dma_start3A_810 = tpu.memref_slice %arg15[%dma_start3A_808, %dma_start3A_809] : memref<32x64xf32, #tpu.memory_space<vmem>> -> memref<1x64xf32, #tpu.memory_space<vmem>>
    %dma_start3A_811 = arith.constant 0 : i32
    %dma_start3A_812 = tpu.memref_slice %arg2[%squeeze3A_807, %dma_start3A_811] : memref<100501x64xf32, #tpu.memory_space<hbm>> -> memref<1x64xf32, #tpu.memory_space<hbm>>
    %dma_start3A_813 = arith.constant 2 : i32
    %dma_start3A_814 = arith.constant 0 : i32
    %dma_start3A_815 = tpu.memref_slice %arg15[%dma_start3A_813, %dma_start3A_814] : memref<32x64xf32, #tpu.memory_space<vmem>> -> memref<1x64xf32, #tpu.memory_space<vmem>>
    %dma_start3A_816 = arith.constant 0 : i32
    %dma_start3A_817 = tpu.memref_slice %arg2[%squeeze3A_807, %dma_start3A_816] : memref<100501x64xf32, #tpu.memory_space<hbm>> -> memref<1x64xf32, #tpu.memory_space<hbm>>
    tpu.enqueue_dma source(%dma_start3A_817 : memref<1x64xf32, #tpu.memory_space<hbm>>) target(%dma_start3A_815 : memref<1x64xf32, #tpu.memory_space<vmem>>) target_semaphore(%arg16 : memref<!tpu.dma_semaphore, #tpu.memory_space<semaphore_mem>>)
    %slice3A_818 = vector.extract_strided_slice %get3A_781 {offsets = [3], sizes = [1], strides = [1]} : vector<16xi32> to vector<1xi32>
    %squeeze3A_819 = vector.extract %slice3A_818[0] : i32 from vector<1xi32>
    %dma_start3A_820 = arith.constant 3 : i32
    %dma_start3A_821 = arith.constant 0 : i32
    %dma_start3A_822 = tpu.memref_slice %arg15[%dma_start3A_820, %dma_start3A_821] : memref<32x64xf32, #tpu.memory_space<vmem>> -> memref<1x64xf32, #tpu.memory_space<vmem>>
    %dma_start3A_823 = arith.constant 0 : i32
    %dma_start3A_824 = tpu.memref_slice %arg2[%squeeze3A_819, %dma_start3A_823] : memref<100501x64xf32, #tpu.memory_space<hbm>> -> memref<1x64xf32, #tpu.memory_space<hbm>>
    %dma_start3A_825 = arith.constant 3 : i32
    %dma_start3A_826 = arith.constant 0 : i32
    %dma_start3A_827 = tpu.memref_slice %arg15[%dma_start3A_825, %dma_start3A_826] : memref<32x64xf32, #tpu.memory_space<vmem>> -> memref<1x64xf32, #tpu.memory_space<vmem>>
    %dma_start3A_828 = arith.constant 0 : i32
    %dma_start3A_829 = tpu.memref_slice %arg2[%squeeze3A_819, %dma_start3A_828] : memref<100501x64xf32, #tpu.memory_space<hbm>> -> memref<1x64xf32, #tpu.memory_space<hbm>>
    tpu.enqueue_dma source(%dma_start3A_829 : memref<1x64xf32, #tpu.memory_space<hbm>>) target(%dma_start3A_827 : memref<1x64xf32, #tpu.memory_space<vmem>>) target_semaphore(%arg16 : memref<!tpu.dma_semaphore, #tpu.memory_space<semaphore_mem>>)
    %slice3A_830 = vector.extract_strided_slice %get3A_781 {offsets = [4], sizes = [1], strides = [1]} : vector<16xi32> to vector<1xi32>
    %squeeze3A_831 = vector.extract %slice3A_830[0] : i32 from vector<1xi32>
    %dma_start3A_832 = arith.constant 4 : i32
    %dma_start3A_833 = arith.constant 0 : i32
    %dma_start3A_834 = tpu.memref_slice %arg15[%dma_start3A_832, %dma_start3A_833] : memref<32x64xf32, #tpu.memory_space<vmem>> -> memref<1x64xf32, #tpu.memory_space<vmem>>
    %dma_start3A_835 = arith.constant 0 : i32
    %dma_start3A_836 = tpu.memref_slice %arg2[%squeeze3A_831, %dma_start3A_835] : memref<100501x64xf32, #tpu.memory_space<hbm>> -> memref<1x64xf32, #tpu.memory_space<hbm>>
    %dma_start3A_837 = arith.constant 4 : i32
    %dma_start3A_838 = arith.constant 0 : i32
    %dma_start3A_839 = tpu.memref_slice %arg15[%dma_start3A_837, %dma_start3A_838] : memref<32x64xf32, #tpu.memory_space<vmem>> -> memref<1x64xf32, #tpu.memory_space<vmem>>
    %dma_start3A_840 = arith.constant 0 : i32
    %dma_start3A_841 = tpu.memref_slice %arg2[%squeeze3A_831, %dma_start3A_840] : memref<100501x64xf32, #tpu.memory_space<hbm>> -> memref<1x64xf32, #tpu.memory_space<hbm>>
    tpu.enqueue_dma source(%dma_start3A_841 : memref<1x64xf32, #tpu.memory_space<hbm>>) target(%dma_start3A_839 : memref<1x64xf32, #tpu.memory_space<vmem>>) target_semaphore(%arg16 : memref<!tpu.dma_semaphore, #tpu.memory_space<semaphore_mem>>)
    %slice3A_842 = vector.extract_strided_slice %get3A_781 {offsets = [5], sizes = [1], strides = [1]} : vector<16xi32> to vector<1xi32>
    %squeeze3A_843 = vector.extract %slice3A_842[0] : i32 from vector<1xi32>
    %dma_start3A_844 = arith.constant 5 : i32
    %dma_start3A_845 = arith.constant 0 : i32
    %dma_start3A_846 = tpu.memref_slice %arg15[%dma_start3A_844, %dma_start3A_845] : memref<32x64xf32, #tpu.memory_space<vmem>> -> memref<1x64xf32, #tpu.memory_space<vmem>>
    %dma_start3A_847 = arith.constant 0 : i32
    %dma_start3A_848 = tpu.memref_slice %arg2[%squeeze3A_843, %dma_start3A_847] : memref<100501x64xf32, #tpu.memory_space<hbm>> -> memref<1x64xf32, #tpu.memory_space<hbm>>
    %dma_start3A_849 = arith.constant 5 : i32
    %dma_start3A_850 = arith.constant 0 : i32
    %dma_start3A_851 = tpu.memref_slice %arg15[%dma_start3A_849, %dma_start3A_850] : memref<32x64xf32, #tpu.memory_space<vmem>> -> memref<1x64xf32, #tpu.memory_space<vmem>>
    %dma_start3A_852 = arith.constant 0 : i32
    %dma_start3A_853 = tpu.memref_slice %arg2[%squeeze3A_843, %dma_start3A_852] : memref<100501x64xf32, #tpu.memory_space<hbm>> -> memref<1x64xf32, #tpu.memory_space<hbm>>
    tpu.enqueue_dma source(%dma_start3A_853 : memref<1x64xf32, #tpu.memory_space<hbm>>) target(%dma_start3A_851 : memref<1x64xf32, #tpu.memory_space<vmem>>) target_semaphore(%arg16 : memref<!tpu.dma_semaphore, #tpu.memory_space<semaphore_mem>>)
    %slice3A_854 = vector.extract_strided_slice %get3A_781 {offsets = [6], sizes = [1], strides = [1]} : vector<16xi32> to vector<1xi32>
    %squeeze3A_855 = vector.extract %slice3A_854[0] : i32 from vector<1xi32>
    %dma_start3A_856 = arith.constant 6 : i32
    %dma_start3A_857 = arith.constant 0 : i32
    %dma_start3A_858 = tpu.memref_slice %arg15[%dma_start3A_856, %dma_start3A_857] : memref<32x64xf32, #tpu.memory_space<vmem>> -> memref<1x64xf32, #tpu.memory_space<vmem>>
    %dma_start3A_859 = arith.constant 0 : i32
    %dma_start3A_860 = tpu.memref_slice %arg2[%squeeze3A_855, %dma_start3A_859] : memref<100501x64xf32, #tpu.memory_space<hbm>> -> memref<1x64xf32, #tpu.memory_space<hbm>>
    %dma_start3A_861 = arith.constant 6 : i32
    %dma_start3A_862 = arith.constant 0 : i32
    %dma_start3A_863 = tpu.memref_slice %arg15[%dma_start3A_861, %dma_start3A_862] : memref<32x64xf32, #tpu.memory_space<vmem>> -> memref<1x64xf32, #tpu.memory_space<vmem>>
    %dma_start3A_864 = arith.constant 0 : i32
    %dma_start3A_865 = tpu.memref_slice %arg2[%squeeze3A_855, %dma_start3A_864] : memref<100501x64xf32, #tpu.memory_space<hbm>> -> memref<1x64xf32, #tpu.memory_space<hbm>>
    tpu.enqueue_dma source(%dma_start3A_865 : memref<1x64xf32, #tpu.memory_space<hbm>>) target(%dma_start3A_863 : memref<1x64xf32, #tpu.memory_space<vmem>>) target_semaphore(%arg16 : memref<!tpu.dma_semaphore, #tpu.memory_space<semaphore_mem>>)
    %slice3A_866 = vector.extract_strided_slice %get3A_781 {offsets = [7], sizes = [1], strides = [1]} : vector<16xi32> to vector<1xi32>
    %squeeze3A_867 = vector.extract %slice3A_866[0] : i32 from vector<1xi32>
    %dma_start3A_868 = arith.constant 7 : i32
    %dma_start3A_869 = arith.constant 0 : i32
    %dma_start3A_870 = tpu.memref_slice %arg15[%dma_start3A_868, %dma_start3A_869] : memref<32x64xf32, #tpu.memory_space<vmem>> -> memref<1x64xf32, #tpu.memory_space<vmem>>
    %dma_start3A_871 = arith.constant 0 : i32
    %dma_start3A_872 = tpu.memref_slice %arg2[%squeeze3A_867, %dma_start3A_871] : memref<100501x64xf32, #tpu.memory_space<hbm>> -> memref<1x64xf32, #tpu.memory_space<hbm>>
    %dma_start3A_873 = arith.constant 7 : i32
    %dma_start3A_874 = arith.constant 0 : i32
    %dma_start3A_875 = tpu.memref_slice %arg15[%dma_start3A_873, %dma_start3A_874] : memref<32x64xf32, #tpu.memory_space<vmem>> -> memref<1x64xf32, #tpu.memory_space<vmem>>
    %dma_start3A_876 = arith.constant 0 : i32
    %dma_start3A_877 = tpu.memref_slice %arg2[%squeeze3A_867, %dma_start3A_876] : memref<100501x64xf32, #tpu.memory_space<hbm>> -> memref<1x64xf32, #tpu.memory_space<hbm>>
    tpu.enqueue_dma source(%dma_start3A_877 : memref<1x64xf32, #tpu.memory_space<hbm>>) target(%dma_start3A_875 : memref<1x64xf32, #tpu.memory_space<vmem>>) target_semaphore(%arg16 : memref<!tpu.dma_semaphore, #tpu.memory_space<semaphore_mem>>)
    %slice3A_878 = vector.extract_strided_slice %get3A_781 {offsets = [8], sizes = [1], strides = [1]} : vector<16xi32> to vector<1xi32>
    %squeeze3A_879 = vector.extract %slice3A_878[0] : i32 from vector<1xi32>
    %dma_start3A_880 = arith.constant 8 : i32
    %dma_start3A_881 = arith.constant 0 : i32
    %dma_start3A_882 = tpu.memref_slice %arg15[%dma_start3A_880, %dma_start3A_881] : memref<32x64xf32, #tpu.memory_space<vmem>> -> memref<1x64xf32, #tpu.memory_space<vmem>>
    %dma_start3A_883 = arith.constant 0 : i32
    %dma_start3A_884 = tpu.memref_slice %arg2[%squeeze3A_879, %dma_start3A_883] : memref<100501x64xf32, #tpu.memory_space<hbm>> -> memref<1x64xf32, #tpu.memory_space<hbm>>
    %dma_start3A_885 = arith.constant 8 : i32
    %dma_start3A_886 = arith.constant 0 : i32
    %dma_start3A_887 = tpu.memref_slice %arg15[%dma_start3A_885, %dma_start3A_886] : memref<32x64xf32, #tpu.memory_space<vmem>> -> memref<1x64xf32, #tpu.memory_space<vmem>>
    %dma_start3A_888 = arith.constant 0 : i32
    %dma_start3A_889 = tpu.memref_slice %arg2[%squeeze3A_879, %dma_start3A_888] : memref<100501x64xf32, #tpu.memory_space<hbm>> -> memref<1x64xf32, #tpu.memory_space<hbm>>
    tpu.enqueue_dma source(%dma_start3A_889 : memref<1x64xf32, #tpu.memory_space<hbm>>) target(%dma_start3A_887 : memref<1x64xf32, #tpu.memory_space<vmem>>) target_semaphore(%arg16 : memref<!tpu.dma_semaphore, #tpu.memory_space<semaphore_mem>>)
    %slice3A_890 = vector.extract_strided_slice %get3A_781 {offsets = [9], sizes = [1], strides = [1]} : vector<16xi32> to vector<1xi32>
    %squeeze3A_891 = vector.extract %slice3A_890[0] : i32 from vector<1xi32>
    %dma_start3A_892 = arith.constant 9 : i32
    %dma_start3A_893 = arith.constant 0 : i32
    %dma_start3A_894 = tpu.memref_slice %arg15[%dma_start3A_892, %dma_start3A_893] : memref<32x64xf32, #tpu.memory_space<vmem>> -> memref<1x64xf32, #tpu.memory_space<vmem>>
    %dma_start3A_895 = arith.constant 0 : i32
    %dma_start3A_896 = tpu.memref_slice %arg2[%squeeze3A_891, %dma_start3A_895] : memref<100501x64xf32, #tpu.memory_space<hbm>> -> memref<1x64xf32, #tpu.memory_space<hbm>>
    %dma_start3A_897 = arith.constant 9 : i32
    %dma_start3A_898 = arith.constant 0 : i32
    %dma_start3A_899 = tpu.memref_slice %arg15[%dma_start3A_897, %dma_start3A_898] : memref<32x64xf32, #tpu.memory_space<vmem>> -> memref<1x64xf32, #tpu.memory_space<vmem>>
    %dma_start3A_900 = arith.constant 0 : i32
    %dma_start3A_901 = tpu.memref_slice %arg2[%squeeze3A_891, %dma_start3A_900] : memref<100501x64xf32, #tpu.memory_space<hbm>> -> memref<1x64xf32, #tpu.memory_space<hbm>>
    tpu.enqueue_dma source(%dma_start3A_901 : memref<1x64xf32, #tpu.memory_space<hbm>>) target(%dma_start3A_899 : memref<1x64xf32, #tpu.memory_space<vmem>>) target_semaphore(%arg16 : memref<!tpu.dma_semaphore, #tpu.memory_space<semaphore_mem>>)
    %slice3A_902 = vector.extract_strided_slice %get3A_781 {offsets = [10], sizes = [1], strides = [1]} : vector<16xi32> to vector<1xi32>
    %squeeze3A_903 = vector.extract %slice3A_902[0] : i32 from vector<1xi32>
    %dma_start3A_904 = arith.constant 10 : i32
    %dma_start3A_905 = arith.constant 0 : i32
    %dma_start3A_906 = tpu.memref_slice %arg15[%dma_start3A_904, %dma_start3A_905] : memref<32x64xf32, #tpu.memory_space<vmem>> -> memref<1x64xf32, #tpu.memory_space<vmem>>
    %dma_start3A_907 = arith.constant 0 : i32
    %dma_start3A_908 = tpu.memref_slice %arg2[%squeeze3A_903, %dma_start3A_907] : memref<100501x64xf32, #tpu.memory_space<hbm>> -> memref<1x64xf32, #tpu.memory_space<hbm>>
    %dma_start3A_909 = arith.constant 10 : i32
    %dma_start3A_910 = arith.constant 0 : i32
    %dma_start3A_911 = tpu.memref_slice %arg15[%dma_start3A_909, %dma_start3A_910] : memref<32x64xf32, #tpu.memory_space<vmem>> -> memref<1x64xf32, #tpu.memory_space<vmem>>
    %dma_start3A_912 = arith.constant 0 : i32
    %dma_start3A_913 = tpu.memref_slice %arg2[%squeeze3A_903, %dma_start3A_912] : memref<100501x64xf32, #tpu.memory_space<hbm>> -> memref<1x64xf32, #tpu.memory_space<hbm>>
    tpu.enqueue_dma source(%dma_start3A_913 : memref<1x64xf32, #tpu.memory_space<hbm>>) target(%dma_start3A_911 : memref<1x64xf32, #tpu.memory_space<vmem>>) target_semaphore(%arg16 : memref<!tpu.dma_semaphore, #tpu.memory_space<semaphore_mem>>)
    %slice3A_914 = vector.extract_strided_slice %get3A_781 {offsets = [11], sizes = [1], strides = [1]} : vector<16xi32> to vector<1xi32>
    %squeeze3A_915 = vector.extract %slice3A_914[0] : i32 from vector<1xi32>
    %dma_start3A_916 = arith.constant 11 : i32
    %dma_start3A_917 = arith.constant 0 : i32
    %dma_start3A_918 = tpu.memref_slice %arg15[%dma_start3A_916, %dma_start3A_917] : memref<32x64xf32, #tpu.memory_space<vmem>> -> memref<1x64xf32, #tpu.memory_space<vmem>>
    %dma_start3A_919 = arith.constant 0 : i32
    %dma_start3A_920 = tpu.memref_slice %arg2[%squeeze3A_915, %dma_start3A_919] : memref<100501x64xf32, #tpu.memory_space<hbm>> -> memref<1x64xf32, #tpu.memory_space<hbm>>
    %dma_start3A_921 = arith.constant 11 : i32
    %dma_start3A_922 = arith.constant 0 : i32
    %dma_start3A_923 = tpu.memref_slice %arg15[%dma_start3A_921, %dma_start3A_922] : memref<32x64xf32, #tpu.memory_space<vmem>> -> memref<1x64xf32, #tpu.memory_space<vmem>>
    %dma_start3A_924 = arith.constant 0 : i32
    %dma_start3A_925 = tpu.memref_slice %arg2[%squeeze3A_915, %dma_start3A_924] : memref<100501x64xf32, #tpu.memory_space<hbm>> -> memref<1x64xf32, #tpu.memory_space<hbm>>
    tpu.enqueue_dma source(%dma_start3A_925 : memref<1x64xf32, #tpu.memory_space<hbm>>) target(%dma_start3A_923 : memref<1x64xf32, #tpu.memory_space<vmem>>) target_semaphore(%arg16 : memref<!tpu.dma_semaphore, #tpu.memory_space<semaphore_mem>>)
    %slice3A_926 = vector.extract_strided_slice %get3A_781 {offsets = [12], sizes = [1], strides = [1]} : vector<16xi32> to vector<1xi32>
    %squeeze3A_927 = vector.extract %slice3A_926[0] : i32 from vector<1xi32>
    %dma_start3A_928 = arith.constant 12 : i32
    %dma_start3A_929 = arith.constant 0 : i32
    %dma_start3A_930 = tpu.memref_slice %arg15[%dma_start3A_928, %dma_start3A_929] : memref<32x64xf32, #tpu.memory_space<vmem>> -> memref<1x64xf32, #tpu.memory_space<vmem>>
    %dma_start3A_931 = arith.constant 0 : i32
    %dma_start3A_932 = tpu.memref_slice %arg2[%squeeze3A_927, %dma_start3A_931] : memref<100501x64xf32, #tpu.memory_space<hbm>> -> memref<1x64xf32, #tpu.memory_space<hbm>>
    %dma_start3A_933 = arith.constant 12 : i32
    %dma_start3A_934 = arith.constant 0 : i32
    %dma_start3A_935 = tpu.memref_slice %arg15[%dma_start3A_933, %dma_start3A_934] : memref<32x64xf32, #tpu.memory_space<vmem>> -> memref<1x64xf32, #tpu.memory_space<vmem>>
    %dma_start3A_936 = arith.constant 0 : i32
    %dma_start3A_937 = tpu.memref_slice %arg2[%squeeze3A_927, %dma_start3A_936] : memref<100501x64xf32, #tpu.memory_space<hbm>> -> memref<1x64xf32, #tpu.memory_space<hbm>>
    tpu.enqueue_dma source(%dma_start3A_937 : memref<1x64xf32, #tpu.memory_space<hbm>>) target(%dma_start3A_935 : memref<1x64xf32, #tpu.memory_space<vmem>>) target_semaphore(%arg16 : memref<!tpu.dma_semaphore, #tpu.memory_space<semaphore_mem>>)
    %slice3A_938 = vector.extract_strided_slice %get3A_781 {offsets = [13], sizes = [1], strides = [1]} : vector<16xi32> to vector<1xi32>
    %squeeze3A_939 = vector.extract %slice3A_938[0] : i32 from vector<1xi32>
    %dma_start3A_940 = arith.constant 13 : i32
    %dma_start3A_941 = arith.constant 0 : i32
    %dma_start3A_942 = tpu.memref_slice %arg15[%dma_start3A_940, %dma_start3A_941] : memref<32x64xf32, #tpu.memory_space<vmem>> -> memref<1x64xf32, #tpu.memory_space<vmem>>
    %dma_start3A_943 = arith.constant 0 : i32
    %dma_start3A_944 = tpu.memref_slice %arg2[%squeeze3A_939, %dma_start3A_943] : memref<100501x64xf32, #tpu.memory_space<hbm>> -> memref<1x64xf32, #tpu.memory_space<hbm>>
    %dma_start3A_945 = arith.constant 13 : i32
    %dma_start3A_946 = arith.constant 0 : i32
    %dma_start3A_947 = tpu.memref_slice %arg15[%dma_start3A_945, %dma_start3A_946] : memref<32x64xf32, #tpu.memory_space<vmem>> -> memref<1x64xf32, #tpu.memory_space<vmem>>
    %dma_start3A_948 = arith.constant 0 : i32
    %dma_start3A_949 = tpu.memref_slice %arg2[%squeeze3A_939, %dma_start3A_948] : memref<100501x64xf32, #tpu.memory_space<hbm>> -> memref<1x64xf32, #tpu.memory_space<hbm>>
    tpu.enqueue_dma source(%dma_start3A_949 : memref<1x64xf32, #tpu.memory_space<hbm>>) target(%dma_start3A_947 : memref<1x64xf32, #tpu.memory_space<vmem>>) target_semaphore(%arg16 : memref<!tpu.dma_semaphore, #tpu.memory_space<semaphore_mem>>)
    %slice3A_950 = vector.extract_strided_slice %get3A_781 {offsets = [14], sizes = [1], strides = [1]} : vector<16xi32> to vector<1xi32>
    %squeeze3A_951 = vector.extract %slice3A_950[0] : i32 from vector<1xi32>
    %dma_start3A_952 = arith.constant 14 : i32
    %dma_start3A_953 = arith.constant 0 : i32
    %dma_start3A_954 = tpu.memref_slice %arg15[%dma_start3A_952, %dma_start3A_953] : memref<32x64xf32, #tpu.memory_space<vmem>> -> memref<1x64xf32, #tpu.memory_space<vmem>>
    %dma_start3A_955 = arith.constant 0 : i32
    %dma_start3A_956 = tpu.memref_slice %arg2[%squeeze3A_951, %dma_start3A_955] : memref<100501x64xf32, #tpu.memory_space<hbm>> -> memref<1x64xf32, #tpu.memory_space<hbm>>
    %dma_start3A_957 = arith.constant 14 : i32
    %dma_start3A_958 = arith.constant 0 : i32
    %dma_start3A_959 = tpu.memref_slice %arg15[%dma_start3A_957, %dma_start3A_958] : memref<32x64xf32, #tpu.memory_space<vmem>> -> memref<1x64xf32, #tpu.memory_space<vmem>>
    %dma_start3A_960 = arith.constant 0 : i32
    %dma_start3A_961 = tpu.memref_slice %arg2[%squeeze3A_951, %dma_start3A_960] : memref<100501x64xf32, #tpu.memory_space<hbm>> -> memref<1x64xf32, #tpu.memory_space<hbm>>
    tpu.enqueue_dma source(%dma_start3A_961 : memref<1x64xf32, #tpu.memory_space<hbm>>) target(%dma_start3A_959 : memref<1x64xf32, #tpu.memory_space<vmem>>) target_semaphore(%arg16 : memref<!tpu.dma_semaphore, #tpu.memory_space<semaphore_mem>>)
    %slice3A_962 = vector.extract_strided_slice %get3A_781 {offsets = [15], sizes = [1], strides = [1]} : vector<16xi32> to vector<1xi32>
    %squeeze3A_963 = vector.extract %slice3A_962[0] : i32 from vector<1xi32>
    %dma_start3A_964 = arith.constant 15 : i32
    %dma_start3A_965 = arith.constant 0 : i32
    %dma_start3A_966 = tpu.memref_slice %arg15[%dma_start3A_964, %dma_start3A_965] : memref<32x64xf32, #tpu.memory_space<vmem>> -> memref<1x64xf32, #tpu.memory_space<vmem>>
    %dma_start3A_967 = arith.constant 0 : i32
    %dma_start3A_968 = tpu.memref_slice %arg2[%squeeze3A_963, %dma_start3A_967] : memref<100501x64xf32, #tpu.memory_space<hbm>> -> memref<1x64xf32, #tpu.memory_space<hbm>>
    %dma_start3A_969 = arith.constant 15 : i32
    %dma_start3A_970 = arith.constant 0 : i32
    %dma_start3A_971 = tpu.memref_slice %arg15[%dma_start3A_969, %dma_start3A_970] : memref<32x64xf32, #tpu.memory_space<vmem>> -> memref<1x64xf32, #tpu.memory_space<vmem>>
    %dma_start3A_972 = arith.constant 0 : i32
    %dma_start3A_973 = tpu.memref_slice %arg2[%squeeze3A_963, %dma_start3A_972] : memref<100501x64xf32, #tpu.memory_space<hbm>> -> memref<1x64xf32, #tpu.memory_space<hbm>>
    tpu.enqueue_dma source(%dma_start3A_973 : memref<1x64xf32, #tpu.memory_space<hbm>>) target(%dma_start3A_971 : memref<1x64xf32, #tpu.memory_space<vmem>>) target_semaphore(%arg16 : memref<!tpu.dma_semaphore, #tpu.memory_space<semaphore_mem>>)
    %get3A_974 = arith.constant 16 : index
    %get3A_975 = tpu.vector_load %arg12[%get3A_974] {strides = array<i32>} : memref<32xi32, #tpu.memory_space<vmem>>, vector<16xi32>,
    %get3A_976 = vector.shape_cast %get3A_975 : vector<16xi32> to vector<16xi32>
    %slice3A_977 = vector.extract_strided_slice %get3A_976 {offsets = [0], sizes = [1], strides = [1]} : vector<16xi32> to vector<1xi32>
    %squeeze3A_978 = vector.extract %slice3A_977[0] : i32 from vector<1xi32>
    %dma_start3A_979 = arith.constant 16 : i32
    %dma_start3A_980 = arith.constant 0 : i32
    %dma_start3A_981 = tpu.memref_slice %arg15[%dma_start3A_979, %dma_start3A_980] : memref<32x64xf32, #tpu.memory_space<vmem>> -> memref<1x64xf32, #tpu.memory_space<vmem>>
    %dma_start3A_982 = arith.constant 0 : i32
    %dma_start3A_983 = tpu.memref_slice %arg2[%squeeze3A_978, %dma_start3A_982] : memref<100501x64xf32, #tpu.memory_space<hbm>> -> memref<1x64xf32, #tpu.memory_space<hbm>>
    %dma_start3A_984 = arith.constant 16 : i32
    %dma_start3A_985 = arith.constant 0 : i32
    %dma_start3A_986 = tpu.memref_slice %arg15[%dma_start3A_984, %dma_start3A_985] : memref<32x64xf32, #tpu.memory_space<vmem>> -> memref<1x64xf32, #tpu.memory_space<vmem>>
    %dma_start3A_987 = arith.constant 0 : i32
    %dma_start3A_988 = tpu.memref_slice %arg2[%squeeze3A_978, %dma_start3A_987] : memref<100501x64xf32, #tpu.memory_space<hbm>> -> memref<1x64xf32, #tpu.memory_space<hbm>>
    tpu.enqueue_dma source(%dma_start3A_988 : memref<1x64xf32, #tpu.memory_space<hbm>>) target(%dma_start3A_986 : memref<1x64xf32, #tpu.memory_space<vmem>>) target_semaphore(%arg16 : memref<!tpu.dma_semaphore, #tpu.memory_space<semaphore_mem>>)
    %slice3A_989 = vector.extract_strided_slice %get3A_976 {offsets = [1], sizes = [1], strides = [1]} : vector<16xi32> to vector<1xi32>
    %squeeze3A_990 = vector.extract %slice3A_989[0] : i32 from vector<1xi32>
    %dma_start3A_991 = arith.constant 17 : i32
    %dma_start3A_992 = arith.constant 0 : i32
    %dma_start3A_993 = tpu.memref_slice %arg15[%dma_start3A_991, %dma_start3A_992] : memref<32x64xf32, #tpu.memory_space<vmem>> -> memref<1x64xf32, #tpu.memory_space<vmem>>
    %dma_start3A_994 = arith.constant 0 : i32
    %dma_start3A_995 = tpu.memref_slice %arg2[%squeeze3A_990, %dma_start3A_994] : memref<100501x64xf32, #tpu.memory_space<hbm>> -> memref<1x64xf32, #tpu.memory_space<hbm>>
    %dma_start3A_996 = arith.constant 17 : i32
    %dma_start3A_997 = arith.constant 0 : i32
    %dma_start3A_998 = tpu.memref_slice %arg15[%dma_start3A_996, %dma_start3A_997] : memref<32x64xf32, #tpu.memory_space<vmem>> -> memref<1x64xf32, #tpu.memory_space<vmem>>
    %dma_start3A_999 = arith.constant 0 : i32
    %dma_start3A_1000 = tpu.memref_slice %arg2[%squeeze3A_990, %dma_start3A_999] : memref<100501x64xf32, #tpu.memory_space<hbm>> -> memref<1x64xf32, #tpu.memory_space<hbm>>
    tpu.enqueue_dma source(%dma_start3A_1000 : memref<1x64xf32, #tpu.memory_space<hbm>>) target(%dma_start3A_998 : memref<1x64xf32, #tpu.memory_space<vmem>>) target_semaphore(%arg16 : memref<!tpu.dma_semaphore, #tpu.memory_space<semaphore_mem>>)
    %slice3A_1001 = vector.extract_strided_slice %get3A_976 {offsets = [2], sizes = [1], strides = [1]} : vector<16xi32> to vector<1xi32>
    %squeeze3A_1002 = vector.extract %slice3A_1001[0] : i32 from vector<1xi32>
    %dma_start3A_1003 = arith.constant 18 : i32
    %dma_start3A_1004 = arith.constant 0 : i32
    %dma_start3A_1005 = tpu.memref_slice %arg15[%dma_start3A_1003, %dma_start3A_1004] : memref<32x64xf32, #tpu.memory_space<vmem>> -> memref<1x64xf32, #tpu.memory_space<vmem>>
    %dma_start3A_1006 = arith.constant 0 : i32
    %dma_start3A_1007 = tpu.memref_slice %arg2[%squeeze3A_1002, %dma_start3A_1006] : memref<100501x64xf32, #tpu.memory_space<hbm>> -> memref<1x64xf32, #tpu.memory_space<hbm>>
    %dma_start3A_1008 = arith.constant 18 : i32
    %dma_start3A_1009 = arith.constant 0 : i32
    %dma_start3A_1010 = tpu.memref_slice %arg15[%dma_start3A_1008, %dma_start3A_1009] : memref<32x64xf32, #tpu.memory_space<vmem>> -> memref<1x64xf32, #tpu.memory_space<vmem>>
    %dma_start3A_1011 = arith.constant 0 : i32
    %dma_start3A_1012 = tpu.memref_slice %arg2[%squeeze3A_1002, %dma_start3A_1011] : memref<100501x64xf32, #tpu.memory_space<hbm>> -> memref<1x64xf32, #tpu.memory_space<hbm>>
    tpu.enqueue_dma source(%dma_start3A_1012 : memref<1x64xf32, #tpu.memory_space<hbm>>) target(%dma_start3A_1010 : memref<1x64xf32, #tpu.memory_space<vmem>>) target_semaphore(%arg16 : memref<!tpu.dma_semaphore, #tpu.memory_space<semaphore_mem>>)
    %slice3A_1013 = vector.extract_strided_slice %get3A_976 {offsets = [3], sizes = [1], strides = [1]} : vector<16xi32> to vector<1xi32>
    %squeeze3A_1014 = vector.extract %slice3A_1013[0] : i32 from vector<1xi32>
    %dma_start3A_1015 = arith.constant 19 : i32
    %dma_start3A_1016 = arith.constant 0 : i32
    %dma_start3A_1017 = tpu.memref_slice %arg15[%dma_start3A_1015, %dma_start3A_1016] : memref<32x64xf32, #tpu.memory_space<vmem>> -> memref<1x64xf32, #tpu.memory_space<vmem>>
    %dma_start3A_1018 = arith.constant 0 : i32
    %dma_start3A_1019 = tpu.memref_slice %arg2[%squeeze3A_1014, %dma_start3A_1018] : memref<100501x64xf32, #tpu.memory_space<hbm>> -> memref<1x64xf32, #tpu.memory_space<hbm>>
    %dma_start3A_1020 = arith.constant 19 : i32
    %dma_start3A_1021 = arith.constant 0 : i32
    %dma_start3A_1022 = tpu.memref_slice %arg15[%dma_start3A_1020, %dma_start3A_1021] : memref<32x64xf32, #tpu.memory_space<vmem>> -> memref<1x64xf32, #tpu.memory_space<vmem>>
    %dma_start3A_1023 = arith.constant 0 : i32
    %dma_start3A_1024 = tpu.memref_slice %arg2[%squeeze3A_1014, %dma_start3A_1023] : memref<100501x64xf32, #tpu.memory_space<hbm>> -> memref<1x64xf32, #tpu.memory_space<hbm>>
    tpu.enqueue_dma source(%dma_start3A_1024 : memref<1x64xf32, #tpu.memory_space<hbm>>) target(%dma_start3A_1022 : memref<1x64xf32, #tpu.memory_space<vmem>>) target_semaphore(%arg16 : memref<!tpu.dma_semaphore, #tpu.memory_space<semaphore_mem>>)
    %slice3A_1025 = vector.extract_strided_slice %get3A_976 {offsets = [4], sizes = [1], strides = [1]} : vector<16xi32> to vector<1xi32>
    %squeeze3A_1026 = vector.extract %slice3A_1025[0] : i32 from vector<1xi32>
    %dma_start3A_1027 = arith.constant 20 : i32
    %dma_start3A_1028 = arith.constant 0 : i32
    %dma_start3A_1029 = tpu.memref_slice %arg15[%dma_start3A_1027, %dma_start3A_1028] : memref<32x64xf32, #tpu.memory_space<vmem>> -> memref<1x64xf32, #tpu.memory_space<vmem>>
    %dma_start3A_1030 = arith.constant 0 : i32
    %dma_start3A_1031 = tpu.memref_slice %arg2[%squeeze3A_1026, %dma_start3A_1030] : memref<100501x64xf32, #tpu.memory_space<hbm>> -> memref<1x64xf32, #tpu.memory_space<hbm>>
    %dma_start3A_1032 = arith.constant 20 : i32
    %dma_start3A_1033 = arith.constant 0 : i32
    %dma_start3A_1034 = tpu.memref_slice %arg15[%dma_start3A_1032, %dma_start3A_1033] : memref<32x64xf32, #tpu.memory_space<vmem>> -> memref<1x64xf32, #tpu.memory_space<vmem>>
    %dma_start3A_1035 = arith.constant 0 : i32
    %dma_start3A_1036 = tpu.memref_slice %arg2[%squeeze3A_1026, %dma_start3A_1035] : memref<100501x64xf32, #tpu.memory_space<hbm>> -> memref<1x64xf32, #tpu.memory_space<hbm>>
    tpu.enqueue_dma source(%dma_start3A_1036 : memref<1x64xf32, #tpu.memory_space<hbm>>) target(%dma_start3A_1034 : memref<1x64xf32, #tpu.memory_space<vmem>>) target_semaphore(%arg16 : memref<!tpu.dma_semaphore, #tpu.memory_space<semaphore_mem>>)
    %slice3A_1037 = vector.extract_strided_slice %get3A_976 {offsets = [5], sizes = [1], strides = [1]} : vector<16xi32> to vector<1xi32>
    %squeeze3A_1038 = vector.extract %slice3A_1037[0] : i32 from vector<1xi32>
    %dma_start3A_1039 = arith.constant 21 : i32
    %dma_start3A_1040 = arith.constant 0 : i32
    %dma_start3A_1041 = tpu.memref_slice %arg15[%dma_start3A_1039, %dma_start3A_1040] : memref<32x64xf32, #tpu.memory_space<vmem>> -> memref<1x64xf32, #tpu.memory_space<vmem>>
    %dma_start3A_1042 = arith.constant 0 : i32
    %dma_start3A_1043 = tpu.memref_slice %arg2[%squeeze3A_1038, %dma_start3A_1042] : memref<100501x64xf32, #tpu.memory_space<hbm>> -> memref<1x64xf32, #tpu.memory_space<hbm>>
    %dma_start3A_1044 = arith.constant 21 : i32
    %dma_start3A_1045 = arith.constant 0 : i32
    %dma_start3A_1046 = tpu.memref_slice %arg15[%dma_start3A_1044, %dma_start3A_1045] : memref<32x64xf32, #tpu.memory_space<vmem>> -> memref<1x64xf32, #tpu.memory_space<vmem>>
    %dma_start3A_1047 = arith.constant 0 : i32
    %dma_start3A_1048 = tpu.memref_slice %arg2[%squeeze3A_1038, %dma_start3A_1047] : memref<100501x64xf32, #tpu.memory_space<hbm>> -> memref<1x64xf32, #tpu.memory_space<hbm>>
    tpu.enqueue_dma source(%dma_start3A_1048 : memref<1x64xf32, #tpu.memory_space<hbm>>) target(%dma_start3A_1046 : memref<1x64xf32, #tpu.memory_space<vmem>>) target_semaphore(%arg16 : memref<!tpu.dma_semaphore, #tpu.memory_space<semaphore_mem>>)
    %slice3A_1049 = vector.extract_strided_slice %get3A_976 {offsets = [6], sizes = [1], strides = [1]} : vector<16xi32> to vector<1xi32>
    %squeeze3A_1050 = vector.extract %slice3A_1049[0] : i32 from vector<1xi32>
    %dma_start3A_1051 = arith.constant 22 : i32
    %dma_start3A_1052 = arith.constant 0 : i32
    %dma_start3A_1053 = tpu.memref_slice %arg15[%dma_start3A_1051, %dma_start3A_1052] : memref<32x64xf32, #tpu.memory_space<vmem>> -> memref<1x64xf32, #tpu.memory_space<vmem>>
    %dma_start3A_1054 = arith.constant 0 : i32
    %dma_start3A_1055 = tpu.memref_slice %arg2[%squeeze3A_1050, %dma_start3A_1054] : memref<100501x64xf32, #tpu.memory_space<hbm>> -> memref<1x64xf32, #tpu.memory_space<hbm>>
    %dma_start3A_1056 = arith.constant 22 : i32
    %dma_start3A_1057 = arith.constant 0 : i32
    %dma_start3A_1058 = tpu.memref_slice %arg15[%dma_start3A_1056, %dma_start3A_1057] : memref<32x64xf32, #tpu.memory_space<vmem>> -> memref<1x64xf32, #tpu.memory_space<vmem>>
    %dma_start3A_1059 = arith.constant 0 : i32
    %dma_start3A_1060 = tpu.memref_slice %arg2[%squeeze3A_1050, %dma_start3A_1059] : memref<100501x64xf32, #tpu.memory_space<hbm>> -> memref<1x64xf32, #tpu.memory_space<hbm>>
    tpu.enqueue_dma source(%dma_start3A_1060 : memref<1x64xf32, #tpu.memory_space<hbm>>) target(%dma_start3A_1058 : memref<1x64xf32, #tpu.memory_space<vmem>>) target_semaphore(%arg16 : memref<!tpu.dma_semaphore, #tpu.memory_space<semaphore_mem>>)
    %slice3A_1061 = vector.extract_strided_slice %get3A_976 {offsets = [7], sizes = [1], strides = [1]} : vector<16xi32> to vector<1xi32>
    %squeeze3A_1062 = vector.extract %slice3A_1061[0] : i32 from vector<1xi32>
    %dma_start3A_1063 = arith.constant 23 : i32
    %dma_start3A_1064 = arith.constant 0 : i32
    %dma_start3A_1065 = tpu.memref_slice %arg15[%dma_start3A_1063, %dma_start3A_1064] : memref<32x64xf32, #tpu.memory_space<vmem>> -> memref<1x64xf32, #tpu.memory_space<vmem>>
    %dma_start3A_1066 = arith.constant 0 : i32
    %dma_start3A_1067 = tpu.memref_slice %arg2[%squeeze3A_1062, %dma_start3A_1066] : memref<100501x64xf32, #tpu.memory_space<hbm>> -> memref<1x64xf32, #tpu.memory_space<hbm>>
    %dma_start3A_1068 = arith.constant 23 : i32
    %dma_start3A_1069 = arith.constant 0 : i32
    %dma_start3A_1070 = tpu.memref_slice %arg15[%dma_start3A_1068, %dma_start3A_1069] : memref<32x64xf32, #tpu.memory_space<vmem>> -> memref<1x64xf32, #tpu.memory_space<vmem>>
    %dma_start3A_1071 = arith.constant 0 : i32
    %dma_start3A_1072 = tpu.memref_slice %arg2[%squeeze3A_1062, %dma_start3A_1071] : memref<100501x64xf32, #tpu.memory_space<hbm>> -> memref<1x64xf32, #tpu.memory_space<hbm>>
    tpu.enqueue_dma source(%dma_start3A_1072 : memref<1x64xf32, #tpu.memory_space<hbm>>) target(%dma_start3A_1070 : memref<1x64xf32, #tpu.memory_space<vmem>>) target_semaphore(%arg16 : memref<!tpu.dma_semaphore, #tpu.memory_space<semaphore_mem>>)
    %slice3A_1073 = vector.extract_strided_slice %get3A_976 {offsets = [8], sizes = [1], strides = [1]} : vector<16xi32> to vector<1xi32>
    %squeeze3A_1074 = vector.extract %slice3A_1073[0] : i32 from vector<1xi32>
    %dma_start3A_1075 = arith.constant 24 : i32
    %dma_start3A_1076 = arith.constant 0 : i32
    %dma_start3A_1077 = tpu.memref_slice %arg15[%dma_start3A_1075, %dma_start3A_1076] : memref<32x64xf32, #tpu.memory_space<vmem>> -> memref<1x64xf32, #tpu.memory_space<vmem>>
    %dma_start3A_1078 = arith.constant 0 : i32
    %dma_start3A_1079 = tpu.memref_slice %arg2[%squeeze3A_1074, %dma_start3A_1078] : memref<100501x64xf32, #tpu.memory_space<hbm>> -> memref<1x64xf32, #tpu.memory_space<hbm>>
    %dma_start3A_1080 = arith.constant 24 : i32
    %dma_start3A_1081 = arith.constant 0 : i32
    %dma_start3A_1082 = tpu.memref_slice %arg15[%dma_start3A_1080, %dma_start3A_1081] : memref<32x64xf32, #tpu.memory_space<vmem>> -> memref<1x64xf32, #tpu.memory_space<vmem>>
    %dma_start3A_1083 = arith.constant 0 : i32
    %dma_start3A_1084 = tpu.memref_slice %arg2[%squeeze3A_1074, %dma_start3A_1083] : memref<100501x64xf32, #tpu.memory_space<hbm>> -> memref<1x64xf32, #tpu.memory_space<hbm>>
    tpu.enqueue_dma source(%dma_start3A_1084 : memref<1x64xf32, #tpu.memory_space<hbm>>) target(%dma_start3A_1082 : memref<1x64xf32, #tpu.memory_space<vmem>>) target_semaphore(%arg16 : memref<!tpu.dma_semaphore, #tpu.memory_space<semaphore_mem>>)
    %slice3A_1085 = vector.extract_strided_slice %get3A_976 {offsets = [9], sizes = [1], strides = [1]} : vector<16xi32> to vector<1xi32>
    %squeeze3A_1086 = vector.extract %slice3A_1085[0] : i32 from vector<1xi32>
    %dma_start3A_1087 = arith.constant 25 : i32
    %dma_start3A_1088 = arith.constant 0 : i32
    %dma_start3A_1089 = tpu.memref_slice %arg15[%dma_start3A_1087, %dma_start3A_1088] : memref<32x64xf32, #tpu.memory_space<vmem>> -> memref<1x64xf32, #tpu.memory_space<vmem>>
    %dma_start3A_1090 = arith.constant 0 : i32
    %dma_start3A_1091 = tpu.memref_slice %arg2[%squeeze3A_1086, %dma_start3A_1090] : memref<100501x64xf32, #tpu.memory_space<hbm>> -> memref<1x64xf32, #tpu.memory_space<hbm>>
    %dma_start3A_1092 = arith.constant 25 : i32
    %dma_start3A_1093 = arith.constant 0 : i32
    %dma_start3A_1094 = tpu.memref_slice %arg15[%dma_start3A_1092, %dma_start3A_1093] : memref<32x64xf32, #tpu.memory_space<vmem>> -> memref<1x64xf32, #tpu.memory_space<vmem>>
    %dma_start3A_1095 = arith.constant 0 : i32
    %dma_start3A_1096 = tpu.memref_slice %arg2[%squeeze3A_1086, %dma_start3A_1095] : memref<100501x64xf32, #tpu.memory_space<hbm>> -> memref<1x64xf32, #tpu.memory_space<hbm>>
    tpu.enqueue_dma source(%dma_start3A_1096 : memref<1x64xf32, #tpu.memory_space<hbm>>) target(%dma_start3A_1094 : memref<1x64xf32, #tpu.memory_space<vmem>>) target_semaphore(%arg16 : memref<!tpu.dma_semaphore, #tpu.memory_space<semaphore_mem>>)
    %slice3A_1097 = vector.extract_strided_slice %get3A_976 {offsets = [10], sizes = [1], strides = [1]} : vector<16xi32> to vector<1xi32>
    %squeeze3A_1098 = vector.extract %slice3A_1097[0] : i32 from vector<1xi32>
    %dma_start3A_1099 = arith.constant 26 : i32
    %dma_start3A_1100 = arith.constant 0 : i32
    %dma_start3A_1101 = tpu.memref_slice %arg15[%dma_start3A_1099, %dma_start3A_1100] : memref<32x64xf32, #tpu.memory_space<vmem>> -> memref<1x64xf32, #tpu.memory_space<vmem>>
    %dma_start3A_1102 = arith.constant 0 : i32
    %dma_start3A_1103 = tpu.memref_slice %arg2[%squeeze3A_1098, %dma_start3A_1102] : memref<100501x64xf32, #tpu.memory_space<hbm>> -> memref<1x64xf32, #tpu.memory_space<hbm>>
    %dma_start3A_1104 = arith.constant 26 : i32
    %dma_start3A_1105 = arith.constant 0 : i32
    %dma_start3A_1106 = tpu.memref_slice %arg15[%dma_start3A_1104, %dma_start3A_1105] : memref<32x64xf32, #tpu.memory_space<vmem>> -> memref<1x64xf32, #tpu.memory_space<vmem>>
    %dma_start3A_1107 = arith.constant 0 : i32
    %dma_start3A_1108 = tpu.memref_slice %arg2[%squeeze3A_1098, %dma_start3A_1107] : memref<100501x64xf32, #tpu.memory_space<hbm>> -> memref<1x64xf32, #tpu.memory_space<hbm>>
    tpu.enqueue_dma source(%dma_start3A_1108 : memref<1x64xf32, #tpu.memory_space<hbm>>) target(%dma_start3A_1106 : memref<1x64xf32, #tpu.memory_space<vmem>>) target_semaphore(%arg16 : memref<!tpu.dma_semaphore, #tpu.memory_space<semaphore_mem>>)
    %slice3A_1109 = vector.extract_strided_slice %get3A_976 {offsets = [11], sizes = [1], strides = [1]} : vector<16xi32> to vector<1xi32>
    %squeeze3A_1110 = vector.extract %slice3A_1109[0] : i32 from vector<1xi32>
    %dma_start3A_1111 = arith.constant 27 : i32
    %dma_start3A_1112 = arith.constant 0 : i32
    %dma_start3A_1113 = tpu.memref_slice %arg15[%dma_start3A_1111, %dma_start3A_1112] : memref<32x64xf32, #tpu.memory_space<vmem>> -> memref<1x64xf32, #tpu.memory_space<vmem>>
    %dma_start3A_1114 = arith.constant 0 : i32
    %dma_start3A_1115 = tpu.memref_slice %arg2[%squeeze3A_1110, %dma_start3A_1114] : memref<100501x64xf32, #tpu.memory_space<hbm>> -> memref<1x64xf32, #tpu.memory_space<hbm>>
    %dma_start3A_1116 = arith.constant 27 : i32
    %dma_start3A_1117 = arith.constant 0 : i32
    %dma_start3A_1118 = tpu.memref_slice %arg15[%dma_start3A_1116, %dma_start3A_1117] : memref<32x64xf32, #tpu.memory_space<vmem>> -> memref<1x64xf32, #tpu.memory_space<vmem>>
    %dma_start3A_1119 = arith.constant 0 : i32
    %dma_start3A_1120 = tpu.memref_slice %arg2[%squeeze3A_1110, %dma_start3A_1119] : memref<100501x64xf32, #tpu.memory_space<hbm>> -> memref<1x64xf32, #tpu.memory_space<hbm>>
    tpu.enqueue_dma source(%dma_start3A_1120 : memref<1x64xf32, #tpu.memory_space<hbm>>) target(%dma_start3A_1118 : memref<1x64xf32, #tpu.memory_space<vmem>>) target_semaphore(%arg16 : memref<!tpu.dma_semaphore, #tpu.memory_space<semaphore_mem>>)
    %slice3A_1121 = vector.extract_strided_slice %get3A_976 {offsets = [12], sizes = [1], strides = [1]} : vector<16xi32> to vector<1xi32>
    %squeeze3A_1122 = vector.extract %slice3A_1121[0] : i32 from vector<1xi32>
    %dma_start3A_1123 = arith.constant 28 : i32
    %dma_start3A_1124 = arith.constant 0 : i32
    %dma_start3A_1125 = tpu.memref_slice %arg15[%dma_start3A_1123, %dma_start3A_1124] : memref<32x64xf32, #tpu.memory_space<vmem>> -> memref<1x64xf32, #tpu.memory_space<vmem>>
    %dma_start3A_1126 = arith.constant 0 : i32
    %dma_start3A_1127 = tpu.memref_slice %arg2[%squeeze3A_1122, %dma_start3A_1126] : memref<100501x64xf32, #tpu.memory_space<hbm>> -> memref<1x64xf32, #tpu.memory_space<hbm>>
    %dma_start3A_1128 = arith.constant 28 : i32
    %dma_start3A_1129 = arith.constant 0 : i32
    %dma_start3A_1130 = tpu.memref_slice %arg15[%dma_start3A_1128, %dma_start3A_1129] : memref<32x64xf32, #tpu.memory_space<vmem>> -> memref<1x64xf32, #tpu.memory_space<vmem>>
    %dma_start3A_1131 = arith.constant 0 : i32
    %dma_start3A_1132 = tpu.memref_slice %arg2[%squeeze3A_1122, %dma_start3A_1131] : memref<100501x64xf32, #tpu.memory_space<hbm>> -> memref<1x64xf32, #tpu.memory_space<hbm>>
    tpu.enqueue_dma source(%dma_start3A_1132 : memref<1x64xf32, #tpu.memory_space<hbm>>) target(%dma_start3A_1130 : memref<1x64xf32, #tpu.memory_space<vmem>>) target_semaphore(%arg16 : memref<!tpu.dma_semaphore, #tpu.memory_space<semaphore_mem>>)
    %slice3A_1133 = vector.extract_strided_slice %get3A_976 {offsets = [13], sizes = [1], strides = [1]} : vector<16xi32> to vector<1xi32>
    %squeeze3A_1134 = vector.extract %slice3A_1133[0] : i32 from vector<1xi32>
    %dma_start3A_1135 = arith.constant 29 : i32
    %dma_start3A_1136 = arith.constant 0 : i32
    %dma_start3A_1137 = tpu.memref_slice %arg15[%dma_start3A_1135, %dma_start3A_1136] : memref<32x64xf32, #tpu.memory_space<vmem>> -> memref<1x64xf32, #tpu.memory_space<vmem>>
    %dma_start3A_1138 = arith.constant 0 : i32
    %dma_start3A_1139 = tpu.memref_slice %arg2[%squeeze3A_1134, %dma_start3A_1138] : memref<100501x64xf32, #tpu.memory_space<hbm>> -> memref<1x64xf32, #tpu.memory_space<hbm>>
    %dma_start3A_1140 = arith.constant 29 : i32
    %dma_start3A_1141 = arith.constant 0 : i32
    %dma_start3A_1142 = tpu.memref_slice %arg15[%dma_start3A_1140, %dma_start3A_1141] : memref<32x64xf32, #tpu.memory_space<vmem>> -> memref<1x64xf32, #tpu.memory_space<vmem>>
    %dma_start3A_1143 = arith.constant 0 : i32
    %dma_start3A_1144 = tpu.memref_slice %arg2[%squeeze3A_1134, %dma_start3A_1143] : memref<100501x64xf32, #tpu.memory_space<hbm>> -> memref<1x64xf32, #tpu.memory_space<hbm>>
    tpu.enqueue_dma source(%dma_start3A_1144 : memref<1x64xf32, #tpu.memory_space<hbm>>) target(%dma_start3A_1142 : memref<1x64xf32, #tpu.memory_space<vmem>>) target_semaphore(%arg16 : memref<!tpu.dma_semaphore, #tpu.memory_space<semaphore_mem>>)
    %slice3A_1145 = vector.extract_strided_slice %get3A_976 {offsets = [14], sizes = [1], strides = [1]} : vector<16xi32> to vector<1xi32>
    %squeeze3A_1146 = vector.extract %slice3A_1145[0] : i32 from vector<1xi32>
    %dma_start3A_1147 = arith.constant 30 : i32
    %dma_start3A_1148 = arith.constant 0 : i32
    %dma_start3A_1149 = tpu.memref_slice %arg15[%dma_start3A_1147, %dma_start3A_1148] : memref<32x64xf32, #tpu.memory_space<vmem>> -> memref<1x64xf32, #tpu.memory_space<vmem>>
    %dma_start3A_1150 = arith.constant 0 : i32
    %dma_start3A_1151 = tpu.memref_slice %arg2[%squeeze3A_1146, %dma_start3A_1150] : memref<100501x64xf32, #tpu.memory_space<hbm>> -> memref<1x64xf32, #tpu.memory_space<hbm>>
    %dma_start3A_1152 = arith.constant 30 : i32
    %dma_start3A_1153 = arith.constant 0 : i32
    %dma_start3A_1154 = tpu.memref_slice %arg15[%dma_start3A_1152, %dma_start3A_1153] : memref<32x64xf32, #tpu.memory_space<vmem>> -> memref<1x64xf32, #tpu.memory_space<vmem>>
    %dma_start3A_1155 = arith.constant 0 : i32
    %dma_start3A_1156 = tpu.memref_slice %arg2[%squeeze3A_1146, %dma_start3A_1155] : memref<100501x64xf32, #tpu.memory_space<hbm>> -> memref<1x64xf32, #tpu.memory_space<hbm>>
    tpu.enqueue_dma source(%dma_start3A_1156 : memref<1x64xf32, #tpu.memory_space<hbm>>) target(%dma_start3A_1154 : memref<1x64xf32, #tpu.memory_space<vmem>>) target_semaphore(%arg16 : memref<!tpu.dma_semaphore, #tpu.memory_space<semaphore_mem>>)
    %slice3A_1157 = vector.extract_strided_slice %get3A_976 {offsets = [15], sizes = [1], strides = [1]} : vector<16xi32> to vector<1xi32>
    %squeeze3A_1158 = vector.extract %slice3A_1157[0] : i32 from vector<1xi32>
    %dma_start3A_1159 = arith.constant 31 : i32
    %dma_start3A_1160 = arith.constant 0 : i32
    %dma_start3A_1161 = tpu.memref_slice %arg15[%dma_start3A_1159, %dma_start3A_1160] : memref<32x64xf32, #tpu.memory_space<vmem>> -> memref<1x64xf32, #tpu.memory_space<vmem>>
    %dma_start3A_1162 = arith.constant 0 : i32
    %dma_start3A_1163 = tpu.memref_slice %arg2[%squeeze3A_1158, %dma_start3A_1162] : memref<100501x64xf32, #tpu.memory_space<hbm>> -> memref<1x64xf32, #tpu.memory_space<hbm>>
    %dma_start3A_1164 = arith.constant 31 : i32
    %dma_start3A_1165 = arith.constant 0 : i32
    %dma_start3A_1166 = tpu.memref_slice %arg15[%dma_start3A_1164, %dma_start3A_1165] : memref<32x64xf32, #tpu.memory_space<vmem>> -> memref<1x64xf32, #tpu.memory_space<vmem>>
    %dma_start3A_1167 = arith.constant 0 : i32
    %dma_start3A_1168 = tpu.memref_slice %arg2[%squeeze3A_1158, %dma_start3A_1167] : memref<100501x64xf32, #tpu.memory_space<hbm>> -> memref<1x64xf32, #tpu.memory_space<hbm>>
    tpu.enqueue_dma source(%dma_start3A_1168 : memref<1x64xf32, #tpu.memory_space<hbm>>) target(%dma_start3A_1166 : memref<1x64xf32, #tpu.memory_space<vmem>>) target_semaphore(%arg16 : memref<!tpu.dma_semaphore, #tpu.memory_space<semaphore_mem>>)
    %dma_wait3A = arith.constant 0 : i32
    %dma_wait3A_1169 = arith.constant 0 : i32
    %dma_wait3A_1170 = tpu.memref_slice %arg13[%dma_wait3A, %dma_wait3A_1169] : memref<32x64xf32, #tpu.memory_space<vmem>> -> memref<1x64xf32, #tpu.memory_space<vmem>>
    %dma_wait3A_1171 = arith.constant 0 : i32
    %dma_wait3A_1172 = tpu.memref_slice %arg2[%squeeze3A, %dma_wait3A_1171] : memref<100501x64xf32, #tpu.memory_space<hbm>> -> memref<1x64xf32, #tpu.memory_space<hbm>>
    %dma_wait3A_1173 = arith.constant 0 : i32
    %dma_wait3A_1174 = arith.constant 0 : i32
    %dma_wait3A_1175 = tpu.memref_slice %arg13[%dma_wait3A_1173, %dma_wait3A_1174] : memref<32x64xf32, #tpu.memory_space<vmem>> -> memref<1x64xf32, #tpu.memory_space<vmem>>
    %dma_wait3A_1176 = arith.constant 0 : i32
    %dma_wait3A_1177 = tpu.memref_slice %arg2[%squeeze3A, %dma_wait3A_1176] : memref<100501x64xf32, #tpu.memory_space<hbm>> -> memref<1x64xf32, #tpu.memory_space<hbm>>
    tpu.wait_dma2 semaphore(%arg16 : memref<!tpu.dma_semaphore, #tpu.memory_space<semaphore_mem>>) src(%dma_wait3A_1177 : memref<1x64xf32, #tpu.memory_space<hbm>>) dst(%dma_wait3A_1175 : memref<1x64xf32, #tpu.memory_space<vmem>>)
    %dma_wait3A_1178 = arith.constant 1 : i32
    %dma_wait3A_1179 = arith.constant 0 : i32
    %dma_wait3A_1180 = tpu.memref_slice %arg13[%dma_wait3A_1178, %dma_wait3A_1179] : memref<32x64xf32, #tpu.memory_space<vmem>> -> memref<1x64xf32, #tpu.memory_space<vmem>>
    %dma_wait3A_1181 = arith.constant 0 : i32
    %dma_wait3A_1182 = tpu.memref_slice %arg2[%squeeze3A_15, %dma_wait3A_1181] : memref<100501x64xf32, #tpu.memory_space<hbm>> -> memref<1x64xf32, #tpu.memory_space<hbm>>
    %dma_wait3A_1183 = arith.constant 1 : i32
    %dma_wait3A_1184 = arith.constant 0 : i32
    %dma_wait3A_1185 = tpu.memref_slice %arg13[%dma_wait3A_1183, %dma_wait3A_1184] : memref<32x64xf32, #tpu.memory_space<vmem>> -> memref<1x64xf32, #tpu.memory_space<vmem>>
    %dma_wait3A_1186 = arith.constant 0 : i32
    %dma_wait3A_1187 = tpu.memref_slice %arg2[%squeeze3A_15, %dma_wait3A_1186] : memref<100501x64xf32, #tpu.memory_space<hbm>> -> memref<1x64xf32, #tpu.memory_space<hbm>>
    tpu.wait_dma2 semaphore(%arg16 : memref<!tpu.dma_semaphore, #tpu.memory_space<semaphore_mem>>) src(%dma_wait3A_1187 : memref<1x64xf32, #tpu.memory_space<hbm>>) dst(%dma_wait3A_1185 : memref<1x64xf32, #tpu.memory_space<vmem>>)
    %dma_wait3A_1188 = arith.constant 2 : i32
    %dma_wait3A_1189 = arith.constant 0 : i32
    %dma_wait3A_1190 = tpu.memref_slice %arg13[%dma_wait3A_1188, %dma_wait3A_1189] : memref<32x64xf32, #tpu.memory_space<vmem>> -> memref<1x64xf32, #tpu.memory_space<vmem>>
    %dma_wait3A_1191 = arith.constant 0 : i32
    %dma_wait3A_1192 = tpu.memref_slice %arg2[%squeeze3A_27, %dma_wait3A_1191] : memref<100501x64xf32, #tpu.memory_space<hbm>> -> memref<1x64xf32, #tpu.memory_space<hbm>>
    %dma_wait3A_1193 = arith.constant 2 : i32
    %dma_wait3A_1194 = arith.constant 0 : i32
    %dma_wait3A_1195 = tpu.memref_slice %arg13[%dma_wait3A_1193, %dma_wait3A_1194] : memref<32x64xf32, #tpu.memory_space<vmem>> -> memref<1x64xf32, #tpu.memory_space<vmem>>
    %dma_wait3A_1196 = arith.constant 0 : i32
    %dma_wait3A_1197 = tpu.memref_slice %arg2[%squeeze3A_27, %dma_wait3A_1196] : memref<100501x64xf32, #tpu.memory_space<hbm>> -> memref<1x64xf32, #tpu.memory_space<hbm>>
    tpu.wait_dma2 semaphore(%arg16 : memref<!tpu.dma_semaphore, #tpu.memory_space<semaphore_mem>>) src(%dma_wait3A_1197 : memref<1x64xf32, #tpu.memory_space<hbm>>) dst(%dma_wait3A_1195 : memref<1x64xf32, #tpu.memory_space<vmem>>)
    %dma_wait3A_1198 = arith.constant 3 : i32
    %dma_wait3A_1199 = arith.constant 0 : i32
    %dma_wait3A_1200 = tpu.memref_slice %arg13[%dma_wait3A_1198, %dma_wait3A_1199] : memref<32x64xf32, #tpu.memory_space<vmem>> -> memref<1x64xf32, #tpu.memory_space<vmem>>
    %dma_wait3A_1201 = arith.constant 0 : i32
    %dma_wait3A_1202 = tpu.memref_slice %arg2[%squeeze3A_39, %dma_wait3A_1201] : memref<100501x64xf32, #tpu.memory_space<hbm>> -> memref<1x64xf32, #tpu.memory_space<hbm>>
    %dma_wait3A_1203 = arith.constant 3 : i32
    %dma_wait3A_1204 = arith.constant 0 : i32
    %dma_wait3A_1205 = tpu.memref_slice %arg13[%dma_wait3A_1203, %dma_wait3A_1204] : memref<32x64xf32, #tpu.memory_space<vmem>> -> memref<1x64xf32, #tpu.memory_space<vmem>>
    %dma_wait3A_1206 = arith.constant 0 : i32
    %dma_wait3A_1207 = tpu.memref_slice %arg2[%squeeze3A_39, %dma_wait3A_1206] : memref<100501x64xf32, #tpu.memory_space<hbm>> -> memref<1x64xf32, #tpu.memory_space<hbm>>
    tpu.wait_dma2 semaphore(%arg16 : memref<!tpu.dma_semaphore, #tpu.memory_space<semaphore_mem>>) src(%dma_wait3A_1207 : memref<1x64xf32, #tpu.memory_space<hbm>>) dst(%dma_wait3A_1205 : memref<1x64xf32, #tpu.memory_space<vmem>>)
    %dma_wait3A_1208 = arith.constant 4 : i32
    %dma_wait3A_1209 = arith.constant 0 : i32
    %dma_wait3A_1210 = tpu.memref_slice %arg13[%dma_wait3A_1208, %dma_wait3A_1209] : memref<32x64xf32, #tpu.memory_space<vmem>> -> memref<1x64xf32, #tpu.memory_space<vmem>>
    %dma_wait3A_1211 = arith.constant 0 : i32
    %dma_wait3A_1212 = tpu.memref_slice %arg2[%squeeze3A_51, %dma_wait3A_1211] : memref<100501x64xf32, #tpu.memory_space<hbm>> -> memref<1x64xf32, #tpu.memory_space<hbm>>
    %dma_wait3A_1213 = arith.constant 4 : i32
    %dma_wait3A_1214 = arith.constant 0 : i32
    %dma_wait3A_1215 = tpu.memref_slice %arg13[%dma_wait3A_1213, %dma_wait3A_1214] : memref<32x64xf32, #tpu.memory_space<vmem>> -> memref<1x64xf32, #tpu.memory_space<vmem>>
    %dma_wait3A_1216 = arith.constant 0 : i32
    %dma_wait3A_1217 = tpu.memref_slice %arg2[%squeeze3A_51, %dma_wait3A_1216] : memref<100501x64xf32, #tpu.memory_space<hbm>> -> memref<1x64xf32, #tpu.memory_space<hbm>>
    tpu.wait_dma2 semaphore(%arg16 : memref<!tpu.dma_semaphore, #tpu.memory_space<semaphore_mem>>) src(%dma_wait3A_1217 : memref<1x64xf32, #tpu.memory_space<hbm>>) dst(%dma_wait3A_1215 : memref<1x64xf32, #tpu.memory_space<vmem>>)
    %dma_wait3A_1218 = arith.constant 5 : i32
    %dma_wait3A_1219 = arith.constant 0 : i32
    %dma_wait3A_1220 = tpu.memref_slice %arg13[%dma_wait3A_1218, %dma_wait3A_1219] : memref<32x64xf32, #tpu.memory_space<vmem>> -> memref<1x64xf32, #tpu.memory_space<vmem>>
    %dma_wait3A_1221 = arith.constant 0 : i32
    %dma_wait3A_1222 = tpu.memref_slice %arg2[%squeeze3A_63, %dma_wait3A_1221] : memref<100501x64xf32, #tpu.memory_space<hbm>> -> memref<1x64xf32, #tpu.memory_space<hbm>>
    %dma_wait3A_1223 = arith.constant 5 : i32
    %dma_wait3A_1224 = arith.constant 0 : i32
    %dma_wait3A_1225 = tpu.memref_slice %arg13[%dma_wait3A_1223, %dma_wait3A_1224] : memref<32x64xf32, #tpu.memory_space<vmem>> -> memref<1x64xf32, #tpu.memory_space<vmem>>
    %dma_wait3A_1226 = arith.constant 0 : i32
    %dma_wait3A_1227 = tpu.memref_slice %arg2[%squeeze3A_63, %dma_wait3A_1226] : memref<100501x64xf32, #tpu.memory_space<hbm>> -> memref<1x64xf32, #tpu.memory_space<hbm>>
    tpu.wait_dma2 semaphore(%arg16 : memref<!tpu.dma_semaphore, #tpu.memory_space<semaphore_mem>>) src(%dma_wait3A_1227 : memref<1x64xf32, #tpu.memory_space<hbm>>) dst(%dma_wait3A_1225 : memref<1x64xf32, #tpu.memory_space<vmem>>)
    %dma_wait3A_1228 = arith.constant 6 : i32
    %dma_wait3A_1229 = arith.constant 0 : i32
    %dma_wait3A_1230 = tpu.memref_slice %arg13[%dma_wait3A_1228, %dma_wait3A_1229] : memref<32x64xf32, #tpu.memory_space<vmem>> -> memref<1x64xf32, #tpu.memory_space<vmem>>
    %dma_wait3A_1231 = arith.constant 0 : i32
    %dma_wait3A_1232 = tpu.memref_slice %arg2[%squeeze3A_75, %dma_wait3A_1231] : memref<100501x64xf32, #tpu.memory_space<hbm>> -> memref<1x64xf32, #tpu.memory_space<hbm>>
    %dma_wait3A_1233 = arith.constant 6 : i32
    %dma_wait3A_1234 = arith.constant 0 : i32
    %dma_wait3A_1235 = tpu.memref_slice %arg13[%dma_wait3A_1233, %dma_wait3A_1234] : memref<32x64xf32, #tpu.memory_space<vmem>> -> memref<1x64xf32, #tpu.memory_space<vmem>>
    %dma_wait3A_1236 = arith.constant 0 : i32
    %dma_wait3A_1237 = tpu.memref_slice %arg2[%squeeze3A_75, %dma_wait3A_1236] : memref<100501x64xf32, #tpu.memory_space<hbm>> -> memref<1x64xf32, #tpu.memory_space<hbm>>
    tpu.wait_dma2 semaphore(%arg16 : memref<!tpu.dma_semaphore, #tpu.memory_space<semaphore_mem>>) src(%dma_wait3A_1237 : memref<1x64xf32, #tpu.memory_space<hbm>>) dst(%dma_wait3A_1235 : memref<1x64xf32, #tpu.memory_space<vmem>>)
    %dma_wait3A_1238 = arith.constant 7 : i32
    %dma_wait3A_1239 = arith.constant 0 : i32
    %dma_wait3A_1240 = tpu.memref_slice %arg13[%dma_wait3A_1238, %dma_wait3A_1239] : memref<32x64xf32, #tpu.memory_space<vmem>> -> memref<1x64xf32, #tpu.memory_space<vmem>>
    %dma_wait3A_1241 = arith.constant 0 : i32
    %dma_wait3A_1242 = tpu.memref_slice %arg2[%squeeze3A_87, %dma_wait3A_1241] : memref<100501x64xf32, #tpu.memory_space<hbm>> -> memref<1x64xf32, #tpu.memory_space<hbm>>
    %dma_wait3A_1243 = arith.constant 7 : i32
    %dma_wait3A_1244 = arith.constant 0 : i32
    %dma_wait3A_1245 = tpu.memref_slice %arg13[%dma_wait3A_1243, %dma_wait3A_1244] : memref<32x64xf32, #tpu.memory_space<vmem>> -> memref<1x64xf32, #tpu.memory_space<vmem>>
    %dma_wait3A_1246 = arith.constant 0 : i32
    %dma_wait3A_1247 = tpu.memref_slice %arg2[%squeeze3A_87, %dma_wait3A_1246] : memref<100501x64xf32, #tpu.memory_space<hbm>> -> memref<1x64xf32, #tpu.memory_space<hbm>>
    tpu.wait_dma2 semaphore(%arg16 : memref<!tpu.dma_semaphore, #tpu.memory_space<semaphore_mem>>) src(%dma_wait3A_1247 : memref<1x64xf32, #tpu.memory_space<hbm>>) dst(%dma_wait3A_1245 : memref<1x64xf32, #tpu.memory_space<vmem>>)
    %dma_wait3A_1248 = arith.constant 8 : i32
    %dma_wait3A_1249 = arith.constant 0 : i32
    %dma_wait3A_1250 = tpu.memref_slice %arg13[%dma_wait3A_1248, %dma_wait3A_1249] : memref<32x64xf32, #tpu.memory_space<vmem>> -> memref<1x64xf32, #tpu.memory_space<vmem>>
    %dma_wait3A_1251 = arith.constant 0 : i32
    %dma_wait3A_1252 = tpu.memref_slice %arg2[%squeeze3A_99, %dma_wait3A_1251] : memref<100501x64xf32, #tpu.memory_space<hbm>> -> memref<1x64xf32, #tpu.memory_space<hbm>>
    %dma_wait3A_1253 = arith.constant 8 : i32
    %dma_wait3A_1254 = arith.constant 0 : i32
    %dma_wait3A_1255 = tpu.memref_slice %arg13[%dma_wait3A_1253, %dma_wait3A_1254] : memref<32x64xf32, #tpu.memory_space<vmem>> -> memref<1x64xf32, #tpu.memory_space<vmem>>
    %dma_wait3A_1256 = arith.constant 0 : i32
    %dma_wait3A_1257 = tpu.memref_slice %arg2[%squeeze3A_99, %dma_wait3A_1256] : memref<100501x64xf32, #tpu.memory_space<hbm>> -> memref<1x64xf32, #tpu.memory_space<hbm>>
    tpu.wait_dma2 semaphore(%arg16 : memref<!tpu.dma_semaphore, #tpu.memory_space<semaphore_mem>>) src(%dma_wait3A_1257 : memref<1x64xf32, #tpu.memory_space<hbm>>) dst(%dma_wait3A_1255 : memref<1x64xf32, #tpu.memory_space<vmem>>)
    %dma_wait3A_1258 = arith.constant 9 : i32
    %dma_wait3A_1259 = arith.constant 0 : i32
    %dma_wait3A_1260 = tpu.memref_slice %arg13[%dma_wait3A_1258, %dma_wait3A_1259] : memref<32x64xf32, #tpu.memory_space<vmem>> -> memref<1x64xf32, #tpu.memory_space<vmem>>
    %dma_wait3A_1261 = arith.constant 0 : i32
    %dma_wait3A_1262 = tpu.memref_slice %arg2[%squeeze3A_111, %dma_wait3A_1261] : memref<100501x64xf32, #tpu.memory_space<hbm>> -> memref<1x64xf32, #tpu.memory_space<hbm>>
    %dma_wait3A_1263 = arith.constant 9 : i32
    %dma_wait3A_1264 = arith.constant 0 : i32
    %dma_wait3A_1265 = tpu.memref_slice %arg13[%dma_wait3A_1263, %dma_wait3A_1264] : memref<32x64xf32, #tpu.memory_space<vmem>> -> memref<1x64xf32, #tpu.memory_space<vmem>>
    %dma_wait3A_1266 = arith.constant 0 : i32
    %dma_wait3A_1267 = tpu.memref_slice %arg2[%squeeze3A_111, %dma_wait3A_1266] : memref<100501x64xf32, #tpu.memory_space<hbm>> -> memref<1x64xf32, #tpu.memory_space<hbm>>
    tpu.wait_dma2 semaphore(%arg16 : memref<!tpu.dma_semaphore, #tpu.memory_space<semaphore_mem>>) src(%dma_wait3A_1267 : memref<1x64xf32, #tpu.memory_space<hbm>>) dst(%dma_wait3A_1265 : memref<1x64xf32, #tpu.memory_space<vmem>>)
    %dma_wait3A_1268 = arith.constant 10 : i32
    %dma_wait3A_1269 = arith.constant 0 : i32
    %dma_wait3A_1270 = tpu.memref_slice %arg13[%dma_wait3A_1268, %dma_wait3A_1269] : memref<32x64xf32, #tpu.memory_space<vmem>> -> memref<1x64xf32, #tpu.memory_space<vmem>>
    %dma_wait3A_1271 = arith.constant 0 : i32
    %dma_wait3A_1272 = tpu.memref_slice %arg2[%squeeze3A_123, %dma_wait3A_1271] : memref<100501x64xf32, #tpu.memory_space<hbm>> -> memref<1x64xf32, #tpu.memory_space<hbm>>
    %dma_wait3A_1273 = arith.constant 10 : i32
    %dma_wait3A_1274 = arith.constant 0 : i32
    %dma_wait3A_1275 = tpu.memref_slice %arg13[%dma_wait3A_1273, %dma_wait3A_1274] : memref<32x64xf32, #tpu.memory_space<vmem>> -> memref<1x64xf32, #tpu.memory_space<vmem>>
    %dma_wait3A_1276 = arith.constant 0 : i32
    %dma_wait3A_1277 = tpu.memref_slice %arg2[%squeeze3A_123, %dma_wait3A_1276] : memref<100501x64xf32, #tpu.memory_space<hbm>> -> memref<1x64xf32, #tpu.memory_space<hbm>>
    tpu.wait_dma2 semaphore(%arg16 : memref<!tpu.dma_semaphore, #tpu.memory_space<semaphore_mem>>) src(%dma_wait3A_1277 : memref<1x64xf32, #tpu.memory_space<hbm>>) dst(%dma_wait3A_1275 : memref<1x64xf32, #tpu.memory_space<vmem>>)
    %dma_wait3A_1278 = arith.constant 11 : i32
    %dma_wait3A_1279 = arith.constant 0 : i32
    %dma_wait3A_1280 = tpu.memref_slice %arg13[%dma_wait3A_1278, %dma_wait3A_1279] : memref<32x64xf32, #tpu.memory_space<vmem>> -> memref<1x64xf32, #tpu.memory_space<vmem>>
    %dma_wait3A_1281 = arith.constant 0 : i32
    %dma_wait3A_1282 = tpu.memref_slice %arg2[%squeeze3A_135, %dma_wait3A_1281] : memref<100501x64xf32, #tpu.memory_space<hbm>> -> memref<1x64xf32, #tpu.memory_space<hbm>>
    %dma_wait3A_1283 = arith.constant 11 : i32
    %dma_wait3A_1284 = arith.constant 0 : i32
    %dma_wait3A_1285 = tpu.memref_slice %arg13[%dma_wait3A_1283, %dma_wait3A_1284] : memref<32x64xf32, #tpu.memory_space<vmem>> -> memref<1x64xf32, #tpu.memory_space<vmem>>
    %dma_wait3A_1286 = arith.constant 0 : i32
    %dma_wait3A_1287 = tpu.memref_slice %arg2[%squeeze3A_135, %dma_wait3A_1286] : memref<100501x64xf32, #tpu.memory_space<hbm>> -> memref<1x64xf32, #tpu.memory_space<hbm>>
    tpu.wait_dma2 semaphore(%arg16 : memref<!tpu.dma_semaphore, #tpu.memory_space<semaphore_mem>>) src(%dma_wait3A_1287 : memref<1x64xf32, #tpu.memory_space<hbm>>) dst(%dma_wait3A_1285 : memref<1x64xf32, #tpu.memory_space<vmem>>)
    %dma_wait3A_1288 = arith.constant 12 : i32
    %dma_wait3A_1289 = arith.constant 0 : i32
    %dma_wait3A_1290 = tpu.memref_slice %arg13[%dma_wait3A_1288, %dma_wait3A_1289] : memref<32x64xf32, #tpu.memory_space<vmem>> -> memref<1x64xf32, #tpu.memory_space<vmem>>
    %dma_wait3A_1291 = arith.constant 0 : i32
    %dma_wait3A_1292 = tpu.memref_slice %arg2[%squeeze3A_147, %dma_wait3A_1291] : memref<100501x64xf32, #tpu.memory_space<hbm>> -> memref<1x64xf32, #tpu.memory_space<hbm>>
    %dma_wait3A_1293 = arith.constant 12 : i32
    %dma_wait3A_1294 = arith.constant 0 : i32
    %dma_wait3A_1295 = tpu.memref_slice %arg13[%dma_wait3A_1293, %dma_wait3A_1294] : memref<32x64xf32, #tpu.memory_space<vmem>> -> memref<1x64xf32, #tpu.memory_space<vmem>>
    %dma_wait3A_1296 = arith.constant 0 : i32
    %dma_wait3A_1297 = tpu.memref_slice %arg2[%squeeze3A_147, %dma_wait3A_1296] : memref<100501x64xf32, #tpu.memory_space<hbm>> -> memref<1x64xf32, #tpu.memory_space<hbm>>
    tpu.wait_dma2 semaphore(%arg16 : memref<!tpu.dma_semaphore, #tpu.memory_space<semaphore_mem>>) src(%dma_wait3A_1297 : memref<1x64xf32, #tpu.memory_space<hbm>>) dst(%dma_wait3A_1295 : memref<1x64xf32, #tpu.memory_space<vmem>>)
    %dma_wait3A_1298 = arith.constant 13 : i32
    %dma_wait3A_1299 = arith.constant 0 : i32
    %dma_wait3A_1300 = tpu.memref_slice %arg13[%dma_wait3A_1298, %dma_wait3A_1299] : memref<32x64xf32, #tpu.memory_space<vmem>> -> memref<1x64xf32, #tpu.memory_space<vmem>>
    %dma_wait3A_1301 = arith.constant 0 : i32
    %dma_wait3A_1302 = tpu.memref_slice %arg2[%squeeze3A_159, %dma_wait3A_1301] : memref<100501x64xf32, #tpu.memory_space<hbm>> -> memref<1x64xf32, #tpu.memory_space<hbm>>
    %dma_wait3A_1303 = arith.constant 13 : i32
    %dma_wait3A_1304 = arith.constant 0 : i32
    %dma_wait3A_1305 = tpu.memref_slice %arg13[%dma_wait3A_1303, %dma_wait3A_1304] : memref<32x64xf32, #tpu.memory_space<vmem>> -> memref<1x64xf32, #tpu.memory_space<vmem>>
    %dma_wait3A_1306 = arith.constant 0 : i32
    %dma_wait3A_1307 = tpu.memref_slice %arg2[%squeeze3A_159, %dma_wait3A_1306] : memref<100501x64xf32, #tpu.memory_space<hbm>> -> memref<1x64xf32, #tpu.memory_space<hbm>>
    tpu.wait_dma2 semaphore(%arg16 : memref<!tpu.dma_semaphore, #tpu.memory_space<semaphore_mem>>) src(%dma_wait3A_1307 : memref<1x64xf32, #tpu.memory_space<hbm>>) dst(%dma_wait3A_1305 : memref<1x64xf32, #tpu.memory_space<vmem>>)
    %dma_wait3A_1308 = arith.constant 14 : i32
    %dma_wait3A_1309 = arith.constant 0 : i32
    %dma_wait3A_1310 = tpu.memref_slice %arg13[%dma_wait3A_1308, %dma_wait3A_1309] : memref<32x64xf32, #tpu.memory_space<vmem>> -> memref<1x64xf32, #tpu.memory_space<vmem>>
    %dma_wait3A_1311 = arith.constant 0 : i32
    %dma_wait3A_1312 = tpu.memref_slice %arg2[%squeeze3A_171, %dma_wait3A_1311] : memref<100501x64xf32, #tpu.memory_space<hbm>> -> memref<1x64xf32, #tpu.memory_space<hbm>>
    %dma_wait3A_1313 = arith.constant 14 : i32
    %dma_wait3A_1314 = arith.constant 0 : i32
    %dma_wait3A_1315 = tpu.memref_slice %arg13[%dma_wait3A_1313, %dma_wait3A_1314] : memref<32x64xf32, #tpu.memory_space<vmem>> -> memref<1x64xf32, #tpu.memory_space<vmem>>
    %dma_wait3A_1316 = arith.constant 0 : i32
    %dma_wait3A_1317 = tpu.memref_slice %arg2[%squeeze3A_171, %dma_wait3A_1316] : memref<100501x64xf32, #tpu.memory_space<hbm>> -> memref<1x64xf32, #tpu.memory_space<hbm>>
    tpu.wait_dma2 semaphore(%arg16 : memref<!tpu.dma_semaphore, #tpu.memory_space<semaphore_mem>>) src(%dma_wait3A_1317 : memref<1x64xf32, #tpu.memory_space<hbm>>) dst(%dma_wait3A_1315 : memref<1x64xf32, #tpu.memory_space<vmem>>)
    %dma_wait3A_1318 = arith.constant 15 : i32
    %dma_wait3A_1319 = arith.constant 0 : i32
    %dma_wait3A_1320 = tpu.memref_slice %arg13[%dma_wait3A_1318, %dma_wait3A_1319] : memref<32x64xf32, #tpu.memory_space<vmem>> -> memref<1x64xf32, #tpu.memory_space<vmem>>
    %dma_wait3A_1321 = arith.constant 0 : i32
    %dma_wait3A_1322 = tpu.memref_slice %arg2[%squeeze3A_183, %dma_wait3A_1321] : memref<100501x64xf32, #tpu.memory_space<hbm>> -> memref<1x64xf32, #tpu.memory_space<hbm>>
    %dma_wait3A_1323 = arith.constant 15 : i32
    %dma_wait3A_1324 = arith.constant 0 : i32
    %dma_wait3A_1325 = tpu.memref_slice %arg13[%dma_wait3A_1323, %dma_wait3A_1324] : memref<32x64xf32, #tpu.memory_space<vmem>> -> memref<1x64xf32, #tpu.memory_space<vmem>>
    %dma_wait3A_1326 = arith.constant 0 : i32
    %dma_wait3A_1327 = tpu.memref_slice %arg2[%squeeze3A_183, %dma_wait3A_1326] : memref<100501x64xf32, #tpu.memory_space<hbm>> -> memref<1x64xf32, #tpu.memory_space<hbm>>
    tpu.wait_dma2 semaphore(%arg16 : memref<!tpu.dma_semaphore, #tpu.memory_space<semaphore_mem>>) src(%dma_wait3A_1327 : memref<1x64xf32, #tpu.memory_space<hbm>>) dst(%dma_wait3A_1325 : memref<1x64xf32, #tpu.memory_space<vmem>>)
    %dma_wait3A_1328 = arith.constant 16 : i32
    %dma_wait3A_1329 = arith.constant 0 : i32
    %dma_wait3A_1330 = tpu.memref_slice %arg13[%dma_wait3A_1328, %dma_wait3A_1329] : memref<32x64xf32, #tpu.memory_space<vmem>> -> memref<1x64xf32, #tpu.memory_space<vmem>>
    %dma_wait3A_1331 = arith.constant 0 : i32
    %dma_wait3A_1332 = tpu.memref_slice %arg2[%squeeze3A_198, %dma_wait3A_1331] : memref<100501x64xf32, #tpu.memory_space<hbm>> -> memref<1x64xf32, #tpu.memory_space<hbm>>
    %dma_wait3A_1333 = arith.constant 16 : i32
    %dma_wait3A_1334 = arith.constant 0 : i32
    %dma_wait3A_1335 = tpu.memref_slice %arg13[%dma_wait3A_1333, %dma_wait3A_1334] : memref<32x64xf32, #tpu.memory_space<vmem>> -> memref<1x64xf32, #tpu.memory_space<vmem>>
    %dma_wait3A_1336 = arith.constant 0 : i32
    %dma_wait3A_1337 = tpu.memref_slice %arg2[%squeeze3A_198, %dma_wait3A_1336] : memref<100501x64xf32, #tpu.memory_space<hbm>> -> memref<1x64xf32, #tpu.memory_space<hbm>>
    tpu.wait_dma2 semaphore(%arg16 : memref<!tpu.dma_semaphore, #tpu.memory_space<semaphore_mem>>) src(%dma_wait3A_1337 : memref<1x64xf32, #tpu.memory_space<hbm>>) dst(%dma_wait3A_1335 : memref<1x64xf32, #tpu.memory_space<vmem>>)
    %dma_wait3A_1338 = arith.constant 17 : i32
    %dma_wait3A_1339 = arith.constant 0 : i32
    %dma_wait3A_1340 = tpu.memref_slice %arg13[%dma_wait3A_1338, %dma_wait3A_1339] : memref<32x64xf32, #tpu.memory_space<vmem>> -> memref<1x64xf32, #tpu.memory_space<vmem>>
    %dma_wait3A_1341 = arith.constant 0 : i32
    %dma_wait3A_1342 = tpu.memref_slice %arg2[%squeeze3A_210, %dma_wait3A_1341] : memref<100501x64xf32, #tpu.memory_space<hbm>> -> memref<1x64xf32, #tpu.memory_space<hbm>>
    %dma_wait3A_1343 = arith.constant 17 : i32
    %dma_wait3A_1344 = arith.constant 0 : i32
    %dma_wait3A_1345 = tpu.memref_slice %arg13[%dma_wait3A_1343, %dma_wait3A_1344] : memref<32x64xf32, #tpu.memory_space<vmem>> -> memref<1x64xf32, #tpu.memory_space<vmem>>
    %dma_wait3A_1346 = arith.constant 0 : i32
    %dma_wait3A_1347 = tpu.memref_slice %arg2[%squeeze3A_210, %dma_wait3A_1346] : memref<100501x64xf32, #tpu.memory_space<hbm>> -> memref<1x64xf32, #tpu.memory_space<hbm>>
    tpu.wait_dma2 semaphore(%arg16 : memref<!tpu.dma_semaphore, #tpu.memory_space<semaphore_mem>>) src(%dma_wait3A_1347 : memref<1x64xf32, #tpu.memory_space<hbm>>) dst(%dma_wait3A_1345 : memref<1x64xf32, #tpu.memory_space<vmem>>)
    %dma_wait3A_1348 = arith.constant 18 : i32
    %dma_wait3A_1349 = arith.constant 0 : i32
    %dma_wait3A_1350 = tpu.memref_slice %arg13[%dma_wait3A_1348, %dma_wait3A_1349] : memref<32x64xf32, #tpu.memory_space<vmem>> -> memref<1x64xf32, #tpu.memory_space<vmem>>
    %dma_wait3A_1351 = arith.constant 0 : i32
    %dma_wait3A_1352 = tpu.memref_slice %arg2[%squeeze3A_222, %dma_wait3A_1351] : memref<100501x64xf32, #tpu.memory_space<hbm>> -> memref<1x64xf32, #tpu.memory_space<hbm>>
    %dma_wait3A_1353 = arith.constant 18 : i32
    %dma_wait3A_1354 = arith.constant 0 : i32
    %dma_wait3A_1355 = tpu.memref_slice %arg13[%dma_wait3A_1353, %dma_wait3A_1354] : memref<32x64xf32, #tpu.memory_space<vmem>> -> memref<1x64xf32, #tpu.memory_space<vmem>>
    %dma_wait3A_1356 = arith.constant 0 : i32
    %dma_wait3A_1357 = tpu.memref_slice %arg2[%squeeze3A_222, %dma_wait3A_1356] : memref<100501x64xf32, #tpu.memory_space<hbm>> -> memref<1x64xf32, #tpu.memory_space<hbm>>
    tpu.wait_dma2 semaphore(%arg16 : memref<!tpu.dma_semaphore, #tpu.memory_space<semaphore_mem>>) src(%dma_wait3A_1357 : memref<1x64xf32, #tpu.memory_space<hbm>>) dst(%dma_wait3A_1355 : memref<1x64xf32, #tpu.memory_space<vmem>>)
    %dma_wait3A_1358 = arith.constant 19 : i32
    %dma_wait3A_1359 = arith.constant 0 : i32
    %dma_wait3A_1360 = tpu.memref_slice %arg13[%dma_wait3A_1358, %dma_wait3A_1359] : memref<32x64xf32, #tpu.memory_space<vmem>> -> memref<1x64xf32, #tpu.memory_space<vmem>>
    %dma_wait3A_1361 = arith.constant 0 : i32
    %dma_wait3A_1362 = tpu.memref_slice %arg2[%squeeze3A_234, %dma_wait3A_1361] : memref<100501x64xf32, #tpu.memory_space<hbm>> -> memref<1x64xf32, #tpu.memory_space<hbm>>
    %dma_wait3A_1363 = arith.constant 19 : i32
    %dma_wait3A_1364 = arith.constant 0 : i32
    %dma_wait3A_1365 = tpu.memref_slice %arg13[%dma_wait3A_1363, %dma_wait3A_1364] : memref<32x64xf32, #tpu.memory_space<vmem>> -> memref<1x64xf32, #tpu.memory_space<vmem>>
    %dma_wait3A_1366 = arith.constant 0 : i32
    %dma_wait3A_1367 = tpu.memref_slice %arg2[%squeeze3A_234, %dma_wait3A_1366] : memref<100501x64xf32, #tpu.memory_space<hbm>> -> memref<1x64xf32, #tpu.memory_space<hbm>>
    tpu.wait_dma2 semaphore(%arg16 : memref<!tpu.dma_semaphore, #tpu.memory_space<semaphore_mem>>) src(%dma_wait3A_1367 : memref<1x64xf32, #tpu.memory_space<hbm>>) dst(%dma_wait3A_1365 : memref<1x64xf32, #tpu.memory_space<vmem>>)
    %dma_wait3A_1368 = arith.constant 20 : i32
    %dma_wait3A_1369 = arith.constant 0 : i32
    %dma_wait3A_1370 = tpu.memref_slice %arg13[%dma_wait3A_1368, %dma_wait3A_1369] : memref<32x64xf32, #tpu.memory_space<vmem>> -> memref<1x64xf32, #tpu.memory_space<vmem>>
    %dma_wait3A_1371 = arith.constant 0 : i32
    %dma_wait3A_1372 = tpu.memref_slice %arg2[%squeeze3A_246, %dma_wait3A_1371] : memref<100501x64xf32, #tpu.memory_space<hbm>> -> memref<1x64xf32, #tpu.memory_space<hbm>>
    %dma_wait3A_1373 = arith.constant 20 : i32
    %dma_wait3A_1374 = arith.constant 0 : i32
    %dma_wait3A_1375 = tpu.memref_slice %arg13[%dma_wait3A_1373, %dma_wait3A_1374] : memref<32x64xf32, #tpu.memory_space<vmem>> -> memref<1x64xf32, #tpu.memory_space<vmem>>
    %dma_wait3A_1376 = arith.constant 0 : i32
    %dma_wait3A_1377 = tpu.memref_slice %arg2[%squeeze3A_246, %dma_wait3A_1376] : memref<100501x64xf32, #tpu.memory_space<hbm>> -> memref<1x64xf32, #tpu.memory_space<hbm>>
    tpu.wait_dma2 semaphore(%arg16 : memref<!tpu.dma_semaphore, #tpu.memory_space<semaphore_mem>>) src(%dma_wait3A_1377 : memref<1x64xf32, #tpu.memory_space<hbm>>) dst(%dma_wait3A_1375 : memref<1x64xf32, #tpu.memory_space<vmem>>)
    %dma_wait3A_1378 = arith.constant 21 : i32
    %dma_wait3A_1379 = arith.constant 0 : i32
    %dma_wait3A_1380 = tpu.memref_slice %arg13[%dma_wait3A_1378, %dma_wait3A_1379] : memref<32x64xf32, #tpu.memory_space<vmem>> -> memref<1x64xf32, #tpu.memory_space<vmem>>
    %dma_wait3A_1381 = arith.constant 0 : i32
    %dma_wait3A_1382 = tpu.memref_slice %arg2[%squeeze3A_258, %dma_wait3A_1381] : memref<100501x64xf32, #tpu.memory_space<hbm>> -> memref<1x64xf32, #tpu.memory_space<hbm>>
    %dma_wait3A_1383 = arith.constant 21 : i32
    %dma_wait3A_1384 = arith.constant 0 : i32
    %dma_wait3A_1385 = tpu.memref_slice %arg13[%dma_wait3A_1383, %dma_wait3A_1384] : memref<32x64xf32, #tpu.memory_space<vmem>> -> memref<1x64xf32, #tpu.memory_space<vmem>>
    %dma_wait3A_1386 = arith.constant 0 : i32
    %dma_wait3A_1387 = tpu.memref_slice %arg2[%squeeze3A_258, %dma_wait3A_1386] : memref<100501x64xf32, #tpu.memory_space<hbm>> -> memref<1x64xf32, #tpu.memory_space<hbm>>
    tpu.wait_dma2 semaphore(%arg16 : memref<!tpu.dma_semaphore, #tpu.memory_space<semaphore_mem>>) src(%dma_wait3A_1387 : memref<1x64xf32, #tpu.memory_space<hbm>>) dst(%dma_wait3A_1385 : memref<1x64xf32, #tpu.memory_space<vmem>>)
    %dma_wait3A_1388 = arith.constant 22 : i32
    %dma_wait3A_1389 = arith.constant 0 : i32
    %dma_wait3A_1390 = tpu.memref_slice %arg13[%dma_wait3A_1388, %dma_wait3A_1389] : memref<32x64xf32, #tpu.memory_space<vmem>> -> memref<1x64xf32, #tpu.memory_space<vmem>>
    %dma_wait3A_1391 = arith.constant 0 : i32
    %dma_wait3A_1392 = tpu.memref_slice %arg2[%squeeze3A_270, %dma_wait3A_1391] : memref<100501x64xf32, #tpu.memory_space<hbm>> -> memref<1x64xf32, #tpu.memory_space<hbm>>
    %dma_wait3A_1393 = arith.constant 22 : i32
    %dma_wait3A_1394 = arith.constant 0 : i32
    %dma_wait3A_1395 = tpu.memref_slice %arg13[%dma_wait3A_1393, %dma_wait3A_1394] : memref<32x64xf32, #tpu.memory_space<vmem>> -> memref<1x64xf32, #tpu.memory_space<vmem>>
    %dma_wait3A_1396 = arith.constant 0 : i32
    %dma_wait3A_1397 = tpu.memref_slice %arg2[%squeeze3A_270, %dma_wait3A_1396] : memref<100501x64xf32, #tpu.memory_space<hbm>> -> memref<1x64xf32, #tpu.memory_space<hbm>>
    tpu.wait_dma2 semaphore(%arg16 : memref<!tpu.dma_semaphore, #tpu.memory_space<semaphore_mem>>) src(%dma_wait3A_1397 : memref<1x64xf32, #tpu.memory_space<hbm>>) dst(%dma_wait3A_1395 : memref<1x64xf32, #tpu.memory_space<vmem>>)
    %dma_wait3A_1398 = arith.constant 23 : i32
    %dma_wait3A_1399 = arith.constant 0 : i32
    %dma_wait3A_1400 = tpu.memref_slice %arg13[%dma_wait3A_1398, %dma_wait3A_1399] : memref<32x64xf32, #tpu.memory_space<vmem>> -> memref<1x64xf32, #tpu.memory_space<vmem>>
    %dma_wait3A_1401 = arith.constant 0 : i32
    %dma_wait3A_1402 = tpu.memref_slice %arg2[%squeeze3A_282, %dma_wait3A_1401] : memref<100501x64xf32, #tpu.memory_space<hbm>> -> memref<1x64xf32, #tpu.memory_space<hbm>>
    %dma_wait3A_1403 = arith.constant 23 : i32
    %dma_wait3A_1404 = arith.constant 0 : i32
    %dma_wait3A_1405 = tpu.memref_slice %arg13[%dma_wait3A_1403, %dma_wait3A_1404] : memref<32x64xf32, #tpu.memory_space<vmem>> -> memref<1x64xf32, #tpu.memory_space<vmem>>
    %dma_wait3A_1406 = arith.constant 0 : i32
    %dma_wait3A_1407 = tpu.memref_slice %arg2[%squeeze3A_282, %dma_wait3A_1406] : memref<100501x64xf32, #tpu.memory_space<hbm>> -> memref<1x64xf32, #tpu.memory_space<hbm>>
    tpu.wait_dma2 semaphore(%arg16 : memref<!tpu.dma_semaphore, #tpu.memory_space<semaphore_mem>>) src(%dma_wait3A_1407 : memref<1x64xf32, #tpu.memory_space<hbm>>) dst(%dma_wait3A_1405 : memref<1x64xf32, #tpu.memory_space<vmem>>)
    %dma_wait3A_1408 = arith.constant 24 : i32
    %dma_wait3A_1409 = arith.constant 0 : i32
    %dma_wait3A_1410 = tpu.memref_slice %arg13[%dma_wait3A_1408, %dma_wait3A_1409] : memref<32x64xf32, #tpu.memory_space<vmem>> -> memref<1x64xf32, #tpu.memory_space<vmem>>
    %dma_wait3A_1411 = arith.constant 0 : i32
    %dma_wait3A_1412 = tpu.memref_slice %arg2[%squeeze3A_294, %dma_wait3A_1411] : memref<100501x64xf32, #tpu.memory_space<hbm>> -> memref<1x64xf32, #tpu.memory_space<hbm>>
    %dma_wait3A_1413 = arith.constant 24 : i32
    %dma_wait3A_1414 = arith.constant 0 : i32
    %dma_wait3A_1415 = tpu.memref_slice %arg13[%dma_wait3A_1413, %dma_wait3A_1414] : memref<32x64xf32, #tpu.memory_space<vmem>> -> memref<1x64xf32, #tpu.memory_space<vmem>>
    %dma_wait3A_1416 = arith.constant 0 : i32
    %dma_wait3A_1417 = tpu.memref_slice %arg2[%squeeze3A_294, %dma_wait3A_1416] : memref<100501x64xf32, #tpu.memory_space<hbm>> -> memref<1x64xf32, #tpu.memory_space<hbm>>
    tpu.wait_dma2 semaphore(%arg16 : memref<!tpu.dma_semaphore, #tpu.memory_space<semaphore_mem>>) src(%dma_wait3A_1417 : memref<1x64xf32, #tpu.memory_space<hbm>>) dst(%dma_wait3A_1415 : memref<1x64xf32, #tpu.memory_space<vmem>>)
    %dma_wait3A_1418 = arith.constant 25 : i32
    %dma_wait3A_1419 = arith.constant 0 : i32
    %dma_wait3A_1420 = tpu.memref_slice %arg13[%dma_wait3A_1418, %dma_wait3A_1419] : memref<32x64xf32, #tpu.memory_space<vmem>> -> memref<1x64xf32, #tpu.memory_space<vmem>>
    %dma_wait3A_1421 = arith.constant 0 : i32
    %dma_wait3A_1422 = tpu.memref_slice %arg2[%squeeze3A_306, %dma_wait3A_1421] : memref<100501x64xf32, #tpu.memory_space<hbm>> -> memref<1x64xf32, #tpu.memory_space<hbm>>
    %dma_wait3A_1423 = arith.constant 25 : i32
    %dma_wait3A_1424 = arith.constant 0 : i32
    %dma_wait3A_1425 = tpu.memref_slice %arg13[%dma_wait3A_1423, %dma_wait3A_1424] : memref<32x64xf32, #tpu.memory_space<vmem>> -> memref<1x64xf32, #tpu.memory_space<vmem>>
    %dma_wait3A_1426 = arith.constant 0 : i32
    %dma_wait3A_1427 = tpu.memref_slice %arg2[%squeeze3A_306, %dma_wait3A_1426] : memref<100501x64xf32, #tpu.memory_space<hbm>> -> memref<1x64xf32, #tpu.memory_space<hbm>>
    tpu.wait_dma2 semaphore(%arg16 : memref<!tpu.dma_semaphore, #tpu.memory_space<semaphore_mem>>) src(%dma_wait3A_1427 : memref<1x64xf32, #tpu.memory_space<hbm>>) dst(%dma_wait3A_1425 : memref<1x64xf32, #tpu.memory_space<vmem>>)
    %dma_wait3A_1428 = arith.constant 26 : i32
    %dma_wait3A_1429 = arith.constant 0 : i32
    %dma_wait3A_1430 = tpu.memref_slice %arg13[%dma_wait3A_1428, %dma_wait3A_1429] : memref<32x64xf32, #tpu.memory_space<vmem>> -> memref<1x64xf32, #tpu.memory_space<vmem>>
    %dma_wait3A_1431 = arith.constant 0 : i32
    %dma_wait3A_1432 = tpu.memref_slice %arg2[%squeeze3A_318, %dma_wait3A_1431] : memref<100501x64xf32, #tpu.memory_space<hbm>> -> memref<1x64xf32, #tpu.memory_space<hbm>>
    %dma_wait3A_1433 = arith.constant 26 : i32
    %dma_wait3A_1434 = arith.constant 0 : i32
    %dma_wait3A_1435 = tpu.memref_slice %arg13[%dma_wait3A_1433, %dma_wait3A_1434] : memref<32x64xf32, #tpu.memory_space<vmem>> -> memref<1x64xf32, #tpu.memory_space<vmem>>
    %dma_wait3A_1436 = arith.constant 0 : i32
    %dma_wait3A_1437 = tpu.memref_slice %arg2[%squeeze3A_318, %dma_wait3A_1436] : memref<100501x64xf32, #tpu.memory_space<hbm>> -> memref<1x64xf32, #tpu.memory_space<hbm>>
    tpu.wait_dma2 semaphore(%arg16 : memref<!tpu.dma_semaphore, #tpu.memory_space<semaphore_mem>>) src(%dma_wait3A_1437 : memref<1x64xf32, #tpu.memory_space<hbm>>) dst(%dma_wait3A_1435 : memref<1x64xf32, #tpu.memory_space<vmem>>)
    %dma_wait3A_1438 = arith.constant 27 : i32
    %dma_wait3A_1439 = arith.constant 0 : i32
    %dma_wait3A_1440 = tpu.memref_slice %arg13[%dma_wait3A_1438, %dma_wait3A_1439] : memref<32x64xf32, #tpu.memory_space<vmem>> -> memref<1x64xf32, #tpu.memory_space<vmem>>
    %dma_wait3A_1441 = arith.constant 0 : i32
    %dma_wait3A_1442 = tpu.memref_slice %arg2[%squeeze3A_330, %dma_wait3A_1441] : memref<100501x64xf32, #tpu.memory_space<hbm>> -> memref<1x64xf32, #tpu.memory_space<hbm>>
    %dma_wait3A_1443 = arith.constant 27 : i32
    %dma_wait3A_1444 = arith.constant 0 : i32
    %dma_wait3A_1445 = tpu.memref_slice %arg13[%dma_wait3A_1443, %dma_wait3A_1444] : memref<32x64xf32, #tpu.memory_space<vmem>> -> memref<1x64xf32, #tpu.memory_space<vmem>>
    %dma_wait3A_1446 = arith.constant 0 : i32
    %dma_wait3A_1447 = tpu.memref_slice %arg2[%squeeze3A_330, %dma_wait3A_1446] : memref<100501x64xf32, #tpu.memory_space<hbm>> -> memref<1x64xf32, #tpu.memory_space<hbm>>
    tpu.wait_dma2 semaphore(%arg16 : memref<!tpu.dma_semaphore, #tpu.memory_space<semaphore_mem>>) src(%dma_wait3A_1447 : memref<1x64xf32, #tpu.memory_space<hbm>>) dst(%dma_wait3A_1445 : memref<1x64xf32, #tpu.memory_space<vmem>>)
    %dma_wait3A_1448 = arith.constant 28 : i32
    %dma_wait3A_1449 = arith.constant 0 : i32
    %dma_wait3A_1450 = tpu.memref_slice %arg13[%dma_wait3A_1448, %dma_wait3A_1449] : memref<32x64xf32, #tpu.memory_space<vmem>> -> memref<1x64xf32, #tpu.memory_space<vmem>>
    %dma_wait3A_1451 = arith.constant 0 : i32
    %dma_wait3A_1452 = tpu.memref_slice %arg2[%squeeze3A_342, %dma_wait3A_1451] : memref<100501x64xf32, #tpu.memory_space<hbm>> -> memref<1x64xf32, #tpu.memory_space<hbm>>
    %dma_wait3A_1453 = arith.constant 28 : i32
    %dma_wait3A_1454 = arith.constant 0 : i32
    %dma_wait3A_1455 = tpu.memref_slice %arg13[%dma_wait3A_1453, %dma_wait3A_1454] : memref<32x64xf32, #tpu.memory_space<vmem>> -> memref<1x64xf32, #tpu.memory_space<vmem>>
    %dma_wait3A_1456 = arith.constant 0 : i32
    %dma_wait3A_1457 = tpu.memref_slice %arg2[%squeeze3A_342, %dma_wait3A_1456] : memref<100501x64xf32, #tpu.memory_space<hbm>> -> memref<1x64xf32, #tpu.memory_space<hbm>>
    tpu.wait_dma2 semaphore(%arg16 : memref<!tpu.dma_semaphore, #tpu.memory_space<semaphore_mem>>) src(%dma_wait3A_1457 : memref<1x64xf32, #tpu.memory_space<hbm>>) dst(%dma_wait3A_1455 : memref<1x64xf32, #tpu.memory_space<vmem>>)
    %dma_wait3A_1458 = arith.constant 29 : i32
    %dma_wait3A_1459 = arith.constant 0 : i32
    %dma_wait3A_1460 = tpu.memref_slice %arg13[%dma_wait3A_1458, %dma_wait3A_1459] : memref<32x64xf32, #tpu.memory_space<vmem>> -> memref<1x64xf32, #tpu.memory_space<vmem>>
    %dma_wait3A_1461 = arith.constant 0 : i32
    %dma_wait3A_1462 = tpu.memref_slice %arg2[%squeeze3A_354, %dma_wait3A_1461] : memref<100501x64xf32, #tpu.memory_space<hbm>> -> memref<1x64xf32, #tpu.memory_space<hbm>>
    %dma_wait3A_1463 = arith.constant 29 : i32
    %dma_wait3A_1464 = arith.constant 0 : i32
    %dma_wait3A_1465 = tpu.memref_slice %arg13[%dma_wait3A_1463, %dma_wait3A_1464] : memref<32x64xf32, #tpu.memory_space<vmem>> -> memref<1x64xf32, #tpu.memory_space<vmem>>
    %dma_wait3A_1466 = arith.constant 0 : i32
    %dma_wait3A_1467 = tpu.memref_slice %arg2[%squeeze3A_354, %dma_wait3A_1466] : memref<100501x64xf32, #tpu.memory_space<hbm>> -> memref<1x64xf32, #tpu.memory_space<hbm>>
    tpu.wait_dma2 semaphore(%arg16 : memref<!tpu.dma_semaphore, #tpu.memory_space<semaphore_mem>>) src(%dma_wait3A_1467 : memref<1x64xf32, #tpu.memory_space<hbm>>) dst(%dma_wait3A_1465 : memref<1x64xf32, #tpu.memory_space<vmem>>)
    %dma_wait3A_1468 = arith.constant 30 : i32
    %dma_wait3A_1469 = arith.constant 0 : i32
    %dma_wait3A_1470 = tpu.memref_slice %arg13[%dma_wait3A_1468, %dma_wait3A_1469] : memref<32x64xf32, #tpu.memory_space<vmem>> -> memref<1x64xf32, #tpu.memory_space<vmem>>
    %dma_wait3A_1471 = arith.constant 0 : i32
    %dma_wait3A_1472 = tpu.memref_slice %arg2[%squeeze3A_366, %dma_wait3A_1471] : memref<100501x64xf32, #tpu.memory_space<hbm>> -> memref<1x64xf32, #tpu.memory_space<hbm>>
    %dma_wait3A_1473 = arith.constant 30 : i32
    %dma_wait3A_1474 = arith.constant 0 : i32
    %dma_wait3A_1475 = tpu.memref_slice %arg13[%dma_wait3A_1473, %dma_wait3A_1474] : memref<32x64xf32, #tpu.memory_space<vmem>> -> memref<1x64xf32, #tpu.memory_space<vmem>>
    %dma_wait3A_1476 = arith.constant 0 : i32
    %dma_wait3A_1477 = tpu.memref_slice %arg2[%squeeze3A_366, %dma_wait3A_1476] : memref<100501x64xf32, #tpu.memory_space<hbm>> -> memref<1x64xf32, #tpu.memory_space<hbm>>
    tpu.wait_dma2 semaphore(%arg16 : memref<!tpu.dma_semaphore, #tpu.memory_space<semaphore_mem>>) src(%dma_wait3A_1477 : memref<1x64xf32, #tpu.memory_space<hbm>>) dst(%dma_wait3A_1475 : memref<1x64xf32, #tpu.memory_space<vmem>>)
    %dma_wait3A_1478 = arith.constant 31 : i32
    %dma_wait3A_1479 = arith.constant 0 : i32
    %dma_wait3A_1480 = tpu.memref_slice %arg13[%dma_wait3A_1478, %dma_wait3A_1479] : memref<32x64xf32, #tpu.memory_space<vmem>> -> memref<1x64xf32, #tpu.memory_space<vmem>>
    %dma_wait3A_1481 = arith.constant 0 : i32
    %dma_wait3A_1482 = tpu.memref_slice %arg2[%squeeze3A_378, %dma_wait3A_1481] : memref<100501x64xf32, #tpu.memory_space<hbm>> -> memref<1x64xf32, #tpu.memory_space<hbm>>
    %dma_wait3A_1483 = arith.constant 31 : i32
    %dma_wait3A_1484 = arith.constant 0 : i32
    %dma_wait3A_1485 = tpu.memref_slice %arg13[%dma_wait3A_1483, %dma_wait3A_1484] : memref<32x64xf32, #tpu.memory_space<vmem>> -> memref<1x64xf32, #tpu.memory_space<vmem>>
    %dma_wait3A_1486 = arith.constant 0 : i32
    %dma_wait3A_1487 = tpu.memref_slice %arg2[%squeeze3A_378, %dma_wait3A_1486] : memref<100501x64xf32, #tpu.memory_space<hbm>> -> memref<1x64xf32, #tpu.memory_space<hbm>>
    tpu.wait_dma2 semaphore(%arg16 : memref<!tpu.dma_semaphore, #tpu.memory_space<semaphore_mem>>) src(%dma_wait3A_1487 : memref<1x64xf32, #tpu.memory_space<hbm>>) dst(%dma_wait3A_1485 : memref<1x64xf32, #tpu.memory_space<vmem>>)
    %dma_wait3A_1488 = arith.constant 0 : i32
    %dma_wait3A_1489 = arith.constant 0 : i32
    %dma_wait3A_1490 = tpu.memref_slice %arg14[%dma_wait3A_1488, %dma_wait3A_1489] : memref<32x64xf32, #tpu.memory_space<vmem>> -> memref<1x64xf32, #tpu.memory_space<vmem>>
    %dma_wait3A_1491 = arith.constant 0 : i32
    %dma_wait3A_1492 = tpu.memref_slice %arg3[%squeeze3A_393, %dma_wait3A_1491] : memref<501x64xf32, #tpu.memory_space<hbm>> -> memref<1x64xf32, #tpu.memory_space<hbm>>
    %dma_wait3A_1493 = arith.constant 0 : i32
    %dma_wait3A_1494 = arith.constant 0 : i32
    %dma_wait3A_1495 = tpu.memref_slice %arg14[%dma_wait3A_1493, %dma_wait3A_1494] : memref<32x64xf32, #tpu.memory_space<vmem>> -> memref<1x64xf32, #tpu.memory_space<vmem>>
    %dma_wait3A_1496 = arith.constant 0 : i32
    %dma_wait3A_1497 = tpu.memref_slice %arg3[%squeeze3A_393, %dma_wait3A_1496] : memref<501x64xf32, #tpu.memory_space<hbm>> -> memref<1x64xf32, #tpu.memory_space<hbm>>
    tpu.wait_dma2 semaphore(%arg16 : memref<!tpu.dma_semaphore, #tpu.memory_space<semaphore_mem>>) src(%dma_wait3A_1497 : memref<1x64xf32, #tpu.memory_space<hbm>>) dst(%dma_wait3A_1495 : memref<1x64xf32, #tpu.memory_space<vmem>>)
    %dma_wait3A_1498 = arith.constant 1 : i32
    %dma_wait3A_1499 = arith.constant 0 : i32
    %dma_wait3A_1500 = tpu.memref_slice %arg14[%dma_wait3A_1498, %dma_wait3A_1499] : memref<32x64xf32, #tpu.memory_space<vmem>> -> memref<1x64xf32, #tpu.memory_space<vmem>>
    %dma_wait3A_1501 = arith.constant 0 : i32
    %dma_wait3A_1502 = tpu.memref_slice %arg3[%squeeze3A_405, %dma_wait3A_1501] : memref<501x64xf32, #tpu.memory_space<hbm>> -> memref<1x64xf32, #tpu.memory_space<hbm>>
    %dma_wait3A_1503 = arith.constant 1 : i32
    %dma_wait3A_1504 = arith.constant 0 : i32
    %dma_wait3A_1505 = tpu.memref_slice %arg14[%dma_wait3A_1503, %dma_wait3A_1504] : memref<32x64xf32, #tpu.memory_space<vmem>> -> memref<1x64xf32, #tpu.memory_space<vmem>>
    %dma_wait3A_1506 = arith.constant 0 : i32
    %dma_wait3A_1507 = tpu.memref_slice %arg3[%squeeze3A_405, %dma_wait3A_1506] : memref<501x64xf32, #tpu.memory_space<hbm>> -> memref<1x64xf32, #tpu.memory_space<hbm>>
    tpu.wait_dma2 semaphore(%arg16 : memref<!tpu.dma_semaphore, #tpu.memory_space<semaphore_mem>>) src(%dma_wait3A_1507 : memref<1x64xf32, #tpu.memory_space<hbm>>) dst(%dma_wait3A_1505 : memref<1x64xf32, #tpu.memory_space<vmem>>)
    %dma_wait3A_1508 = arith.constant 2 : i32
    %dma_wait3A_1509 = arith.constant 0 : i32
    %dma_wait3A_1510 = tpu.memref_slice %arg14[%dma_wait3A_1508, %dma_wait3A_1509] : memref<32x64xf32, #tpu.memory_space<vmem>> -> memref<1x64xf32, #tpu.memory_space<vmem>>
    %dma_wait3A_1511 = arith.constant 0 : i32
    %dma_wait3A_1512 = tpu.memref_slice %arg3[%squeeze3A_417, %dma_wait3A_1511] : memref<501x64xf32, #tpu.memory_space<hbm>> -> memref<1x64xf32, #tpu.memory_space<hbm>>
    %dma_wait3A_1513 = arith.constant 2 : i32
    %dma_wait3A_1514 = arith.constant 0 : i32
    %dma_wait3A_1515 = tpu.memref_slice %arg14[%dma_wait3A_1513, %dma_wait3A_1514] : memref<32x64xf32, #tpu.memory_space<vmem>> -> memref<1x64xf32, #tpu.memory_space<vmem>>
    %dma_wait3A_1516 = arith.constant 0 : i32
    %dma_wait3A_1517 = tpu.memref_slice %arg3[%squeeze3A_417, %dma_wait3A_1516] : memref<501x64xf32, #tpu.memory_space<hbm>> -> memref<1x64xf32, #tpu.memory_space<hbm>>
    tpu.wait_dma2 semaphore(%arg16 : memref<!tpu.dma_semaphore, #tpu.memory_space<semaphore_mem>>) src(%dma_wait3A_1517 : memref<1x64xf32, #tpu.memory_space<hbm>>) dst(%dma_wait3A_1515 : memref<1x64xf32, #tpu.memory_space<vmem>>)
    %dma_wait3A_1518 = arith.constant 3 : i32
    %dma_wait3A_1519 = arith.constant 0 : i32
    %dma_wait3A_1520 = tpu.memref_slice %arg14[%dma_wait3A_1518, %dma_wait3A_1519] : memref<32x64xf32, #tpu.memory_space<vmem>> -> memref<1x64xf32, #tpu.memory_space<vmem>>
    %dma_wait3A_1521 = arith.constant 0 : i32
    %dma_wait3A_1522 = tpu.memref_slice %arg3[%squeeze3A_429, %dma_wait3A_1521] : memref<501x64xf32, #tpu.memory_space<hbm>> -> memref<1x64xf32, #tpu.memory_space<hbm>>
    %dma_wait3A_1523 = arith.constant 3 : i32
    %dma_wait3A_1524 = arith.constant 0 : i32
    %dma_wait3A_1525 = tpu.memref_slice %arg14[%dma_wait3A_1523, %dma_wait3A_1524] : memref<32x64xf32, #tpu.memory_space<vmem>> -> memref<1x64xf32, #tpu.memory_space<vmem>>
    %dma_wait3A_1526 = arith.constant 0 : i32
    %dma_wait3A_1527 = tpu.memref_slice %arg3[%squeeze3A_429, %dma_wait3A_1526] : memref<501x64xf32, #tpu.memory_space<hbm>> -> memref<1x64xf32, #tpu.memory_space<hbm>>
    tpu.wait_dma2 semaphore(%arg16 : memref<!tpu.dma_semaphore, #tpu.memory_space<semaphore_mem>>) src(%dma_wait3A_1527 : memref<1x64xf32, #tpu.memory_space<hbm>>) dst(%dma_wait3A_1525 : memref<1x64xf32, #tpu.memory_space<vmem>>)
    %dma_wait3A_1528 = arith.constant 4 : i32
    %dma_wait3A_1529 = arith.constant 0 : i32
    %dma_wait3A_1530 = tpu.memref_slice %arg14[%dma_wait3A_1528, %dma_wait3A_1529] : memref<32x64xf32, #tpu.memory_space<vmem>> -> memref<1x64xf32, #tpu.memory_space<vmem>>
    %dma_wait3A_1531 = arith.constant 0 : i32
    %dma_wait3A_1532 = tpu.memref_slice %arg3[%squeeze3A_441, %dma_wait3A_1531] : memref<501x64xf32, #tpu.memory_space<hbm>> -> memref<1x64xf32, #tpu.memory_space<hbm>>
    %dma_wait3A_1533 = arith.constant 4 : i32
    %dma_wait3A_1534 = arith.constant 0 : i32
    %dma_wait3A_1535 = tpu.memref_slice %arg14[%dma_wait3A_1533, %dma_wait3A_1534] : memref<32x64xf32, #tpu.memory_space<vmem>> -> memref<1x64xf32, #tpu.memory_space<vmem>>
    %dma_wait3A_1536 = arith.constant 0 : i32
    %dma_wait3A_1537 = tpu.memref_slice %arg3[%squeeze3A_441, %dma_wait3A_1536] : memref<501x64xf32, #tpu.memory_space<hbm>> -> memref<1x64xf32, #tpu.memory_space<hbm>>
    tpu.wait_dma2 semaphore(%arg16 : memref<!tpu.dma_semaphore, #tpu.memory_space<semaphore_mem>>) src(%dma_wait3A_1537 : memref<1x64xf32, #tpu.memory_space<hbm>>) dst(%dma_wait3A_1535 : memref<1x64xf32, #tpu.memory_space<vmem>>)
    %dma_wait3A_1538 = arith.constant 5 : i32
    %dma_wait3A_1539 = arith.constant 0 : i32
    %dma_wait3A_1540 = tpu.memref_slice %arg14[%dma_wait3A_1538, %dma_wait3A_1539] : memref<32x64xf32, #tpu.memory_space<vmem>> -> memref<1x64xf32, #tpu.memory_space<vmem>>
    %dma_wait3A_1541 = arith.constant 0 : i32
    %dma_wait3A_1542 = tpu.memref_slice %arg3[%squeeze3A_453, %dma_wait3A_1541] : memref<501x64xf32, #tpu.memory_space<hbm>> -> memref<1x64xf32, #tpu.memory_space<hbm>>
    %dma_wait3A_1543 = arith.constant 5 : i32
    %dma_wait3A_1544 = arith.constant 0 : i32
    %dma_wait3A_1545 = tpu.memref_slice %arg14[%dma_wait3A_1543, %dma_wait3A_1544] : memref<32x64xf32, #tpu.memory_space<vmem>> -> memref<1x64xf32, #tpu.memory_space<vmem>>
    %dma_wait3A_1546 = arith.constant 0 : i32
    %dma_wait3A_1547 = tpu.memref_slice %arg3[%squeeze3A_453, %dma_wait3A_1546] : memref<501x64xf32, #tpu.memory_space<hbm>> -> memref<1x64xf32, #tpu.memory_space<hbm>>
    tpu.wait_dma2 semaphore(%arg16 : memref<!tpu.dma_semaphore, #tpu.memory_space<semaphore_mem>>) src(%dma_wait3A_1547 : memref<1x64xf32, #tpu.memory_space<hbm>>) dst(%dma_wait3A_1545 : memref<1x64xf32, #tpu.memory_space<vmem>>)
    %dma_wait3A_1548 = arith.constant 6 : i32
    %dma_wait3A_1549 = arith.constant 0 : i32
    %dma_wait3A_1550 = tpu.memref_slice %arg14[%dma_wait3A_1548, %dma_wait3A_1549] : memref<32x64xf32, #tpu.memory_space<vmem>> -> memref<1x64xf32, #tpu.memory_space<vmem>>
    %dma_wait3A_1551 = arith.constant 0 : i32
    %dma_wait3A_1552 = tpu.memref_slice %arg3[%squeeze3A_465, %dma_wait3A_1551] : memref<501x64xf32, #tpu.memory_space<hbm>> -> memref<1x64xf32, #tpu.memory_space<hbm>>
    %dma_wait3A_1553 = arith.constant 6 : i32
    %dma_wait3A_1554 = arith.constant 0 : i32
    %dma_wait3A_1555 = tpu.memref_slice %arg14[%dma_wait3A_1553, %dma_wait3A_1554] : memref<32x64xf32, #tpu.memory_space<vmem>> -> memref<1x64xf32, #tpu.memory_space<vmem>>
    %dma_wait3A_1556 = arith.constant 0 : i32
    %dma_wait3A_1557 = tpu.memref_slice %arg3[%squeeze3A_465, %dma_wait3A_1556] : memref<501x64xf32, #tpu.memory_space<hbm>> -> memref<1x64xf32, #tpu.memory_space<hbm>>
    tpu.wait_dma2 semaphore(%arg16 : memref<!tpu.dma_semaphore, #tpu.memory_space<semaphore_mem>>) src(%dma_wait3A_1557 : memref<1x64xf32, #tpu.memory_space<hbm>>) dst(%dma_wait3A_1555 : memref<1x64xf32, #tpu.memory_space<vmem>>)
    %dma_wait3A_1558 = arith.constant 7 : i32
    %dma_wait3A_1559 = arith.constant 0 : i32
    %dma_wait3A_1560 = tpu.memref_slice %arg14[%dma_wait3A_1558, %dma_wait3A_1559] : memref<32x64xf32, #tpu.memory_space<vmem>> -> memref<1x64xf32, #tpu.memory_space<vmem>>
    %dma_wait3A_1561 = arith.constant 0 : i32
    %dma_wait3A_1562 = tpu.memref_slice %arg3[%squeeze3A_477, %dma_wait3A_1561] : memref<501x64xf32, #tpu.memory_space<hbm>> -> memref<1x64xf32, #tpu.memory_space<hbm>>
    %dma_wait3A_1563 = arith.constant 7 : i32
    %dma_wait3A_1564 = arith.constant 0 : i32
    %dma_wait3A_1565 = tpu.memref_slice %arg14[%dma_wait3A_1563, %dma_wait3A_1564] : memref<32x64xf32, #tpu.memory_space<vmem>> -> memref<1x64xf32, #tpu.memory_space<vmem>>
    %dma_wait3A_1566 = arith.constant 0 : i32
    %dma_wait3A_1567 = tpu.memref_slice %arg3[%squeeze3A_477, %dma_wait3A_1566] : memref<501x64xf32, #tpu.memory_space<hbm>> -> memref<1x64xf32, #tpu.memory_space<hbm>>
    tpu.wait_dma2 semaphore(%arg16 : memref<!tpu.dma_semaphore, #tpu.memory_space<semaphore_mem>>) src(%dma_wait3A_1567 : memref<1x64xf32, #tpu.memory_space<hbm>>) dst(%dma_wait3A_1565 : memref<1x64xf32, #tpu.memory_space<vmem>>)
    %dma_wait3A_1568 = arith.constant 8 : i32
    %dma_wait3A_1569 = arith.constant 0 : i32
    %dma_wait3A_1570 = tpu.memref_slice %arg14[%dma_wait3A_1568, %dma_wait3A_1569] : memref<32x64xf32, #tpu.memory_space<vmem>> -> memref<1x64xf32, #tpu.memory_space<vmem>>
    %dma_wait3A_1571 = arith.constant 0 : i32
    %dma_wait3A_1572 = tpu.memref_slice %arg3[%squeeze3A_489, %dma_wait3A_1571] : memref<501x64xf32, #tpu.memory_space<hbm>> -> memref<1x64xf32, #tpu.memory_space<hbm>>
    %dma_wait3A_1573 = arith.constant 8 : i32
    %dma_wait3A_1574 = arith.constant 0 : i32
    %dma_wait3A_1575 = tpu.memref_slice %arg14[%dma_wait3A_1573, %dma_wait3A_1574] : memref<32x64xf32, #tpu.memory_space<vmem>> -> memref<1x64xf32, #tpu.memory_space<vmem>>
    %dma_wait3A_1576 = arith.constant 0 : i32
    %dma_wait3A_1577 = tpu.memref_slice %arg3[%squeeze3A_489, %dma_wait3A_1576] : memref<501x64xf32, #tpu.memory_space<hbm>> -> memref<1x64xf32, #tpu.memory_space<hbm>>
    tpu.wait_dma2 semaphore(%arg16 : memref<!tpu.dma_semaphore, #tpu.memory_space<semaphore_mem>>) src(%dma_wait3A_1577 : memref<1x64xf32, #tpu.memory_space<hbm>>) dst(%dma_wait3A_1575 : memref<1x64xf32, #tpu.memory_space<vmem>>)
    %dma_wait3A_1578 = arith.constant 9 : i32
    %dma_wait3A_1579 = arith.constant 0 : i32
    %dma_wait3A_1580 = tpu.memref_slice %arg14[%dma_wait3A_1578, %dma_wait3A_1579] : memref<32x64xf32, #tpu.memory_space<vmem>> -> memref<1x64xf32, #tpu.memory_space<vmem>>
    %dma_wait3A_1581 = arith.constant 0 : i32
    %dma_wait3A_1582 = tpu.memref_slice %arg3[%squeeze3A_501, %dma_wait3A_1581] : memref<501x64xf32, #tpu.memory_space<hbm>> -> memref<1x64xf32, #tpu.memory_space<hbm>>
    %dma_wait3A_1583 = arith.constant 9 : i32
    %dma_wait3A_1584 = arith.constant 0 : i32
    %dma_wait3A_1585 = tpu.memref_slice %arg14[%dma_wait3A_1583, %dma_wait3A_1584] : memref<32x64xf32, #tpu.memory_space<vmem>> -> memref<1x64xf32, #tpu.memory_space<vmem>>
    %dma_wait3A_1586 = arith.constant 0 : i32
    %dma_wait3A_1587 = tpu.memref_slice %arg3[%squeeze3A_501, %dma_wait3A_1586] : memref<501x64xf32, #tpu.memory_space<hbm>> -> memref<1x64xf32, #tpu.memory_space<hbm>>
    tpu.wait_dma2 semaphore(%arg16 : memref<!tpu.dma_semaphore, #tpu.memory_space<semaphore_mem>>) src(%dma_wait3A_1587 : memref<1x64xf32, #tpu.memory_space<hbm>>) dst(%dma_wait3A_1585 : memref<1x64xf32, #tpu.memory_space<vmem>>)
    %dma_wait3A_1588 = arith.constant 10 : i32
    %dma_wait3A_1589 = arith.constant 0 : i32
    %dma_wait3A_1590 = tpu.memref_slice %arg14[%dma_wait3A_1588, %dma_wait3A_1589] : memref<32x64xf32, #tpu.memory_space<vmem>> -> memref<1x64xf32, #tpu.memory_space<vmem>>
    %dma_wait3A_1591 = arith.constant 0 : i32
    %dma_wait3A_1592 = tpu.memref_slice %arg3[%squeeze3A_513, %dma_wait3A_1591] : memref<501x64xf32, #tpu.memory_space<hbm>> -> memref<1x64xf32, #tpu.memory_space<hbm>>
    %dma_wait3A_1593 = arith.constant 10 : i32
    %dma_wait3A_1594 = arith.constant 0 : i32
    %dma_wait3A_1595 = tpu.memref_slice %arg14[%dma_wait3A_1593, %dma_wait3A_1594] : memref<32x64xf32, #tpu.memory_space<vmem>> -> memref<1x64xf32, #tpu.memory_space<vmem>>
    %dma_wait3A_1596 = arith.constant 0 : i32
    %dma_wait3A_1597 = tpu.memref_slice %arg3[%squeeze3A_513, %dma_wait3A_1596] : memref<501x64xf32, #tpu.memory_space<hbm>> -> memref<1x64xf32, #tpu.memory_space<hbm>>
    tpu.wait_dma2 semaphore(%arg16 : memref<!tpu.dma_semaphore, #tpu.memory_space<semaphore_mem>>) src(%dma_wait3A_1597 : memref<1x64xf32, #tpu.memory_space<hbm>>) dst(%dma_wait3A_1595 : memref<1x64xf32, #tpu.memory_space<vmem>>)
    %dma_wait3A_1598 = arith.constant 11 : i32
    %dma_wait3A_1599 = arith.constant 0 : i32
    %dma_wait3A_1600 = tpu.memref_slice %arg14[%dma_wait3A_1598, %dma_wait3A_1599] : memref<32x64xf32, #tpu.memory_space<vmem>> -> memref<1x64xf32, #tpu.memory_space<vmem>>
    %dma_wait3A_1601 = arith.constant 0 : i32
    %dma_wait3A_1602 = tpu.memref_slice %arg3[%squeeze3A_525, %dma_wait3A_1601] : memref<501x64xf32, #tpu.memory_space<hbm>> -> memref<1x64xf32, #tpu.memory_space<hbm>>
    %dma_wait3A_1603 = arith.constant 11 : i32
    %dma_wait3A_1604 = arith.constant 0 : i32
    %dma_wait3A_1605 = tpu.memref_slice %arg14[%dma_wait3A_1603, %dma_wait3A_1604] : memref<32x64xf32, #tpu.memory_space<vmem>> -> memref<1x64xf32, #tpu.memory_space<vmem>>
    %dma_wait3A_1606 = arith.constant 0 : i32
    %dma_wait3A_1607 = tpu.memref_slice %arg3[%squeeze3A_525, %dma_wait3A_1606] : memref<501x64xf32, #tpu.memory_space<hbm>> -> memref<1x64xf32, #tpu.memory_space<hbm>>
    tpu.wait_dma2 semaphore(%arg16 : memref<!tpu.dma_semaphore, #tpu.memory_space<semaphore_mem>>) src(%dma_wait3A_1607 : memref<1x64xf32, #tpu.memory_space<hbm>>) dst(%dma_wait3A_1605 : memref<1x64xf32, #tpu.memory_space<vmem>>)
    %dma_wait3A_1608 = arith.constant 12 : i32
    %dma_wait3A_1609 = arith.constant 0 : i32
    %dma_wait3A_1610 = tpu.memref_slice %arg14[%dma_wait3A_1608, %dma_wait3A_1609] : memref<32x64xf32, #tpu.memory_space<vmem>> -> memref<1x64xf32, #tpu.memory_space<vmem>>
    %dma_wait3A_1611 = arith.constant 0 : i32
    %dma_wait3A_1612 = tpu.memref_slice %arg3[%squeeze3A_537, %dma_wait3A_1611] : memref<501x64xf32, #tpu.memory_space<hbm>> -> memref<1x64xf32, #tpu.memory_space<hbm>>
    %dma_wait3A_1613 = arith.constant 12 : i32
    %dma_wait3A_1614 = arith.constant 0 : i32
    %dma_wait3A_1615 = tpu.memref_slice %arg14[%dma_wait3A_1613, %dma_wait3A_1614] : memref<32x64xf32, #tpu.memory_space<vmem>> -> memref<1x64xf32, #tpu.memory_space<vmem>>
    %dma_wait3A_1616 = arith.constant 0 : i32
    %dma_wait3A_1617 = tpu.memref_slice %arg3[%squeeze3A_537, %dma_wait3A_1616] : memref<501x64xf32, #tpu.memory_space<hbm>> -> memref<1x64xf32, #tpu.memory_space<hbm>>
    tpu.wait_dma2 semaphore(%arg16 : memref<!tpu.dma_semaphore, #tpu.memory_space<semaphore_mem>>) src(%dma_wait3A_1617 : memref<1x64xf32, #tpu.memory_space<hbm>>) dst(%dma_wait3A_1615 : memref<1x64xf32, #tpu.memory_space<vmem>>)
    %dma_wait3A_1618 = arith.constant 13 : i32
    %dma_wait3A_1619 = arith.constant 0 : i32
    %dma_wait3A_1620 = tpu.memref_slice %arg14[%dma_wait3A_1618, %dma_wait3A_1619] : memref<32x64xf32, #tpu.memory_space<vmem>> -> memref<1x64xf32, #tpu.memory_space<vmem>>
    %dma_wait3A_1621 = arith.constant 0 : i32
    %dma_wait3A_1622 = tpu.memref_slice %arg3[%squeeze3A_549, %dma_wait3A_1621] : memref<501x64xf32, #tpu.memory_space<hbm>> -> memref<1x64xf32, #tpu.memory_space<hbm>>
    %dma_wait3A_1623 = arith.constant 13 : i32
    %dma_wait3A_1624 = arith.constant 0 : i32
    %dma_wait3A_1625 = tpu.memref_slice %arg14[%dma_wait3A_1623, %dma_wait3A_1624] : memref<32x64xf32, #tpu.memory_space<vmem>> -> memref<1x64xf32, #tpu.memory_space<vmem>>
    %dma_wait3A_1626 = arith.constant 0 : i32
    %dma_wait3A_1627 = tpu.memref_slice %arg3[%squeeze3A_549, %dma_wait3A_1626] : memref<501x64xf32, #tpu.memory_space<hbm>> -> memref<1x64xf32, #tpu.memory_space<hbm>>
    tpu.wait_dma2 semaphore(%arg16 : memref<!tpu.dma_semaphore, #tpu.memory_space<semaphore_mem>>) src(%dma_wait3A_1627 : memref<1x64xf32, #tpu.memory_space<hbm>>) dst(%dma_wait3A_1625 : memref<1x64xf32, #tpu.memory_space<vmem>>)
    %dma_wait3A_1628 = arith.constant 14 : i32
    %dma_wait3A_1629 = arith.constant 0 : i32
    %dma_wait3A_1630 = tpu.memref_slice %arg14[%dma_wait3A_1628, %dma_wait3A_1629] : memref<32x64xf32, #tpu.memory_space<vmem>> -> memref<1x64xf32, #tpu.memory_space<vmem>>
    %dma_wait3A_1631 = arith.constant 0 : i32
    %dma_wait3A_1632 = tpu.memref_slice %arg3[%squeeze3A_561, %dma_wait3A_1631] : memref<501x64xf32, #tpu.memory_space<hbm>> -> memref<1x64xf32, #tpu.memory_space<hbm>>
    %dma_wait3A_1633 = arith.constant 14 : i32
    %dma_wait3A_1634 = arith.constant 0 : i32
    %dma_wait3A_1635 = tpu.memref_slice %arg14[%dma_wait3A_1633, %dma_wait3A_1634] : memref<32x64xf32, #tpu.memory_space<vmem>> -> memref<1x64xf32, #tpu.memory_space<vmem>>
    %dma_wait3A_1636 = arith.constant 0 : i32
    %dma_wait3A_1637 = tpu.memref_slice %arg3[%squeeze3A_561, %dma_wait3A_1636] : memref<501x64xf32, #tpu.memory_space<hbm>> -> memref<1x64xf32, #tpu.memory_space<hbm>>
    tpu.wait_dma2 semaphore(%arg16 : memref<!tpu.dma_semaphore, #tpu.memory_space<semaphore_mem>>) src(%dma_wait3A_1637 : memref<1x64xf32, #tpu.memory_space<hbm>>) dst(%dma_wait3A_1635 : memref<1x64xf32, #tpu.memory_space<vmem>>)
    %dma_wait3A_1638 = arith.constant 15 : i32
    %dma_wait3A_1639 = arith.constant 0 : i32
    %dma_wait3A_1640 = tpu.memref_slice %arg14[%dma_wait3A_1638, %dma_wait3A_1639] : memref<32x64xf32, #tpu.memory_space<vmem>> -> memref<1x64xf32, #tpu.memory_space<vmem>>
    %dma_wait3A_1641 = arith.constant 0 : i32
    %dma_wait3A_1642 = tpu.memref_slice %arg3[%squeeze3A_573, %dma_wait3A_1641] : memref<501x64xf32, #tpu.memory_space<hbm>> -> memref<1x64xf32, #tpu.memory_space<hbm>>
    %dma_wait3A_1643 = arith.constant 15 : i32
    %dma_wait3A_1644 = arith.constant 0 : i32
    %dma_wait3A_1645 = tpu.memref_slice %arg14[%dma_wait3A_1643, %dma_wait3A_1644] : memref<32x64xf32, #tpu.memory_space<vmem>> -> memref<1x64xf32, #tpu.memory_space<vmem>>
    %dma_wait3A_1646 = arith.constant 0 : i32
    %dma_wait3A_1647 = tpu.memref_slice %arg3[%squeeze3A_573, %dma_wait3A_1646] : memref<501x64xf32, #tpu.memory_space<hbm>> -> memref<1x64xf32, #tpu.memory_space<hbm>>
    tpu.wait_dma2 semaphore(%arg16 : memref<!tpu.dma_semaphore, #tpu.memory_space<semaphore_mem>>) src(%dma_wait3A_1647 : memref<1x64xf32, #tpu.memory_space<hbm>>) dst(%dma_wait3A_1645 : memref<1x64xf32, #tpu.memory_space<vmem>>)
    %dma_wait3A_1648 = arith.constant 16 : i32
    %dma_wait3A_1649 = arith.constant 0 : i32
    %dma_wait3A_1650 = tpu.memref_slice %arg14[%dma_wait3A_1648, %dma_wait3A_1649] : memref<32x64xf32, #tpu.memory_space<vmem>> -> memref<1x64xf32, #tpu.memory_space<vmem>>
    %dma_wait3A_1651 = arith.constant 0 : i32
    %dma_wait3A_1652 = tpu.memref_slice %arg3[%squeeze3A_588, %dma_wait3A_1651] : memref<501x64xf32, #tpu.memory_space<hbm>> -> memref<1x64xf32, #tpu.memory_space<hbm>>
    %dma_wait3A_1653 = arith.constant 16 : i32
    %dma_wait3A_1654 = arith.constant 0 : i32
    %dma_wait3A_1655 = tpu.memref_slice %arg14[%dma_wait3A_1653, %dma_wait3A_1654] : memref<32x64xf32, #tpu.memory_space<vmem>> -> memref<1x64xf32, #tpu.memory_space<vmem>>
    %dma_wait3A_1656 = arith.constant 0 : i32
    %dma_wait3A_1657 = tpu.memref_slice %arg3[%squeeze3A_588, %dma_wait3A_1656] : memref<501x64xf32, #tpu.memory_space<hbm>> -> memref<1x64xf32, #tpu.memory_space<hbm>>
    tpu.wait_dma2 semaphore(%arg16 : memref<!tpu.dma_semaphore, #tpu.memory_space<semaphore_mem>>) src(%dma_wait3A_1657 : memref<1x64xf32, #tpu.memory_space<hbm>>) dst(%dma_wait3A_1655 : memref<1x64xf32, #tpu.memory_space<vmem>>)
    %dma_wait3A_1658 = arith.constant 17 : i32
    %dma_wait3A_1659 = arith.constant 0 : i32
    %dma_wait3A_1660 = tpu.memref_slice %arg14[%dma_wait3A_1658, %dma_wait3A_1659] : memref<32x64xf32, #tpu.memory_space<vmem>> -> memref<1x64xf32, #tpu.memory_space<vmem>>
    %dma_wait3A_1661 = arith.constant 0 : i32
    %dma_wait3A_1662 = tpu.memref_slice %arg3[%squeeze3A_600, %dma_wait3A_1661] : memref<501x64xf32, #tpu.memory_space<hbm>> -> memref<1x64xf32, #tpu.memory_space<hbm>>
    %dma_wait3A_1663 = arith.constant 17 : i32
    %dma_wait3A_1664 = arith.constant 0 : i32
    %dma_wait3A_1665 = tpu.memref_slice %arg14[%dma_wait3A_1663, %dma_wait3A_1664] : memref<32x64xf32, #tpu.memory_space<vmem>> -> memref<1x64xf32, #tpu.memory_space<vmem>>
    %dma_wait3A_1666 = arith.constant 0 : i32
    %dma_wait3A_1667 = tpu.memref_slice %arg3[%squeeze3A_600, %dma_wait3A_1666] : memref<501x64xf32, #tpu.memory_space<hbm>> -> memref<1x64xf32, #tpu.memory_space<hbm>>
    tpu.wait_dma2 semaphore(%arg16 : memref<!tpu.dma_semaphore, #tpu.memory_space<semaphore_mem>>) src(%dma_wait3A_1667 : memref<1x64xf32, #tpu.memory_space<hbm>>) dst(%dma_wait3A_1665 : memref<1x64xf32, #tpu.memory_space<vmem>>)
    %dma_wait3A_1668 = arith.constant 18 : i32
    %dma_wait3A_1669 = arith.constant 0 : i32
    %dma_wait3A_1670 = tpu.memref_slice %arg14[%dma_wait3A_1668, %dma_wait3A_1669] : memref<32x64xf32, #tpu.memory_space<vmem>> -> memref<1x64xf32, #tpu.memory_space<vmem>>
    %dma_wait3A_1671 = arith.constant 0 : i32
    %dma_wait3A_1672 = tpu.memref_slice %arg3[%squeeze3A_612, %dma_wait3A_1671] : memref<501x64xf32, #tpu.memory_space<hbm>> -> memref<1x64xf32, #tpu.memory_space<hbm>>
    %dma_wait3A_1673 = arith.constant 18 : i32
    %dma_wait3A_1674 = arith.constant 0 : i32
    %dma_wait3A_1675 = tpu.memref_slice %arg14[%dma_wait3A_1673, %dma_wait3A_1674] : memref<32x64xf32, #tpu.memory_space<vmem>> -> memref<1x64xf32, #tpu.memory_space<vmem>>
    %dma_wait3A_1676 = arith.constant 0 : i32
    %dma_wait3A_1677 = tpu.memref_slice %arg3[%squeeze3A_612, %dma_wait3A_1676] : memref<501x64xf32, #tpu.memory_space<hbm>> -> memref<1x64xf32, #tpu.memory_space<hbm>>
    tpu.wait_dma2 semaphore(%arg16 : memref<!tpu.dma_semaphore, #tpu.memory_space<semaphore_mem>>) src(%dma_wait3A_1677 : memref<1x64xf32, #tpu.memory_space<hbm>>) dst(%dma_wait3A_1675 : memref<1x64xf32, #tpu.memory_space<vmem>>)
    %dma_wait3A_1678 = arith.constant 19 : i32
    %dma_wait3A_1679 = arith.constant 0 : i32
    %dma_wait3A_1680 = tpu.memref_slice %arg14[%dma_wait3A_1678, %dma_wait3A_1679] : memref<32x64xf32, #tpu.memory_space<vmem>> -> memref<1x64xf32, #tpu.memory_space<vmem>>
    %dma_wait3A_1681 = arith.constant 0 : i32
    %dma_wait3A_1682 = tpu.memref_slice %arg3[%squeeze3A_624, %dma_wait3A_1681] : memref<501x64xf32, #tpu.memory_space<hbm>> -> memref<1x64xf32, #tpu.memory_space<hbm>>
    %dma_wait3A_1683 = arith.constant 19 : i32
    %dma_wait3A_1684 = arith.constant 0 : i32
    %dma_wait3A_1685 = tpu.memref_slice %arg14[%dma_wait3A_1683, %dma_wait3A_1684] : memref<32x64xf32, #tpu.memory_space<vmem>> -> memref<1x64xf32, #tpu.memory_space<vmem>>
    %dma_wait3A_1686 = arith.constant 0 : i32
    %dma_wait3A_1687 = tpu.memref_slice %arg3[%squeeze3A_624, %dma_wait3A_1686] : memref<501x64xf32, #tpu.memory_space<hbm>> -> memref<1x64xf32, #tpu.memory_space<hbm>>
    tpu.wait_dma2 semaphore(%arg16 : memref<!tpu.dma_semaphore, #tpu.memory_space<semaphore_mem>>) src(%dma_wait3A_1687 : memref<1x64xf32, #tpu.memory_space<hbm>>) dst(%dma_wait3A_1685 : memref<1x64xf32, #tpu.memory_space<vmem>>)
    %dma_wait3A_1688 = arith.constant 20 : i32
    %dma_wait3A_1689 = arith.constant 0 : i32
    %dma_wait3A_1690 = tpu.memref_slice %arg14[%dma_wait3A_1688, %dma_wait3A_1689] : memref<32x64xf32, #tpu.memory_space<vmem>> -> memref<1x64xf32, #tpu.memory_space<vmem>>
    %dma_wait3A_1691 = arith.constant 0 : i32
    %dma_wait3A_1692 = tpu.memref_slice %arg3[%squeeze3A_636, %dma_wait3A_1691] : memref<501x64xf32, #tpu.memory_space<hbm>> -> memref<1x64xf32, #tpu.memory_space<hbm>>
    %dma_wait3A_1693 = arith.constant 20 : i32
    %dma_wait3A_1694 = arith.constant 0 : i32
    %dma_wait3A_1695 = tpu.memref_slice %arg14[%dma_wait3A_1693, %dma_wait3A_1694] : memref<32x64xf32, #tpu.memory_space<vmem>> -> memref<1x64xf32, #tpu.memory_space<vmem>>
    %dma_wait3A_1696 = arith.constant 0 : i32
    %dma_wait3A_1697 = tpu.memref_slice %arg3[%squeeze3A_636, %dma_wait3A_1696] : memref<501x64xf32, #tpu.memory_space<hbm>> -> memref<1x64xf32, #tpu.memory_space<hbm>>
    tpu.wait_dma2 semaphore(%arg16 : memref<!tpu.dma_semaphore, #tpu.memory_space<semaphore_mem>>) src(%dma_wait3A_1697 : memref<1x64xf32, #tpu.memory_space<hbm>>) dst(%dma_wait3A_1695 : memref<1x64xf32, #tpu.memory_space<vmem>>)
    %dma_wait3A_1698 = arith.constant 21 : i32
    %dma_wait3A_1699 = arith.constant 0 : i32
    %dma_wait3A_1700 = tpu.memref_slice %arg14[%dma_wait3A_1698, %dma_wait3A_1699] : memref<32x64xf32, #tpu.memory_space<vmem>> -> memref<1x64xf32, #tpu.memory_space<vmem>>
    %dma_wait3A_1701 = arith.constant 0 : i32
    %dma_wait3A_1702 = tpu.memref_slice %arg3[%squeeze3A_648, %dma_wait3A_1701] : memref<501x64xf32, #tpu.memory_space<hbm>> -> memref<1x64xf32, #tpu.memory_space<hbm>>
    %dma_wait3A_1703 = arith.constant 21 : i32
    %dma_wait3A_1704 = arith.constant 0 : i32
    %dma_wait3A_1705 = tpu.memref_slice %arg14[%dma_wait3A_1703, %dma_wait3A_1704] : memref<32x64xf32, #tpu.memory_space<vmem>> -> memref<1x64xf32, #tpu.memory_space<vmem>>
    %dma_wait3A_1706 = arith.constant 0 : i32
    %dma_wait3A_1707 = tpu.memref_slice %arg3[%squeeze3A_648, %dma_wait3A_1706] : memref<501x64xf32, #tpu.memory_space<hbm>> -> memref<1x64xf32, #tpu.memory_space<hbm>>
    tpu.wait_dma2 semaphore(%arg16 : memref<!tpu.dma_semaphore, #tpu.memory_space<semaphore_mem>>) src(%dma_wait3A_1707 : memref<1x64xf32, #tpu.memory_space<hbm>>) dst(%dma_wait3A_1705 : memref<1x64xf32, #tpu.memory_space<vmem>>)
    %dma_wait3A_1708 = arith.constant 22 : i32
    %dma_wait3A_1709 = arith.constant 0 : i32
    %dma_wait3A_1710 = tpu.memref_slice %arg14[%dma_wait3A_1708, %dma_wait3A_1709] : memref<32x64xf32, #tpu.memory_space<vmem>> -> memref<1x64xf32, #tpu.memory_space<vmem>>
    %dma_wait3A_1711 = arith.constant 0 : i32
    %dma_wait3A_1712 = tpu.memref_slice %arg3[%squeeze3A_660, %dma_wait3A_1711] : memref<501x64xf32, #tpu.memory_space<hbm>> -> memref<1x64xf32, #tpu.memory_space<hbm>>
    %dma_wait3A_1713 = arith.constant 22 : i32
    %dma_wait3A_1714 = arith.constant 0 : i32
    %dma_wait3A_1715 = tpu.memref_slice %arg14[%dma_wait3A_1713, %dma_wait3A_1714] : memref<32x64xf32, #tpu.memory_space<vmem>> -> memref<1x64xf32, #tpu.memory_space<vmem>>
    %dma_wait3A_1716 = arith.constant 0 : i32
    %dma_wait3A_1717 = tpu.memref_slice %arg3[%squeeze3A_660, %dma_wait3A_1716] : memref<501x64xf32, #tpu.memory_space<hbm>> -> memref<1x64xf32, #tpu.memory_space<hbm>>
    tpu.wait_dma2 semaphore(%arg16 : memref<!tpu.dma_semaphore, #tpu.memory_space<semaphore_mem>>) src(%dma_wait3A_1717 : memref<1x64xf32, #tpu.memory_space<hbm>>) dst(%dma_wait3A_1715 : memref<1x64xf32, #tpu.memory_space<vmem>>)
    %dma_wait3A_1718 = arith.constant 23 : i32
    %dma_wait3A_1719 = arith.constant 0 : i32
    %dma_wait3A_1720 = tpu.memref_slice %arg14[%dma_wait3A_1718, %dma_wait3A_1719] : memref<32x64xf32, #tpu.memory_space<vmem>> -> memref<1x64xf32, #tpu.memory_space<vmem>>
    %dma_wait3A_1721 = arith.constant 0 : i32
    %dma_wait3A_1722 = tpu.memref_slice %arg3[%squeeze3A_672, %dma_wait3A_1721] : memref<501x64xf32, #tpu.memory_space<hbm>> -> memref<1x64xf32, #tpu.memory_space<hbm>>
    %dma_wait3A_1723 = arith.constant 23 : i32
    %dma_wait3A_1724 = arith.constant 0 : i32
    %dma_wait3A_1725 = tpu.memref_slice %arg14[%dma_wait3A_1723, %dma_wait3A_1724] : memref<32x64xf32, #tpu.memory_space<vmem>> -> memref<1x64xf32, #tpu.memory_space<vmem>>
    %dma_wait3A_1726 = arith.constant 0 : i32
    %dma_wait3A_1727 = tpu.memref_slice %arg3[%squeeze3A_672, %dma_wait3A_1726] : memref<501x64xf32, #tpu.memory_space<hbm>> -> memref<1x64xf32, #tpu.memory_space<hbm>>
    tpu.wait_dma2 semaphore(%arg16 : memref<!tpu.dma_semaphore, #tpu.memory_space<semaphore_mem>>) src(%dma_wait3A_1727 : memref<1x64xf32, #tpu.memory_space<hbm>>) dst(%dma_wait3A_1725 : memref<1x64xf32, #tpu.memory_space<vmem>>)
    %dma_wait3A_1728 = arith.constant 24 : i32
    %dma_wait3A_1729 = arith.constant 0 : i32
    %dma_wait3A_1730 = tpu.memref_slice %arg14[%dma_wait3A_1728, %dma_wait3A_1729] : memref<32x64xf32, #tpu.memory_space<vmem>> -> memref<1x64xf32, #tpu.memory_space<vmem>>
    %dma_wait3A_1731 = arith.constant 0 : i32
    %dma_wait3A_1732 = tpu.memref_slice %arg3[%squeeze3A_684, %dma_wait3A_1731] : memref<501x64xf32, #tpu.memory_space<hbm>> -> memref<1x64xf32, #tpu.memory_space<hbm>>
    %dma_wait3A_1733 = arith.constant 24 : i32
    %dma_wait3A_1734 = arith.constant 0 : i32
    %dma_wait3A_1735 = tpu.memref_slice %arg14[%dma_wait3A_1733, %dma_wait3A_1734] : memref<32x64xf32, #tpu.memory_space<vmem>> -> memref<1x64xf32, #tpu.memory_space<vmem>>
    %dma_wait3A_1736 = arith.constant 0 : i32
    %dma_wait3A_1737 = tpu.memref_slice %arg3[%squeeze3A_684, %dma_wait3A_1736] : memref<501x64xf32, #tpu.memory_space<hbm>> -> memref<1x64xf32, #tpu.memory_space<hbm>>
    tpu.wait_dma2 semaphore(%arg16 : memref<!tpu.dma_semaphore, #tpu.memory_space<semaphore_mem>>) src(%dma_wait3A_1737 : memref<1x64xf32, #tpu.memory_space<hbm>>) dst(%dma_wait3A_1735 : memref<1x64xf32, #tpu.memory_space<vmem>>)
    %dma_wait3A_1738 = arith.constant 25 : i32
    %dma_wait3A_1739 = arith.constant 0 : i32
    %dma_wait3A_1740 = tpu.memref_slice %arg14[%dma_wait3A_1738, %dma_wait3A_1739] : memref<32x64xf32, #tpu.memory_space<vmem>> -> memref<1x64xf32, #tpu.memory_space<vmem>>
    %dma_wait3A_1741 = arith.constant 0 : i32
    %dma_wait3A_1742 = tpu.memref_slice %arg3[%squeeze3A_696, %dma_wait3A_1741] : memref<501x64xf32, #tpu.memory_space<hbm>> -> memref<1x64xf32, #tpu.memory_space<hbm>>
    %dma_wait3A_1743 = arith.constant 25 : i32
    %dma_wait3A_1744 = arith.constant 0 : i32
    %dma_wait3A_1745 = tpu.memref_slice %arg14[%dma_wait3A_1743, %dma_wait3A_1744] : memref<32x64xf32, #tpu.memory_space<vmem>> -> memref<1x64xf32, #tpu.memory_space<vmem>>
    %dma_wait3A_1746 = arith.constant 0 : i32
    %dma_wait3A_1747 = tpu.memref_slice %arg3[%squeeze3A_696, %dma_wait3A_1746] : memref<501x64xf32, #tpu.memory_space<hbm>> -> memref<1x64xf32, #tpu.memory_space<hbm>>
    tpu.wait_dma2 semaphore(%arg16 : memref<!tpu.dma_semaphore, #tpu.memory_space<semaphore_mem>>) src(%dma_wait3A_1747 : memref<1x64xf32, #tpu.memory_space<hbm>>) dst(%dma_wait3A_1745 : memref<1x64xf32, #tpu.memory_space<vmem>>)
    %dma_wait3A_1748 = arith.constant 26 : i32
    %dma_wait3A_1749 = arith.constant 0 : i32
    %dma_wait3A_1750 = tpu.memref_slice %arg14[%dma_wait3A_1748, %dma_wait3A_1749] : memref<32x64xf32, #tpu.memory_space<vmem>> -> memref<1x64xf32, #tpu.memory_space<vmem>>
    %dma_wait3A_1751 = arith.constant 0 : i32
    %dma_wait3A_1752 = tpu.memref_slice %arg3[%squeeze3A_708, %dma_wait3A_1751] : memref<501x64xf32, #tpu.memory_space<hbm>> -> memref<1x64xf32, #tpu.memory_space<hbm>>
    %dma_wait3A_1753 = arith.constant 26 : i32
    %dma_wait3A_1754 = arith.constant 0 : i32
    %dma_wait3A_1755 = tpu.memref_slice %arg14[%dma_wait3A_1753, %dma_wait3A_1754] : memref<32x64xf32, #tpu.memory_space<vmem>> -> memref<1x64xf32, #tpu.memory_space<vmem>>
    %dma_wait3A_1756 = arith.constant 0 : i32
    %dma_wait3A_1757 = tpu.memref_slice %arg3[%squeeze3A_708, %dma_wait3A_1756] : memref<501x64xf32, #tpu.memory_space<hbm>> -> memref<1x64xf32, #tpu.memory_space<hbm>>
    tpu.wait_dma2 semaphore(%arg16 : memref<!tpu.dma_semaphore, #tpu.memory_space<semaphore_mem>>) src(%dma_wait3A_1757 : memref<1x64xf32, #tpu.memory_space<hbm>>) dst(%dma_wait3A_1755 : memref<1x64xf32, #tpu.memory_space<vmem>>)
    %dma_wait3A_1758 = arith.constant 27 : i32
    %dma_wait3A_1759 = arith.constant 0 : i32
    %dma_wait3A_1760 = tpu.memref_slice %arg14[%dma_wait3A_1758, %dma_wait3A_1759] : memref<32x64xf32, #tpu.memory_space<vmem>> -> memref<1x64xf32, #tpu.memory_space<vmem>>
    %dma_wait3A_1761 = arith.constant 0 : i32
    %dma_wait3A_1762 = tpu.memref_slice %arg3[%squeeze3A_720, %dma_wait3A_1761] : memref<501x64xf32, #tpu.memory_space<hbm>> -> memref<1x64xf32, #tpu.memory_space<hbm>>
    %dma_wait3A_1763 = arith.constant 27 : i32
    %dma_wait3A_1764 = arith.constant 0 : i32
    %dma_wait3A_1765 = tpu.memref_slice %arg14[%dma_wait3A_1763, %dma_wait3A_1764] : memref<32x64xf32, #tpu.memory_space<vmem>> -> memref<1x64xf32, #tpu.memory_space<vmem>>
    %dma_wait3A_1766 = arith.constant 0 : i32
    %dma_wait3A_1767 = tpu.memref_slice %arg3[%squeeze3A_720, %dma_wait3A_1766] : memref<501x64xf32, #tpu.memory_space<hbm>> -> memref<1x64xf32, #tpu.memory_space<hbm>>
    tpu.wait_dma2 semaphore(%arg16 : memref<!tpu.dma_semaphore, #tpu.memory_space<semaphore_mem>>) src(%dma_wait3A_1767 : memref<1x64xf32, #tpu.memory_space<hbm>>) dst(%dma_wait3A_1765 : memref<1x64xf32, #tpu.memory_space<vmem>>)
    %dma_wait3A_1768 = arith.constant 28 : i32
    %dma_wait3A_1769 = arith.constant 0 : i32
    %dma_wait3A_1770 = tpu.memref_slice %arg14[%dma_wait3A_1768, %dma_wait3A_1769] : memref<32x64xf32, #tpu.memory_space<vmem>> -> memref<1x64xf32, #tpu.memory_space<vmem>>
    %dma_wait3A_1771 = arith.constant 0 : i32
    %dma_wait3A_1772 = tpu.memref_slice %arg3[%squeeze3A_732, %dma_wait3A_1771] : memref<501x64xf32, #tpu.memory_space<hbm>> -> memref<1x64xf32, #tpu.memory_space<hbm>>
    %dma_wait3A_1773 = arith.constant 28 : i32
    %dma_wait3A_1774 = arith.constant 0 : i32
    %dma_wait3A_1775 = tpu.memref_slice %arg14[%dma_wait3A_1773, %dma_wait3A_1774] : memref<32x64xf32, #tpu.memory_space<vmem>> -> memref<1x64xf32, #tpu.memory_space<vmem>>
    %dma_wait3A_1776 = arith.constant 0 : i32
    %dma_wait3A_1777 = tpu.memref_slice %arg3[%squeeze3A_732, %dma_wait3A_1776] : memref<501x64xf32, #tpu.memory_space<hbm>> -> memref<1x64xf32, #tpu.memory_space<hbm>>
    tpu.wait_dma2 semaphore(%arg16 : memref<!tpu.dma_semaphore, #tpu.memory_space<semaphore_mem>>) src(%dma_wait3A_1777 : memref<1x64xf32, #tpu.memory_space<hbm>>) dst(%dma_wait3A_1775 : memref<1x64xf32, #tpu.memory_space<vmem>>)
    %dma_wait3A_1778 = arith.constant 29 : i32
    %dma_wait3A_1779 = arith.constant 0 : i32
    %dma_wait3A_1780 = tpu.memref_slice %arg14[%dma_wait3A_1778, %dma_wait3A_1779] : memref<32x64xf32, #tpu.memory_space<vmem>> -> memref<1x64xf32, #tpu.memory_space<vmem>>
    %dma_wait3A_1781 = arith.constant 0 : i32
    %dma_wait3A_1782 = tpu.memref_slice %arg3[%squeeze3A_744, %dma_wait3A_1781] : memref<501x64xf32, #tpu.memory_space<hbm>> -> memref<1x64xf32, #tpu.memory_space<hbm>>
    %dma_wait3A_1783 = arith.constant 29 : i32
    %dma_wait3A_1784 = arith.constant 0 : i32
    %dma_wait3A_1785 = tpu.memref_slice %arg14[%dma_wait3A_1783, %dma_wait3A_1784] : memref<32x64xf32, #tpu.memory_space<vmem>> -> memref<1x64xf32, #tpu.memory_space<vmem>>
    %dma_wait3A_1786 = arith.constant 0 : i32
    %dma_wait3A_1787 = tpu.memref_slice %arg3[%squeeze3A_744, %dma_wait3A_1786] : memref<501x64xf32, #tpu.memory_space<hbm>> -> memref<1x64xf32, #tpu.memory_space<hbm>>
    tpu.wait_dma2 semaphore(%arg16 : memref<!tpu.dma_semaphore, #tpu.memory_space<semaphore_mem>>) src(%dma_wait3A_1787 : memref<1x64xf32, #tpu.memory_space<hbm>>) dst(%dma_wait3A_1785 : memref<1x64xf32, #tpu.memory_space<vmem>>)
    %dma_wait3A_1788 = arith.constant 30 : i32
    %dma_wait3A_1789 = arith.constant 0 : i32
    %dma_wait3A_1790 = tpu.memref_slice %arg14[%dma_wait3A_1788, %dma_wait3A_1789] : memref<32x64xf32, #tpu.memory_space<vmem>> -> memref<1x64xf32, #tpu.memory_space<vmem>>
    %dma_wait3A_1791 = arith.constant 0 : i32
    %dma_wait3A_1792 = tpu.memref_slice %arg3[%squeeze3A_756, %dma_wait3A_1791] : memref<501x64xf32, #tpu.memory_space<hbm>> -> memref<1x64xf32, #tpu.memory_space<hbm>>
    %dma_wait3A_1793 = arith.constant 30 : i32
    %dma_wait3A_1794 = arith.constant 0 : i32
    %dma_wait3A_1795 = tpu.memref_slice %arg14[%dma_wait3A_1793, %dma_wait3A_1794] : memref<32x64xf32, #tpu.memory_space<vmem>> -> memref<1x64xf32, #tpu.memory_space<vmem>>
    %dma_wait3A_1796 = arith.constant 0 : i32
    %dma_wait3A_1797 = tpu.memref_slice %arg3[%squeeze3A_756, %dma_wait3A_1796] : memref<501x64xf32, #tpu.memory_space<hbm>> -> memref<1x64xf32, #tpu.memory_space<hbm>>
    tpu.wait_dma2 semaphore(%arg16 : memref<!tpu.dma_semaphore, #tpu.memory_space<semaphore_mem>>) src(%dma_wait3A_1797 : memref<1x64xf32, #tpu.memory_space<hbm>>) dst(%dma_wait3A_1795 : memref<1x64xf32, #tpu.memory_space<vmem>>)
    %dma_wait3A_1798 = arith.constant 31 : i32
    %dma_wait3A_1799 = arith.constant 0 : i32
    %dma_wait3A_1800 = tpu.memref_slice %arg14[%dma_wait3A_1798, %dma_wait3A_1799] : memref<32x64xf32, #tpu.memory_space<vmem>> -> memref<1x64xf32, #tpu.memory_space<vmem>>
    %dma_wait3A_1801 = arith.constant 0 : i32
    %dma_wait3A_1802 = tpu.memref_slice %arg3[%squeeze3A_768, %dma_wait3A_1801] : memref<501x64xf32, #tpu.memory_space<hbm>> -> memref<1x64xf32, #tpu.memory_space<hbm>>
    %dma_wait3A_1803 = arith.constant 31 : i32
    %dma_wait3A_1804 = arith.constant 0 : i32
    %dma_wait3A_1805 = tpu.memref_slice %arg14[%dma_wait3A_1803, %dma_wait3A_1804] : memref<32x64xf32, #tpu.memory_space<vmem>> -> memref<1x64xf32, #tpu.memory_space<vmem>>
    %dma_wait3A_1806 = arith.constant 0 : i32
    %dma_wait3A_1807 = tpu.memref_slice %arg3[%squeeze3A_768, %dma_wait3A_1806] : memref<501x64xf32, #tpu.memory_space<hbm>> -> memref<1x64xf32, #tpu.memory_space<hbm>>
    tpu.wait_dma2 semaphore(%arg16 : memref<!tpu.dma_semaphore, #tpu.memory_space<semaphore_mem>>) src(%dma_wait3A_1807 : memref<1x64xf32, #tpu.memory_space<hbm>>) dst(%dma_wait3A_1805 : memref<1x64xf32, #tpu.memory_space<vmem>>)
    %dma_wait3A_1808 = arith.constant 0 : i32
    %dma_wait3A_1809 = arith.constant 0 : i32
    %dma_wait3A_1810 = tpu.memref_slice %arg15[%dma_wait3A_1808, %dma_wait3A_1809] : memref<32x64xf32, #tpu.memory_space<vmem>> -> memref<1x64xf32, #tpu.memory_space<vmem>>
    %dma_wait3A_1811 = arith.constant 0 : i32
    %dma_wait3A_1812 = tpu.memref_slice %arg2[%squeeze3A_783, %dma_wait3A_1811] : memref<100501x64xf32, #tpu.memory_space<hbm>> -> memref<1x64xf32, #tpu.memory_space<hbm>>
    %dma_wait3A_1813 = arith.constant 0 : i32
    %dma_wait3A_1814 = arith.constant 0 : i32
    %dma_wait3A_1815 = tpu.memref_slice %arg15[%dma_wait3A_1813, %dma_wait3A_1814] : memref<32x64xf32, #tpu.memory_space<vmem>> -> memref<1x64xf32, #tpu.memory_space<vmem>>
    %dma_wait3A_1816 = arith.constant 0 : i32
    %dma_wait3A_1817 = tpu.memref_slice %arg2[%squeeze3A_783, %dma_wait3A_1816] : memref<100501x64xf32, #tpu.memory_space<hbm>> -> memref<1x64xf32, #tpu.memory_space<hbm>>
    tpu.wait_dma2 semaphore(%arg16 : memref<!tpu.dma_semaphore, #tpu.memory_space<semaphore_mem>>) src(%dma_wait3A_1817 : memref<1x64xf32, #tpu.memory_space<hbm>>) dst(%dma_wait3A_1815 : memref<1x64xf32, #tpu.memory_space<vmem>>)
    %dma_wait3A_1818 = arith.constant 1 : i32
    %dma_wait3A_1819 = arith.constant 0 : i32
    %dma_wait3A_1820 = tpu.memref_slice %arg15[%dma_wait3A_1818, %dma_wait3A_1819] : memref<32x64xf32, #tpu.memory_space<vmem>> -> memref<1x64xf32, #tpu.memory_space<vmem>>
    %dma_wait3A_1821 = arith.constant 0 : i32
    %dma_wait3A_1822 = tpu.memref_slice %arg2[%squeeze3A_795, %dma_wait3A_1821] : memref<100501x64xf32, #tpu.memory_space<hbm>> -> memref<1x64xf32, #tpu.memory_space<hbm>>
    %dma_wait3A_1823 = arith.constant 1 : i32
    %dma_wait3A_1824 = arith.constant 0 : i32
    %dma_wait3A_1825 = tpu.memref_slice %arg15[%dma_wait3A_1823, %dma_wait3A_1824] : memref<32x64xf32, #tpu.memory_space<vmem>> -> memref<1x64xf32, #tpu.memory_space<vmem>>
    %dma_wait3A_1826 = arith.constant 0 : i32
    %dma_wait3A_1827 = tpu.memref_slice %arg2[%squeeze3A_795, %dma_wait3A_1826] : memref<100501x64xf32, #tpu.memory_space<hbm>> -> memref<1x64xf32, #tpu.memory_space<hbm>>
    tpu.wait_dma2 semaphore(%arg16 : memref<!tpu.dma_semaphore, #tpu.memory_space<semaphore_mem>>) src(%dma_wait3A_1827 : memref<1x64xf32, #tpu.memory_space<hbm>>) dst(%dma_wait3A_1825 : memref<1x64xf32, #tpu.memory_space<vmem>>)
    %dma_wait3A_1828 = arith.constant 2 : i32
    %dma_wait3A_1829 = arith.constant 0 : i32
    %dma_wait3A_1830 = tpu.memref_slice %arg15[%dma_wait3A_1828, %dma_wait3A_1829] : memref<32x64xf32, #tpu.memory_space<vmem>> -> memref<1x64xf32, #tpu.memory_space<vmem>>
    %dma_wait3A_1831 = arith.constant 0 : i32
    %dma_wait3A_1832 = tpu.memref_slice %arg2[%squeeze3A_807, %dma_wait3A_1831] : memref<100501x64xf32, #tpu.memory_space<hbm>> -> memref<1x64xf32, #tpu.memory_space<hbm>>
    %dma_wait3A_1833 = arith.constant 2 : i32
    %dma_wait3A_1834 = arith.constant 0 : i32
    %dma_wait3A_1835 = tpu.memref_slice %arg15[%dma_wait3A_1833, %dma_wait3A_1834] : memref<32x64xf32, #tpu.memory_space<vmem>> -> memref<1x64xf32, #tpu.memory_space<vmem>>
    %dma_wait3A_1836 = arith.constant 0 : i32
    %dma_wait3A_1837 = tpu.memref_slice %arg2[%squeeze3A_807, %dma_wait3A_1836] : memref<100501x64xf32, #tpu.memory_space<hbm>> -> memref<1x64xf32, #tpu.memory_space<hbm>>
    tpu.wait_dma2 semaphore(%arg16 : memref<!tpu.dma_semaphore, #tpu.memory_space<semaphore_mem>>) src(%dma_wait3A_1837 : memref<1x64xf32, #tpu.memory_space<hbm>>) dst(%dma_wait3A_1835 : memref<1x64xf32, #tpu.memory_space<vmem>>)
    %dma_wait3A_1838 = arith.constant 3 : i32
    %dma_wait3A_1839 = arith.constant 0 : i32
    %dma_wait3A_1840 = tpu.memref_slice %arg15[%dma_wait3A_1838, %dma_wait3A_1839] : memref<32x64xf32, #tpu.memory_space<vmem>> -> memref<1x64xf32, #tpu.memory_space<vmem>>
    %dma_wait3A_1841 = arith.constant 0 : i32
    %dma_wait3A_1842 = tpu.memref_slice %arg2[%squeeze3A_819, %dma_wait3A_1841] : memref<100501x64xf32, #tpu.memory_space<hbm>> -> memref<1x64xf32, #tpu.memory_space<hbm>>
    %dma_wait3A_1843 = arith.constant 3 : i32
    %dma_wait3A_1844 = arith.constant 0 : i32
    %dma_wait3A_1845 = tpu.memref_slice %arg15[%dma_wait3A_1843, %dma_wait3A_1844] : memref<32x64xf32, #tpu.memory_space<vmem>> -> memref<1x64xf32, #tpu.memory_space<vmem>>
    %dma_wait3A_1846 = arith.constant 0 : i32
    %dma_wait3A_1847 = tpu.memref_slice %arg2[%squeeze3A_819, %dma_wait3A_1846] : memref<100501x64xf32, #tpu.memory_space<hbm>> -> memref<1x64xf32, #tpu.memory_space<hbm>>
    tpu.wait_dma2 semaphore(%arg16 : memref<!tpu.dma_semaphore, #tpu.memory_space<semaphore_mem>>) src(%dma_wait3A_1847 : memref<1x64xf32, #tpu.memory_space<hbm>>) dst(%dma_wait3A_1845 : memref<1x64xf32, #tpu.memory_space<vmem>>)
    %dma_wait3A_1848 = arith.constant 4 : i32
    %dma_wait3A_1849 = arith.constant 0 : i32
    %dma_wait3A_1850 = tpu.memref_slice %arg15[%dma_wait3A_1848, %dma_wait3A_1849] : memref<32x64xf32, #tpu.memory_space<vmem>> -> memref<1x64xf32, #tpu.memory_space<vmem>>
    %dma_wait3A_1851 = arith.constant 0 : i32
    %dma_wait3A_1852 = tpu.memref_slice %arg2[%squeeze3A_831, %dma_wait3A_1851] : memref<100501x64xf32, #tpu.memory_space<hbm>> -> memref<1x64xf32, #tpu.memory_space<hbm>>
    %dma_wait3A_1853 = arith.constant 4 : i32
    %dma_wait3A_1854 = arith.constant 0 : i32
    %dma_wait3A_1855 = tpu.memref_slice %arg15[%dma_wait3A_1853, %dma_wait3A_1854] : memref<32x64xf32, #tpu.memory_space<vmem>> -> memref<1x64xf32, #tpu.memory_space<vmem>>
    %dma_wait3A_1856 = arith.constant 0 : i32
    %dma_wait3A_1857 = tpu.memref_slice %arg2[%squeeze3A_831, %dma_wait3A_1856] : memref<100501x64xf32, #tpu.memory_space<hbm>> -> memref<1x64xf32, #tpu.memory_space<hbm>>
    tpu.wait_dma2 semaphore(%arg16 : memref<!tpu.dma_semaphore, #tpu.memory_space<semaphore_mem>>) src(%dma_wait3A_1857 : memref<1x64xf32, #tpu.memory_space<hbm>>) dst(%dma_wait3A_1855 : memref<1x64xf32, #tpu.memory_space<vmem>>)
    %dma_wait3A_1858 = arith.constant 5 : i32
    %dma_wait3A_1859 = arith.constant 0 : i32
    %dma_wait3A_1860 = tpu.memref_slice %arg15[%dma_wait3A_1858, %dma_wait3A_1859] : memref<32x64xf32, #tpu.memory_space<vmem>> -> memref<1x64xf32, #tpu.memory_space<vmem>>
    %dma_wait3A_1861 = arith.constant 0 : i32
    %dma_wait3A_1862 = tpu.memref_slice %arg2[%squeeze3A_843, %dma_wait3A_1861] : memref<100501x64xf32, #tpu.memory_space<hbm>> -> memref<1x64xf32, #tpu.memory_space<hbm>>
    %dma_wait3A_1863 = arith.constant 5 : i32
    %dma_wait3A_1864 = arith.constant 0 : i32
    %dma_wait3A_1865 = tpu.memref_slice %arg15[%dma_wait3A_1863, %dma_wait3A_1864] : memref<32x64xf32, #tpu.memory_space<vmem>> -> memref<1x64xf32, #tpu.memory_space<vmem>>
    %dma_wait3A_1866 = arith.constant 0 : i32
    %dma_wait3A_1867 = tpu.memref_slice %arg2[%squeeze3A_843, %dma_wait3A_1866] : memref<100501x64xf32, #tpu.memory_space<hbm>> -> memref<1x64xf32, #tpu.memory_space<hbm>>
    tpu.wait_dma2 semaphore(%arg16 : memref<!tpu.dma_semaphore, #tpu.memory_space<semaphore_mem>>) src(%dma_wait3A_1867 : memref<1x64xf32, #tpu.memory_space<hbm>>) dst(%dma_wait3A_1865 : memref<1x64xf32, #tpu.memory_space<vmem>>)
    %dma_wait3A_1868 = arith.constant 6 : i32
    %dma_wait3A_1869 = arith.constant 0 : i32
    %dma_wait3A_1870 = tpu.memref_slice %arg15[%dma_wait3A_1868, %dma_wait3A_1869] : memref<32x64xf32, #tpu.memory_space<vmem>> -> memref<1x64xf32, #tpu.memory_space<vmem>>
    %dma_wait3A_1871 = arith.constant 0 : i32
    %dma_wait3A_1872 = tpu.memref_slice %arg2[%squeeze3A_855, %dma_wait3A_1871] : memref<100501x64xf32, #tpu.memory_space<hbm>> -> memref<1x64xf32, #tpu.memory_space<hbm>>
    %dma_wait3A_1873 = arith.constant 6 : i32
    %dma_wait3A_1874 = arith.constant 0 : i32
    %dma_wait3A_1875 = tpu.memref_slice %arg15[%dma_wait3A_1873, %dma_wait3A_1874] : memref<32x64xf32, #tpu.memory_space<vmem>> -> memref<1x64xf32, #tpu.memory_space<vmem>>
    %dma_wait3A_1876 = arith.constant 0 : i32
    %dma_wait3A_1877 = tpu.memref_slice %arg2[%squeeze3A_855, %dma_wait3A_1876] : memref<100501x64xf32, #tpu.memory_space<hbm>> -> memref<1x64xf32, #tpu.memory_space<hbm>>
    tpu.wait_dma2 semaphore(%arg16 : memref<!tpu.dma_semaphore, #tpu.memory_space<semaphore_mem>>) src(%dma_wait3A_1877 : memref<1x64xf32, #tpu.memory_space<hbm>>) dst(%dma_wait3A_1875 : memref<1x64xf32, #tpu.memory_space<vmem>>)
    %dma_wait3A_1878 = arith.constant 7 : i32
    %dma_wait3A_1879 = arith.constant 0 : i32
    %dma_wait3A_1880 = tpu.memref_slice %arg15[%dma_wait3A_1878, %dma_wait3A_1879] : memref<32x64xf32, #tpu.memory_space<vmem>> -> memref<1x64xf32, #tpu.memory_space<vmem>>
    %dma_wait3A_1881 = arith.constant 0 : i32
    %dma_wait3A_1882 = tpu.memref_slice %arg2[%squeeze3A_867, %dma_wait3A_1881] : memref<100501x64xf32, #tpu.memory_space<hbm>> -> memref<1x64xf32, #tpu.memory_space<hbm>>
    %dma_wait3A_1883 = arith.constant 7 : i32
    %dma_wait3A_1884 = arith.constant 0 : i32
    %dma_wait3A_1885 = tpu.memref_slice %arg15[%dma_wait3A_1883, %dma_wait3A_1884] : memref<32x64xf32, #tpu.memory_space<vmem>> -> memref<1x64xf32, #tpu.memory_space<vmem>>
    %dma_wait3A_1886 = arith.constant 0 : i32
    %dma_wait3A_1887 = tpu.memref_slice %arg2[%squeeze3A_867, %dma_wait3A_1886] : memref<100501x64xf32, #tpu.memory_space<hbm>> -> memref<1x64xf32, #tpu.memory_space<hbm>>
    tpu.wait_dma2 semaphore(%arg16 : memref<!tpu.dma_semaphore, #tpu.memory_space<semaphore_mem>>) src(%dma_wait3A_1887 : memref<1x64xf32, #tpu.memory_space<hbm>>) dst(%dma_wait3A_1885 : memref<1x64xf32, #tpu.memory_space<vmem>>)
    %dma_wait3A_1888 = arith.constant 8 : i32
    %dma_wait3A_1889 = arith.constant 0 : i32
    %dma_wait3A_1890 = tpu.memref_slice %arg15[%dma_wait3A_1888, %dma_wait3A_1889] : memref<32x64xf32, #tpu.memory_space<vmem>> -> memref<1x64xf32, #tpu.memory_space<vmem>>
    %dma_wait3A_1891 = arith.constant 0 : i32
    %dma_wait3A_1892 = tpu.memref_slice %arg2[%squeeze3A_879, %dma_wait3A_1891] : memref<100501x64xf32, #tpu.memory_space<hbm>> -> memref<1x64xf32, #tpu.memory_space<hbm>>
    %dma_wait3A_1893 = arith.constant 8 : i32
    %dma_wait3A_1894 = arith.constant 0 : i32
    %dma_wait3A_1895 = tpu.memref_slice %arg15[%dma_wait3A_1893, %dma_wait3A_1894] : memref<32x64xf32, #tpu.memory_space<vmem>> -> memref<1x64xf32, #tpu.memory_space<vmem>>
    %dma_wait3A_1896 = arith.constant 0 : i32
    %dma_wait3A_1897 = tpu.memref_slice %arg2[%squeeze3A_879, %dma_wait3A_1896] : memref<100501x64xf32, #tpu.memory_space<hbm>> -> memref<1x64xf32, #tpu.memory_space<hbm>>
    tpu.wait_dma2 semaphore(%arg16 : memref<!tpu.dma_semaphore, #tpu.memory_space<semaphore_mem>>) src(%dma_wait3A_1897 : memref<1x64xf32, #tpu.memory_space<hbm>>) dst(%dma_wait3A_1895 : memref<1x64xf32, #tpu.memory_space<vmem>>)
    %dma_wait3A_1898 = arith.constant 9 : i32
    %dma_wait3A_1899 = arith.constant 0 : i32
    %dma_wait3A_1900 = tpu.memref_slice %arg15[%dma_wait3A_1898, %dma_wait3A_1899] : memref<32x64xf32, #tpu.memory_space<vmem>> -> memref<1x64xf32, #tpu.memory_space<vmem>>
    %dma_wait3A_1901 = arith.constant 0 : i32
    %dma_wait3A_1902 = tpu.memref_slice %arg2[%squeeze3A_891, %dma_wait3A_1901] : memref<100501x64xf32, #tpu.memory_space<hbm>> -> memref<1x64xf32, #tpu.memory_space<hbm>>
    %dma_wait3A_1903 = arith.constant 9 : i32
    %dma_wait3A_1904 = arith.constant 0 : i32
    %dma_wait3A_1905 = tpu.memref_slice %arg15[%dma_wait3A_1903, %dma_wait3A_1904] : memref<32x64xf32, #tpu.memory_space<vmem>> -> memref<1x64xf32, #tpu.memory_space<vmem>>
    %dma_wait3A_1906 = arith.constant 0 : i32
    %dma_wait3A_1907 = tpu.memref_slice %arg2[%squeeze3A_891, %dma_wait3A_1906] : memref<100501x64xf32, #tpu.memory_space<hbm>> -> memref<1x64xf32, #tpu.memory_space<hbm>>
    tpu.wait_dma2 semaphore(%arg16 : memref<!tpu.dma_semaphore, #tpu.memory_space<semaphore_mem>>) src(%dma_wait3A_1907 : memref<1x64xf32, #tpu.memory_space<hbm>>) dst(%dma_wait3A_1905 : memref<1x64xf32, #tpu.memory_space<vmem>>)
    %dma_wait3A_1908 = arith.constant 10 : i32
    %dma_wait3A_1909 = arith.constant 0 : i32
    %dma_wait3A_1910 = tpu.memref_slice %arg15[%dma_wait3A_1908, %dma_wait3A_1909] : memref<32x64xf32, #tpu.memory_space<vmem>> -> memref<1x64xf32, #tpu.memory_space<vmem>>
    %dma_wait3A_1911 = arith.constant 0 : i32
    %dma_wait3A_1912 = tpu.memref_slice %arg2[%squeeze3A_903, %dma_wait3A_1911] : memref<100501x64xf32, #tpu.memory_space<hbm>> -> memref<1x64xf32, #tpu.memory_space<hbm>>
    %dma_wait3A_1913 = arith.constant 10 : i32
    %dma_wait3A_1914 = arith.constant 0 : i32
    %dma_wait3A_1915 = tpu.memref_slice %arg15[%dma_wait3A_1913, %dma_wait3A_1914] : memref<32x64xf32, #tpu.memory_space<vmem>> -> memref<1x64xf32, #tpu.memory_space<vmem>>
    %dma_wait3A_1916 = arith.constant 0 : i32
    %dma_wait3A_1917 = tpu.memref_slice %arg2[%squeeze3A_903, %dma_wait3A_1916] : memref<100501x64xf32, #tpu.memory_space<hbm>> -> memref<1x64xf32, #tpu.memory_space<hbm>>
    tpu.wait_dma2 semaphore(%arg16 : memref<!tpu.dma_semaphore, #tpu.memory_space<semaphore_mem>>) src(%dma_wait3A_1917 : memref<1x64xf32, #tpu.memory_space<hbm>>) dst(%dma_wait3A_1915 : memref<1x64xf32, #tpu.memory_space<vmem>>)
    %dma_wait3A_1918 = arith.constant 11 : i32
    %dma_wait3A_1919 = arith.constant 0 : i32
    %dma_wait3A_1920 = tpu.memref_slice %arg15[%dma_wait3A_1918, %dma_wait3A_1919] : memref<32x64xf32, #tpu.memory_space<vmem>> -> memref<1x64xf32, #tpu.memory_space<vmem>>
    %dma_wait3A_1921 = arith.constant 0 : i32
    %dma_wait3A_1922 = tpu.memref_slice %arg2[%squeeze3A_915, %dma_wait3A_1921] : memref<100501x64xf32, #tpu.memory_space<hbm>> -> memref<1x64xf32, #tpu.memory_space<hbm>>
    %dma_wait3A_1923 = arith.constant 11 : i32
    %dma_wait3A_1924 = arith.constant 0 : i32
    %dma_wait3A_1925 = tpu.memref_slice %arg15[%dma_wait3A_1923, %dma_wait3A_1924] : memref<32x64xf32, #tpu.memory_space<vmem>> -> memref<1x64xf32, #tpu.memory_space<vmem>>
    %dma_wait3A_1926 = arith.constant 0 : i32
    %dma_wait3A_1927 = tpu.memref_slice %arg2[%squeeze3A_915, %dma_wait3A_1926] : memref<100501x64xf32, #tpu.memory_space<hbm>> -> memref<1x64xf32, #tpu.memory_space<hbm>>
    tpu.wait_dma2 semaphore(%arg16 : memref<!tpu.dma_semaphore, #tpu.memory_space<semaphore_mem>>) src(%dma_wait3A_1927 : memref<1x64xf32, #tpu.memory_space<hbm>>) dst(%dma_wait3A_1925 : memref<1x64xf32, #tpu.memory_space<vmem>>)
    %dma_wait3A_1928 = arith.constant 12 : i32
    %dma_wait3A_1929 = arith.constant 0 : i32
    %dma_wait3A_1930 = tpu.memref_slice %arg15[%dma_wait3A_1928, %dma_wait3A_1929] : memref<32x64xf32, #tpu.memory_space<vmem>> -> memref<1x64xf32, #tpu.memory_space<vmem>>
    %dma_wait3A_1931 = arith.constant 0 : i32
    %dma_wait3A_1932 = tpu.memref_slice %arg2[%squeeze3A_927, %dma_wait3A_1931] : memref<100501x64xf32, #tpu.memory_space<hbm>> -> memref<1x64xf32, #tpu.memory_space<hbm>>
    %dma_wait3A_1933 = arith.constant 12 : i32
    %dma_wait3A_1934 = arith.constant 0 : i32
    %dma_wait3A_1935 = tpu.memref_slice %arg15[%dma_wait3A_1933, %dma_wait3A_1934] : memref<32x64xf32, #tpu.memory_space<vmem>> -> memref<1x64xf32, #tpu.memory_space<vmem>>
    %dma_wait3A_1936 = arith.constant 0 : i32
    %dma_wait3A_1937 = tpu.memref_slice %arg2[%squeeze3A_927, %dma_wait3A_1936] : memref<100501x64xf32, #tpu.memory_space<hbm>> -> memref<1x64xf32, #tpu.memory_space<hbm>>
    tpu.wait_dma2 semaphore(%arg16 : memref<!tpu.dma_semaphore, #tpu.memory_space<semaphore_mem>>) src(%dma_wait3A_1937 : memref<1x64xf32, #tpu.memory_space<hbm>>) dst(%dma_wait3A_1935 : memref<1x64xf32, #tpu.memory_space<vmem>>)
    %dma_wait3A_1938 = arith.constant 13 : i32
    %dma_wait3A_1939 = arith.constant 0 : i32
    %dma_wait3A_1940 = tpu.memref_slice %arg15[%dma_wait3A_1938, %dma_wait3A_1939] : memref<32x64xf32, #tpu.memory_space<vmem>> -> memref<1x64xf32, #tpu.memory_space<vmem>>
    %dma_wait3A_1941 = arith.constant 0 : i32
    %dma_wait3A_1942 = tpu.memref_slice %arg2[%squeeze3A_939, %dma_wait3A_1941] : memref<100501x64xf32, #tpu.memory_space<hbm>> -> memref<1x64xf32, #tpu.memory_space<hbm>>
    %dma_wait3A_1943 = arith.constant 13 : i32
    %dma_wait3A_1944 = arith.constant 0 : i32
    %dma_wait3A_1945 = tpu.memref_slice %arg15[%dma_wait3A_1943, %dma_wait3A_1944] : memref<32x64xf32, #tpu.memory_space<vmem>> -> memref<1x64xf32, #tpu.memory_space<vmem>>
    %dma_wait3A_1946 = arith.constant 0 : i32
    %dma_wait3A_1947 = tpu.memref_slice %arg2[%squeeze3A_939, %dma_wait3A_1946] : memref<100501x64xf32, #tpu.memory_space<hbm>> -> memref<1x64xf32, #tpu.memory_space<hbm>>
    tpu.wait_dma2 semaphore(%arg16 : memref<!tpu.dma_semaphore, #tpu.memory_space<semaphore_mem>>) src(%dma_wait3A_1947 : memref<1x64xf32, #tpu.memory_space<hbm>>) dst(%dma_wait3A_1945 : memref<1x64xf32, #tpu.memory_space<vmem>>)
    %dma_wait3A_1948 = arith.constant 14 : i32
    %dma_wait3A_1949 = arith.constant 0 : i32
    %dma_wait3A_1950 = tpu.memref_slice %arg15[%dma_wait3A_1948, %dma_wait3A_1949] : memref<32x64xf32, #tpu.memory_space<vmem>> -> memref<1x64xf32, #tpu.memory_space<vmem>>
    %dma_wait3A_1951 = arith.constant 0 : i32
    %dma_wait3A_1952 = tpu.memref_slice %arg2[%squeeze3A_951, %dma_wait3A_1951] : memref<100501x64xf32, #tpu.memory_space<hbm>> -> memref<1x64xf32, #tpu.memory_space<hbm>>
    %dma_wait3A_1953 = arith.constant 14 : i32
    %dma_wait3A_1954 = arith.constant 0 : i32
    %dma_wait3A_1955 = tpu.memref_slice %arg15[%dma_wait3A_1953, %dma_wait3A_1954] : memref<32x64xf32, #tpu.memory_space<vmem>> -> memref<1x64xf32, #tpu.memory_space<vmem>>
    %dma_wait3A_1956 = arith.constant 0 : i32
    %dma_wait3A_1957 = tpu.memref_slice %arg2[%squeeze3A_951, %dma_wait3A_1956] : memref<100501x64xf32, #tpu.memory_space<hbm>> -> memref<1x64xf32, #tpu.memory_space<hbm>>
    tpu.wait_dma2 semaphore(%arg16 : memref<!tpu.dma_semaphore, #tpu.memory_space<semaphore_mem>>) src(%dma_wait3A_1957 : memref<1x64xf32, #tpu.memory_space<hbm>>) dst(%dma_wait3A_1955 : memref<1x64xf32, #tpu.memory_space<vmem>>)
    %dma_wait3A_1958 = arith.constant 15 : i32
    %dma_wait3A_1959 = arith.constant 0 : i32
    %dma_wait3A_1960 = tpu.memref_slice %arg15[%dma_wait3A_1958, %dma_wait3A_1959] : memref<32x64xf32, #tpu.memory_space<vmem>> -> memref<1x64xf32, #tpu.memory_space<vmem>>
    %dma_wait3A_1961 = arith.constant 0 : i32
    %dma_wait3A_1962 = tpu.memref_slice %arg2[%squeeze3A_963, %dma_wait3A_1961] : memref<100501x64xf32, #tpu.memory_space<hbm>> -> memref<1x64xf32, #tpu.memory_space<hbm>>
    %dma_wait3A_1963 = arith.constant 15 : i32
    %dma_wait3A_1964 = arith.constant 0 : i32
    %dma_wait3A_1965 = tpu.memref_slice %arg15[%dma_wait3A_1963, %dma_wait3A_1964] : memref<32x64xf32, #tpu.memory_space<vmem>> -> memref<1x64xf32, #tpu.memory_space<vmem>>
    %dma_wait3A_1966 = arith.constant 0 : i32
    %dma_wait3A_1967 = tpu.memref_slice %arg2[%squeeze3A_963, %dma_wait3A_1966] : memref<100501x64xf32, #tpu.memory_space<hbm>> -> memref<1x64xf32, #tpu.memory_space<hbm>>
    tpu.wait_dma2 semaphore(%arg16 : memref<!tpu.dma_semaphore, #tpu.memory_space<semaphore_mem>>) src(%dma_wait3A_1967 : memref<1x64xf32, #tpu.memory_space<hbm>>) dst(%dma_wait3A_1965 : memref<1x64xf32, #tpu.memory_space<vmem>>)
    %dma_wait3A_1968 = arith.constant 16 : i32
    %dma_wait3A_1969 = arith.constant 0 : i32
    %dma_wait3A_1970 = tpu.memref_slice %arg15[%dma_wait3A_1968, %dma_wait3A_1969] : memref<32x64xf32, #tpu.memory_space<vmem>> -> memref<1x64xf32, #tpu.memory_space<vmem>>
    %dma_wait3A_1971 = arith.constant 0 : i32
    %dma_wait3A_1972 = tpu.memref_slice %arg2[%squeeze3A_978, %dma_wait3A_1971] : memref<100501x64xf32, #tpu.memory_space<hbm>> -> memref<1x64xf32, #tpu.memory_space<hbm>>
    %dma_wait3A_1973 = arith.constant 16 : i32
    %dma_wait3A_1974 = arith.constant 0 : i32
    %dma_wait3A_1975 = tpu.memref_slice %arg15[%dma_wait3A_1973, %dma_wait3A_1974] : memref<32x64xf32, #tpu.memory_space<vmem>> -> memref<1x64xf32, #tpu.memory_space<vmem>>
    %dma_wait3A_1976 = arith.constant 0 : i32
    %dma_wait3A_1977 = tpu.memref_slice %arg2[%squeeze3A_978, %dma_wait3A_1976] : memref<100501x64xf32, #tpu.memory_space<hbm>> -> memref<1x64xf32, #tpu.memory_space<hbm>>
    tpu.wait_dma2 semaphore(%arg16 : memref<!tpu.dma_semaphore, #tpu.memory_space<semaphore_mem>>) src(%dma_wait3A_1977 : memref<1x64xf32, #tpu.memory_space<hbm>>) dst(%dma_wait3A_1975 : memref<1x64xf32, #tpu.memory_space<vmem>>)
    %dma_wait3A_1978 = arith.constant 17 : i32
    %dma_wait3A_1979 = arith.constant 0 : i32
    %dma_wait3A_1980 = tpu.memref_slice %arg15[%dma_wait3A_1978, %dma_wait3A_1979] : memref<32x64xf32, #tpu.memory_space<vmem>> -> memref<1x64xf32, #tpu.memory_space<vmem>>
    %dma_wait3A_1981 = arith.constant 0 : i32
    %dma_wait3A_1982 = tpu.memref_slice %arg2[%squeeze3A_990, %dma_wait3A_1981] : memref<100501x64xf32, #tpu.memory_space<hbm>> -> memref<1x64xf32, #tpu.memory_space<hbm>>
    %dma_wait3A_1983 = arith.constant 17 : i32
    %dma_wait3A_1984 = arith.constant 0 : i32
    %dma_wait3A_1985 = tpu.memref_slice %arg15[%dma_wait3A_1983, %dma_wait3A_1984] : memref<32x64xf32, #tpu.memory_space<vmem>> -> memref<1x64xf32, #tpu.memory_space<vmem>>
    %dma_wait3A_1986 = arith.constant 0 : i32
    %dma_wait3A_1987 = tpu.memref_slice %arg2[%squeeze3A_990, %dma_wait3A_1986] : memref<100501x64xf32, #tpu.memory_space<hbm>> -> memref<1x64xf32, #tpu.memory_space<hbm>>
    tpu.wait_dma2 semaphore(%arg16 : memref<!tpu.dma_semaphore, #tpu.memory_space<semaphore_mem>>) src(%dma_wait3A_1987 : memref<1x64xf32, #tpu.memory_space<hbm>>) dst(%dma_wait3A_1985 : memref<1x64xf32, #tpu.memory_space<vmem>>)
    %dma_wait3A_1988 = arith.constant 18 : i32
    %dma_wait3A_1989 = arith.constant 0 : i32
    %dma_wait3A_1990 = tpu.memref_slice %arg15[%dma_wait3A_1988, %dma_wait3A_1989] : memref<32x64xf32, #tpu.memory_space<vmem>> -> memref<1x64xf32, #tpu.memory_space<vmem>>
    %dma_wait3A_1991 = arith.constant 0 : i32
    %dma_wait3A_1992 = tpu.memref_slice %arg2[%squeeze3A_1002, %dma_wait3A_1991] : memref<100501x64xf32, #tpu.memory_space<hbm>> -> memref<1x64xf32, #tpu.memory_space<hbm>>
    %dma_wait3A_1993 = arith.constant 18 : i32
    %dma_wait3A_1994 = arith.constant 0 : i32
    %dma_wait3A_1995 = tpu.memref_slice %arg15[%dma_wait3A_1993, %dma_wait3A_1994] : memref<32x64xf32, #tpu.memory_space<vmem>> -> memref<1x64xf32, #tpu.memory_space<vmem>>
    %dma_wait3A_1996 = arith.constant 0 : i32
    %dma_wait3A_1997 = tpu.memref_slice %arg2[%squeeze3A_1002, %dma_wait3A_1996] : memref<100501x64xf32, #tpu.memory_space<hbm>> -> memref<1x64xf32, #tpu.memory_space<hbm>>
    tpu.wait_dma2 semaphore(%arg16 : memref<!tpu.dma_semaphore, #tpu.memory_space<semaphore_mem>>) src(%dma_wait3A_1997 : memref<1x64xf32, #tpu.memory_space<hbm>>) dst(%dma_wait3A_1995 : memref<1x64xf32, #tpu.memory_space<vmem>>)
    %dma_wait3A_1998 = arith.constant 19 : i32
    %dma_wait3A_1999 = arith.constant 0 : i32
    %dma_wait3A_2000 = tpu.memref_slice %arg15[%dma_wait3A_1998, %dma_wait3A_1999] : memref<32x64xf32, #tpu.memory_space<vmem>> -> memref<1x64xf32, #tpu.memory_space<vmem>>
    %dma_wait3A_2001 = arith.constant 0 : i32
    %dma_wait3A_2002 = tpu.memref_slice %arg2[%squeeze3A_1014, %dma_wait3A_2001] : memref<100501x64xf32, #tpu.memory_space<hbm>> -> memref<1x64xf32, #tpu.memory_space<hbm>>
    %dma_wait3A_2003 = arith.constant 19 : i32
    %dma_wait3A_2004 = arith.constant 0 : i32
    %dma_wait3A_2005 = tpu.memref_slice %arg15[%dma_wait3A_2003, %dma_wait3A_2004] : memref<32x64xf32, #tpu.memory_space<vmem>> -> memref<1x64xf32, #tpu.memory_space<vmem>>
    %dma_wait3A_2006 = arith.constant 0 : i32
    %dma_wait3A_2007 = tpu.memref_slice %arg2[%squeeze3A_1014, %dma_wait3A_2006] : memref<100501x64xf32, #tpu.memory_space<hbm>> -> memref<1x64xf32, #tpu.memory_space<hbm>>
    tpu.wait_dma2 semaphore(%arg16 : memref<!tpu.dma_semaphore, #tpu.memory_space<semaphore_mem>>) src(%dma_wait3A_2007 : memref<1x64xf32, #tpu.memory_space<hbm>>) dst(%dma_wait3A_2005 : memref<1x64xf32, #tpu.memory_space<vmem>>)
    %dma_wait3A_2008 = arith.constant 20 : i32
    %dma_wait3A_2009 = arith.constant 0 : i32
    %dma_wait3A_2010 = tpu.memref_slice %arg15[%dma_wait3A_2008, %dma_wait3A_2009] : memref<32x64xf32, #tpu.memory_space<vmem>> -> memref<1x64xf32, #tpu.memory_space<vmem>>
    %dma_wait3A_2011 = arith.constant 0 : i32
    %dma_wait3A_2012 = tpu.memref_slice %arg2[%squeeze3A_1026, %dma_wait3A_2011] : memref<100501x64xf32, #tpu.memory_space<hbm>> -> memref<1x64xf32, #tpu.memory_space<hbm>>
    %dma_wait3A_2013 = arith.constant 20 : i32
    %dma_wait3A_2014 = arith.constant 0 : i32
    %dma_wait3A_2015 = tpu.memref_slice %arg15[%dma_wait3A_2013, %dma_wait3A_2014] : memref<32x64xf32, #tpu.memory_space<vmem>> -> memref<1x64xf32, #tpu.memory_space<vmem>>
    %dma_wait3A_2016 = arith.constant 0 : i32
    %dma_wait3A_2017 = tpu.memref_slice %arg2[%squeeze3A_1026, %dma_wait3A_2016] : memref<100501x64xf32, #tpu.memory_space<hbm>> -> memref<1x64xf32, #tpu.memory_space<hbm>>
    tpu.wait_dma2 semaphore(%arg16 : memref<!tpu.dma_semaphore, #tpu.memory_space<semaphore_mem>>) src(%dma_wait3A_2017 : memref<1x64xf32, #tpu.memory_space<hbm>>) dst(%dma_wait3A_2015 : memref<1x64xf32, #tpu.memory_space<vmem>>)
    %dma_wait3A_2018 = arith.constant 21 : i32
    %dma_wait3A_2019 = arith.constant 0 : i32
    %dma_wait3A_2020 = tpu.memref_slice %arg15[%dma_wait3A_2018, %dma_wait3A_2019] : memref<32x64xf32, #tpu.memory_space<vmem>> -> memref<1x64xf32, #tpu.memory_space<vmem>>
    %dma_wait3A_2021 = arith.constant 0 : i32
    %dma_wait3A_2022 = tpu.memref_slice %arg2[%squeeze3A_1038, %dma_wait3A_2021] : memref<100501x64xf32, #tpu.memory_space<hbm>> -> memref<1x64xf32, #tpu.memory_space<hbm>>
    %dma_wait3A_2023 = arith.constant 21 : i32
    %dma_wait3A_2024 = arith.constant 0 : i32
    %dma_wait3A_2025 = tpu.memref_slice %arg15[%dma_wait3A_2023, %dma_wait3A_2024] : memref<32x64xf32, #tpu.memory_space<vmem>> -> memref<1x64xf32, #tpu.memory_space<vmem>>
    %dma_wait3A_2026 = arith.constant 0 : i32
    %dma_wait3A_2027 = tpu.memref_slice %arg2[%squeeze3A_1038, %dma_wait3A_2026] : memref<100501x64xf32, #tpu.memory_space<hbm>> -> memref<1x64xf32, #tpu.memory_space<hbm>>
    tpu.wait_dma2 semaphore(%arg16 : memref<!tpu.dma_semaphore, #tpu.memory_space<semaphore_mem>>) src(%dma_wait3A_2027 : memref<1x64xf32, #tpu.memory_space<hbm>>) dst(%dma_wait3A_2025 : memref<1x64xf32, #tpu.memory_space<vmem>>)
    %dma_wait3A_2028 = arith.constant 22 : i32
    %dma_wait3A_2029 = arith.constant 0 : i32
    %dma_wait3A_2030 = tpu.memref_slice %arg15[%dma_wait3A_2028, %dma_wait3A_2029] : memref<32x64xf32, #tpu.memory_space<vmem>> -> memref<1x64xf32, #tpu.memory_space<vmem>>
    %dma_wait3A_2031 = arith.constant 0 : i32
    %dma_wait3A_2032 = tpu.memref_slice %arg2[%squeeze3A_1050, %dma_wait3A_2031] : memref<100501x64xf32, #tpu.memory_space<hbm>> -> memref<1x64xf32, #tpu.memory_space<hbm>>
    %dma_wait3A_2033 = arith.constant 22 : i32
    %dma_wait3A_2034 = arith.constant 0 : i32
    %dma_wait3A_2035 = tpu.memref_slice %arg15[%dma_wait3A_2033, %dma_wait3A_2034] : memref<32x64xf32, #tpu.memory_space<vmem>> -> memref<1x64xf32, #tpu.memory_space<vmem>>
    %dma_wait3A_2036 = arith.constant 0 : i32
    %dma_wait3A_2037 = tpu.memref_slice %arg2[%squeeze3A_1050, %dma_wait3A_2036] : memref<100501x64xf32, #tpu.memory_space<hbm>> -> memref<1x64xf32, #tpu.memory_space<hbm>>
    tpu.wait_dma2 semaphore(%arg16 : memref<!tpu.dma_semaphore, #tpu.memory_space<semaphore_mem>>) src(%dma_wait3A_2037 : memref<1x64xf32, #tpu.memory_space<hbm>>) dst(%dma_wait3A_2035 : memref<1x64xf32, #tpu.memory_space<vmem>>)
    %dma_wait3A_2038 = arith.constant 23 : i32
    %dma_wait3A_2039 = arith.constant 0 : i32
    %dma_wait3A_2040 = tpu.memref_slice %arg15[%dma_wait3A_2038, %dma_wait3A_2039] : memref<32x64xf32, #tpu.memory_space<vmem>> -> memref<1x64xf32, #tpu.memory_space<vmem>>
    %dma_wait3A_2041 = arith.constant 0 : i32
    %dma_wait3A_2042 = tpu.memref_slice %arg2[%squeeze3A_1062, %dma_wait3A_2041] : memref<100501x64xf32, #tpu.memory_space<hbm>> -> memref<1x64xf32, #tpu.memory_space<hbm>>
    %dma_wait3A_2043 = arith.constant 23 : i32
    %dma_wait3A_2044 = arith.constant 0 : i32
    %dma_wait3A_2045 = tpu.memref_slice %arg15[%dma_wait3A_2043, %dma_wait3A_2044] : memref<32x64xf32, #tpu.memory_space<vmem>> -> memref<1x64xf32, #tpu.memory_space<vmem>>
    %dma_wait3A_2046 = arith.constant 0 : i32
    %dma_wait3A_2047 = tpu.memref_slice %arg2[%squeeze3A_1062, %dma_wait3A_2046] : memref<100501x64xf32, #tpu.memory_space<hbm>> -> memref<1x64xf32, #tpu.memory_space<hbm>>
    tpu.wait_dma2 semaphore(%arg16 : memref<!tpu.dma_semaphore, #tpu.memory_space<semaphore_mem>>) src(%dma_wait3A_2047 : memref<1x64xf32, #tpu.memory_space<hbm>>) dst(%dma_wait3A_2045 : memref<1x64xf32, #tpu.memory_space<vmem>>)
    %dma_wait3A_2048 = arith.constant 24 : i32
    %dma_wait3A_2049 = arith.constant 0 : i32
    %dma_wait3A_2050 = tpu.memref_slice %arg15[%dma_wait3A_2048, %dma_wait3A_2049] : memref<32x64xf32, #tpu.memory_space<vmem>> -> memref<1x64xf32, #tpu.memory_space<vmem>>
    %dma_wait3A_2051 = arith.constant 0 : i32
    %dma_wait3A_2052 = tpu.memref_slice %arg2[%squeeze3A_1074, %dma_wait3A_2051] : memref<100501x64xf32, #tpu.memory_space<hbm>> -> memref<1x64xf32, #tpu.memory_space<hbm>>
    %dma_wait3A_2053 = arith.constant 24 : i32
    %dma_wait3A_2054 = arith.constant 0 : i32
    %dma_wait3A_2055 = tpu.memref_slice %arg15[%dma_wait3A_2053, %dma_wait3A_2054] : memref<32x64xf32, #tpu.memory_space<vmem>> -> memref<1x64xf32, #tpu.memory_space<vmem>>
    %dma_wait3A_2056 = arith.constant 0 : i32
    %dma_wait3A_2057 = tpu.memref_slice %arg2[%squeeze3A_1074, %dma_wait3A_2056] : memref<100501x64xf32, #tpu.memory_space<hbm>> -> memref<1x64xf32, #tpu.memory_space<hbm>>
    tpu.wait_dma2 semaphore(%arg16 : memref<!tpu.dma_semaphore, #tpu.memory_space<semaphore_mem>>) src(%dma_wait3A_2057 : memref<1x64xf32, #tpu.memory_space<hbm>>) dst(%dma_wait3A_2055 : memref<1x64xf32, #tpu.memory_space<vmem>>)
    %dma_wait3A_2058 = arith.constant 25 : i32
    %dma_wait3A_2059 = arith.constant 0 : i32
    %dma_wait3A_2060 = tpu.memref_slice %arg15[%dma_wait3A_2058, %dma_wait3A_2059] : memref<32x64xf32, #tpu.memory_space<vmem>> -> memref<1x64xf32, #tpu.memory_space<vmem>>
    %dma_wait3A_2061 = arith.constant 0 : i32
    %dma_wait3A_2062 = tpu.memref_slice %arg2[%squeeze3A_1086, %dma_wait3A_2061] : memref<100501x64xf32, #tpu.memory_space<hbm>> -> memref<1x64xf32, #tpu.memory_space<hbm>>
    %dma_wait3A_2063 = arith.constant 25 : i32
    %dma_wait3A_2064 = arith.constant 0 : i32
    %dma_wait3A_2065 = tpu.memref_slice %arg15[%dma_wait3A_2063, %dma_wait3A_2064] : memref<32x64xf32, #tpu.memory_space<vmem>> -> memref<1x64xf32, #tpu.memory_space<vmem>>
    %dma_wait3A_2066 = arith.constant 0 : i32
    %dma_wait3A_2067 = tpu.memref_slice %arg2[%squeeze3A_1086, %dma_wait3A_2066] : memref<100501x64xf32, #tpu.memory_space<hbm>> -> memref<1x64xf32, #tpu.memory_space<hbm>>
    tpu.wait_dma2 semaphore(%arg16 : memref<!tpu.dma_semaphore, #tpu.memory_space<semaphore_mem>>) src(%dma_wait3A_2067 : memref<1x64xf32, #tpu.memory_space<hbm>>) dst(%dma_wait3A_2065 : memref<1x64xf32, #tpu.memory_space<vmem>>)
    %dma_wait3A_2068 = arith.constant 26 : i32
    %dma_wait3A_2069 = arith.constant 0 : i32
    %dma_wait3A_2070 = tpu.memref_slice %arg15[%dma_wait3A_2068, %dma_wait3A_2069] : memref<32x64xf32, #tpu.memory_space<vmem>> -> memref<1x64xf32, #tpu.memory_space<vmem>>
    %dma_wait3A_2071 = arith.constant 0 : i32
    %dma_wait3A_2072 = tpu.memref_slice %arg2[%squeeze3A_1098, %dma_wait3A_2071] : memref<100501x64xf32, #tpu.memory_space<hbm>> -> memref<1x64xf32, #tpu.memory_space<hbm>>
    %dma_wait3A_2073 = arith.constant 26 : i32
    %dma_wait3A_2074 = arith.constant 0 : i32
    %dma_wait3A_2075 = tpu.memref_slice %arg15[%dma_wait3A_2073, %dma_wait3A_2074] : memref<32x64xf32, #tpu.memory_space<vmem>> -> memref<1x64xf32, #tpu.memory_space<vmem>>
    %dma_wait3A_2076 = arith.constant 0 : i32
    %dma_wait3A_2077 = tpu.memref_slice %arg2[%squeeze3A_1098, %dma_wait3A_2076] : memref<100501x64xf32, #tpu.memory_space<hbm>> -> memref<1x64xf32, #tpu.memory_space<hbm>>
    tpu.wait_dma2 semaphore(%arg16 : memref<!tpu.dma_semaphore, #tpu.memory_space<semaphore_mem>>) src(%dma_wait3A_2077 : memref<1x64xf32, #tpu.memory_space<hbm>>) dst(%dma_wait3A_2075 : memref<1x64xf32, #tpu.memory_space<vmem>>)
    %dma_wait3A_2078 = arith.constant 27 : i32
    %dma_wait3A_2079 = arith.constant 0 : i32
    %dma_wait3A_2080 = tpu.memref_slice %arg15[%dma_wait3A_2078, %dma_wait3A_2079] : memref<32x64xf32, #tpu.memory_space<vmem>> -> memref<1x64xf32, #tpu.memory_space<vmem>>
    %dma_wait3A_2081 = arith.constant 0 : i32
    %dma_wait3A_2082 = tpu.memref_slice %arg2[%squeeze3A_1110, %dma_wait3A_2081] : memref<100501x64xf32, #tpu.memory_space<hbm>> -> memref<1x64xf32, #tpu.memory_space<hbm>>
    %dma_wait3A_2083 = arith.constant 27 : i32
    %dma_wait3A_2084 = arith.constant 0 : i32
    %dma_wait3A_2085 = tpu.memref_slice %arg15[%dma_wait3A_2083, %dma_wait3A_2084] : memref<32x64xf32, #tpu.memory_space<vmem>> -> memref<1x64xf32, #tpu.memory_space<vmem>>
    %dma_wait3A_2086 = arith.constant 0 : i32
    %dma_wait3A_2087 = tpu.memref_slice %arg2[%squeeze3A_1110, %dma_wait3A_2086] : memref<100501x64xf32, #tpu.memory_space<hbm>> -> memref<1x64xf32, #tpu.memory_space<hbm>>
    tpu.wait_dma2 semaphore(%arg16 : memref<!tpu.dma_semaphore, #tpu.memory_space<semaphore_mem>>) src(%dma_wait3A_2087 : memref<1x64xf32, #tpu.memory_space<hbm>>) dst(%dma_wait3A_2085 : memref<1x64xf32, #tpu.memory_space<vmem>>)
    %dma_wait3A_2088 = arith.constant 28 : i32
    %dma_wait3A_2089 = arith.constant 0 : i32
    %dma_wait3A_2090 = tpu.memref_slice %arg15[%dma_wait3A_2088, %dma_wait3A_2089] : memref<32x64xf32, #tpu.memory_space<vmem>> -> memref<1x64xf32, #tpu.memory_space<vmem>>
    %dma_wait3A_2091 = arith.constant 0 : i32
    %dma_wait3A_2092 = tpu.memref_slice %arg2[%squeeze3A_1122, %dma_wait3A_2091] : memref<100501x64xf32, #tpu.memory_space<hbm>> -> memref<1x64xf32, #tpu.memory_space<hbm>>
    %dma_wait3A_2093 = arith.constant 28 : i32
    %dma_wait3A_2094 = arith.constant 0 : i32
    %dma_wait3A_2095 = tpu.memref_slice %arg15[%dma_wait3A_2093, %dma_wait3A_2094] : memref<32x64xf32, #tpu.memory_space<vmem>> -> memref<1x64xf32, #tpu.memory_space<vmem>>
    %dma_wait3A_2096 = arith.constant 0 : i32
    %dma_wait3A_2097 = tpu.memref_slice %arg2[%squeeze3A_1122, %dma_wait3A_2096] : memref<100501x64xf32, #tpu.memory_space<hbm>> -> memref<1x64xf32, #tpu.memory_space<hbm>>
    tpu.wait_dma2 semaphore(%arg16 : memref<!tpu.dma_semaphore, #tpu.memory_space<semaphore_mem>>) src(%dma_wait3A_2097 : memref<1x64xf32, #tpu.memory_space<hbm>>) dst(%dma_wait3A_2095 : memref<1x64xf32, #tpu.memory_space<vmem>>)
    %dma_wait3A_2098 = arith.constant 29 : i32
    %dma_wait3A_2099 = arith.constant 0 : i32
    %dma_wait3A_2100 = tpu.memref_slice %arg15[%dma_wait3A_2098, %dma_wait3A_2099] : memref<32x64xf32, #tpu.memory_space<vmem>> -> memref<1x64xf32, #tpu.memory_space<vmem>>
    %dma_wait3A_2101 = arith.constant 0 : i32
    %dma_wait3A_2102 = tpu.memref_slice %arg2[%squeeze3A_1134, %dma_wait3A_2101] : memref<100501x64xf32, #tpu.memory_space<hbm>> -> memref<1x64xf32, #tpu.memory_space<hbm>>
    %dma_wait3A_2103 = arith.constant 29 : i32
    %dma_wait3A_2104 = arith.constant 0 : i32
    %dma_wait3A_2105 = tpu.memref_slice %arg15[%dma_wait3A_2103, %dma_wait3A_2104] : memref<32x64xf32, #tpu.memory_space<vmem>> -> memref<1x64xf32, #tpu.memory_space<vmem>>
    %dma_wait3A_2106 = arith.constant 0 : i32
    %dma_wait3A_2107 = tpu.memref_slice %arg2[%squeeze3A_1134, %dma_wait3A_2106] : memref<100501x64xf32, #tpu.memory_space<hbm>> -> memref<1x64xf32, #tpu.memory_space<hbm>>
    tpu.wait_dma2 semaphore(%arg16 : memref<!tpu.dma_semaphore, #tpu.memory_space<semaphore_mem>>) src(%dma_wait3A_2107 : memref<1x64xf32, #tpu.memory_space<hbm>>) dst(%dma_wait3A_2105 : memref<1x64xf32, #tpu.memory_space<vmem>>)
    %dma_wait3A_2108 = arith.constant 30 : i32
    %dma_wait3A_2109 = arith.constant 0 : i32
    %dma_wait3A_2110 = tpu.memref_slice %arg15[%dma_wait3A_2108, %dma_wait3A_2109] : memref<32x64xf32, #tpu.memory_space<vmem>> -> memref<1x64xf32, #tpu.memory_space<vmem>>
    %dma_wait3A_2111 = arith.constant 0 : i32
    %dma_wait3A_2112 = tpu.memref_slice %arg2[%squeeze3A_1146, %dma_wait3A_2111] : memref<100501x64xf32, #tpu.memory_space<hbm>> -> memref<1x64xf32, #tpu.memory_space<hbm>>
    %dma_wait3A_2113 = arith.constant 30 : i32
    %dma_wait3A_2114 = arith.constant 0 : i32
    %dma_wait3A_2115 = tpu.memref_slice %arg15[%dma_wait3A_2113, %dma_wait3A_2114] : memref<32x64xf32, #tpu.memory_space<vmem>> -> memref<1x64xf32, #tpu.memory_space<vmem>>
    %dma_wait3A_2116 = arith.constant 0 : i32
    %dma_wait3A_2117 = tpu.memref_slice %arg2[%squeeze3A_1146, %dma_wait3A_2116] : memref<100501x64xf32, #tpu.memory_space<hbm>> -> memref<1x64xf32, #tpu.memory_space<hbm>>
    tpu.wait_dma2 semaphore(%arg16 : memref<!tpu.dma_semaphore, #tpu.memory_space<semaphore_mem>>) src(%dma_wait3A_2117 : memref<1x64xf32, #tpu.memory_space<hbm>>) dst(%dma_wait3A_2115 : memref<1x64xf32, #tpu.memory_space<vmem>>)
    %dma_wait3A_2118 = arith.constant 31 : i32
    %dma_wait3A_2119 = arith.constant 0 : i32
    %dma_wait3A_2120 = tpu.memref_slice %arg15[%dma_wait3A_2118, %dma_wait3A_2119] : memref<32x64xf32, #tpu.memory_space<vmem>> -> memref<1x64xf32, #tpu.memory_space<vmem>>
    %dma_wait3A_2121 = arith.constant 0 : i32
    %dma_wait3A_2122 = tpu.memref_slice %arg2[%squeeze3A_1158, %dma_wait3A_2121] : memref<100501x64xf32, #tpu.memory_space<hbm>> -> memref<1x64xf32, #tpu.memory_space<hbm>>
    %dma_wait3A_2123 = arith.constant 31 : i32
    %dma_wait3A_2124 = arith.constant 0 : i32
    %dma_wait3A_2125 = tpu.memref_slice %arg15[%dma_wait3A_2123, %dma_wait3A_2124] : memref<32x64xf32, #tpu.memory_space<vmem>> -> memref<1x64xf32, #tpu.memory_space<vmem>>
    %dma_wait3A_2126 = arith.constant 0 : i32
    %dma_wait3A_2127 = tpu.memref_slice %arg2[%squeeze3A_1158, %dma_wait3A_2126] : memref<100501x64xf32, #tpu.memory_space<hbm>> -> memref<1x64xf32, #tpu.memory_space<hbm>>
    tpu.wait_dma2 semaphore(%arg16 : memref<!tpu.dma_semaphore, #tpu.memory_space<semaphore_mem>>) src(%dma_wait3A_2127 : memref<1x64xf32, #tpu.memory_space<hbm>>) dst(%dma_wait3A_2125 : memref<1x64xf32, #tpu.memory_space<vmem>>)
    "tpu.region"() ({
      %run_scoped3A = tpu.sem_alloc : memref<!tpu.dma_semaphore, #tpu.memory_space<semaphore_mem>>
      %dma_start3A_2128 = arith.constant 0 : i32
      %dma_start3A_2129 = tpu.memref_slice %arg7[%mul3A_2, %dma_start3A_2128] : memref<1024x64xf32, #tpu.memory_space<hbm>> -> memref<32x64xf32, #tpu.memory_space<hbm>>
      %dma_start3A_2130 = arith.constant 0 : i32
      %dma_start3A_2131 = tpu.memref_slice %arg7[%mul3A_2, %dma_start3A_2130] : memref<1024x64xf32, #tpu.memory_space<hbm>> -> memref<32x64xf32, #tpu.memory_space<hbm>>
      tpu.enqueue_dma source(%arg13 : memref<32x64xf32, #tpu.memory_space<vmem>>) target(%dma_start3A_2131 : memref<32x64xf32, #tpu.memory_space<hbm>>) target_semaphore(%run_scoped3A : memref<!tpu.dma_semaphore, #tpu.memory_space<semaphore_mem>>)
      %dma_wait3A_2132 = arith.constant 0 : i32
      %dma_wait3A_2133 = tpu.memref_slice %arg7[%mul3A_2, %dma_wait3A_2132] : memref<1024x64xf32, #tpu.memory_space<hbm>> -> memref<32x64xf32, #tpu.memory_space<hbm>>
      %dma_wait3A_2134 = arith.constant 0 : i32
      %dma_wait3A_2135 = tpu.memref_slice %arg7[%mul3A_2, %dma_wait3A_2134] : memref<1024x64xf32, #tpu.memory_space<hbm>> -> memref<32x64xf32, #tpu.memory_space<hbm>>
      tpu.wait_dma2 semaphore(%run_scoped3A : memref<!tpu.dma_semaphore, #tpu.memory_space<semaphore_mem>>) src(%arg13 : memref<32x64xf32, #tpu.memory_space<vmem>>) dst(%dma_wait3A_2135 : memref<32x64xf32, #tpu.memory_space<hbm>>)
      tpu.yield
    }) : () -> ()
    "tpu.region"() ({
      %run_scoped3A = tpu.sem_alloc : memref<!tpu.dma_semaphore, #tpu.memory_space<semaphore_mem>>
      %dma_start3A_2128 = arith.constant 0 : i32
      %dma_start3A_2129 = tpu.memref_slice %arg8[%mul3A_2, %dma_start3A_2128] : memref<1024x64xf32, #tpu.memory_space<hbm>> -> memref<32x64xf32, #tpu.memory_space<hbm>>
      %dma_start3A_2130 = arith.constant 0 : i32
      %dma_start3A_2131 = tpu.memref_slice %arg8[%mul3A_2, %dma_start3A_2130] : memref<1024x64xf32, #tpu.memory_space<hbm>> -> memref<32x64xf32, #tpu.memory_space<hbm>>
      tpu.enqueue_dma source(%arg14 : memref<32x64xf32, #tpu.memory_space<vmem>>) target(%dma_start3A_2131 : memref<32x64xf32, #tpu.memory_space<hbm>>) target_semaphore(%run_scoped3A : memref<!tpu.dma_semaphore, #tpu.memory_space<semaphore_mem>>)
      %dma_wait3A_2132 = arith.constant 0 : i32
      %dma_wait3A_2133 = tpu.memref_slice %arg8[%mul3A_2, %dma_wait3A_2132] : memref<1024x64xf32, #tpu.memory_space<hbm>> -> memref<32x64xf32, #tpu.memory_space<hbm>>
      %dma_wait3A_2134 = arith.constant 0 : i32
      %dma_wait3A_2135 = tpu.memref_slice %arg8[%mul3A_2, %dma_wait3A_2134] : memref<1024x64xf32, #tpu.memory_space<hbm>> -> memref<32x64xf32, #tpu.memory_space<hbm>>
      tpu.wait_dma2 semaphore(%run_scoped3A : memref<!tpu.dma_semaphore, #tpu.memory_space<semaphore_mem>>) src(%arg14 : memref<32x64xf32, #tpu.memory_space<vmem>>) dst(%dma_wait3A_2135 : memref<32x64xf32, #tpu.memory_space<hbm>>)
      tpu.yield
    }) : () -> ()
    "tpu.region"() ({
      %run_scoped3A = tpu.sem_alloc : memref<!tpu.dma_semaphore, #tpu.memory_space<semaphore_mem>>
      %dma_start3A_2128 = arith.constant 0 : i32
      %dma_start3A_2129 = tpu.memref_slice %arg9[%mul3A_2, %dma_start3A_2128] : memref<1024x64xf32, #tpu.memory_space<hbm>> -> memref<32x64xf32, #tpu.memory_space<hbm>>
      %dma_start3A_2130 = arith.constant 0 : i32
      %dma_start3A_2131 = tpu.memref_slice %arg9[%mul3A_2, %dma_start3A_2130] : memref<1024x64xf32, #tpu.memory_space<hbm>> -> memref<32x64xf32, #tpu.memory_space<hbm>>
      tpu.enqueue_dma source(%arg15 : memref<32x64xf32, #tpu.memory_space<vmem>>) target(%dma_start3A_2131 : memref<32x64xf32, #tpu.memory_space<hbm>>) target_semaphore(%run_scoped3A : memref<!tpu.dma_semaphore, #tpu.memory_space<semaphore_mem>>)
      %dma_wait3A_2132 = arith.constant 0 : i32
      %dma_wait3A_2133 = tpu.memref_slice %arg9[%mul3A_2, %dma_wait3A_2132] : memref<1024x64xf32, #tpu.memory_space<hbm>> -> memref<32x64xf32, #tpu.memory_space<hbm>>
      %dma_wait3A_2134 = arith.constant 0 : i32
      %dma_wait3A_2135 = tpu.memref_slice %arg9[%mul3A_2, %dma_wait3A_2134] : memref<1024x64xf32, #tpu.memory_space<hbm>> -> memref<32x64xf32, #tpu.memory_space<hbm>>
      tpu.wait_dma2 semaphore(%run_scoped3A : memref<!tpu.dma_semaphore, #tpu.memory_space<semaphore_mem>>) src(%arg15 : memref<32x64xf32, #tpu.memory_space<vmem>>) dst(%dma_wait3A_2135 : memref<32x64xf32, #tpu.memory_space<hbm>>)
      tpu.yield
    }) : () -> ()
    return
  }
}

module attributes {stable_mosaic.version = 14 : i64} {
  func.func @_moments_body(%arg0: i32, %arg1: memref<25000x64xf32, #tpu.memory_space<vmem>>, %arg2: memref<1x64xf32, #tpu.memory_space<vmem>>, %arg3: memref<64x64xf32, #tpu.memory_space<vmem>>) attributes {dimension_semantics = [#tpu.dimension_semantics<arbitrary>], iteration_bounds = array<i64: 4>, scalar_prefetch = 0 : i64, scratch_operands = 0 : i64, tpu.core_type = #tpu.core_type<tc>, window_params = [{transform_indices = @transform_0, window_bounds = array<i64: 25000, 64>}, {pipeline_mode = #tpu.pipeline_mode<synchronous>, transform_indices = @transform_1, window_bounds = array<i64: 1, 64>}, {pipeline_mode = #tpu.pipeline_mode<synchronous>, transform_indices = @transform_2, window_bounds = array<i64: 64, 64>}]} {
    %eq3A = arith.constant 0 : i32
    %eq3A_0 = arith.cmpi eq, %arg0, %eq3A : i32
    %convert_element_type3A = arith.extui %eq3A_0 : i1 to i32
    %cond3A = arith.constant 0 : i32
    %cond3A_1 = arith.cmpi ne, %convert_element_type3A, %cond3A : i32
    scf.if %cond3A_1 {
      %broadcast_in_dim3A_20 = arith.constant 0.000000e+00 : f32
      %broadcast_in_dim3A_21 = vector.broadcast %broadcast_in_dim3A_20 : f32 to vector<1x64xf32>
      %swap3A_22 = arith.constant 0 : index
      %swap3A_23 = arith.constant 0 : index
      %swap3A_24 = vector.load %arg2[%swap3A_22, %swap3A_23] : memref<1x64xf32, #tpu.memory_space<vmem>>, vector<1x64xf32>
      tpu.vector_store %arg2[%swap3A_22, %swap3A_23], %broadcast_in_dim3A_21 {strides = array<i32>} : memref<1x64xf32, #tpu.memory_space<vmem>>, vector<1x64xf32>,
      %broadcast_in_dim3A_25 = arith.constant 0.000000e+00 : f32
      %broadcast_in_dim3A_26 = vector.broadcast %broadcast_in_dim3A_25 : f32 to vector<64x64xf32>
      %swap3A_27 = arith.constant 0 : index
      %swap3A_28 = arith.constant 0 : index
      %swap3A_29 = vector.load %arg3[%swap3A_27, %swap3A_28] : memref<64x64xf32, #tpu.memory_space<vmem>>, vector<64x64xf32>
      tpu.vector_store %arg3[%swap3A_27, %swap3A_28], %broadcast_in_dim3A_26 {strides = array<i32>} : memref<64x64xf32, #tpu.memory_space<vmem>>, vector<64x64xf32>,
    } else {
    }
    %get3A = arith.constant 0 : index
    %get3A_2 = arith.constant 0 : index
    %get3A_3 = vector.load %arg1[%get3A, %get3A_2] : memref<25000x64xf32, #tpu.memory_space<vmem>>, vector<25000x64xf32>
    %get3A_4 = arith.constant 0 : index
    %get3A_5 = arith.constant 0 : index
    %get3A_6 = vector.load %arg3[%get3A_4, %get3A_5] : memref<64x64xf32, #tpu.memory_space<vmem>>, vector<64x64xf32>
    %dot_general3A = arith.constant dense<0.000000e+00> : vector<64x64xf32>
    %dot_general3A_7 = tpu.matmul %get3A_3, %get3A_3, %dot_general3A {dimension_numbers = #tpu.dot_dimension_numbers<[0], [0], [1], [1], [0, 1, 1, 1], [], []>, transpose_lhs_hint = false} : vector<25000x64xf32>, vector<25000x64xf32>, vector<64x64xf32> -> vector<64x64xf32>
    %add3A = arith.addf %get3A_6, %dot_general3A_7 : vector<64x64xf32>
    %swap3A = arith.constant 0 : index
    %swap3A_8 = arith.constant 0 : index
    %swap3A_9 = vector.load %arg3[%swap3A, %swap3A_8] : memref<64x64xf32, #tpu.memory_space<vmem>>, vector<64x64xf32>
    tpu.vector_store %arg3[%swap3A, %swap3A_8], %add3A {strides = array<i32>} : memref<64x64xf32, #tpu.memory_space<vmem>>, vector<64x64xf32>,
    %broadcast_in_dim3A = arith.constant 1.000000e+00 : f32
    %broadcast_in_dim3A_10 = vector.broadcast %broadcast_in_dim3A : f32 to vector<1x25000xf32>
    %get3A_11 = arith.constant 0 : index
    %get3A_12 = arith.constant 0 : index
    %get3A_13 = vector.load %arg2[%get3A_11, %get3A_12] : memref<1x64xf32, #tpu.memory_space<vmem>>, vector<1x64xf32>
    %dot_general3A_14 = arith.constant dense<0.000000e+00> : vector<1x64xf32>
    %dot_general3A_15 = tpu.matmul %broadcast_in_dim3A_10, %get3A_3, %dot_general3A_14 {dimension_numbers = #tpu.dot_dimension_numbers<[1], [0], [0], [1], [0, 0, 1, 1], [], []>, transpose_lhs_hint = false} : vector<1x25000xf32>, vector<25000x64xf32>, vector<1x64xf32> -> vector<1x64xf32>
    %add3A_16 = arith.addf %get3A_13, %dot_general3A_15 : vector<1x64xf32>
    %swap3A_17 = arith.constant 0 : index
    %swap3A_18 = arith.constant 0 : index
    %swap3A_19 = vector.load %arg2[%swap3A_17, %swap3A_18] : memref<1x64xf32, #tpu.memory_space<vmem>>, vector<1x64xf32>
    tpu.vector_store %arg2[%swap3A_17, %swap3A_18], %add3A_16 {strides = array<i32>} : memref<1x64xf32, #tpu.memory_space<vmem>>, vector<1x64xf32>,
    return
  }
  func.func @transform_0(%arg0: i32) -> (i32, i32) {
    %c0_i32 = arith.constant 0 : i32
    %c0_i32_0 = arith.constant 0 : i32
    return %arg0, %c0_i32 : i32, i32
  }
  func.func @transform_1(%arg0: i32) -> (i32, i32) {
    %c0_i32 = arith.constant 0 : i32
    %c0_i32_0 = arith.constant 0 : i32
    %c0_i32_1 = arith.constant 0 : i32
    return %c0_i32, %c0_i32_0 : i32, i32
  }
  func.func @transform_2(%arg0: i32) -> (i32, i32) {
    %c0_i32 = arith.constant 0 : i32
    %c0_i32_0 = arith.constant 0 : i32
    %c0_i32_1 = arith.constant 0 : i32
    return %c0_i32, %c0_i32_0 : i32, i32
  }
}

module attributes {stable_mosaic.version = 14 : i64} {
  func.func @_assemble_body(%arg0: memref<1024x64xf32, #tpu.memory_space<vmem>>, %arg1: memref<1024x64xf32, #tpu.memory_space<vmem>>, %arg2: memref<1024x64xf32, #tpu.memory_space<vmem>>, %arg3: memref<1x64xf32, #tpu.memory_space<vmem>>, %arg4: memref<64x64xf32, #tpu.memory_space<vmem>>, %arg5: memref<1x1xf32, #tpu.memory_space<smem>>, %arg6: memref<1x1xf32, #tpu.memory_space<smem>>) attributes {dimension_semantics = [], scalar_prefetch = 0 : i64, scratch_operands = 0 : i64, tpu.core_type = #tpu.core_type<tc>} {
    %get3A = arith.constant 0 : index
    %get3A_0 = arith.constant 0 : index
    %get3A_1 = vector.load %arg0[%get3A, %get3A_0] : memref<1024x64xf32, #tpu.memory_space<vmem>>, vector<1024x64xf32>
    %get3A_2 = arith.constant 0 : index
    %get3A_3 = arith.constant 0 : index
    %get3A_4 = vector.load %arg1[%get3A_2, %get3A_3] : memref<1024x64xf32, #tpu.memory_space<vmem>>, vector<1024x64xf32>
    %get3A_5 = arith.constant 0 : index
    %get3A_6 = arith.constant 0 : index
    %get3A_7 = vector.load %arg2[%get3A_5, %get3A_6] : memref<1024x64xf32, #tpu.memory_space<vmem>>, vector<1024x64xf32>
    %slice3A = vector.extract_strided_slice %get3A_1 {offsets = [0, 0], sizes = [1024, 32], strides = [1, 1]} : vector<1024x64xf32> to vector<1024x32xf32>
    %slice3A_8 = vector.extract_strided_slice %get3A_1 {offsets = [0, 32], sizes = [1024, 32], strides = [1, 1]} : vector<1024x64xf32> to vector<1024x32xf32>
    %slice3A_9 = vector.extract_strided_slice %get3A_4 {offsets = [0, 0], sizes = [1024, 32], strides = [1, 1]} : vector<1024x64xf32> to vector<1024x32xf32>
    %slice3A_10 = vector.extract_strided_slice %get3A_4 {offsets = [0, 32], sizes = [1024, 32], strides = [1, 1]} : vector<1024x64xf32> to vector<1024x32xf32>
    %mul3A = arith.mulf %slice3A, %slice3A_9 : vector<1024x32xf32>
    %mul3A_11 = arith.mulf %slice3A_8, %slice3A_10 : vector<1024x32xf32>
    %sub3A = arith.subf %mul3A, %mul3A_11 : vector<1024x32xf32>
    %mul3A_12 = arith.mulf %slice3A, %slice3A_10 : vector<1024x32xf32>
    %mul3A_13 = arith.mulf %slice3A_8, %slice3A_9 : vector<1024x32xf32>
    %add3A = arith.addf %mul3A_12, %mul3A_13 : vector<1024x32xf32>
    %concatenate3A = tpu.concatenate %sub3A, %add3A in 1 : vector<1024x32xf32>, vector<1024x32xf32> -> vector<1024x64xf32>
    %get3A_14 = arith.constant 0 : index
    %get3A_15 = arith.constant 0 : index
    %get3A_16 = vector.load %arg3[%get3A_14, %get3A_15] : memref<1x64xf32, #tpu.memory_space<vmem>>, vector<1x64xf32>
    %mul3A_17 = vector.broadcast %get3A_16 : vector<1x64xf32> to vector<1024x64xf32>
    %mul3A_18 = arith.mulf %concatenate3A, %mul3A_17 : vector<1024x64xf32>
    %reduce_sum3A = arith.constant dense<0.000000e+00> : vector<1024xf32>
    %reduce_sum3A_19 = vector.multi_reduction <add>, %mul3A_18, %reduce_sum3A [1] : vector<1024x64xf32> to vector<1024xf32>
    %broadcast_in_dim3A = vector.shape_cast %reduce_sum3A_19 : vector<1024xf32> to vector<1024x1xf32>
    %get3A_20 = arith.constant 0 : index
    %get3A_21 = arith.constant 0 : index
    %get3A_22 = vector.load %arg4[%get3A_20, %get3A_21] : memref<64x64xf32, #tpu.memory_space<vmem>>, vector<64x64xf32>
    %dot_general3A = arith.constant dense<0.000000e+00> : vector<1024x64xf32>
    %dot_general3A_23 = tpu.matmul %concatenate3A, %get3A_22, %dot_general3A {dimension_numbers = #tpu.dot_dimension_numbers<[1], [0], [0], [1], [0, 0, 1, 1], [], []>, transpose_lhs_hint = false} : vector<1024x64xf32>, vector<64x64xf32>, vector<1024x64xf32> -> vector<1024x64xf32>
    %mul3A_24 = arith.mulf %dot_general3A_23, %concatenate3A : vector<1024x64xf32>
    %reduce_sum3A_25 = arith.constant dense<0.000000e+00> : vector<1024xf32>
    %reduce_sum3A_26 = vector.multi_reduction <add>, %mul3A_24, %reduce_sum3A_25 [1] : vector<1024x64xf32> to vector<1024xf32>
    %broadcast_in_dim3A_27 = vector.shape_cast %reduce_sum3A_26 : vector<1024xf32> to vector<1024x1xf32>
    %add3A_28 = arith.constant 1.000000e+05 : f32
    %add3A_29 = vector.broadcast %add3A_28 : f32 to vector<1024x1xf32>
    %add3A_30 = arith.addf %add3A_29, %broadcast_in_dim3A : vector<1024x1xf32>
    %mul3A_31 = arith.constant 5.000000e-01 : f32
    %mul3A_32 = vector.broadcast %mul3A_31 : f32 to vector<1024x1xf32>
    %mul3A_33 = arith.mulf %mul3A_32, %broadcast_in_dim3A_27 : vector<1024x1xf32>
    %add3A_34 = arith.addf %add3A_30, %mul3A_33 : vector<1024x1xf32>
    %log3A = math.log %add3A_34 : vector<1024x1xf32>
    %mul3A_35 = arith.mulf %concatenate3A, %get3A_7 : vector<1024x64xf32>
    %reduce_sum3A_36 = arith.constant dense<0.000000e+00> : vector<1024xf32>
    %reduce_sum3A_37 = vector.multi_reduction <add>, %mul3A_35, %reduce_sum3A_36 [1] : vector<1024x64xf32> to vector<1024xf32>
    %broadcast_in_dim3A_38 = vector.shape_cast %reduce_sum3A_37 : vector<1024xf32> to vector<1024x1xf32>
    %sub3A_39 = arith.subf %log3A, %broadcast_in_dim3A_38 : vector<1024x1xf32>
    %reduce_sum3A_40 = vector.shape_cast %sub3A_39 : vector<1024x1xf32> to vector<1x1024x1xf32>
    %reduce_sum3A_41 = arith.constant dense<0.000000e+00> : vector<1xf32>
    %reduce_sum3A_42 = vector.multi_reduction <add>, %reduce_sum3A_40, %reduce_sum3A_41 [1, 2] : vector<1x1024x1xf32> to vector<1xf32>
    %reduce_sum3A_43 = vector.shape_cast %reduce_sum3A_42 : vector<1xf32> to vector<1x1x1xf32>
    %reduce_sum3A_44 = vector.extract %reduce_sum3A_43[0, 0, 0] : f32 from vector<1x1x1xf32>
    %div3A = arith.constant 1.024000e+03 : f32
    %div3A_45 = arith.divf %reduce_sum3A_44, %div3A : f32
    %slice3A_46 = vector.extract_strided_slice %get3A_1 {offsets = [0, 0], sizes = [1024, 32], strides = [1, 1]} : vector<1024x64xf32> to vector<1024x32xf32>
    %integer_pow3A = arith.mulf %slice3A_46, %slice3A_46 : vector<1024x32xf32>
    %slice3A_47 = vector.extract_strided_slice %get3A_1 {offsets = [0, 32], sizes = [1024, 32], strides = [1, 1]} : vector<1024x64xf32> to vector<1024x32xf32>
    %integer_pow3A_48 = arith.mulf %slice3A_47, %slice3A_47 : vector<1024x32xf32>
    %add3A_49 = arith.addf %integer_pow3A, %integer_pow3A_48 : vector<1024x32xf32>
    %sqrt3A = math.sqrt %add3A_49 : vector<1024x32xf32>
    %mul3A_50 = arith.mulf %add3A_49, %sqrt3A : vector<1024x32xf32>
    %reduce_sum3A_51 = vector.shape_cast %mul3A_50 : vector<1024x32xf32> to vector<1x1024x32xf32>
    %reduce_sum3A_52 = arith.constant dense<0.000000e+00> : vector<1xf32>
    %reduce_sum3A_53 = vector.multi_reduction <add>, %reduce_sum3A_51, %reduce_sum3A_52 [1, 2] : vector<1x1024x32xf32> to vector<1xf32>
    %reduce_sum3A_54 = vector.shape_cast %reduce_sum3A_53 : vector<1xf32> to vector<1x1x1xf32>
    %reduce_sum3A_55 = vector.extract %reduce_sum3A_54[0, 0, 0] : f32 from vector<1x1x1xf32>
    %slice3A_56 = vector.extract_strided_slice %get3A_4 {offsets = [0, 0], sizes = [1024, 32], strides = [1, 1]} : vector<1024x64xf32> to vector<1024x32xf32>
    %integer_pow3A_57 = arith.mulf %slice3A_56, %slice3A_56 : vector<1024x32xf32>
    %slice3A_58 = vector.extract_strided_slice %get3A_4 {offsets = [0, 32], sizes = [1024, 32], strides = [1, 1]} : vector<1024x64xf32> to vector<1024x32xf32>
    %integer_pow3A_59 = arith.mulf %slice3A_58, %slice3A_58 : vector<1024x32xf32>
    %add3A_60 = arith.addf %integer_pow3A_57, %integer_pow3A_59 : vector<1024x32xf32>
    %sqrt3A_61 = math.sqrt %add3A_60 : vector<1024x32xf32>
    %mul3A_62 = arith.mulf %add3A_60, %sqrt3A_61 : vector<1024x32xf32>
    %reduce_sum3A_63 = vector.shape_cast %mul3A_62 : vector<1024x32xf32> to vector<1x1024x32xf32>
    %reduce_sum3A_64 = arith.constant dense<0.000000e+00> : vector<1xf32>
    %reduce_sum3A_65 = vector.multi_reduction <add>, %reduce_sum3A_63, %reduce_sum3A_64 [1, 2] : vector<1x1024x32xf32> to vector<1xf32>
    %reduce_sum3A_66 = vector.shape_cast %reduce_sum3A_65 : vector<1xf32> to vector<1x1x1xf32>
    %reduce_sum3A_67 = vector.extract %reduce_sum3A_66[0, 0, 0] : f32 from vector<1x1x1xf32>
    %add3A_68 = arith.addf %reduce_sum3A_55, %reduce_sum3A_67 : f32
    %slice3A_69 = vector.extract_strided_slice %get3A_7 {offsets = [0, 0], sizes = [1024, 32], strides = [1, 1]} : vector<1024x64xf32> to vector<1024x32xf32>
    %integer_pow3A_70 = arith.mulf %slice3A_69, %slice3A_69 : vector<1024x32xf32>
    %slice3A_71 = vector.extract_strided_slice %get3A_7 {offsets = [0, 32], sizes = [1024, 32], strides = [1, 1]} : vector<1024x64xf32> to vector<1024x32xf32>
    %integer_pow3A_72 = arith.mulf %slice3A_71, %slice3A_71 : vector<1024x32xf32>
    %add3A_73 = arith.addf %integer_pow3A_70, %integer_pow3A_72 : vector<1024x32xf32>
    %sqrt3A_74 = math.sqrt %add3A_73 : vector<1024x32xf32>
    %mul3A_75 = arith.mulf %add3A_73, %sqrt3A_74 : vector<1024x32xf32>
    %reduce_sum3A_76 = vector.shape_cast %mul3A_75 : vector<1024x32xf32> to vector<1x1024x32xf32>
    %reduce_sum3A_77 = arith.constant dense<0.000000e+00> : vector<1xf32>
    %reduce_sum3A_78 = vector.multi_reduction <add>, %reduce_sum3A_76, %reduce_sum3A_77 [1, 2] : vector<1x1024x32xf32> to vector<1xf32>
    %reduce_sum3A_79 = vector.shape_cast %reduce_sum3A_78 : vector<1xf32> to vector<1x1x1xf32>
    %reduce_sum3A_80 = vector.extract %reduce_sum3A_79[0, 0, 0] : f32 from vector<1x1x1xf32>
    %add3A_81 = arith.addf %add3A_68, %reduce_sum3A_80 : f32
    %mul3A_82 = arith.constant 5.000000e-02 : f32
    %mul3A_83 = arith.mulf %mul3A_82, %add3A_81 : f32
    %div3A_84 = arith.constant 1.024000e+03 : f32
    %div3A_85 = arith.divf %mul3A_83, %div3A_84 : f32
    %add3A_86 = arith.addf %div3A_45, %div3A_85 : f32
    %swap3A = arith.constant 0 : index
    %swap3A_87 = arith.constant 0 : index
    %swap3A_88 = memref.load %arg5[%swap3A, %swap3A_87] : memref<1x1xf32, #tpu.memory_space<smem>>
    memref.store %add3A_86, %arg5[%swap3A, %swap3A_87] : memref<1x1xf32, #tpu.memory_space<smem>>
    %get3A_89 = arith.constant 0 : index
    %get3A_90 = arith.constant 0 : index
    %get3A_91 = vector.load %arg4[%get3A_89, %get3A_90] : memref<64x64xf32, #tpu.memory_space<vmem>>, vector<64x64xf32>
    %iota3A = tpu.iota {dimensions = array<i32: 0>} : vector<64x64xi32>
    %iota3A_92 = tpu.iota {dimensions = array<i32: 1>} : vector<64x64xi32>
    %eq3A = arith.cmpi eq, %iota3A, %iota3A_92 : vector<64x64xi32>
    %jit3A = arith.constant 0.000000e+00 : f32
    %broadcast_in_dim3A_93 = vector.broadcast %jit3A : f32 to vector<64x64xf32>
    %select_n3A = arith.select %eq3A, %get3A_91, %broadcast_in_dim3A_93 : vector<64x64xi1>, vector<64x64xf32>
    %reduce_sum3A_94 = vector.shape_cast %select_n3A : vector<64x64xf32> to vector<1x64x64xf32>
    %reduce_sum3A_95 = arith.constant dense<0.000000e+00> : vector<1xf32>
    %reduce_sum3A_96 = vector.multi_reduction <add>, %reduce_sum3A_94, %reduce_sum3A_95 [1, 2] : vector<1x64x64xf32> to vector<1xf32>
    %reduce_sum3A_97 = vector.shape_cast %reduce_sum3A_96 : vector<1xf32> to vector<1x1x1xf32>
    %reduce_sum3A_98 = vector.extract %reduce_sum3A_97[0, 0, 0] : f32 from vector<1x1x1xf32>
    %mul3A_99 = arith.mulf %concatenate3A, %concatenate3A : vector<1024x64xf32>
    %reduce_sum3A_100 = arith.constant dense<0.000000e+00> : vector<1024xf32>
    %reduce_sum3A_101 = vector.multi_reduction <add>, %mul3A_99, %reduce_sum3A_100 [1] : vector<1024x64xf32> to vector<1024xf32>
    %broadcast_in_dim3A_102 = vector.shape_cast %reduce_sum3A_101 : vector<1024xf32> to vector<1024x1xf32>
    %reduce_max3A = vector.shape_cast %broadcast_in_dim3A_102 : vector<1024x1xf32> to vector<1x1024x1xf32>
    %reduce_max3A_103 = arith.constant dense<0xFF800000> : vector<1xf32>
    %reduce_max3A_104 = vector.multi_reduction <maximumf>, %reduce_max3A, %reduce_max3A_103 [1, 2] : vector<1x1024x1xf32> to vector<1xf32>
    %reduce_max3A_105 = vector.shape_cast %reduce_max3A_104 : vector<1xf32> to vector<1x1x1xf32>
    %reduce_max3A_106 = vector.extract %reduce_max3A_105[0, 0, 0] : f32 from vector<1x1x1xf32>
    %mul3A_107 = arith.mulf %reduce_max3A_106, %reduce_sum3A_98 : f32
    %sqrt3A_108 = math.sqrt %mul3A_107 : f32
    %swap3A_109 = arith.constant 0 : index
    %swap3A_110 = arith.constant 0 : index
    %swap3A_111 = memref.load %arg6[%swap3A_109, %swap3A_110] : memref<1x1xf32, #tpu.memory_space<smem>>
    memref.store %sqrt3A_108, %arg6[%swap3A_109, %swap3A_110] : memref<1x1xf32, #tpu.memory_space<smem>>
    return
  }
}

module attributes {stable_mosaic.version = 14 : i64} {
  func.func @_score_body(%arg0: i32, %arg1: memref<1024x64xf32, #tpu.memory_space<vmem>>, %arg2: memref<1024x64xf32, #tpu.memory_space<vmem>>, %arg3: memref<1024x64xf32, #tpu.memory_space<vmem>>, %arg4: memref<2000x64xf32, #tpu.memory_space<vmem>>, %arg5: memref<1x1xf32, #tpu.memory_space<smem>>, %arg6: memref<1024x64xf32, #tpu.memory_space<vmem>>, %arg7: memref<1024x1xf32, #tpu.memory_space<vmem>>, %arg8: memref<1024x1xf32, #tpu.memory_space<vmem>>, %arg9: memref<1024x1xf32, #tpu.memory_space<vmem>>) attributes {dimension_semantics = [#tpu.dimension_semantics<arbitrary>], iteration_bounds = array<i64: 50>, scalar_prefetch = 0 : i64, scratch_operands = 4 : i64, tpu.core_type = #tpu.core_type<tc>, window_params = [{pipeline_mode = #tpu.pipeline_mode<synchronous>, transform_indices = @transform_0, window_bounds = array<i64: 1024, 64>}, {pipeline_mode = #tpu.pipeline_mode<synchronous>, transform_indices = @transform_1, window_bounds = array<i64: 1024, 64>}, {pipeline_mode = #tpu.pipeline_mode<synchronous>, transform_indices = @transform_2, window_bounds = array<i64: 1024, 64>}, {transform_indices = @transform_3, window_bounds = array<i64: 2000, 64>}, {transform_indices = @transform_4, window_bounds = array<i64: 1, 1>}]} {
    %eq3A = arith.constant 0 : i32
    %eq3A_0 = arith.cmpi eq, %arg0, %eq3A : i32
    %convert_element_type3A = arith.extui %eq3A_0 : i1 to i32
    %cond3A = arith.constant 0 : i32
    %cond3A_1 = arith.cmpi ne, %convert_element_type3A, %cond3A : i32
    scf.if %cond3A_1 {
      %get3A_30 = arith.constant 0 : index
      %get3A_31 = arith.constant 0 : index
      %get3A_32 = vector.load %arg1[%get3A_30, %get3A_31] : memref<1024x64xf32, #tpu.memory_space<vmem>>, vector<1024x64xf32>
      %get3A_33 = arith.constant 0 : index
      %get3A_34 = arith.constant 0 : index
      %get3A_35 = vector.load %arg2[%get3A_33, %get3A_34] : memref<1024x64xf32, #tpu.memory_space<vmem>>, vector<1024x64xf32>
      %get3A_36 = arith.constant 0 : index
      %get3A_37 = arith.constant 0 : index
      %get3A_38 = vector.load %arg3[%get3A_36, %get3A_37] : memref<1024x64xf32, #tpu.memory_space<vmem>>, vector<1024x64xf32>
      %slice3A = vector.extract_strided_slice %get3A_32 {offsets = [0, 0], sizes = [1024, 32], strides = [1, 1]} : vector<1024x64xf32> to vector<1024x32xf32>
      %slice3A_39 = vector.extract_strided_slice %get3A_32 {offsets = [0, 32], sizes = [1024, 32], strides = [1, 1]} : vector<1024x64xf32> to vector<1024x32xf32>
      %slice3A_40 = vector.extract_strided_slice %get3A_35 {offsets = [0, 0], sizes = [1024, 32], strides = [1, 1]} : vector<1024x64xf32> to vector<1024x32xf32>
      %slice3A_41 = vector.extract_strided_slice %get3A_35 {offsets = [0, 32], sizes = [1024, 32], strides = [1, 1]} : vector<1024x64xf32> to vector<1024x32xf32>
      %mul3A_42 = arith.mulf %slice3A, %slice3A_40 : vector<1024x32xf32>
      %mul3A_43 = arith.mulf %slice3A_39, %slice3A_41 : vector<1024x32xf32>
      %sub3A_44 = arith.subf %mul3A_42, %mul3A_43 : vector<1024x32xf32>
      %mul3A_45 = arith.mulf %slice3A, %slice3A_41 : vector<1024x32xf32>
      %mul3A_46 = arith.mulf %slice3A_39, %slice3A_40 : vector<1024x32xf32>
      %add3A_47 = arith.addf %mul3A_45, %mul3A_46 : vector<1024x32xf32>
      %concatenate3A = tpu.concatenate %sub3A_44, %add3A_47 in 1 : vector<1024x32xf32>, vector<1024x32xf32> -> vector<1024x64xf32>
      %swap3A_48 = arith.constant 0 : index
      %swap3A_49 = arith.constant 0 : index
      %swap3A_50 = vector.load %arg6[%swap3A_48, %swap3A_49] : memref<1024x64xf32, #tpu.memory_space<vmem>>, vector<1024x64xf32>
      tpu.vector_store %arg6[%swap3A_48, %swap3A_49], %concatenate3A {strides = array<i32>} : memref<1024x64xf32, #tpu.memory_space<vmem>>, vector<1024x64xf32>,
      %slice3A_51 = vector.extract_strided_slice %get3A_38 {offsets = [0, 0], sizes = [1024, 32], strides = [1, 1]} : vector<1024x64xf32> to vector<1024x32xf32>
      %mul3A_52 = arith.mulf %sub3A_44, %slice3A_51 : vector<1024x32xf32>
      %slice3A_53 = vector.extract_strided_slice %get3A_38 {offsets = [0, 32], sizes = [1024, 32], strides = [1, 1]} : vector<1024x64xf32> to vector<1024x32xf32>
      %mul3A_54 = arith.mulf %add3A_47, %slice3A_53 : vector<1024x32xf32>
      %add3A_55 = arith.addf %mul3A_52, %mul3A_54 : vector<1024x32xf32>
      %reduce_sum3A_56 = arith.constant dense<0.000000e+00> : vector<1024xf32>
      %reduce_sum3A_57 = vector.multi_reduction <add>, %add3A_55, %reduce_sum3A_56 [1] : vector<1024x32xf32> to vector<1024xf32>
      %broadcast_in_dim3A_58 = vector.shape_cast %reduce_sum3A_57 : vector<1024xf32> to vector<1024x1xf32>
      %swap3A_59 = arith.constant 0 : index
      %swap3A_60 = arith.constant 0 : index
      %swap3A_61 = vector.load %arg9[%swap3A_59, %swap3A_60] : memref<1024x1xf32, #tpu.memory_space<vmem>>, vector<1024x1xf32>
      tpu.vector_store %arg9[%swap3A_59, %swap3A_60], %broadcast_in_dim3A_58 {strides = array<i32>} : memref<1024x1xf32, #tpu.memory_space<vmem>>, vector<1024x1xf32>,
      %broadcast_in_dim3A_62 = arith.constant 0xFF800000 : f32
      %broadcast_in_dim3A_63 = vector.broadcast %broadcast_in_dim3A_62 : f32 to vector<1024x1xf32>
      %swap3A_64 = arith.constant 0 : index
      %swap3A_65 = arith.constant 0 : index
      %swap3A_66 = vector.load %arg7[%swap3A_64, %swap3A_65] : memref<1024x1xf32, #tpu.memory_space<vmem>>, vector<1024x1xf32>
      tpu.vector_store %arg7[%swap3A_64, %swap3A_65], %broadcast_in_dim3A_63 {strides = array<i32>} : memref<1024x1xf32, #tpu.memory_space<vmem>>, vector<1024x1xf32>,
      %broadcast_in_dim3A_67 = arith.constant 0.000000e+00 : f32
      %broadcast_in_dim3A_68 = vector.broadcast %broadcast_in_dim3A_67 : f32 to vector<1024x1xf32>
      %swap3A_69 = arith.constant 0 : index
      %swap3A_70 = arith.constant 0 : index
      %swap3A_71 = vector.load %arg8[%swap3A_69, %swap3A_70] : memref<1024x1xf32, #tpu.memory_space<vmem>>, vector<1024x1xf32>
      tpu.vector_store %arg8[%swap3A_69, %swap3A_70], %broadcast_in_dim3A_68 {strides = array<i32>} : memref<1024x1xf32, #tpu.memory_space<vmem>>, vector<1024x1xf32>,
    } else {
    }
    %get3A = arith.constant 0 : index
    %get3A_2 = arith.constant 0 : index
    %get3A_3 = vector.load %arg6[%get3A, %get3A_2] : memref<1024x64xf32, #tpu.memory_space<vmem>>, vector<1024x64xf32>
    %get3A_4 = arith.constant 0 : index
    %get3A_5 = arith.constant 0 : index
    %get3A_6 = vector.load %arg4[%get3A_4, %get3A_5] : memref<2000x64xf32, #tpu.memory_space<vmem>>, vector<2000x64xf32>
    %dot_general3A = arith.constant dense<0.000000e+00> : vector<1024x2000xf32>
    %dot_general3A_7 = tpu.matmul %get3A_3, %get3A_6, %dot_general3A {dimension_numbers = #tpu.dot_dimension_numbers<[1], [1], [0], [0], [0, 0, 1, 0], [], []>, transpose_lhs_hint = false} : vector<1024x64xf32>, vector<2000x64xf32>, vector<1024x2000xf32> -> vector<1024x2000xf32>
    %get3A_8 = arith.constant 0 : index
    %get3A_9 = arith.constant 0 : index
    %get3A_10 = vector.load %arg7[%get3A_8, %get3A_9] : memref<1024x1xf32, #tpu.memory_space<vmem>>, vector<1024x1xf32>
    %reduce_max3A = arith.constant dense<0xFF800000> : vector<1024xf32>
    %reduce_max3A_11 = vector.multi_reduction <maximumf>, %dot_general3A_7, %reduce_max3A [1] : vector<1024x2000xf32> to vector<1024xf32>
    %broadcast_in_dim3A = vector.shape_cast %reduce_max3A_11 : vector<1024xf32> to vector<1024x1xf32>
    %max3A = arith.maximumf %get3A_10, %broadcast_in_dim3A : vector<1024x1xf32>
    %get3A_12 = arith.constant 0 : index
    %get3A_13 = arith.constant 0 : index
    %get3A_14 = vector.load %arg8[%get3A_12, %get3A_13] : memref<1024x1xf32, #tpu.memory_space<vmem>>, vector<1024x1xf32>
    %sub3A = arith.subf %get3A_10, %max3A : vector<1024x1xf32>
    %exp3A = math.exp %sub3A : vector<1024x1xf32>
    %mul3A = arith.mulf %get3A_14, %exp3A : vector<1024x1xf32>
    %sub3A_15 = vector.broadcast %max3A : vector<1024x1xf32> to vector<1024x2000xf32>
    %sub3A_16 = arith.subf %dot_general3A_7, %sub3A_15 : vector<1024x2000xf32>
    %exp3A_17 = math.exp %sub3A_16 : vector<1024x2000xf32>
    %reduce_sum3A = arith.constant dense<0.000000e+00> : vector<1024xf32>
    %reduce_sum3A_18 = vector.multi_reduction <add>, %exp3A_17, %reduce_sum3A [1] : vector<1024x2000xf32> to vector<1024xf32>
    %broadcast_in_dim3A_19 = vector.shape_cast %reduce_sum3A_18 : vector<1024xf32> to vector<1024x1xf32>
    %add3A = arith.addf %mul3A, %broadcast_in_dim3A_19 : vector<1024x1xf32>
    %swap3A = arith.constant 0 : index
    %swap3A_20 = arith.constant 0 : index
    %swap3A_21 = vector.load %arg8[%swap3A, %swap3A_20] : memref<1024x1xf32, #tpu.memory_space<vmem>>, vector<1024x1xf32>
    tpu.vector_store %arg8[%swap3A, %swap3A_20], %add3A {strides = array<i32>} : memref<1024x1xf32, #tpu.memory_space<vmem>>, vector<1024x1xf32>,
    %swap3A_22 = arith.constant 0 : index
    %swap3A_23 = arith.constant 0 : index
    %swap3A_24 = vector.load %arg7[%swap3A_22, %swap3A_23] : memref<1024x1xf32, #tpu.memory_space<vmem>>, vector<1024x1xf32>
    tpu.vector_store %arg7[%swap3A_22, %swap3A_23], %max3A {strides = array<i32>} : memref<1024x1xf32, #tpu.memory_space<vmem>>, vector<1024x1xf32>,
    %eq3A_25 = arith.constant 49 : i32
    %eq3A_26 = arith.cmpi eq, %arg0, %eq3A_25 : i32
    %convert_element_type3A_27 = arith.extui %eq3A_26 : i1 to i32
    %cond3A_28 = arith.constant 0 : i32
    %cond3A_29 = arith.cmpi ne, %convert_element_type3A_27, %cond3A_28 : i32
    scf.if %cond3A_29 {
      %get3A_30 = arith.constant 0 : index
      %get3A_31 = arith.constant 0 : index
      %get3A_32 = vector.load %arg7[%get3A_30, %get3A_31] : memref<1024x1xf32, #tpu.memory_space<vmem>>, vector<1024x1xf32>
      %get3A_33 = arith.constant 0 : index
      %get3A_34 = arith.constant 0 : index
      %get3A_35 = vector.load %arg8[%get3A_33, %get3A_34] : memref<1024x1xf32, #tpu.memory_space<vmem>>, vector<1024x1xf32>
      %log3A = math.log %get3A_35 : vector<1024x1xf32>
      %add3A_36 = arith.addf %get3A_32, %log3A : vector<1024x1xf32>
      %get3A_37 = arith.constant 0 : index
      %get3A_38 = arith.constant 0 : index
      %get3A_39 = vector.load %arg9[%get3A_37, %get3A_38] : memref<1024x1xf32, #tpu.memory_space<vmem>>, vector<1024x1xf32>
      %sub3A_40 = arith.subf %add3A_36, %get3A_39 : vector<1024x1xf32>
      %reduce_sum3A_41 = vector.shape_cast %sub3A_40 : vector<1024x1xf32> to vector<1x1024x1xf32>
      %reduce_sum3A_42 = arith.constant dense<0.000000e+00> : vector<1xf32>
      %reduce_sum3A_43 = vector.multi_reduction <add>, %reduce_sum3A_41, %reduce_sum3A_42 [1, 2] : vector<1x1024x1xf32> to vector<1xf32>
      %reduce_sum3A_44 = vector.shape_cast %reduce_sum3A_43 : vector<1xf32> to vector<1x1x1xf32>
      %reduce_sum3A_45 = vector.extract %reduce_sum3A_44[0, 0, 0] : f32 from vector<1x1x1xf32>
      %div3A = arith.constant 1.024000e+03 : f32
      %div3A_46 = arith.divf %reduce_sum3A_45, %div3A : f32
      %get3A_47 = arith.constant 0 : index
      %get3A_48 = arith.constant 0 : index
      %get3A_49 = vector.load %arg1[%get3A_47, %get3A_48] : memref<1024x64xf32, #tpu.memory_space<vmem>>, vector<1024x64xf32>
      %get3A_50 = arith.constant 0 : index
      %get3A_51 = arith.constant 0 : index
      %get3A_52 = vector.load %arg2[%get3A_50, %get3A_51] : memref<1024x64xf32, #tpu.memory_space<vmem>>, vector<1024x64xf32>
      %get3A_53 = arith.constant 0 : index
      %get3A_54 = arith.constant 0 : index
      %get3A_55 = vector.load %arg3[%get3A_53, %get3A_54] : memref<1024x64xf32, #tpu.memory_space<vmem>>, vector<1024x64xf32>
      %slice3A = vector.extract_strided_slice %get3A_49 {offsets = [0, 0], sizes = [1024, 32], strides = [1, 1]} : vector<1024x64xf32> to vector<1024x32xf32>
      %integer_pow3A = arith.mulf %slice3A, %slice3A : vector<1024x32xf32>
      %slice3A_56 = vector.extract_strided_slice %get3A_49 {offsets = [0, 32], sizes = [1024, 32], strides = [1, 1]} : vector<1024x64xf32> to vector<1024x32xf32>
      %integer_pow3A_57 = arith.mulf %slice3A_56, %slice3A_56 : vector<1024x32xf32>
      %add3A_58 = arith.addf %integer_pow3A, %integer_pow3A_57 : vector<1024x32xf32>
      %sqrt3A = math.sqrt %add3A_58 : vector<1024x32xf32>
      %mul3A_59 = arith.mulf %add3A_58, %sqrt3A : vector<1024x32xf32>
      %reduce_sum3A_60 = vector.shape_cast %mul3A_59 : vector<1024x32xf32> to vector<1x1024x32xf32>
      %reduce_sum3A_61 = arith.constant dense<0.000000e+00> : vector<1xf32>
      %reduce_sum3A_62 = vector.multi_reduction <add>, %reduce_sum3A_60, %reduce_sum3A_61 [1, 2] : vector<1x1024x32xf32> to vector<1xf32>
      %reduce_sum3A_63 = vector.shape_cast %reduce_sum3A_62 : vector<1xf32> to vector<1x1x1xf32>
      %reduce_sum3A_64 = vector.extract %reduce_sum3A_63[0, 0, 0] : f32 from vector<1x1x1xf32>
      %slice3A_65 = vector.extract_strided_slice %get3A_52 {offsets = [0, 0], sizes = [1024, 32], strides = [1, 1]} : vector<1024x64xf32> to vector<1024x32xf32>
      %integer_pow3A_66 = arith.mulf %slice3A_65, %slice3A_65 : vector<1024x32xf32>
      %slice3A_67 = vector.extract_strided_slice %get3A_52 {offsets = [0, 32], sizes = [1024, 32], strides = [1, 1]} : vector<1024x64xf32> to vector<1024x32xf32>
      %integer_pow3A_68 = arith.mulf %slice3A_67, %slice3A_67 : vector<1024x32xf32>
      %add3A_69 = arith.addf %integer_pow3A_66, %integer_pow3A_68 : vector<1024x32xf32>
      %sqrt3A_70 = math.sqrt %add3A_69 : vector<1024x32xf32>
      %mul3A_71 = arith.mulf %add3A_69, %sqrt3A_70 : vector<1024x32xf32>
      %reduce_sum3A_72 = vector.shape_cast %mul3A_71 : vector<1024x32xf32> to vector<1x1024x32xf32>
      %reduce_sum3A_73 = arith.constant dense<0.000000e+00> : vector<1xf32>
      %reduce_sum3A_74 = vector.multi_reduction <add>, %reduce_sum3A_72, %reduce_sum3A_73 [1, 2] : vector<1x1024x32xf32> to vector<1xf32>
      %reduce_sum3A_75 = vector.shape_cast %reduce_sum3A_74 : vector<1xf32> to vector<1x1x1xf32>
      %reduce_sum3A_76 = vector.extract %reduce_sum3A_75[0, 0, 0] : f32 from vector<1x1x1xf32>
      %add3A_77 = arith.addf %reduce_sum3A_64, %reduce_sum3A_76 : f32
      %slice3A_78 = vector.extract_strided_slice %get3A_55 {offsets = [0, 0], sizes = [1024, 32], strides = [1, 1]} : vector<1024x64xf32> to vector<1024x32xf32>
      %integer_pow3A_79 = arith.mulf %slice3A_78, %slice3A_78 : vector<1024x32xf32>
      %slice3A_80 = vector.extract_strided_slice %get3A_55 {offsets = [0, 32], sizes = [1024, 32], strides = [1, 1]} : vector<1024x64xf32> to vector<1024x32xf32>
      %integer_pow3A_81 = arith.mulf %slice3A_80, %slice3A_80 : vector<1024x32xf32>
      %add3A_82 = arith.addf %integer_pow3A_79, %integer_pow3A_81 : vector<1024x32xf32>
      %sqrt3A_83 = math.sqrt %add3A_82 : vector<1024x32xf32>
      %mul3A_84 = arith.mulf %add3A_82, %sqrt3A_83 : vector<1024x32xf32>
      %reduce_sum3A_85 = vector.shape_cast %mul3A_84 : vector<1024x32xf32> to vector<1x1024x32xf32>
      %reduce_sum3A_86 = arith.constant dense<0.000000e+00> : vector<1xf32>
      %reduce_sum3A_87 = vector.multi_reduction <add>, %reduce_sum3A_85, %reduce_sum3A_86 [1, 2] : vector<1x1024x32xf32> to vector<1xf32>
      %reduce_sum3A_88 = vector.shape_cast %reduce_sum3A_87 : vector<1xf32> to vector<1x1x1xf32>
      %reduce_sum3A_89 = vector.extract %reduce_sum3A_88[0, 0, 0] : f32 from vector<1x1x1xf32>
      %add3A_90 = arith.addf %add3A_77, %reduce_sum3A_89 : f32
      %mul3A_91 = arith.constant 5.000000e-02 : f32
      %mul3A_92 = arith.mulf %mul3A_91, %add3A_90 : f32
      %div3A_93 = arith.constant 1.024000e+03 : f32
      %div3A_94 = arith.divf %mul3A_92, %div3A_93 : f32
      %add3A_95 = arith.addf %div3A_46, %div3A_94 : f32
      %swap3A_96 = arith.constant 0 : index
      %swap3A_97 = arith.constant 0 : index
      %swap3A_98 = memref.load %arg5[%swap3A_96, %swap3A_97] : memref<1x1xf32, #tpu.memory_space<smem>>
      memref.store %add3A_95, %arg5[%swap3A_96, %swap3A_97] : memref<1x1xf32, #tpu.memory_space<smem>>
    } else {
    }
    return
  }
  func.func @transform_0(%arg0: i32) -> (i32, i32) {
    %c0_i32 = arith.constant 0 : i32
    %c0_i32_0 = arith.constant 0 : i32
    %c0_i32_1 = arith.constant 0 : i32
    return %c0_i32, %c0_i32_0 : i32, i32
  }
  func.func @transform_1(%arg0: i32) -> (i32, i32) {
    %c0_i32 = arith.constant 0 : i32
    %c0_i32_0 = arith.constant 0 : i32
    %c0_i32_1 = arith.constant 0 : i32
    return %c0_i32, %c0_i32_0 : i32, i32
  }
  func.func @transform_2(%arg0: i32) -> (i32, i32) {
    %c0_i32 = arith.constant 0 : i32
    %c0_i32_0 = arith.constant 0 : i32
    %c0_i32_1 = arith.constant 0 : i32
    return %c0_i32, %c0_i32_0 : i32, i32
  }
  func.func @transform_3(%arg0: i32) -> (i32, i32) {
    %c0_i32 = arith.constant 0 : i32
    %c0_i32_0 = arith.constant 0 : i32
    return %arg0, %c0_i32 : i32, i32
  }
  func.func @transform_4(%arg0: i32) -> (i32, i32) {
    %c0_i32 = arith.constant 0 : i32
    %c0_i32_0 = arith.constant 0 : i32
    %c0_i32_1 = arith.constant 0 : i32
    return %c0_i32, %c0_i32_0 : i32, i32
  }
}

</mosaic_0001>

<sc_bundles>
// kernel: kernel.5.cloned.1.call-start
scs
__scs_entry_jumppad:
0x0: {  	(pc) =	sbr.rel $0x88, $3  }
0x1: {  	(tag) =	ssettag $0x0;
	lr =	simm.s32 $0x1  }
0x2: {  	[smem:$0x3F9C] =	sst lr;
	_ =	strace $0xD0000000  }
0x3: {  	_ = 	snop  }
0x4: {  	_ = 	snop  }
0x5: {  	_ = 	snop  }
0x6: {  	_ = 	snop  }
0x7: {  	_ = 	snop  }
__scs_overlays_trampoline_lowered:
0x8: {  	[smem:$0x3FAB] =	sst s0  }
0x9: {  	[smem:$0x3FAC] =	sst s1  }
0xa: {  	[smem:$0x3FAD] =	sst s2  }
0xb: {  	[smem:$0x3FAE] =	sst s3  }
0xc: {  	[smem:$0x3FAF] =	sst s4  }
0xd: {  	[smem:$0x3FB0] =	sst s5  }
0xe: {  	[smem:$0x3FB1] =	sst s6  }
0xf: {  	[smem:$0x3FB2] =	sst s7  }
0x10: {  	[smem:$0x3FB3] =	sst s8  }
0x11: {  	[smem:$0x3FB4] =	sst s9;
	s0 =	simm.s32 @!p0 $0x0  }
0x12: {  	s1 =	sld [smem:$0x3F9A];
	s0 =	simm.s32 @p0 $0x1  }
0x13: {  	[smem:$0x3FB5] =	sst s0;
	s0 =	simm.s32 @!p1 $0x0  }
0x14: {  	s2 =	sld [smem:$0x3F99];
	s0 =	simm.s32 @p1 $0x1  }
0x15: {  	[smem:$0x3FB6] =	sst s0;
	s0 =	simm.s32 @!p2 $0x0  }
0x16: {  	s3 =	sld [smem:$0x3FDB];
	s0 =	simm.s32 @p2 $0x1  }
0x17: {  	s4 =	simm.s32 $0x1BF5;
	[smem:$0x3FB8] =	sst s0  }
0x18: {  	s0 =	sld [smem:$0x3F9B];
	_ =	swait.ge [sflag:s4], $0x0  }
0x19: {  	s7 =	sld [smem:$0x3F9C]  }
0x1a: {  	s8 =	sadd.s32 $0xFFFFE003, lr  }
0x1b: {  	s9 =	sadd.s32 $0xFFFFFEF7, lr;
	s5 =	simm.s32 $0xFFFFFFFF;
	p2 =	slt.u32 s8, $0xFFFFF086  }
0x1c: {  	p1 =	slt.u32 s9, $0xF7A;
	s5 =	simm.s32 @!p2 $0x0  }
0x1d: {  	s5 =	simm.s32 @p1 $0x1;
	p0 =	seq.s32 s7, s2  }
0x1e: {  	s7 =	smul.u32 @!p0 $0xF7A, s2;
	p2 =	seq.s32 @!p0 s5, $0x0  }
0x1f: {  	s9 =	smul.u32 $0xF7A, s1;
	s8 =	simm.s32 @!p0 $0x1BF5;
	p2 =	por !p2, p0  }
0x20: {  	[sflag:s8] =	ssyncset.s32 @!p0 $0xFFFFF086;
	s6 =	sadd.s32 @!p0 s3, s7;
	s7 =	simm.s32 @!p0 $0x108  }
0x21: {  	s3 =	sadd.s32 s3, s9;
	s6 =	sadd.s32 @!p0 $0x88, s6;
	s7 =	simm.s32 @p2 $0x1082  }
0x22: {  	[simem:s7], [sflag:s8] =	dma.local @!p0 [hbm:s6], $0xF7A  }
0x23: {  	s9 =	sor.u32 $0xD0000000, s2;
	s6 =	simm.s32 $0x108;
	_ =	swait.ge @!p0 [sflag:s8], $0x0  }
0x24: {  	s3 =	sadd.s32 $0x88, s3;
	s6 =	simm.s32 @!p1 $0x1082;
	[sflag:s4] =	ssyncset.s32 $0xFFFFF086  }
0x25: {  	[simem:s6], [sflag:s4] =	dma.local [hbm:s3], $0xF7A  }
0x26: {  	[smem:$0x3F9C] =	sst s1;
	(tag) =	ssettag s2;
	_ =	strace s9  }
0x27: {  	s1 =	sld [smem:$0x3FAC]  }
0x28: {  	s2 =	sld [smem:$0x3FAD]  }
0x29: {  	s4 =	sld [smem:$0x3FAF]  }
0x2a: {  	p0 =	seq.s32 s5, $0x0;
	s5 =	sld [smem:$0x3FB0]  }
0x2b: {  	s6 =	sld [smem:$0x3FB1]  }
0x2c: {  	s7 =	sld [smem:$0x3FB2]  }
0x2d: {  	s3 =	simm.s32 $0x108;
	s8 =	sld [smem:$0x3FB3]  }
0x2e: {  	s3 =	simm.s32 @!p0 $0x1082;
	s9 =	sld [smem:$0x3FB4]  }
0x2f: {  	lr =	sadd.s32 s0, s3;
	s0 =	sld [smem:$0x3FAB]  }
0x30: {  	s3 =	sld [smem:$0x3FAE]  }
0x31: {  	[smem:$0x3FB7] =	sst s10  }
0x32: {  	s10 =	sld [smem:$0x3FB5];
	_ =	sdelay $0x3  }
0x33: {  	p0 =	seq.s32 s10, $0x1;
	s10 =	sld [smem:$0x3FB7];
	_ =	sdelay $0x3  }
0x34: {  	[smem:$0x3FB7] =	sst s10  }
0x35: {  	s10 =	sld [smem:$0x3FB6];
	_ =	sdelay $0x3  }
0x36: {  	p1 =	seq.s32 s10, $0x1;
	s10 =	sld [smem:$0x3FB7];
	_ =	sdelay $0x3  }
0x37: {  	[smem:$0x3FB7] =	sst s10  }
0x38: {  	s10 =	sld [smem:$0x3FB8]  }
0x39: {  	_ = 	snop;
	(pc) =	sbr.ind lr, $3  }
0x3a: {  	_ = 	snop  }
0x3b: {  	_ = 	snop  }
0x3c: {  	p2 =	seq.s32 s10, $0x1;
	s10 =	sld [smem:$0x3FB7]  }
0x3d: {  	_ =	shalt  }
0x3e: {  	_ =	shalt  }
0x3f: {  	_ =	shalt  }
0x40: {  	_ =	shalt  }
0x41: {  	_ =	shalt  }
0x42: {  	_ =	shalt  }
0x43: {  	_ =	shalt  }
0x44: {  	_ =	shalt  }
0x45: {  	_ =	shalt  }
0x46: {  	_ =	shalt  }
0x47: {  	_ =	shalt  }
0x48: {  	_ =	shalt  }
0x49: {  	_ =	shalt  }
0x4a: {  	_ =	shalt  }
0x4b: {  	_ =	shalt  }
0x4c: {  	_ =	shalt  }
0x4d: {  	_ =	shalt  }
0x4e: {  	_ =	shalt  }
0x4f: {  	_ =	shalt  }
0x50: {  	_ =	shalt  }
0x51: {  	_ =	shalt  }
0x52: {  	_ =	shalt  }
0x53: {  	_ =	shalt  }
0x54: {  	_ =	shalt  }
0x55: {  	_ =	shalt  }
0x56: {  	_ =	shalt  }
0x57: {  	_ =	shalt  }
0x58: {  	_ =	shalt  }
0x59: {  	_ =	shalt  }
0x5a: {  	_ =	shalt  }
0x5b: {  	_ =	shalt  }
0x5c: {  	_ =	shalt  }
0x5d: {  	_ =	shalt  }
0x5e: {  	_ =	shalt  }
0x5f: {  	_ =	shalt  }
0x60: {  	_ =	shalt  }
0x61: {  	_ =	shalt  }
0x62: {  	_ =	shalt  }
0x63: {  	_ =	shalt  }
0x64: {  	_ =	shalt  }
0x65: {  	_ =	shalt  }
0x66: {  	_ =	shalt  }
0x67: {  	_ =	shalt  }
0x68: {  	_ =	shalt  }
0x69: {  	_ =	shalt  }
0x6a: {  	_ =	shalt  }
0x6b: {  	_ =	shalt  }
0x6c: {  	_ =	shalt  }
0x6d: {  	_ =	shalt  }
0x6e: {  	_ =	shalt  }
0x6f: {  	_ =	shalt  }
0x70: {  	_ =	shalt  }
0x71: {  	_ =	shalt  }
0x72: {  	_ =	shalt  }
0x73: {  	_ =	shalt  }
0x74: {  	_ =	shalt  }
0x75: {  	_ =	shalt  }
0x76: {  	_ =	shalt  }
0x77: {  	_ =	shalt  }
0x78: {  	_ =	shalt  }
0x79: {  	_ =	shalt  }
0x7a: {  	_ =	shalt  }
0x7b: {  	_ =	shalt  }
0x7c: {  	_ =	shalt  }
0x7d: {  	_ =	shalt  }
0x7e: {  	_ =	shalt  }
0x7f: {  	_ =	shalt  }
0x80: {  	_ =	shalt  }
0x81: {  	_ =	shalt  }
0x82: {  	_ =	shalt  }
0x83: {  	_ =	shalt  }
0x84: {  	_ =	shalt  }
0x85: {  	_ =	shalt  }
0x86: {  	_ =	shalt  }
0x87: {  	_ =	shalt  }
.Lfunc_end0:
.L_simem_size_0:
called_computation_lowered:
.L_overlay_start_0:
0x88: {  	s2 =	sld [smem:$0x3FD9]  }
0x89: {  	s3 =	sld [smem:$0x3FFE];
	_ =	sdelay $0x1  }
0x8a: {  	s1 =	srdreg.scid  }
0x8b: {  	s0 =	sand.u32 $0x1, s1  }
0x8c: {  	s17 =	sshll.u32 s0, $0xA;
	s2 =	sadd.s32 s3, s2  }
0x8d: {  	s2 =	sadd.s32 s2, s17  }
0x8e: {  	[smem:$0x3FC3] =	sst s2  }
0x8f: {  	_ = 	snop  }
0x90: {  	s2 =	sld [smem:$0x3FC9]  }
0x91: {  	s18 =	sld [smem:$0x3FC8]  }
0x92: {  	s4 =	sld [smem:$0x3FC7];
	(tm) =	ssettm $0x1  }
0x93: {  	s5 =	sld [smem:$0x3FFB];
	_ =	sdelay $0x3  }
0x94: {  	_ =	strace s5  }
0x95: {  	s5 =	sld [smem:$0x3FFC];
	_ =	sdelay $0x3  }
0x96: {  	_ =	strace s5  }
0x97: {  	s5 =	sld [smem:$0x3FFD];
	_ =	sdelay $0x3  }
0x98: {  	_ =	strace s5  }
0x99: {  	_ =	strace $0x8FFFFFFF  }
0x9a: {  	s19 =	sld [smem:$0x3FDB];
	_ =	sdelay $0x1  }
0x9b: {  	s6 =	simm.s32 $_scs_section_size  }
0x9c: {  	s7 =	simm.s32 $_size__tile_overlayer_lowered;
	s8 =	simm.s32 $_tile_overlayer_lowered  }
0x9d: {  	s22 =	simm.s32 $0x1BFF;
	s21 =	sshll.u32 s8, $0x1;
	s5 =	sadd.s32 s6, s19  }
0x9e: {  	s9 =	simm.s32 $0x0;
	s20 =	sshll.u32 s7, $0x1;
	s7 =	sadd.s32 s21, s5  }
0x9f: {  	[timem:s9], [sflag:s22] =	dma.local [hbm:s7], s20  }
0xa0: {  	_ =	swait.ge [sflag:s22], s20  }
0xa1: {  	s6 =	ssub.s32 $0x0, s20;
	[sflag:s22] =	ssyncset.done $0x0  }
0xa2: {  	[sflag:s22] =	ssyncadd.s32 s6;
	_ =	sdelay $0x1  }
0xa3: {  	s23 =	simm.s32 $0x1B8B  }
0xa4: {  	_ =	swait.ge [sflag:s23], $0x1  }
0xa5: {  	[sflag:s23] =	ssyncset.done $0x0  }
0xa6: {  	s25 =	simm.s32 $0x1B8E;
	s24 =	sld [smem:$0x3FFE];
	[sflag:s23] =	ssyncadd.s32 $0xFFFFFFFF  }
0xa7: {  	s26 =	simm.s32 $execute0_lowered;
	[smem:$0x3FD2] =	sst s25  }
0xa8: {  	s7 =	sshll.u32 s26, $0x1;
	_ =	strace $0x80000046;
	[dreg:$0x1] =	wrdreg $0xFFFFFFFF  }
0xa9: {  	s28 =	simm.s32 $_size_execute0_lowered;
	s5 =	sadd.s32 s5, s7;
	[dreg:$0x0] =	wrdreg $0x0  }
0xaa: {  	s7 =	sshll.u32 s28, $0x1;
	[dreg:$0x2] =	wrdreg s5  }
0xab: {  	[dreg:$0x3] =	wrdreg s7  }
0xac: {  	[dreg:$0x4] =	wrdreg $0xC0  }
0xad: {  	_ =	task [dreg:s9], $0x5FFFF  }
0xae: {  	[dreg:$0x1] =	wrdreg $0xFFFFFFFF  }
0xaf: {  	[dreg:$0x0] =	wrdreg $0x60  }
0xb0: {  	[dreg:$0x2] =	wrdreg s24  }
0xb1: {  	[dreg:$0x3] =	wrdreg s2  }
0xb2: {  	[dreg:$0x4] =	wrdreg s18  }
0xb3: {  	[dreg:$0x5] =	wrdreg s4  }
0xb4: {  	[dreg:$0x6] =	wrdreg $0x9  }
0xb5: {  	_ =	task.clear_ibuf [dreg:s9], $0x7FFFF;
	_ =	strace $0x90000046  }
0xb6: {  	s29 =	simm.s32 $0x9;
	_ =	strace $0x80000048  }
0xb7: {  	_ =	swait.ge [sflag:s29], $0x1  }
0xb8: {  	[sflag:s29] =	ssyncadd.s32 $0xFFFFFFFF  }
0xb9: {  	_ =	strace $0x90000048  }
0xba: {  	_ =	sfence  }
0xbb: {  	s30 =	sld [smem:$0x0];
	_ =	sdelay $0x2  }
0xbc: {  	s31 =	sshll.u32 s1, $0xD;
	s1 =	sshrl.u32 s1, $0x2  }
0xbd: {  	s3 =	sand.u32 $0x4000, s31;
	s1 =	sadd.s32 s1, s30  }
0xbe: {  	s0 =	sor.u32 s3, s0;
	s1 =	sshll.u32 s1, $0x11  }
0xbf: {  	s0 =	sor.u32 s1, s0  }
0xc0: {  	s0 =	sadd.s32 $0x8F2B, s0  }
0xc1: {  	[sflag:s0] =	ssyncadd.remote.s32 $0x1  }
0xc2: {  	_ =	sfence.sel $0xFFFF  }
0xc3: {  	[dreg:$0x0] =	wrdreg $0xFFFFFFFF;
	(pc) =	sbr.abs _section_cstart, $3  }
0xc4: {  	[dreg:$0x1] =	wrdreg $0xFFFFFFFF  }
0xc5: {  	_ =	task.clear_ibuf [dreg:s9], $0x2FFFF;
	_ =	strace $0x9FFFFFFF  }
0xc6: {  	(tm) =	ssettm $0x7FFFFFFF  }
0xc7: {  	_ =	shalt  }
tec
execute0_lowered:
.L_overlay_start_1:
0x0: {  	(tag) =	ssettag $0x1  }
0x1: {  	s6 =	rddreg [dreg:$0x0]  }
0x2: {  	s3 =	rddreg [dreg:$0x1]  }
0x3: {  	s4 =	rddreg [dreg:$0x2]  }
0x4: {  	s1 =	srdreg.scid;
	s5 =	rddreg [dreg:$0x3]  }
0x5: {  	s2 =	simm.s32 $0x0;
	s10 =	sand.u32 $0x1, s1;
	s1 =	rddreg [dreg:$0x4]  }
0x6: {  	s24 =	simm.s32 $0x80;
	[smem:$0x7FF] =	sst s2  }
0x7: {  	s25 =	simm.s32 $0x100;
	_ =	strace $0x80000047;
	[dreg:$0xb] =	wrdreg s24  }
0x8: {  	s26 =	simm.s32 $0x200;
	[dreg:$0xc] =	wrdreg s25  }
0x9: {  	s28 =	simm.s32 $0x280;
	[dreg:$0xd] =	wrdreg s26  }
0xa: {  	s29 =	simm.s32 $0x300;
	[dreg:$0xe] =	wrdreg s28  }
0xb: {  	s30 =	simm.s32 $0x380;
	[dreg:$0xf] =	wrdreg s29  }
0xc: {  	s31 =	simm.s32 $0x400;
	[dreg:$0x10] =	wrdreg s30  }
0xd: {  	s9 =	simm.s32 $0x680;
	[dreg:$0x11] =	wrdreg s31  }
0xe: {  	s11 =	simm.s32 $0x700;
	[dreg:$0x16] =	wrdreg s9  }
0xf: {  	s12 =	simm.s32 $0x780;
	[dreg:$0x17] =	wrdreg s11  }
0x10: {  	s13 =	simm.s32 $0x800;
	[dreg:$0x18] =	wrdreg s12  }
0x11: {  	s14 =	simm.s32 $0x880;
	[dreg:$0x19] =	wrdreg s13  }
0x12: {  	s15 =	simm.s32 $0x900;
	[dreg:$0x1a] =	wrdreg s14  }
0x13: {  	s16 =	simm.s32 $0x980;
	[dreg:$0x1b] =	wrdreg s15  }
0x14: {  	s17 =	simm.s32 $0xA00;
	[dreg:$0x1c] =	wrdreg s16  }
0x15: {  	[dreg:$0x1d] =	wrdreg s17;
	s24 =	simm.s32 $0xD80  }
0x16: {  	s25 =	simm.s32 $0xE00;
	[smem:$0x7BA] =	sst s24  }
0x17: {  	s26 =	simm.s32 $0xE80;
	[smem:$0x7B9] =	sst s25  }
0x18: {  	s28 =	simm.s32 $0xF00;
	[smem:$0x7B8] =	sst s26  }
0x19: {  	s29 =	simm.s32 $0xF80;
	[smem:$0x7B7] =	sst s28  }
0x1a: {  	s30 =	simm.s32 $0x1000;
	[smem:$0x7B6] =	sst s29  }
0x1b: {  	s31 =	simm.s32 $0x1080;
	[smem:$0x7B5] =	sst s30  }
0x1c: {  	s9 =	simm.s32 $0x1380;
	[smem:$0x7B4] =	sst s31  }
0x1d: {  	s11 =	simm.s32 $0x1400;
	[smem:$0x7C3] =	sst s9  }
0x1e: {  	s12 =	simm.s32 $0x1480;
	[smem:$0x7C4] =	sst s11  }
0x1f: {  	s13 =	simm.s32 $0x1500;
	[smem:$0x7C5] =	sst s12  }
0x20: {  	s14 =	simm.s32 $0x1580;
	[smem:$0x7C6] =	sst s13  }
0x21: {  	s15 =	simm.s32 $0x1600;
	[smem:$0x7C7] =	sst s14  }
0x22: {  	s16 =	simm.s32 $0x1680;
	[smem:$0x7C8] =	sst s15  }
0x23: {  	s17 =	simm.s32 $0x1700;
	[smem:$0x7C9] =	sst s16  }
0x24: {  	[smem:$0x7CA] =	sst s17;
	s24 =	simm.s32 $0x1A80  }
0x25: {  	s25 =	simm.s32 $0x1B00;
	[smem:$0x7D1] =	sst s24  }
0x26: {  	s26 =	simm.s32 $0x1B80;
	[smem:$0x7D2] =	sst s25  }
0x27: {  	s28 =	simm.s32 $0x1C00;
	[smem:$0x7D3] =	sst s26  }
0x28: {  	s29 =	simm.s32 $0x1C80;
	[smem:$0x7D4] =	sst s28  }
0x29: {  	s30 =	simm.s32 $0x1D00;
	[smem:$0x7D5] =	sst s29  }
0x2a: {  	s31 =	simm.s32 $0x1D80;
	[smem:$0x7D6] =	sst s30  }
0x2b: {  	s9 =	simm.s32 $0x2000;
	[smem:$0x7D7] =	sst s31  }
0x2c: {  	s11 =	simm.s32 $0x2080;
	[smem:$0x7DC] =	sst s9  }
0x2d: {  	s12 =	simm.s32 $0x2100;
	[smem:$0x7DD] =	sst s11  }
0x2e: {  	s13 =	simm.s32 $0x2200;
	[smem:$0x7DE] =	sst s12  }
0x2f: {  	s14 =	simm.s32 $0x2280;
	[smem:$0x7DF] =	sst s13  }
0x30: {  	s15 =	simm.s32 $0x2300;
	[smem:$0x7E0] =	sst s14  }
0x31: {  	s16 =	simm.s32 $0x2380;
	[smem:$0x7E1] =	sst s15  }
0x32: {  	s17 =	simm.s32 $0x2400;
	[smem:$0x7E2] =	sst s16  }
0x33: {  	[smem:$0x7E3] =	sst s17;
	s24 =	simm.s32 $0x2780  }
0x34: {  	s25 =	simm.s32 $0x2800;
	[smem:$0x7EA] =	sst s24  }
0x35: {  	s26 =	simm.s32 $0x2880;
	[smem:$0x7EB] =	sst s25  }
0x36: {  	s28 =	simm.s32 $0x2900;
	[smem:$0x7EC] =	sst s26  }
0x37: {  	s29 =	simm.s32 $0x2980;
	[smem:$0x7ED] =	sst s28  }
0x38: {  	s30 =	simm.s32 $0x2A00;
	[smem:$0x7EE] =	sst s29  }
0x39: {  	s31 =	simm.s32 $0x2A80;
	[smem:$0x7EF] =	sst s30  }
0x3a: {  	s9 =	simm.s32 $0x2D00;
	[smem:$0x7F0] =	sst s31  }
0x3b: {  	s11 =	simm.s32 $0x2D80;
	[smem:$0x7F5] =	sst s9  }
0x3c: {  	s12 =	simm.s32 $0x2E00;
	[smem:$0x7F6] =	sst s11  }
0x3d: {  	s0 =	stileid.u32;
	s13 =	simm.s32 $0x2E80;
	[smem:$0x7F7] =	sst s12  }
0x3e: {  	s7 =	sshll.u32 s0, $0x6;
	s14 =	simm.s32 $0x2F00;
	[smem:$0x7F8] =	sst s13  }
0x3f: {  	s8 =	sshll.u32 s10, $0x5;
	s15 =	simm.s32 $0x2F80;
	[smem:$0x7F9] =	sst s14  }
0x40: {  	s7 =	sor.u32 s8, s7;
	s16 =	simm.s32 $0x3000;
	[smem:$0x7FA] =	sst s15  }
0x41: {  	s8 =	sshrl.u32 s7, $0x3;
	s17 =	simm.s32 $0x3080;
	[smem:$0x7FB] =	sst s16  }
0x42: {  	s3 =	sadd.s32 s3, s8;
	[smem:$0x7FC] =	sst s17  }
0x43: {  	s18 =	sadd.s32 s4, s8;
	[dreg:$0x5] =	wrdreg s3  }
0x44: {  	s20 =	sadd.s32 s5, s8;
	[dreg:$0x6] =	wrdreg s18  }
0x45: {  	s4 =	simm.s32 $0x480;
	[dreg:$0x7] =	wrdreg s20  }
0x46: {  	s7 =	sshll.u32 s7, $0x4;
	s5 =	simm.s32 $0x500;
	[dreg:$0x12] =	wrdreg s4  }
0x47: {  	s19 =	sadd.s32 s7, s6;
	s7 =	simm.s32 $0x580;
	[dreg:$0x13] =	wrdreg s5  }
0x48: {  	s8 =	simm.s32 $0x600;
	[dreg:$0x14] =	wrdreg s7  }
0x49: {  	s21 =	sadd.s32 $0x18E000, s19;
	[dreg:$0x15] =	wrdreg s8  }
0x4a: {  	s22 =	sadd.s32 $0x192000, s19;
	[dreg:$0x8] =	wrdreg s21  }
0x4b: {  	s23 =	sadd.s32 $0x196000, s19;
	[dreg:$0x9] =	wrdreg s22  }
0x4c: {  	s18 =	simm.s32 $0xA80;
	[dreg:$0xa] =	wrdreg s23  }
0x4d: {  	s19 =	simm.s32 $0xB00;
	[dreg:$0x1e] =	wrdreg s18  }
0x4e: {  	s20 =	simm.s32 $0xB80;
	[dreg:$0x1f] =	wrdreg s19  }
0x4f: {  	s4 =	simm.s32 $0x1100;
	[smem:$0x7BE] =	sst s20  }
0x50: {  	s5 =	simm.s32 $0x1200;
	[smem:$0x7BF] =	sst s4  }
0x51: {  	s7 =	simm.s32 $0x1280;
	[smem:$0x7C0] =	sst s5  }
0x52: {  	s8 =	simm.s32 $0x1300;
	[smem:$0x7C1] =	sst s7  }
0x53: {  	s21 =	simm.s32 $0xC00;
	[smem:$0x7C2] =	sst s8  }
0x54: {  	s22 =	simm.s32 $0xC80;
	[smem:$0x7BD] =	sst s21  }
0x55: {  	s23 =	simm.s32 $0xD00;
	[smem:$0x7BC] =	sst s22  }
0x56: {  	s18 =	simm.s32 $0x1780;
	[smem:$0x7BB] =	sst s23  }
0x57: {  	s19 =	simm.s32 $0x1800;
	[smem:$0x7CB] =	sst s18  }
0x58: {  	s20 =	simm.s32 $0x1880;
	[smem:$0x7CC] =	sst s19  }
0x59: {  	s4 =	simm.s32 $0x1E00;
	[smem:$0x7CD] =	sst s20  }
0x5a: {  	s5 =	simm.s32 $0x1E80;
	[smem:$0x7D8] =	sst s4  }
0x5b: {  	s7 =	simm.s32 $0x1F00;
	[smem:$0x7D9] =	sst s5  }
0x5c: {  	s8 =	simm.s32 $0x1F80;
	[smem:$0x7DA] =	sst s7  }
0x5d: {  	s21 =	simm.s32 $0x1900;
	[smem:$0x7DB] =	sst s8  }
0x5e: {  	s22 =	simm.s32 $0x1980;
	[smem:$0x7CE] =	sst s21  }
0x5f: {  	s23 =	simm.s32 $0x1A00;
	[smem:$0x7CF] =	sst s22  }
0x60: {  	s18 =	simm.s32 $0x2480;
	[smem:$0x7D0] =	sst s23  }
0x61: {  	s19 =	simm.s32 $0x2500;
	[smem:$0x7E4] =	sst s18  }
0x62: {  	s20 =	simm.s32 $0x2580;
	[smem:$0x7E5] =	sst s19  }
0x63: {  	s4 =	simm.s32 $0x2B00;
	[smem:$0x7E6] =	sst s20  }
0x64: {  	s5 =	simm.s32 $0x2B80;
	[smem:$0x7F1] =	sst s4  }
0x65: {  	s7 =	simm.s32 $0x2C00;
	[smem:$0x7F2] =	sst s5  }
0x66: {  	s8 =	simm.s32 $0x2C80;
	[smem:$0x7F3] =	sst s7  }
0x67: {  	[smem:$0x7F4] =	sst s8  }
0x68: {  	s21 =	simm.s32 $0x2600;
	s18 =	rddreg [dreg:$0x5]  }
0x69: {  	s22 =	simm.s32 $0x2680;
	[smem:$0x7E7] =	sst s21  }
0x6a: {  	s23 =	simm.s32 $0x2700;
	[smem:$0x7E8] =	sst s22  }
0x6b: {  	s19 =	simm.s32 $0x3100;
	[smem:$0x7E9] =	sst s23  }
0x6c: {  	s3 =	simm.s32 $0x2;
	[smem:$0x7FD] =	sst s19  }
0x6d: {  	[tilespmem:s2], [sflag:$0x2] =	stream.linear.gather [hbm4b:s18+s2], $0x20, $0x38;
	[tilespmem:$0x3180] =	vst v63  }
0x6e: {  	_ =	swait.ge [sflag:s3], $0x20  }
0x6f: {  	s20 =	rddreg [dreg:$0x6];
	[sflag:s3] =	ssyncset.done $0x0  }
0x70: {  	s21 =	rddreg [dreg:$0xb];
	[sflag:s3] =	ssyncadd.s32 $0xFFFFFFE0  }
0x71: {  	[tilespmem:s21], [sflag:$0x2] =	stream.linear.gather [hbm4b:s20+s2], $0x20, $0x38;
	[tilespmem:$0x3180] =	vst v63  }
0x72: {  	_ =	swait.ge [sflag:s3], $0x20  }
0x73: {  	s22 =	rddreg [dreg:$0x7];
	[sflag:s3] =	ssyncset.done $0x0  }
0x74: {  	s23 =	rddreg [dreg:$0xc];
	[sflag:s3] =	ssyncadd.s32 $0xFFFFFFE0  }
0x75: {  	[tilespmem:s23], [sflag:$0x2] =	stream.linear.gather [hbm4b:s22+s2], $0x20, $0x38;
	[tilespmem:$0x3180] =	vst v63  }
0x76: {  	_ =	swait.ge [sflag:s3], $0x20  }
0x77: {  	[sflag:s3] =	ssyncset.done $0x0  }
0x78: {  	[sflag:s3] =	ssyncadd.s32 $0xFFFFFFE0  }
0x79: {  	v0 =	vld [tilespmem:$0x0];
	_ =	sdelay $0x4  }
0x7a: {  	v0 =	vshll.u32 v0, $0x4  }
0x7b: {  	(v2sf) =	vpush v0, $0x0  }
0x7c: {  	(v2sf) =	vpush v0, $0x1  }
0x7d: {  	(v2sf) =	vpush v0, $0x2;
	_ =	sdelay $0x1  }
0x7e: {  	s8 =	rddreg [dreg:$0x19];
	(v2sf) =	vpush v0, $0x3  }
0x7f: {  	s9 =	rddreg [dreg:$0x18]  }
0x80: {  	s11 =	rddreg [dreg:$0x17];
	(v2sf) =	vpush v0, $0x4  }
0x81: {  	s12 =	rddreg [dreg:$0x16]  }
0x82: {  	s13 =	rddreg [dreg:$0x15];
	(v2sf) =	vpush v0, $0x5  }
0x83: {  	s14 =	rddreg [dreg:$0x14]  }
0x84: {  	s15 =	rddreg [dreg:$0x13];
	(v2sf) =	vpush v0, $0x6  }
0x85: {  	s16 =	rddreg [dreg:$0x12]  }
0x86: {  	s17 =	rddreg [dreg:$0x11];
	(v2sf) =	vpush v0, $0x7  }
0x87: {  	s19 =	rddreg [dreg:$0x10]  }
0x88: {  	s4 =	sadd.s32 $0x3600, s6;
	s21 =	rddreg [dreg:$0xd];
	(v2sf) =	vpush v0, $0x8  }
0x89: {  	s5 =	simm.s32 $0x180;
	s24 =	rddreg [dreg:$0xe];
	s18 =	spop (v2sf)  }
0x8a: {  	s25 =	rddreg [dreg:$0xf];
	s18 =	sand.u32 $0x1FFFFFF0, s18;
	s20 =	spop (v2sf);
	(v2sf) =	vpush v0, $0x9  }
0x8b: {  	s18 =	sadd.s32 s4, s18;
	s20 =	sand.u32 $0x1FFFFFF0, s20;
	s22 =	spop (v2sf)  }
0x8c: {  	(v2sf) =	vpush v0, $0xA;
	[tilespmem:s5], [sflag:$0x1] =	stream.linear.gather [hbm4b:s18+s2], $0x80, $0x38;
	[tilespmem:$0x3180] =	vst v63  }
0x8d: {  	s20 =	sadd.s32 s4, s20;
	s26 =	sand.u32 $0x1FFFFFF0, s22;
	s28 =	spop (v2sf)  }
0x8e: {  	(v2sf) =	vpush v0, $0xB;
	[tilespmem:s21], [sflag:$0x1] =	stream.linear.gather [hbm4b:s20+s2], $0x80, $0x38;
	[tilespmem:$0x3180] =	vst v63  }
0x8f: {  	s22 =	sand.u32 $0x1FFFFFF0, s28;
	s23 =	spop (v2sf);
	s21 =	sadd.s32 s4, s26  }
0x90: {  	(v2sf) =	vpush v0, $0xC;
	[tilespmem:s24], [sflag:$0x1] =	stream.linear.gather [hbm4b:s21+s2], $0x80, $0x38;
	[tilespmem:$0x3180] =	vst v63  }
0x91: {  	s29 =	sadd.s32 s4, s22;
	s30 =	sand.u32 $0x1FFFFFF0, s23;
	s31 =	spop (v2sf)  }
0x92: {  	(v2sf) =	vpush v0, $0xD;
	[tilespmem:s25], [sflag:$0x1] =	stream.linear.gather [hbm4b:s29+s2], $0x80, $0x38;
	[tilespmem:$0x3180] =	vst v63  }
0x93: {  	s23 =	sand.u32 $0x1FFFFFF0, s31;
	s21 =	sadd.s32 s4, s30;
	s24 =	spop (v2sf)  }
0x94: {  	(v2sf) =	vpush v0, $0xE;
	[tilespmem:s19], [sflag:$0x1] =	stream.linear.gather [hbm4b:s21+s2], $0x80, $0x38;
	[tilespmem:$0x3180] =	vst v63  }
0x95: {  	s26 =	sand.u32 $0x1FFFFFF0, s24;
	s28 =	spop (v2sf);
	s25 =	sadd.s32 s4, s23  }
0x96: {  	(v2sf) =	vpush v0, $0xF;
	[tilespmem:s17], [sflag:$0x1] =	stream.linear.gather [hbm4b:s25+s2], $0x80, $0x38;
	[tilespmem:$0x3180] =	vst v63  }
0x97: {  	s29 =	sadd.s32 s4, s26;
	s30 =	sand.u32 $0x1FFFFFF0, s28;
	s31 =	spop (v2sf)  }
0x98: {  	[tilespmem:s16], [sflag:$0x1] =	stream.linear.gather [hbm4b:s29+s2], $0x80, $0x38;
	[tilespmem:$0x3180] =	vst v63  }
0x99: {  	s18 =	sadd.s32 s4, s30;
	s20 =	sand.u32 $0x1FFFFFF0, s31;
	s21 =	spop (v2sf)  }
0x9a: {  	[tilespmem:s15], [sflag:$0x1] =	stream.linear.gather [hbm4b:s18+s2], $0x80, $0x38;
	[tilespmem:$0x3180] =	vst v63  }
0x9b: {  	s22 =	sadd.s32 s4, s20;
	s23 =	sand.u32 $0x1FFFFFF0, s21;
	s24 =	spop (v2sf)  }
0x9c: {  	[tilespmem:s14], [sflag:$0x1] =	stream.linear.gather [hbm4b:s22+s2], $0x80, $0x38;
	[tilespmem:$0x3180] =	vst v63  }
0x9d: {  	s25 =	sadd.s32 s4, s23;
	s26 =	sand.u32 $0x1FFFFFF0, s24;
	s28 =	spop (v2sf)  }
0x9e: {  	[tilespmem:s13], [sflag:$0x1] =	stream.linear.gather [hbm4b:s25+s2], $0x80, $0x38;
	[tilespmem:$0x3180] =	vst v63  }
0x9f: {  	s29 =	sadd.s32 s4, s26;
	s30 =	sand.u32 $0x1FFFFFF0, s28;
	s31 =	spop (v2sf)  }
0xa0: {  	[tilespmem:s12], [sflag:$0x1] =	stream.linear.gather [hbm4b:s29+s2], $0x80, $0x38;
	[tilespmem:$0x3180] =	vst v63  }
0xa1: {  	s14 =	sand.u32 $0x1FFFFFF0, s31;
	s15 =	spop (v2sf);
	s13 =	sadd.s32 s4, s30  }
0xa2: {  	[tilespmem:s11], [sflag:$0x1] =	stream.linear.gather [hbm4b:s13+s2], $0x80, $0x38;
	[tilespmem:$0x3180] =	vst v63  }
0xa3: {  	s16 =	sadd.s32 s4, s14;
	s17 =	sand.u32 $0x1FFFFFF0, s15;
	s18 =	spop (v2sf)  }
0xa4: {  	[tilespmem:s9], [sflag:$0x1] =	stream.linear.gather [hbm4b:s16+s2], $0x80, $0x38;
	[tilespmem:$0x3180] =	vst v63  }
0xa5: {  	s19 =	sadd.s32 s4, s17;
	s20 =	sand.u32 $0x1FFFFFF0, s18;
	s21 =	spop (v2sf)  }
0xa6: {  	[tilespmem:s8], [sflag:$0x1] =	stream.linear.gather [hbm4b:s19+s2], $0x80, $0x38;
	[tilespmem:$0x3180] =	vst v63  }
0xa7: {  	s7 =	rddreg [dreg:$0x1a];
	s22 =	sadd.s32 s4, s20;
	s23 =	sand.u32 $0x1FFFFFF0, s21  }
0xa8: {  	[tilespmem:s7], [sflag:$0x1] =	stream.linear.gather [hbm4b:s22+s2], $0x80, $0x38;
	[tilespmem:$0x3180] =	vst v63  }
0xa9: {  	s24 =	rddreg [dreg:$0x1b];
	s25 =	sadd.s32 s4, s23  }
0xaa: {  	[tilespmem:s24], [sflag:$0x1] =	stream.linear.gather [hbm4b:s25+s2], $0x80, $0x38;
	[tilespmem:$0x3180] =	vst v63  }
0xab: {  	v59 =	vld [tilespmem:$0x10];
	_ =	sdelay $0x4  }
0xac: {  	v0 =	vshll.u32 v59, $0x4  }
0xad: {  	(v2sf) =	vpush v0, $0x0;
	_ =	sdelay $0x2  }
0xae: {  	s26 =	rddreg [dreg:$0x1f]  }
0xaf: {  	s28 =	rddreg [dreg:$0x1c];
	(v2sf) =	vpush v0, $0x1  }
0xb0: {  	s14 =	sld [smem:$0x7BA]  }
0xb1: {  	s15 =	sld [smem:$0x7BB];
	(v2sf) =	vpush v0, $0x2  }
0xb2: {  	s30 =	rddreg [dreg:$0x1e]  }
0xb3: {  	s17 =	sld [smem:$0x7BD]  }
0xb4: {  	s12 =	sld [smem:$0x7B8];
	(v2sf) =	vpush v0, $0x3  }
0xb5: {  	s18 =	sld [smem:$0x7BE]  }
0xb6: {  	s11 =	sld [smem:$0x7B7]  }
0xb7: {  	s13 =	sld [smem:$0x7B9];
	(v2sf) =	vpush v0, $0x4  }
0xb8: {  	s9 =	sld [smem:$0x7B6];
	(v2sf) =	vpush v0, $0x5  }
0xb9: {  	s16 =	sld [smem:$0x7BC];
	(v2sf) =	vpush v0, $0x6  }
0xba: {  	s8 =	sld [smem:$0x7B5];
	(v2sf) =	vpush v0, $0x7;
	s29 =	spop (v2sf)  }
0xbb: {  	s7 =	sld [smem:$0x7B4];
	(v2sf) =	vpush v0, $0x8;
	s21 =	sand.u32 $0x1FFFFFF0, s29  }
0xbc: {  	s31 =	rddreg [dreg:$0x1d];
	s21 =	sadd.s32 s4, s21  }
0xbd: {  	[tilespmem:s28], [sflag:$0x1] =	stream.linear.gather [hbm4b:s21+s2], $0x80, $0x38;
	[tilespmem:$0x3180] =	vst v63  }
0xbe: {  	s21 =	spop (v2sf)  }
0xbf: {  	s20 =	sand.u32 $0x1FFFFFF0, s21  }
0xc0: {  	s24 =	spop (v2sf);
	s20 =	sadd.s32 s4, s20  }
0xc1: {  	[tilespmem:s31], [sflag:$0x1] =	stream.linear.gather [hbm4b:s20+s2], $0x80, $0x38;
	[tilespmem:$0x3180] =	vst v63  }
0xc2: {  	s20 =	sand.u32 $0x1FFFFFF0, s24  }
0xc3: {  	s25 =	spop (v2sf);
	s20 =	sadd.s32 s4, s20  }
0xc4: {  	[tilespmem:s30], [sflag:$0x1] =	stream.linear.gather [hbm4b:s20+s2], $0x80, $0x38;
	[tilespmem:$0x3180] =	vst v63  }
0xc5: {  	s20 =	sand.u32 $0x1FFFFFF0, s25  }
0xc6: {  	s20 =	sadd.s32 s4, s20  }
0xc7: {  	[tilespmem:s26], [sflag:$0x1] =	stream.linear.gather [hbm4b:s20+s2], $0x80, $0x38;
	[tilespmem:$0x3180] =	vst v63  }
0xc8: {  	s26 =	spop (v2sf)  }
0xc9: {  	s19 =	sand.u32 $0x1FFFFFF0, s26;
	s28 =	spop (v2sf);
	(v2sf) =	vpush v0, $0x9  }
0xca: {  	s19 =	sadd.s32 s4, s19  }
0xcb: {  	(v2sf) =	vpush v0, $0xA;
	[tilespmem:s18], [sflag:$0x1] =	stream.linear.gather [hbm4b:s19+s2], $0x80, $0x38;
	[tilespmem:$0x3180] =	vst v63  }
0xcc: {  	s18 =	sand.u32 $0x1FFFFFF0, s28  }
0xcd: {  	s29 =	spop (v2sf);
	s18 =	sadd.s32 s4, s18  }
0xce: {  	(v2sf) =	vpush v0, $0xB;
	[tilespmem:s17], [sflag:$0x1] =	stream.linear.gather [hbm4b:s18+s2], $0x80, $0x38;
	[tilespmem:$0x3180] =	vst v63  }
0xcf: {  	s30 =	spop (v2sf);
	s17 =	sand.u32 $0x1FFFFFF0, s29  }
0xd0: {  	s31 =	spop (v2sf);
	s17 =	sadd.s32 s4, s17  }
0xd1: {  	(v2sf) =	vpush v0, $0xC;
	[tilespmem:s16], [sflag:$0x1] =	stream.linear.gather [hbm4b:s17+s2], $0x80, $0x38;
	[tilespmem:$0x3180] =	vst v63  }
0xd2: {  	s16 =	sand.u32 $0x1FFFFFF0, s30  }
0xd3: {  	(v2sf) =	vpush v0, $0xD;
	s16 =	sadd.s32 s4, s16  }
0xd4: {  	[tilespmem:s15], [sflag:$0x1] =	stream.linear.gather [hbm4b:s16+s2], $0x80, $0x38;
	[tilespmem:$0x3180] =	vst v63  }
0xd5: {  	s15 =	sand.u32 $0x1FFFFFF0, s31  }
0xd6: {  	s15 =	sadd.s32 s4, s15  }
0xd7: {  	[tilespmem:s14], [sflag:$0x1] =	stream.linear.gather [hbm4b:s15+s2], $0x80, $0x38;
	[tilespmem:$0x3180] =	vst v63  }
0xd8: {  	s15 =	spop (v2sf);
	(v2sf) =	vpush v0, $0xE  }
0xd9: {  	s14 =	sand.u32 $0x1FFFFFF0, s15;
	(v2sf) =	vpush v0, $0xF  }
0xda: {  	s16 =	spop (v2sf);
	s14 =	sadd.s32 s4, s14  }
0xdb: {  	[tilespmem:s13], [sflag:$0x1] =	stream.linear.gather [hbm4b:s14+s2], $0x80, $0x38;
	[tilespmem:$0x3180] =	vst v63  }
0xdc: {  	s13 =	sand.u32 $0x1FFFFFF0, s16  }
0xdd: {  	s17 =	spop (v2sf);
	s13 =	sadd.s32 s4, s13  }
0xde: {  	[tilespmem:s12], [sflag:$0x1] =	stream.linear.gather [hbm4b:s13+s2], $0x80, $0x38;
	[tilespmem:$0x3180] =	vst v63  }
0xdf: {  	s12 =	sand.u32 $0x1FFFFFF0, s17  }
0xe0: {  	s18 =	spop (v2sf);
	s12 =	sadd.s32 s4, s12  }
0xe1: {  	[tilespmem:s11], [sflag:$0x1] =	stream.linear.gather [hbm4b:s12+s2], $0x80, $0x38;
	[tilespmem:$0x3180] =	vst v63  }
0xe2: {  	s19 =	spop (v2sf);
	s11 =	sand.u32 $0x1FFFFFF0, s18  }
0xe3: {  	s20 =	sand.u32 $0x1FFFFFF0, s19;
	s11 =	sadd.s32 s4, s11  }
0xe4: {  	[tilespmem:s9], [sflag:$0x1] =	stream.linear.gather [hbm4b:s11+s2], $0x80, $0x38;
	[tilespmem:$0x3180] =	vst v63  }
0xe5: {  	s9 =	sadd.s32 s4, s20  }
0xe6: {  	[tilespmem:s8], [sflag:$0x1] =	stream.linear.gather [hbm4b:s9+s2], $0x80, $0x38;
	[tilespmem:$0x3180] =	vst v63  }
0xe7: {  	s21 =	spop (v2sf)  }
0xe8: {  	s11 =	sand.u32 $0x1FFFFFF0, s21;
	s22 =	spop (v2sf)  }
0xe9: {  	s25 =	sld [smem:$0x7BF];
	s23 =	sadd.s32 s4, s11;
	s24 =	sand.u32 $0x1FFFFFF0, s22  }
0xea: {  	[tilespmem:s7], [sflag:$0x1] =	stream.linear.gather [hbm4b:s23+s2], $0x80, $0x38;
	[tilespmem:$0x3180] =	vst v63  }
0xeb: {  	s26 =	sadd.s32 s4, s24  }
0xec: {  	[tilespmem:s25], [sflag:$0x1] =	stream.linear.gather [hbm4b:s26+s2], $0x80, $0x38;
	[tilespmem:$0x3180] =	vst v63  }
0xed: {  	v60 =	vld [tilespmem:$0x80];
	_ =	sdelay $0x4  }
0xee: {  	v0 =	vshll.u32 v60, $0x4  }
0xef: {  	(v2sf) =	vpush v0, $0x0;
	_ =	sdelay $0x1  }
0xf0: {  	(v2sf) =	vpush v0, $0x1  }
0xf1: {  	(v2sf) =	vpush v0, $0x2;
	_ =	sdelay $0x1  }
0xf2: {  	(v2sf) =	vpush v0, $0x3;
	_ =	sdelay $0x1  }
0xf3: {  	(v2sf) =	vpush v0, $0x4;
	_ =	sdelay $0x1  }
0xf4: {  	(v2sf) =	vpush v0, $0x5  }
0xf5: {  	s30 =	sld [smem:$0x7C0]  }
0xf6: {  	s31 =	sld [smem:$0x7C1];
	(v2sf) =	vpush v0, $0x6  }
0xf7: {  	s16 =	sld [smem:$0x7C2]  }
0xf8: {  	s17 =	sld [smem:$0x7C3]  }
0xf9: {  	s20 =	sld [smem:$0x7C4]  }
0xfa: {  	s6 =	sadd.s32 $0x18C000, s6;
	s21 =	sld [smem:$0x7C5];
	s28 =	spop (v2sf);
	(v2sf) =	vpush v0, $0x7  }
0xfb: {  	s7 =	simm.s32 $0x1180;
	s24 =	sld [smem:$0x7C6];
	s8 =	sand.u32 $0x1FFFFFF0, s28  }
0xfc: {  	s25 =	sld [smem:$0x7C7];
	s29 =	spop (v2sf);
	(v2sf) =	vpush v0, $0x8;
	s8 =	sadd.s32 s6, s8  }
0xfd: {  	s9 =	sand.u32 $0x1FFFFFF0, s29;
	s13 =	spop (v2sf);
	(v2sf) =	vpush v0, $0x9;
	s29 =	sld [smem:$0x7C8]  }
0xfe: {  	[tilespmem:s7], [sflag:$0x1] =	stream.linear.gather [hbm4b:s8+s2], $0x80, $0x38;
	[tilespmem:$0x3180] =	vst v63  }
0xff: {  	s9 =	sadd.s32 s6, s9;
	s14 =	sand.u32 $0x1FFFFFF0, s13;
	s15 =	spop (v2sf);
	(v2sf) =	vpush v0, $0xA  }
0x100: {  	[tilespmem:s30], [sflag:$0x1] =	stream.linear.gather [hbm4b:s9+s2], $0x80, $0x38;
	[tilespmem:$0x3180] =	vst v63  }
0x101: {  	s11 =	sand.u32 $0x1FFFFFF0, s15;
	s18 =	spop (v2sf);
	(v2sf) =	vpush v0, $0xB;
	s9 =	sadd.s32 s6, s14  }
0x102: {  	[tilespmem:s31], [sflag:$0x1] =	stream.linear.gather [hbm4b:s9+s2], $0x80, $0x38;
	[tilespmem:$0x3180] =	vst v63  }
0x103: {  	s11 =	sadd.s32 s6, s11;
	s19 =	spop (v2sf);
	(v2sf) =	vpush v0, $0xC;
	s9 =	sand.u32 $0x1FFFFFF0, s18  }
0x104: {  	[tilespmem:s16], [sflag:$0x1] =	stream.linear.gather [hbm4b:s11+s2], $0x80, $0x38;
	[tilespmem:$0x3180] =	vst v63  }
0x105: {  	s22 =	spop (v2sf);
	(v2sf) =	vpush v0, $0xD;
	s9 =	sadd.s32 s6, s9;
	s11 =	sand.u32 $0x1FFFFFF0, s19  }
0x106: {  	[tilespmem:s17], [sflag:$0x1] =	stream.linear.gather [hbm4b:s9+s2], $0x80, $0x38;
	[tilespmem:$0x3180] =	vst v63  }
0x107: {  	s13 =	sld [smem:$0x7CA];
	s11 =	sadd.s32 s6, s11;
	s9 =	sand.u32 $0x1FFFFFF0, s22  }
0x108: {  	[tilespmem:s20], [sflag:$0x1] =	stream.linear.gather [hbm4b:s11+s2], $0x80, $0x38;
	[tilespmem:$0x3180] =	vst v63  }
0x109: {  	s30 =	sld [smem:$0x7C9];
	s9 =	sadd.s32 s6, s9;
	s23 =	spop (v2sf);
	(v2sf) =	vpush v0, $0xE  }
0x10a: {  	[tilespmem:s21], [sflag:$0x1] =	stream.linear.gather [hbm4b:s9+s2], $0x80, $0x38;
	[tilespmem:$0x3180] =	vst v63  }
0x10b: {  	s14 =	sld [smem:$0x7CB];
	s11 =	sand.u32 $0x1FFFFFF0, s23;
	s26 =	spop (v2sf);
	(v2sf) =	vpush v0, $0xF  }
0x10c: {  	s11 =	sadd.s32 s6, s11;
	s9 =	sand.u32 $0x1FFFFFF0, s26;
	s28 =	spop (v2sf)  }
0x10d: {  	[tilespmem:s24], [sflag:$0x1] =	stream.linear.gather [hbm4b:s11+s2], $0x80, $0x38;
	[tilespmem:$0x3180] =	vst v63  }
0x10e: {  	s9 =	sadd.s32 s6, s9;
	s11 =	sand.u32 $0x1FFFFFF0, s28;
	s31 =	spop (v2sf)  }
0x10f: {  	[tilespmem:s25], [sflag:$0x1] =	stream.linear.gather [hbm4b:s9+s2], $0x80, $0x38;
	[tilespmem:$0x3180] =	vst v63  }
0x110: {  	s11 =	sadd.s32 s6, s11;
	s12 =	spop (v2sf);
	s9 =	sand.u32 $0x1FFFFFF0, s31  }
0x111: {  	[tilespmem:s29], [sflag:$0x1] =	stream.linear.gather [hbm4b:s11+s2], $0x80, $0x38;
	[tilespmem:$0x3180] =	vst v63  }
0x112: {  	s15 =	spop (v2sf);
	s9 =	sadd.s32 s6, s9;
	s11 =	sand.u32 $0x1FFFFFF0, s12  }
0x113: {  	[tilespmem:s30], [sflag:$0x1] =	stream.linear.gather [hbm4b:s9+s2], $0x80, $0x38;
	[tilespmem:$0x3180] =	vst v63  }
0x114: {  	s16 =	spop (v2sf);
	s11 =	sadd.s32 s6, s11;
	s9 =	sand.u32 $0x1FFFFFF0, s15  }
0x115: {  	[tilespmem:s13], [sflag:$0x1] =	stream.linear.gather [hbm4b:s11+s2], $0x80, $0x38;
	[tilespmem:$0x3180] =	vst v63  }
0x116: {  	s17 =	sld [smem:$0x7CC];
	s9 =	sadd.s32 s6, s9;
	s11 =	sand.u32 $0x1FFFFFF0, s16  }
0x117: {  	[tilespmem:s14], [sflag:$0x1] =	stream.linear.gather [hbm4b:s9+s2], $0x80, $0x38;
	[tilespmem:$0x3180] =	vst v63  }
0x118: {  	s18 =	sld [smem:$0x7CD];
	s11 =	sadd.s32 s6, s11;
	s19 =	spop (v2sf)  }
0x119: {  	[tilespmem:s17], [sflag:$0x1] =	stream.linear.gather [hbm4b:s11+s2], $0x80, $0x38;
	[tilespmem:$0x3180] =	vst v63  }
0x11a: {  	s9 =	sand.u32 $0x1FFFFFF0, s19;
	s20 =	spop (v2sf)  }
0x11b: {  	s21 =	sld [smem:$0x7CE];
	s9 =	sadd.s32 s6, s9;
	s11 =	sand.u32 $0x1FFFFFF0, s20  }
0x11c: {  	[tilespmem:s18], [sflag:$0x1] =	stream.linear.gather [hbm4b:s9+s2], $0x80, $0x38;
	[tilespmem:$0x3180] =	vst v63  }
0x11d: {  	s22 =	sadd.s32 s6, s11  }
0x11e: {  	[tilespmem:s21], [sflag:$0x1] =	stream.linear.gather [hbm4b:s22+s2], $0x80, $0x38;
	[tilespmem:$0x3180] =	vst v63  }
0x11f: {  	v61 =	vld [tilespmem:$0x90];
	_ =	sdelay $0x4  }
0x120: {  	v0 =	vshll.u32 v61, $0x4  }
0x121: {  	(v2sf) =	vpush v0, $0x0;
	_ =	sdelay $0x1  }
0x122: {  	(v2sf) =	vpush v0, $0x1  }
0x123: {  	(v2sf) =	vpush v0, $0x2;
	_ =	sdelay $0x1  }
0x124: {  	(v2sf) =	vpush v0, $0x3;
	_ =	sdelay $0x1  }
0x125: {  	(v2sf) =	vpush v0, $0x4  }
0x126: {  	s23 =	sld [smem:$0x7CF]  }
0x127: {  	s26 =	sld [smem:$0x7D0];
	(v2sf) =	vpush v0, $0x5  }
0x128: {  	s28 =	sld [smem:$0x7D1]  }
0x129: {  	s31 =	sld [smem:$0x7D2];
	(v2sf) =	vpush v0, $0x6  }
0x12a: {  	s13 =	sld [smem:$0x7D3]  }
0x12b: {  	s16 =	sld [smem:$0x7D4]  }
0x12c: {  	s17 =	sld [smem:$0x7D5]  }
0x12d: {  	s20 =	sld [smem:$0x7D6];
	s24 =	spop (v2sf);
	(v2sf) =	vpush v0, $0x7  }
0x12e: {  	s21 =	sld [smem:$0x7D7]  }
0x12f: {  	s9 =	sand.u32 $0x1FFFFFF0, s24;
	s25 =	spop (v2sf);
	(v2sf) =	vpush v0, $0x8;
	s24 =	sld [smem:$0x7D8]  }
0x130: {  	s9 =	sadd.s32 s6, s9;
	s11 =	sand.u32 $0x1FFFFFF0, s25;
	s29 =	spop (v2sf);
	(v2sf) =	vpush v0, $0x9  }
0x131: {  	[tilespmem:s23], [sflag:$0x1] =	stream.linear.gather [hbm4b:s9+s2], $0x80, $0x38;
	[tilespmem:$0x3180] =	vst v63  }
0x132: {  	s11 =	sadd.s32 s6, s11;
	s9 =	sand.u32 $0x1FFFFFF0, s29;
	s30 =	spop (v2sf);
	(v2sf) =	vpush v0, $0xA  }
0x133: {  	[tilespmem:s26], [sflag:$0x1] =	stream.linear.gather [hbm4b:s11+s2], $0x80, $0x38;
	[tilespmem:$0x3180] =	vst v63  }
0x134: {  	s9 =	sadd.s32 s6, s9;
	s14 =	spop (v2sf);
	(v2sf) =	vpush v0, $0xB;
	s11 =	sand.u32 $0x1FFFFFF0, s30  }
0x135: {  	[tilespmem:s28], [sflag:$0x1] =	stream.linear.gather [hbm4b:s9+s2], $0x80, $0x38;
	[tilespmem:$0x3180] =	vst v63  }
0x136: {  	s15 =	spop (v2sf);
	(v2sf) =	vpush v0, $0xC;
	s11 =	sadd.s32 s6, s11;
	s9 =	sand.u32 $0x1FFFFFF0, s14  }
0x137: {  	[tilespmem:s31], [sflag:$0x1] =	stream.linear.gather [hbm4b:s11+s2], $0x80, $0x38;
	[tilespmem:$0x3180] =	vst v63  }
0x138: {  	s18 =	spop (v2sf);
	(v2sf) =	vpush v0, $0xD;
	s9 =	sadd.s32 s6, s9;
	s11 =	sand.u32 $0x1FFFFFF0, s15  }
0x139: {  	[tilespmem:s13], [sflag:$0x1] =	stream.linear.gather [hbm4b:s9+s2], $0x80, $0x38;
	[tilespmem:$0x3180] =	vst v63  }
0x13a: {  	s25 =	sld [smem:$0x7D9];
	s11 =	sadd.s32 s6, s11;
	s9 =	sand.u32 $0x1FFFFFF0, s18  }
0x13b: {  	[tilespmem:s16], [sflag:$0x1] =	stream.linear.gather [hbm4b:s11+s2], $0x80, $0x38;
	[tilespmem:$0x3180] =	vst v63  }
0x13c: {  	s29 =	sld [smem:$0x7DA];
	s9 =	sadd.s32 s6, s9;
	s19 =	spop (v2sf);
	(v2sf) =	vpush v0, $0xE  }
0x13d: {  	[tilespmem:s17], [sflag:$0x1] =	stream.linear.gather [hbm4b:s9+s2], $0x80, $0x38;
	[tilespmem:$0x3180] =	vst v63  }
0x13e: {  	s30 =	sld [smem:$0x7DB];
	s11 =	sand.u32 $0x1FFFFFF0, s19;
	s22 =	spop (v2sf);
	(v2sf) =	vpush v0, $0xF  }
0x13f: {  	s11 =	sadd.s32 s6, s11;
	s9 =	sand.u32 $0x1FFFFFF0, s22;
	s23 =	spop (v2sf)  }
0x140: {  	[tilespmem:s20], [sflag:$0x1] =	stream.linear.gather [hbm4b:s11+s2], $0x80, $0x38;
	[tilespmem:$0x3180] =	vst v63  }
0x141: {  	s9 =	sadd.s32 s6, s9;
	s11 =	sand.u32 $0x1FFFFFF0, s23;
	s26 =	spop (v2sf)  }
0x142: {  	[tilespmem:s21], [sflag:$0x1] =	stream.linear.gather [hbm4b:s9+s2], $0x80, $0x38;
	[tilespmem:$0x3180] =	vst v63  }
0x143: {  	s11 =	sadd.s32 s6, s11;
	s28 =	spop (v2sf);
	s9 =	sand.u32 $0x1FFFFFF0, s26  }
0x144: {  	[tilespmem:s24], [sflag:$0x1] =	stream.linear.gather [hbm4b:s11+s2], $0x80, $0x38;
	[tilespmem:$0x3180] =	vst v63  }
0x145: {  	s31 =	spop (v2sf);
	s9 =	sadd.s32 s6, s9;
	s11 =	sand.u32 $0x1FFFFFF0, s28  }
0x146: {  	[tilespmem:s25], [sflag:$0x1] =	stream.linear.gather [hbm4b:s9+s2], $0x80, $0x38;
	[tilespmem:$0x3180] =	vst v63  }
0x147: {  	s13 =	spop (v2sf);
	s11 =	sadd.s32 s6, s11;
	s9 =	sand.u32 $0x1FFFFFF0, s31  }
0x148: {  	[tilespmem:s29], [sflag:$0x1] =	stream.linear.gather [hbm4b:s11+s2], $0x80, $0x38;
	[tilespmem:$0x3180] =	vst v63  }
0x149: {  	s14 =	sld [smem:$0x7DC];
	s9 =	sadd.s32 s6, s9;
	s11 =	sand.u32 $0x1FFFFFF0, s13  }
0x14a: {  	[tilespmem:s30], [sflag:$0x1] =	stream.linear.gather [hbm4b:s9+s2], $0x80, $0x38;
	[tilespmem:$0x3180] =	vst v63  }
0x14b: {  	s15 =	sld [smem:$0x7DD];
	s11 =	sadd.s32 s6, s11;
	s16 =	spop (v2sf)  }
0x14c: {  	[tilespmem:s14], [sflag:$0x1] =	stream.linear.gather [hbm4b:s11+s2], $0x80, $0x38;
	[tilespmem:$0x3180] =	vst v63  }
0x14d: {  	s9 =	sand.u32 $0x1FFFFFF0, s16;
	s17 =	spop (v2sf)  }
0x14e: {  	s18 =	sld [smem:$0x7DE];
	s9 =	sadd.s32 s6, s9;
	s11 =	sand.u32 $0x1FFFFFF0, s17  }
0x14f: {  	[tilespmem:s15], [sflag:$0x1] =	stream.linear.gather [hbm4b:s9+s2], $0x80, $0x38;
	[tilespmem:$0x3180] =	vst v63  }
0x150: {  	s19 =	sadd.s32 s6, s11  }
0x151: {  	[tilespmem:s18], [sflag:$0x1] =	stream.linear.gather [hbm4b:s19+s2], $0x80, $0x38;
	[tilespmem:$0x3180] =	vst v63  }
0x152: {  	v62 =	vld [tilespmem:$0x100];
	_ =	sdelay $0x4  }
0x153: {  	v0 =	vshll.u32 v62, $0x4  }
0x154: {  	(v2sf) =	vpush v0, $0x0;
	_ =	sdelay $0x1  }
0x155: {  	(v2sf) =	vpush v0, $0x1;
	_ =	sdelay $0x3  }
0x156: {  	(v2sf) =	vpush v0, $0x2;
	_ =	sdelay $0x2  }
0x157: {  	(v2sf) =	vpush v0, $0x3;
	_ =	sdelay $0x4  }
0x158: {  	(v2sf) =	vpush v0, $0x4  }
0x159: {  	s20 =	spop (v2sf);
	(v2sf) =	vpush v0, $0x5;
	_ =	sdelay $0x1  }
0x15a: {  	s21 =	spop (v2sf);
	(v2sf) =	vpush v0, $0x6;
	_ =	sdelay $0x3  }
0x15b: {  	s9 =	sand.u32 $0x1FFFFFF0, s20;
	s25 =	spop (v2sf);
	(v2sf) =	vpush v0, $0x7  }
0x15c: {  	s8 =	simm.s32 $0x2180;
	s22 =	sld [smem:$0x7DF];
	s9 =	sadd.s32 s4, s9  }
0x15d: {  	[tilespmem:s8], [sflag:$0x1] =	stream.linear.gather [hbm4b:s9+s2], $0x80, $0x38;
	[tilespmem:$0x3180] =	vst v63  }
0x15e: {  	s11 =	sand.u32 $0x1FFFFFF0, s21;
	s28 =	spop (v2sf);
	(v2sf) =	vpush v0, $0x8  }
0x15f: {  	s24 =	sld [smem:$0x7E0];
	s23 =	sadd.s32 s4, s11;
	s11 =	sand.u32 $0x1FFFFFF0, s25  }
0x160: {  	[tilespmem:s22], [sflag:$0x1] =	stream.linear.gather [hbm4b:s23+s2], $0x80, $0x38;
	[tilespmem:$0x3180] =	vst v63  }
0x161: {  	s26 =	sld [smem:$0x7E1];
	s11 =	sadd.s32 s4, s11  }
0x162: {  	[tilespmem:s24], [sflag:$0x1] =	stream.linear.gather [hbm4b:s11+s2], $0x80, $0x38;
	[tilespmem:$0x3180] =	vst v63  }
0x163: {  	s30 =	spop (v2sf);
	s11 =	sand.u32 $0x1FFFFFF0, s28  }
0x164: {  	s29 =	sld [smem:$0x7E2];
	s11 =	sadd.s32 s4, s11;
	s12 =	spop (v2sf);
	(v2sf) =	vpush v0, $0x9  }
0x165: {  	[tilespmem:s26], [sflag:$0x1] =	stream.linear.gather [hbm4b:s11+s2], $0x80, $0x38;
	[tilespmem:$0x3180] =	vst v63  }
0x166: {  	s11 =	sand.u32 $0x1FFFFFF0, s30;
	s14 =	spop (v2sf);
	(v2sf) =	vpush v0, $0xA  }
0x167: {  	s31 =	sld [smem:$0x7E3];
	s11 =	sadd.s32 s4, s11  }
0x168: {  	[tilespmem:s29], [sflag:$0x1] =	stream.linear.gather [hbm4b:s11+s2], $0x80, $0x38;
	[tilespmem:$0x3180] =	vst v63  }
0x169: {  	s11 =	sand.u32 $0x1FFFFFF0, s12  }
0x16a: {  	s13 =	sld [smem:$0x7E4];
	s11 =	sadd.s32 s4, s11;
	s16 =	spop (v2sf)  }
0x16b: {  	(v2sf) =	vpush v0, $0xB;
	[tilespmem:s31], [sflag:$0x1] =	stream.linear.gather [hbm4b:s11+s2], $0x80, $0x38;
	[tilespmem:$0x3180] =	vst v63  }
0x16c: {  	s11 =	sand.u32 $0x1FFFFFF0, s14  }
0x16d: {  	s15 =	sld [smem:$0x7E5];
	s18 =	spop (v2sf);
	s11 =	sadd.s32 s4, s11  }
0x16e: {  	(v2sf) =	vpush v0, $0xC;
	[tilespmem:s13], [sflag:$0x1] =	stream.linear.gather [hbm4b:s11+s2], $0x80, $0x38;
	[tilespmem:$0x3180] =	vst v63  }
0x16f: {  	s11 =	sand.u32 $0x1FFFFFF0, s16  }
0x170: {  	s17 =	sld [smem:$0x7E6];
	s11 =	sadd.s32 s4, s11  }
0x171: {  	[tilespmem:s15], [sflag:$0x1] =	stream.linear.gather [hbm4b:s11+s2], $0x80, $0x38;
	[tilespmem:$0x3180] =	vst v63  }
0x172: {  	s11 =	sand.u32 $0x1FFFFFF0, s18  }
0x173: {  	s11 =	sadd.s32 s4, s11;
	s20 =	spop (v2sf);
	(v2sf) =	vpush v0, $0xD  }
0x174: {  	[tilespmem:s17], [sflag:$0x1] =	stream.linear.gather [hbm4b:s11+s2], $0x80, $0x38;
	[tilespmem:$0x3180] =	vst v63  }
0x175: {  	s19 =	sld [smem:$0x7E7];
	s22 =	spop (v2sf);
	(v2sf) =	vpush v0, $0xE  }
0x176: {  	s11 =	sand.u32 $0x1FFFFFF0, s20  }
0x177: {  	s21 =	sld [smem:$0x7E8];
	s11 =	sadd.s32 s4, s11  }
0x178: {  	[tilespmem:s19], [sflag:$0x1] =	stream.linear.gather [hbm4b:s11+s2], $0x80, $0x38;
	[tilespmem:$0x3180] =	vst v63  }
0x179: {  	s11 =	sand.u32 $0x1FFFFFF0, s22  }
0x17a: {  	s23 =	sld [smem:$0x7E9];
	s24 =	spop (v2sf);
	(v2sf) =	vpush v0, $0xF;
	s11 =	sadd.s32 s4, s11  }
0x17b: {  	[tilespmem:s21], [sflag:$0x1] =	stream.linear.gather [hbm4b:s11+s2], $0x80, $0x38;
	[tilespmem:$0x3180] =	vst v63  }
0x17c: {  	s11 =	sand.u32 $0x1FFFFFF0, s24  }
0x17d: {  	s25 =	sld [smem:$0x7EA];
	s26 =	spop (v2sf);
	s11 =	sadd.s32 s4, s11  }
0x17e: {  	[tilespmem:s23], [sflag:$0x1] =	stream.linear.gather [hbm4b:s11+s2], $0x80, $0x38;
	[tilespmem:$0x3180] =	vst v63  }
0x17f: {  	s11 =	sand.u32 $0x1FFFFFF0, s26  }
0x180: {  	s11 =	sadd.s32 s4, s11  }
0x181: {  	[tilespmem:s25], [sflag:$0x1] =	stream.linear.gather [hbm4b:s11+s2], $0x80, $0x38;
	[tilespmem:$0x3180] =	vst v63  }
0x182: {  	s28 =	sld [smem:$0x7EB];
	s29 =	spop (v2sf)  }
0x183: {  	s11 =	sand.u32 $0x1FFFFFF0, s29  }
0x184: {  	s30 =	sld [smem:$0x7EC];
	s31 =	spop (v2sf);
	s11 =	sadd.s32 s4, s11  }
0x185: {  	[tilespmem:s28], [sflag:$0x1] =	stream.linear.gather [hbm4b:s11+s2], $0x80, $0x38;
	[tilespmem:$0x3180] =	vst v63  }
0x186: {  	s11 =	sand.u32 $0x1FFFFFF0, s31  }
0x187: {  	s11 =	sadd.s32 s4, s11  }
0x188: {  	[tilespmem:s30], [sflag:$0x1] =	stream.linear.gather [hbm4b:s11+s2], $0x80, $0x38;
	[tilespmem:$0x3180] =	vst v63  }
0x189: {  	s12 =	sld [smem:$0x7ED];
	s11 =	spop (v2sf)  }
0x18a: {  	s9 =	sand.u32 $0x1FFFFFF0, s11  }
0x18b: {  	s9 =	sadd.s32 s4, s9  }
0x18c: {  	[tilespmem:s12], [sflag:$0x1] =	stream.linear.gather [hbm4b:s9+s2], $0x80, $0x38;
	[tilespmem:$0x3180] =	vst v63  }
0x18d: {  	v63 =	vld [tilespmem:$0x110];
	_ =	sdelay $0x4  }
0x18e: {  	v0 =	vshll.u32 v63, $0x4  }
0x18f: {  	(v2sf) =	vpush v0, $0x0;
	_ =	sdelay $0x1  }
0x190: {  	(v2sf) =	vpush v0, $0x1;
	_ =	sdelay $0x1  }
0x191: {  	(v2sf) =	vpush v0, $0x2;
	_ =	sdelay $0x2  }
0x192: {  	(v2sf) =	vpush v0, $0x3;
	_ =	sdelay $0x7  }
0x193: {  	s14 =	spop (v2sf);
	(v2sf) =	vpush v0, $0x4;
	_ =	sdelay $0x1  }
0x194: {  	s16 =	spop (v2sf);
	(v2sf) =	vpush v0, $0x5;
	_ =	sdelay $0x1  }
0x195: {  	s18 =	spop (v2sf);
	(v2sf) =	vpush v0, $0x6  }
0x196: {  	s13 =	sld [smem:$0x7EE]  }
0x197: {  	s11 =	sand.u32 $0x1FFFFFF0, s14  }
0x198: {  	s15 =	sld [smem:$0x7EF];
	s11 =	sadd.s32 s4, s11;
	s20 =	spop (v2sf);
	(v2sf) =	vpush v0, $0x7  }
0x199: {  	[tilespmem:s13], [sflag:$0x1] =	stream.linear.gather [hbm4b:s11+s2], $0x80, $0x38;
	[tilespmem:$0x3180] =	vst v63  }
0x19a: {  	s11 =	sand.u32 $0x1FFFFFF0, s16  }
0x19b: {  	s17 =	sld [smem:$0x7F0];
	s11 =	sadd.s32 s4, s11  }
0x19c: {  	[tilespmem:s15], [sflag:$0x1] =	stream.linear.gather [hbm4b:s11+s2], $0x80, $0x38;
	[tilespmem:$0x3180] =	vst v63  }
0x19d: {  	s11 =	sand.u32 $0x1FFFFFF0, s18  }
0x19e: {  	s11 =	sadd.s32 s4, s11  }
0x19f: {  	[tilespmem:s17], [sflag:$0x1] =	stream.linear.gather [hbm4b:s11+s2], $0x80, $0x38;
	[tilespmem:$0x3180] =	vst v63  }
0x1a0: {  	s19 =	sld [smem:$0x7F1];
	s22 =	spop (v2sf);
	(v2sf) =	vpush v0, $0x8  }
0x1a1: {  	s11 =	sand.u32 $0x1FFFFFF0, s20  }
0x1a2: {  	s21 =	sld [smem:$0x7F2];
	s11 =	sadd.s32 s4, s11;
	s24 =	spop (v2sf);
	(v2sf) =	vpush v0, $0x9  }
0x1a3: {  	[tilespmem:s19], [sflag:$0x1] =	stream.linear.gather [hbm4b:s11+s2], $0x80, $0x38;
	[tilespmem:$0x3180] =	vst v63  }
0x1a4: {  	s11 =	sand.u32 $0x1FFFFFF0, s22;
	s26 =	spop (v2sf);
	(v2sf) =	vpush v0, $0xA  }
0x1a5: {  	s11 =	sadd.s32 s4, s11  }
0x1a6: {  	[tilespmem:s21], [sflag:$0x1] =	stream.linear.gather [hbm4b:s11+s2], $0x80, $0x38;
	[tilespmem:$0x3180] =	vst v63  }
0x1a7: {  	s23 =	sld [smem:$0x7F3];
	s29 =	spop (v2sf);
	(v2sf) =	vpush v0, $0xB  }
0x1a8: {  	s11 =	sand.u32 $0x1FFFFFF0, s24  }
0x1a9: {  	s25 =	sld [smem:$0x7F4];
	s11 =	sadd.s32 s4, s11  }
0x1aa: {  	[tilespmem:s23], [sflag:$0x1] =	stream.linear.gather [hbm4b:s11+s2], $0x80, $0x38;
	[tilespmem:$0x3180] =	vst v63  }
0x1ab: {  	s11 =	sand.u32 $0x1FFFFFF0, s26  }
0x1ac: {  	s28 =	sld [smem:$0x7F5];
	s11 =	sadd.s32 s4, s11  }
0x1ad: {  	[tilespmem:s25], [sflag:$0x1] =	stream.linear.gather [hbm4b:s11+s2], $0x80, $0x38;
	[tilespmem:$0x3180] =	vst v63  }
0x1ae: {  	s11 =	sand.u32 $0x1FFFFFF0, s29  }
0x1af: {  	s11 =	sadd.s32 s4, s11;
	s31 =	spop (v2sf);
	(v2sf) =	vpush v0, $0xC  }
0x1b0: {  	[tilespmem:s28], [sflag:$0x1] =	stream.linear.gather [hbm4b:s11+s2], $0x80, $0x38;
	[tilespmem:$0x3180] =	vst v63  }
0x1b1: {  	s30 =	sld [smem:$0x7F6];
	s13 =	spop (v2sf);
	(v2sf) =	vpush v0, $0xD  }
0x1b2: {  	s11 =	sand.u32 $0x1FFFFFF0, s31  }
0x1b3: {  	s12 =	sld [smem:$0x7F7];
	s11 =	sadd.s32 s4, s11;
	s15 =	spop (v2sf)  }
0x1b4: {  	(v2sf) =	vpush v0, $0xE;
	[tilespmem:s30], [sflag:$0x1] =	stream.linear.gather [hbm4b:s11+s2], $0x80, $0x38;
	[tilespmem:$0x3180] =	vst v63  }
0x1b5: {  	s11 =	sand.u32 $0x1FFFFFF0, s13  }
0x1b6: {  	s14 =	sld [smem:$0x7F8];
	s17 =	spop (v2sf);
	(v2sf) =	vpush v0, $0xF;
	s11 =	sadd.s32 s4, s11  }
0x1b7: {  	[tilespmem:s12], [sflag:$0x1] =	stream.linear.gather [hbm4b:s11+s2], $0x80, $0x38;
	[tilespmem:$0x3180] =	vst v63  }
0x1b8: {  	s11 =	sand.u32 $0x1FFFFFF0, s15  }
0x1b9: {  	s16 =	sld [smem:$0x7F9];
	s11 =	sadd.s32 s4, s11  }
0x1ba: {  	[tilespmem:s14], [sflag:$0x1] =	stream.linear.gather [hbm4b:s11+s2], $0x80, $0x38;
	[tilespmem:$0x3180] =	vst v63  }
0x1bb: {  	s11 =	sand.u32 $0x1FFFFFF0, s17  }
0x1bc: {  	s11 =	sadd.s32 s4, s11  }
0x1bd: {  	[tilespmem:s16], [sflag:$0x1] =	stream.linear.gather [hbm4b:s11+s2], $0x80, $0x38;
	[tilespmem:$0x3180] =	vst v63  }
0x1be: {  	s18 =	sld [smem:$0x7FA];
	s19 =	spop (v2sf)  }
0x1bf: {  	s11 =	sand.u32 $0x1FFFFFF0, s19  }
0x1c0: {  	s20 =	sld [smem:$0x7FB];
	s21 =	spop (v2sf);
	s11 =	sadd.s32 s4, s11  }
0x1c1: {  	[tilespmem:s18], [sflag:$0x1] =	stream.linear.gather [hbm4b:s11+s2], $0x80, $0x38;
	[tilespmem:$0x3180] =	vst v63  }
0x1c2: {  	s11 =	sand.u32 $0x1FFFFFF0, s21  }
0x1c3: {  	s22 =	sld [smem:$0x7FC];
	s23 =	spop (v2sf);
	s11 =	sadd.s32 s4, s11  }
0x1c4: {  	[tilespmem:s20], [sflag:$0x1] =	stream.linear.gather [hbm4b:s11+s2], $0x80, $0x38;
	[tilespmem:$0x3180] =	vst v63  }
0x1c5: {  	s24 =	spop (v2sf);
	s11 =	sand.u32 $0x1FFFFFF0, s23  }
0x1c6: {  	s25 =	sld [smem:$0x7FD];
	s26 =	sand.u32 $0x1FFFFFF0, s24;
	s11 =	sadd.s32 s4, s11  }
0x1c7: {  	[tilespmem:s22], [sflag:$0x1] =	stream.linear.gather [hbm4b:s11+s2], $0x80, $0x38;
	[tilespmem:$0x3180] =	vst v63  }
0x1c8: {  	s9 =	simm.s32 $0x1;
	s12 =	sadd.s32 s4, s26  }
0x1c9: {  	[tilespmem:s25], [sflag:$0x1] =	stream.linear.gather [hbm4b:s12+s2], $0x80, $0x38;
	[tilespmem:$0x3180] =	vst v63  }
0x1ca: {  	_ =	swait.ge [sflag:s9], $0x80  }
0x1cb: {  	[sflag:s9] =	ssyncset.done $0x0  }
0x1cc: {  	[sflag:s9] =	ssyncadd.s32 $0xFFFFFF80  }
0x1cd: {  	_ =	swait.ge [sflag:s9], $0x80  }
0x1ce: {  	[sflag:s9] =	ssyncset.done $0x0  }
0x1cf: {  	[sflag:s9] =	ssyncadd.s32 $0xFFFFFF80  }
0x1d0: {  	_ =	swait.ge [sflag:s9], $0x80  }
0x1d1: {  	[sflag:s9] =	ssyncset.done $0x0  }
0x1d2: {  	[sflag:s9] =	ssyncadd.s32 $0xFFFFFF80  }
0x1d3: {  	_ =	swait.ge [sflag:s9], $0x80  }
0x1d4: {  	[sflag:s9] =	ssyncset.done $0x0  }
0x1d5: {  	[sflag:s9] =	ssyncadd.s32 $0xFFFFFF80  }
0x1d6: {  	_ =	swait.ge [sflag:s9], $0x80  }
0x1d7: {  	[sflag:s9] =	ssyncset.done $0x0  }
0x1d8: {  	[sflag:s9] =	ssyncadd.s32 $0xFFFFFF80  }
0x1d9: {  	_ =	swait.ge [sflag:s9], $0x80  }
0x1da: {  	[sflag:s9] =	ssyncset.done $0x0  }
0x1db: {  	[sflag:s9] =	ssyncadd.s32 $0xFFFFFF80  }
0x1dc: {  	_ =	swait.ge [sflag:s9], $0x80  }
0x1dd: {  	[sflag:s9] =	ssyncset.done $0x0  }
0x1de: {  	[sflag:s9] =	ssyncadd.s32 $0xFFFFFF80  }
0x1df: {  	_ =	swait.ge [sflag:s9], $0x80  }
0x1e0: {  	[sflag:s9] =	ssyncset.done $0x0  }
0x1e1: {  	[sflag:s9] =	ssyncadd.s32 $0xFFFFFF80  }
0x1e2: {  	_ =	swait.ge [sflag:s9], $0x80  }
0x1e3: {  	[sflag:s9] =	ssyncset.done $0x0  }
0x1e4: {  	[sflag:s9] =	ssyncadd.s32 $0xFFFFFF80  }
0x1e5: {  	_ =	swait.ge [sflag:s9], $0x80  }
0x1e6: {  	[sflag:s9] =	ssyncset.done $0x0  }
0x1e7: {  	[sflag:s9] =	ssyncadd.s32 $0xFFFFFF80  }
0x1e8: {  	_ =	swait.ge [sflag:s9], $0x80  }
0x1e9: {  	[sflag:s9] =	ssyncset.done $0x0  }
0x1ea: {  	[sflag:s9] =	ssyncadd.s32 $0xFFFFFF80  }
0x1eb: {  	_ =	swait.ge [sflag:s9], $0x80  }
0x1ec: {  	[sflag:s9] =	ssyncset.done $0x0  }
0x1ed: {  	[sflag:s9] =	ssyncadd.s32 $0xFFFFFF80  }
0x1ee: {  	_ =	swait.ge [sflag:s9], $0x80  }
0x1ef: {  	[sflag:s9] =	ssyncset.done $0x0  }
0x1f0: {  	[sflag:s9] =	ssyncadd.s32 $0xFFFFFF80  }
0x1f1: {  	_ =	swait.ge [sflag:s9], $0x80  }
0x1f2: {  	[sflag:s9] =	ssyncset.done $0x0  }
0x1f3: {  	[sflag:s9] =	ssyncadd.s32 $0xFFFFFF80  }
0x1f4: {  	_ =	swait.ge [sflag:s9], $0x80  }
0x1f5: {  	[sflag:s9] =	ssyncset.done $0x0  }
0x1f6: {  	[sflag:s9] =	ssyncadd.s32 $0xFFFFFF80  }
0x1f7: {  	_ =	swait.ge [sflag:s9], $0x80  }
0x1f8: {  	[sflag:s9] =	ssyncset.done $0x0  }
0x1f9: {  	[sflag:s9] =	ssyncadd.s32 $0xFFFFFF80  }
0x1fa: {  	_ =	swait.ge [sflag:s9], $0x80  }
0x1fb: {  	[sflag:s9] =	ssyncset.done $0x0  }
0x1fc: {  	[sflag:s9] =	ssyncadd.s32 $0xFFFFFF80  }
0x1fd: {  	_ =	swait.ge [sflag:s9], $0x80  }
0x1fe: {  	[sflag:s9] =	ssyncset.done $0x0  }
0x1ff: {  	[sflag:s9] =	ssyncadd.s32 $0xFFFFFF80  }
0x200: {  	_ =	swait.ge [sflag:s9], $0x80  }
0x201: {  	[sflag:s9] =	ssyncset.done $0x0  }
0x202: {  	[sflag:s9] =	ssyncadd.s32 $0xFFFFFF80  }
0x203: {  	_ =	swait.ge [sflag:s9], $0x80  }
0x204: {  	[sflag:s9] =	ssyncset.done $0x0  }
0x205: {  	[sflag:s9] =	ssyncadd.s32 $0xFFFFFF80  }
0x206: {  	_ =	swait.ge [sflag:s9], $0x80  }
0x207: {  	[sflag:s9] =	ssyncset.done $0x0  }
0x208: {  	[sflag:s9] =	ssyncadd.s32 $0xFFFFFF80  }
0x209: {  	_ =	swait.ge [sflag:s9], $0x80  }
0x20a: {  	[sflag:s9] =	ssyncset.done $0x0  }
0x20b: {  	[sflag:s9] =	ssyncadd.s32 $0xFFFFFF80  }
0x20c: {  	_ =	swait.ge [sflag:s9], $0x80  }
0x20d: {  	[sflag:s9] =	ssyncset.done $0x0  }
0x20e: {  	[sflag:s9] =	ssyncadd.s32 $0xFFFFFF80  }
0x20f: {  	_ =	swait.ge [sflag:s9], $0x80  }
0x210: {  	[sflag:s9] =	ssyncset.done $0x0  }
0x211: {  	[sflag:s9] =	ssyncadd.s32 $0xFFFFFF80  }
0x212: {  	_ =	swait.ge [sflag:s9], $0x80  }
0x213: {  	[sflag:s9] =	ssyncset.done $0x0  }
0x214: {  	[sflag:s9] =	ssyncadd.s32 $0xFFFFFF80  }
0x215: {  	_ =	swait.ge [sflag:s9], $0x80  }
0x216: {  	[sflag:s9] =	ssyncset.done $0x0  }
0x217: {  	[sflag:s9] =	ssyncadd.s32 $0xFFFFFF80  }
0x218: {  	_ =	swait.ge [sflag:s9], $0x80  }
0x219: {  	[sflag:s9] =	ssyncset.done $0x0  }
0x21a: {  	[sflag:s9] =	ssyncadd.s32 $0xFFFFFF80  }
0x21b: {  	_ =	swait.ge [sflag:s9], $0x80  }
0x21c: {  	[sflag:s9] =	ssyncset.done $0x0  }
0x21d: {  	[sflag:s9] =	ssyncadd.s32 $0xFFFFFF80  }
0x21e: {  	_ =	swait.ge [sflag:s9], $0x80  }
0x21f: {  	[sflag:s9] =	ssyncset.done $0x0  }
0x220: {  	[sflag:s9] =	ssyncadd.s32 $0xFFFFFF80  }
0x221: {  	_ =	swait.ge [sflag:s9], $0x80  }
0x222: {  	[sflag:s9] =	ssyncset.done $0x0  }
0x223: {  	[sflag:s9] =	ssyncadd.s32 $0xFFFFFF80  }
0x224: {  	_ =	swait.ge [sflag:s9], $0x80  }
0x225: {  	[sflag:s9] =	ssyncset.done $0x0  }
0x226: {  	[sflag:s9] =	ssyncadd.s32 $0xFFFFFF80  }
0x227: {  	_ =	swait.ge [sflag:s9], $0x80  }
0x228: {  	[sflag:s9] =	ssyncset.done $0x0  }
0x229: {  	[sflag:s9] =	ssyncadd.s32 $0xFFFFFF80  }
0x22a: {  	_ =	swait.ge [sflag:s9], $0x80  }
0x22b: {  	[sflag:s9] =	ssyncset.done $0x0  }
0x22c: {  	[sflag:s9] =	ssyncadd.s32 $0xFFFFFF80  }
0x22d: {  	_ =	swait.ge [sflag:s9], $0x80  }
0x22e: {  	[sflag:s9] =	ssyncset.done $0x0  }
0x22f: {  	[sflag:s9] =	ssyncadd.s32 $0xFFFFFF80  }
0x230: {  	_ =	swait.ge [sflag:s9], $0x80  }
0x231: {  	[sflag:s9] =	ssyncset.done $0x0  }
0x232: {  	[sflag:s9] =	ssyncadd.s32 $0xFFFFFF80  }
0x233: {  	_ =	swait.ge [sflag:s9], $0x80  }
0x234: {  	[sflag:s9] =	ssyncset.done $0x0  }
0x235: {  	[sflag:s9] =	ssyncadd.s32 $0xFFFFFF80  }
0x236: {  	_ =	swait.ge [sflag:s9], $0x80  }
0x237: {  	[sflag:s9] =	ssyncset.done $0x0  }
0x238: {  	[sflag:s9] =	ssyncadd.s32 $0xFFFFFF80  }
0x239: {  	_ =	swait.ge [sflag:s9], $0x80  }
0x23a: {  	[sflag:s9] =	ssyncset.done $0x0  }
0x23b: {  	[sflag:s9] =	ssyncadd.s32 $0xFFFFFF80  }
0x23c: {  	_ =	swait.ge [sflag:s9], $0x80  }
0x23d: {  	[sflag:s9] =	ssyncset.done $0x0  }
0x23e: {  	[sflag:s9] =	ssyncadd.s32 $0xFFFFFF80  }
0x23f: {  	_ =	swait.ge [sflag:s9], $0x80  }
0x240: {  	[sflag:s9] =	ssyncset.done $0x0  }
0x241: {  	[sflag:s9] =	ssyncadd.s32 $0xFFFFFF80  }
0x242: {  	_ =	swait.ge [sflag:s9], $0x80  }
0x243: {  	[sflag:s9] =	ssyncset.done $0x0  }
0x244: {  	[sflag:s9] =	ssyncadd.s32 $0xFFFFFF80  }
0x245: {  	_ =	swait.ge [sflag:s9], $0x80  }
0x246: {  	[sflag:s9] =	ssyncset.done $0x0  }
0x247: {  	[sflag:s9] =	ssyncadd.s32 $0xFFFFFF80  }
0x248: {  	_ =	swait.ge [sflag:s9], $0x80  }
0x249: {  	[sflag:s9] =	ssyncset.done $0x0  }
0x24a: {  	[sflag:s9] =	ssyncadd.s32 $0xFFFFFF80  }
0x24b: {  	_ =	swait.ge [sflag:s9], $0x80  }
0x24c: {  	[sflag:s9] =	ssyncset.done $0x0  }
0x24d: {  	[sflag:s9] =	ssyncadd.s32 $0xFFFFFF80  }
0x24e: {  	_ =	swait.ge [sflag:s9], $0x80  }
0x24f: {  	[sflag:s9] =	ssyncset.done $0x0  }
0x250: {  	[sflag:s9] =	ssyncadd.s32 $0xFFFFFF80  }
0x251: {  	_ =	swait.ge [sflag:s9], $0x80  }
0x252: {  	[sflag:s9] =	ssyncset.done $0x0  }
0x253: {  	[sflag:s9] =	ssyncadd.s32 $0xFFFFFF80  }
0x254: {  	_ =	swait.ge [sflag:s9], $0x80  }
0x255: {  	[sflag:s9] =	ssyncset.done $0x0  }
0x256: {  	[sflag:s9] =	ssyncadd.s32 $0xFFFFFF80  }
0x257: {  	_ =	swait.ge [sflag:s9], $0x80  }
0x258: {  	[sflag:s9] =	ssyncset.done $0x0  }
0x259: {  	[sflag:s9] =	ssyncadd.s32 $0xFFFFFF80  }
0x25a: {  	_ =	swait.ge [sflag:s9], $0x80  }
0x25b: {  	[sflag:s9] =	ssyncset.done $0x0  }
0x25c: {  	[sflag:s9] =	ssyncadd.s32 $0xFFFFFF80  }
0x25d: {  	_ =	swait.ge [sflag:s9], $0x80  }
0x25e: {  	[sflag:s9] =	ssyncset.done $0x0  }
0x25f: {  	[sflag:s9] =	ssyncadd.s32 $0xFFFFFF80  }
0x260: {  	_ =	swait.ge [sflag:s9], $0x80  }
0x261: {  	[sflag:s9] =	ssyncset.done $0x0  }
0x262: {  	[sflag:s9] =	ssyncadd.s32 $0xFFFFFF80  }
0x263: {  	_ =	swait.ge [sflag:s9], $0x80  }
0x264: {  	[sflag:s9] =	ssyncset.done $0x0  }
0x265: {  	[sflag:s9] =	ssyncadd.s32 $0xFFFFFF80  }
0x266: {  	_ =	swait.ge [sflag:s9], $0x80  }
0x267: {  	[sflag:s9] =	ssyncset.done $0x0  }
0x268: {  	[sflag:s9] =	ssyncadd.s32 $0xFFFFFF80  }
0x269: {  	_ =	swait.ge [sflag:s9], $0x80  }
0x26a: {  	[sflag:s9] =	ssyncset.done $0x0  }
0x26b: {  	[sflag:s9] =	ssyncadd.s32 $0xFFFFFF80  }
0x26c: {  	_ =	swait.ge [sflag:s9], $0x80  }
0x26d: {  	[sflag:s9] =	ssyncset.done $0x0  }
0x26e: {  	[sflag:s9] =	ssyncadd.s32 $0xFFFFFF80  }
0x26f: {  	_ =	swait.ge [sflag:s9], $0x80  }
0x270: {  	[sflag:s9] =	ssyncset.done $0x0  }
0x271: {  	[sflag:s9] =	ssyncadd.s32 $0xFFFFFF80  }
0x272: {  	_ =	swait.ge [sflag:s9], $0x80  }
0x273: {  	[sflag:s9] =	ssyncset.done $0x0  }
0x274: {  	[sflag:s9] =	ssyncadd.s32 $0xFFFFFF80  }
0x275: {  	_ =	swait.ge [sflag:s9], $0x80  }
0x276: {  	[sflag:s9] =	ssyncset.done $0x0  }
0x277: {  	[sflag:s9] =	ssyncadd.s32 $0xFFFFFF80  }
0x278: {  	_ =	swait.ge [sflag:s9], $0x80  }
0x279: {  	[sflag:s9] =	ssyncset.done $0x0  }
0x27a: {  	[sflag:s9] =	ssyncadd.s32 $0xFFFFFF80  }
0x27b: {  	_ =	swait.ge [sflag:s9], $0x80  }
0x27c: {  	[sflag:s9] =	ssyncset.done $0x0  }
0x27d: {  	[sflag:s9] =	ssyncadd.s32 $0xFFFFFF80  }
0x27e: {  	_ =	swait.ge [sflag:s9], $0x80  }
0x27f: {  	[sflag:s9] =	ssyncset.done $0x0  }
0x280: {  	[sflag:s9] =	ssyncadd.s32 $0xFFFFFF80  }
0x281: {  	_ =	swait.ge [sflag:s9], $0x80  }
0x282: {  	[sflag:s9] =	ssyncset.done $0x0  }
0x283: {  	[sflag:s9] =	ssyncadd.s32 $0xFFFFFF80  }
0x284: {  	_ =	swait.ge [sflag:s9], $0x80  }
0x285: {  	[sflag:s9] =	ssyncset.done $0x0  }
0x286: {  	[sflag:s9] =	ssyncadd.s32 $0xFFFFFF80  }
0x287: {  	_ =	swait.ge [sflag:s9], $0x80  }
0x288: {  	[sflag:s9] =	ssyncset.done $0x0  }
0x289: {  	[sflag:s9] =	ssyncadd.s32 $0xFFFFFF80  }
0x28a: {  	_ =	swait.ge [sflag:s9], $0x80  }
0x28b: {  	[sflag:s9] =	ssyncset.done $0x0  }
0x28c: {  	[sflag:s9] =	ssyncadd.s32 $0xFFFFFF80  }
0x28d: {  	_ =	swait.ge [sflag:s9], $0x80  }
0x28e: {  	[sflag:s9] =	ssyncset.done $0x0  }
0x28f: {  	[sflag:s9] =	ssyncadd.s32 $0xFFFFFF80  }
0x290: {  	_ =	swait.ge [sflag:s9], $0x80  }
0x291: {  	[sflag:s9] =	ssyncset.done $0x0  }
0x292: {  	[sflag:s9] =	ssyncadd.s32 $0xFFFFFF80  }
0x293: {  	_ =	swait.ge [sflag:s9], $0x80  }
0x294: {  	[sflag:s9] =	ssyncset.done $0x0  }
0x295: {  	[sflag:s9] =	ssyncadd.s32 $0xFFFFFF80  }
0x296: {  	_ =	swait.ge [sflag:s9], $0x80  }
0x297: {  	[sflag:s9] =	ssyncset.done $0x0  }
0x298: {  	[sflag:s9] =	ssyncadd.s32 $0xFFFFFF80  }
0x299: {  	_ =	swait.ge [sflag:s9], $0x80  }
0x29a: {  	[sflag:s9] =	ssyncset.done $0x0  }
0x29b: {  	[sflag:s9] =	ssyncadd.s32 $0xFFFFFF80  }
0x29c: {  	_ =	swait.ge [sflag:s9], $0x80  }
0x29d: {  	[sflag:s9] =	ssyncset.done $0x0  }
0x29e: {  	[sflag:s9] =	ssyncadd.s32 $0xFFFFFF80  }
0x29f: {  	_ =	swait.ge [sflag:s9], $0x80  }
0x2a0: {  	[sflag:s9] =	ssyncset.done $0x0  }
0x2a1: {  	[sflag:s9] =	ssyncadd.s32 $0xFFFFFF80  }
0x2a2: {  	_ =	swait.ge [sflag:s9], $0x80  }
0x2a3: {  	[sflag:s9] =	ssyncset.done $0x0  }
0x2a4: {  	[sflag:s9] =	ssyncadd.s32 $0xFFFFFF80  }
0x2a5: {  	_ =	swait.ge [sflag:s9], $0x80  }
0x2a6: {  	[sflag:s9] =	ssyncset.done $0x0  }
0x2a7: {  	[sflag:s9] =	ssyncadd.s32 $0xFFFFFF80  }
0x2a8: {  	_ =	swait.ge [sflag:s9], $0x80  }
0x2a9: {  	[sflag:s9] =	ssyncset.done $0x0  }
0x2aa: {  	[sflag:s9] =	ssyncadd.s32 $0xFFFFFF80  }
0x2ab: {  	_ =	swait.ge [sflag:s9], $0x80  }
0x2ac: {  	[sflag:s9] =	ssyncset.done $0x0  }
0x2ad: {  	[sflag:s9] =	ssyncadd.s32 $0xFFFFFF80  }
0x2ae: {  	_ =	swait.ge [sflag:s9], $0x80  }
0x2af: {  	[sflag:s9] =	ssyncset.done $0x0  }
0x2b0: {  	[sflag:s9] =	ssyncadd.s32 $0xFFFFFF80  }
0x2b1: {  	_ =	swait.ge [sflag:s9], $0x80  }
0x2b2: {  	[sflag:s9] =	ssyncset.done $0x0  }
0x2b3: {  	[sflag:s9] =	ssyncadd.s32 $0xFFFFFF80  }
0x2b4: {  	_ =	swait.ge [sflag:s9], $0x80  }
0x2b5: {  	[sflag:s9] =	ssyncset.done $0x0  }
0x2b6: {  	[sflag:s9] =	ssyncadd.s32 $0xFFFFFF80  }
0x2b7: {  	_ =	swait.ge [sflag:s9], $0x80  }
0x2b8: {  	[sflag:s9] =	ssyncset.done $0x0  }
0x2b9: {  	[sflag:s9] =	ssyncadd.s32 $0xFFFFFF80  }
0x2ba: {  	_ =	swait.ge [sflag:s9], $0x80  }
0x2bb: {  	[sflag:s9] =	ssyncset.done $0x0  }
0x2bc: {  	[sflag:s9] =	ssyncadd.s32 $0xFFFFFF80  }
0x2bd: {  	_ =	swait.ge [sflag:s9], $0x80  }
0x2be: {  	[sflag:s9] =	ssyncset.done $0x0  }
0x2bf: {  	[sflag:s9] =	ssyncadd.s32 $0xFFFFFF80  }
0x2c0: {  	_ =	swait.ge [sflag:s9], $0x80  }
0x2c1: {  	[sflag:s9] =	ssyncset.done $0x0  }
0x2c2: {  	[sflag:s9] =	ssyncadd.s32 $0xFFFFFF80  }
0x2c3: {  	_ =	swait.ge [sflag:s9], $0x80  }
0x2c4: {  	[sflag:s9] =	ssyncset.done $0x0  }
0x2c5: {  	[sflag:s9] =	ssyncadd.s32 $0xFFFFFF80  }
0x2c6: {  	_ =	swait.ge [sflag:s9], $0x80  }
0x2c7: {  	[sflag:s9] =	ssyncset.done $0x0  }
0x2c8: {  	[sflag:s9] =	ssyncadd.s32 $0xFFFFFF80  }
0x2c9: {  	_ =	swait.ge [sflag:s9], $0x80  }
0x2ca: {  	[sflag:s9] =	ssyncset.done $0x0  }
0x2cb: {  	[sflag:s9] =	ssyncadd.s32 $0xFFFFFF80  }
0x2cc: {  	_ =	swait.ge [sflag:s9], $0x80  }
0x2cd: {  	[sflag:s9] =	ssyncset.done $0x0  }
0x2ce: {  	[sflag:s9] =	ssyncadd.s32 $0xFFFFFF80  }
0x2cf: {  	_ =	swait.ge [sflag:s9], $0x80  }
0x2d0: {  	[sflag:s9] =	ssyncset.done $0x0  }
0x2d1: {  	[sflag:s9] =	ssyncadd.s32 $0xFFFFFF80  }
0x2d2: {  	_ =	swait.ge [sflag:s9], $0x80  }
0x2d3: {  	[sflag:s9] =	ssyncset.done $0x0  }
0x2d4: {  	[sflag:s9] =	ssyncadd.s32 $0xFFFFFF80  }
0x2d5: {  	_ =	swait.ge [sflag:s9], $0x80  }
0x2d6: {  	[sflag:s9] =	ssyncset.done $0x0  }
0x2d7: {  	[sflag:s9] =	ssyncadd.s32 $0xFFFFFF80  }
0x2d8: {  	_ =	swait.ge [sflag:s9], $0x80  }
0x2d9: {  	[sflag:s9] =	ssyncset.done $0x0  }
0x2da: {  	[sflag:s9] =	ssyncadd.s32 $0xFFFFFF80  }
0x2db: {  	_ =	swait.ge [sflag:s9], $0x80  }
0x2dc: {  	[sflag:s9] =	ssyncset.done $0x0  }
0x2dd: {  	[sflag:s9] =	ssyncadd.s32 $0xFFFFFF80  }
0x2de: {  	_ =	swait.ge [sflag:s9], $0x80  }
0x2df: {  	[sflag:s9] =	ssyncset.done $0x0  }
0x2e0: {  	[sflag:s9] =	ssyncadd.s32 $0xFFFFFF80  }
0x2e1: {  	_ =	swait.ge [sflag:s9], $0x80  }
0x2e2: {  	[sflag:s9] =	ssyncset.done $0x0  }
0x2e3: {  	[sflag:s9] =	ssyncadd.s32 $0xFFFFFF80  }
0x2e4: {  	_ =	swait.ge [sflag:s9], $0x80  }
0x2e5: {  	[sflag:s9] =	ssyncset.done $0x0  }
0x2e6: {  	[sflag:s9] =	ssyncadd.s32 $0xFFFFFF80  }
0x2e7: {  	_ =	swait.ge [sflag:s9], $0x80  }
0x2e8: {  	s10 =	ssub.s32 $0x2, s10;
	[sflag:s9] =	ssyncset.done $0x0  }
0x2e9: {  	s31 =	sshrl.u32 s10, $0x1;
	s28 =	rddreg [dreg:$0x8];
	[sflag:s9] =	ssyncadd.s32 $0xFFFFFF80  }
0x2ea: {  	[hbm4b:s28+s2] =	stream.linear.scatter [tilespmem:s5], [sflag:$0x2], $0x1000, $0x38;
	[tilespmem:$0x3180] =	vst v63  }
0x2eb: {  	s10 =	ssub.s32 s10, s31;
	_ =	swait.ge [sflag:s3], $0x1000  }
0x2ec: {  	s10 =	smax.u32 s10, $0x1;
	[sflag:s3] =	ssyncset.done $0x0  }
0x2ed: {  	p0 =	sne.s32 s10, $0x1;
	s29 =	rddreg [dreg:$0x9];
	[sflag:s3] =	ssyncadd.s32 $0xFFFFF000  }
0x2ee: {  	[hbm4b:s29+s2] =	stream.linear.scatter [tilespmem:s7], [sflag:$0x2], $0x1000, $0x38;
	[tilespmem:$0x3180] =	vst v63  }
.Ltmp0:
0x2ef: {  	_ = 	snop;
	(pc) =	sbr.rel @!p0 .LBB2_2-.Ltmp0, $4  }
0x2f0: {  	_ =	swait.ge [sflag:s3], $0x1000  }
0x2f1: {  	[sflag:s3] =	ssyncset.done $0x0  }
0x2f2: {  	s10 =	sadd.s32 $0xFFFFFFFF, s10;
	s30 =	rddreg [dreg:$0xa];
	[sflag:s3] =	ssyncadd.s32 $0xFFFFF000  }
0x2f3: {  	[hbm4b:s30+s2] =	stream.linear.scatter [tilespmem:s8], [sflag:$0x2], $0x1000, $0x38;
	[tilespmem:$0x3180] =	vst v63  }
.LBB2_1:
0x2f4: {  	_ =	swait.ge [sflag:s3], $0x1000  }
0x2f5: {  	[sflag:s3] =	ssyncset.done $0x0  }
0x2f6: {  	s11 =	rddreg [dreg:$0x5];
	[sflag:s3] =	ssyncadd.s32 $0xFFFFF000  }
0x2f7: {  	[tilespmem:s2], [sflag:$0x2] =	stream.linear.gather [hbm4b:s11+s2], $0x20, $0x38;
	[tilespmem:$0x3180] =	vst v63  }
0x2f8: {  	_ =	swait.ge [sflag:s3], $0x20  }
0x2f9: {  	s25 =	rddreg [dreg:$0x6];
	[sflag:s3] =	ssyncset.done $0x0  }
0x2fa: {  	s12 =	rddreg [dreg:$0xb];
	[sflag:s3] =	ssyncadd.s32 $0xFFFFFFE0  }
0x2fb: {  	[tilespmem:s12], [sflag:$0x2] =	stream.linear.gather [hbm4b:s25+s2], $0x20, $0x38;
	[tilespmem:$0x3180] =	vst v63  }
0x2fc: {  	_ =	swait.ge [sflag:s3], $0x20  }
0x2fd: {  	[sflag:s3] =	ssyncset.done $0x0;
	s26 =	rddreg [dreg:$0x7]  }
0x2fe: {  	s28 =	rddreg [dreg:$0xc];
	[sflag:s3] =	ssyncadd.s32 $0xFFFFFFE0  }
0x2ff: {  	[tilespmem:s28], [sflag:$0x2] =	stream.linear.gather [hbm4b:s26+s2], $0x20, $0x38;
	[tilespmem:$0x3180] =	vst v63  }
0x300: {  	_ =	swait.ge [sflag:s3], $0x20  }
0x301: {  	[sflag:s3] =	ssyncset.done $0x0  }
0x302: {  	[sflag:s3] =	ssyncadd.s32 $0xFFFFFFE0  }
0x303: {  	v0 =	vld [tilespmem:$0x0];
	_ =	sdelay $0x4  }
0x304: {  	v0 =	vshll.u32 v0, $0x4  }
0x305: {  	(v2sf) =	vpush v0, $0x0  }
0x306: {  	(v2sf) =	vpush v0, $0x1  }
0x307: {  	(v2sf) =	vpush v0, $0x2;
	_ =	sdelay $0x1  }
0x308: {  	s12 =	rddreg [dreg:$0x19];
	(v2sf) =	vpush v0, $0x3  }
0x309: {  	s13 =	rddreg [dreg:$0x18]  }
0x30a: {  	s14 =	rddreg [dreg:$0x17];
	(v2sf) =	vpush v0, $0x4  }
0x30b: {  	s15 =	rddreg [dreg:$0x16]  }
0x30c: {  	s16 =	rddreg [dreg:$0x15];
	(v2sf) =	vpush v0, $0x5  }
0x30d: {  	s17 =	rddreg [dreg:$0x14]  }
0x30e: {  	s18 =	rddreg [dreg:$0x13];
	(v2sf) =	vpush v0, $0x6  }
0x30f: {  	s19 =	rddreg [dreg:$0x12]  }
0x310: {  	s20 =	rddreg [dreg:$0x11];
	(v2sf) =	vpush v0, $0x7  }
0x311: {  	s21 =	rddreg [dreg:$0x10]  }
0x312: {  	s22 =	rddreg [dreg:$0xf];
	(v2sf) =	vpush v0, $0x8  }
0x313: {  	s23 =	rddreg [dreg:$0xe];
	s24 =	spop (v2sf)  }
0x314: {  	s25 =	rddreg [dreg:$0xd];
	s24 =	sand.u32 $0x1FFFFFF0, s24;
	s26 =	spop (v2sf);
	(v2sf) =	vpush v0, $0x9  }
0x315: {  	s24 =	sadd.s32 s4, s24;
	s26 =	sand.u32 $0x1FFFFFF0, s26;
	s28 =	spop (v2sf)  }
0x316: {  	(v2sf) =	vpush v0, $0xA;
	[tilespmem:s5], [sflag:$0x1] =	stream.linear.gather [hbm4b:s24+s2], $0x80, $0x38;
	[tilespmem:$0x3180] =	vst v63  }
0x317: {  	s29 =	sadd.s32 s4, s26;
	s30 =	sand.u32 $0x1FFFFFF0, s28;
	s31 =	spop (v2sf)  }
0x318: {  	(v2sf) =	vpush v0, $0xB;
	[tilespmem:s25], [sflag:$0x1] =	stream.linear.gather [hbm4b:s29+s2], $0x80, $0x38;
	[tilespmem:$0x3180] =	vst v63  }
0x319: {  	s29 =	sadd.s32 s4, s30;
	s30 =	sand.u32 $0x1FFFFFF0, s31;
	s31 =	spop (v2sf)  }
0x31a: {  	(v2sf) =	vpush v0, $0xC;
	[tilespmem:s23], [sflag:$0x1] =	stream.linear.gather [hbm4b:s29+s2], $0x80, $0x38;
	[tilespmem:$0x3180] =	vst v63  }
0x31b: {  	s25 =	sadd.s32 s4, s30;
	s26 =	sand.u32 $0x1FFFFFF0, s31;
	s28 =	spop (v2sf)  }
0x31c: {  	(v2sf) =	vpush v0, $0xD;
	[tilespmem:s22], [sflag:$0x1] =	stream.linear.gather [hbm4b:s25+s2], $0x80, $0x38;
	[tilespmem:$0x3180] =	vst v63  }
0x31d: {  	s29 =	sadd.s32 s4, s26;
	s30 =	sand.u32 $0x1FFFFFF0, s28;
	s31 =	spop (v2sf)  }
0x31e: {  	(v2sf) =	vpush v0, $0xE;
	[tilespmem:s21], [sflag:$0x1] =	stream.linear.gather [hbm4b:s29+s2], $0x80, $0x38;
	[tilespmem:$0x3180] =	vst v63  }
0x31f: {  	s23 =	sand.u32 $0x1FFFFFF0, s31;
	s24 =	spop (v2sf);
	s22 =	sadd.s32 s4, s30  }
0x320: {  	(v2sf) =	vpush v0, $0xF;
	[tilespmem:s20], [sflag:$0x1] =	stream.linear.gather [hbm4b:s22+s2], $0x80, $0x38;
	[tilespmem:$0x3180] =	vst v63  }
0x321: {  	s25 =	sadd.s32 s4, s23;
	s26 =	sand.u32 $0x1FFFFFF0, s24;
	s28 =	spop (v2sf)  }
0x322: {  	[tilespmem:s19], [sflag:$0x1] =	stream.linear.gather [hbm4b:s25+s2], $0x80, $0x38;
	[tilespmem:$0x3180] =	vst v63  }
0x323: {  	s30 =	sand.u32 $0x1FFFFFF0, s28;
	s29 =	sadd.s32 s4, s26;
	s31 =	spop (v2sf)  }
0x324: {  	[tilespmem:s18], [sflag:$0x1] =	stream.linear.gather [hbm4b:s29+s2], $0x80, $0x38;
	[tilespmem:$0x3180] =	vst v63  }
0x325: {  	s22 =	sadd.s32 s4, s30;
	s23 =	sand.u32 $0x1FFFFFF0, s31;
	s24 =	spop (v2sf)  }
0x326: {  	[tilespmem:s17], [sflag:$0x1] =	stream.linear.gather [hbm4b:s22+s2], $0x80, $0x38;
	[tilespmem:$0x3180] =	vst v63  }
0x327: {  	s25 =	sadd.s32 s4, s23;
	s26 =	sand.u32 $0x1FFFFFF0, s24;
	s28 =	spop (v2sf)  }
0x328: {  	[tilespmem:s16], [sflag:$0x1] =	stream.linear.gather [hbm4b:s25+s2], $0x80, $0x38;
	[tilespmem:$0x3180] =	vst v63  }
0x329: {  	s29 =	sadd.s32 s4, s26;
	s30 =	sand.u32 $0x1FFFFFF0, s28;
	s31 =	spop (v2sf)  }
0x32a: {  	[tilespmem:s15], [sflag:$0x1] =	stream.linear.gather [hbm4b:s29+s2], $0x80, $0x38;
	[tilespmem:$0x3180] =	vst v63  }
0x32b: {  	s16 =	sadd.s32 s4, s30;
	s17 =	sand.u32 $0x1FFFFFF0, s31;
	s18 =	spop (v2sf)  }
0x32c: {  	[tilespmem:s14], [sflag:$0x1] =	stream.linear.gather [hbm4b:s16+s2], $0x80, $0x38;
	[tilespmem:$0x3180] =	vst v63  }
0x32d: {  	s19 =	sadd.s32 s4, s17;
	s20 =	sand.u32 $0x1FFFFFF0, s18;
	s21 =	spop (v2sf)  }
0x32e: {  	[tilespmem:s13], [sflag:$0x1] =	stream.linear.gather [hbm4b:s19+s2], $0x80, $0x38;
	[tilespmem:$0x3180] =	vst v63  }
0x32f: {  	s22 =	sadd.s32 s4, s20;
	s23 =	sand.u32 $0x1FFFFFF0, s21;
	s24 =	spop (v2sf)  }
0x330: {  	[tilespmem:s12], [sflag:$0x1] =	stream.linear.gather [hbm4b:s22+s2], $0x80, $0x38;
	[tilespmem:$0x3180] =	vst v63  }
0x331: {  	s11 =	rddreg [dreg:$0x1a];
	s25 =	sadd.s32 s4, s23;
	s26 =	sand.u32 $0x1FFFFFF0, s24  }
0x332: {  	[tilespmem:s11], [sflag:$0x1] =	stream.linear.gather [hbm4b:s25+s2], $0x80, $0x38;
	[tilespmem:$0x3180] =	vst v63  }
0x333: {  	s28 =	rddreg [dreg:$0x1b];
	s29 =	sadd.s32 s4, s26  }
0x334: {  	[tilespmem:s28], [sflag:$0x1] =	stream.linear.gather [hbm4b:s29+s2], $0x80, $0x38;
	[tilespmem:$0x3180] =	vst v63  }
0x335: {  	v59 =	vld [tilespmem:$0x10];
	_ =	sdelay $0x4  }
0x336: {  	v0 =	vshll.u32 v59, $0x4  }
0x337: {  	(v2sf) =	vpush v0, $0x0  }
0x338: {  	(v2sf) =	vpush v0, $0x1  }
0x339: {  	s17 =	sld [smem:$0x7BA];
	(v2sf) =	vpush v0, $0x2  }
0x33a: {  	s18 =	sld [smem:$0x7BB]  }
0x33b: {  	s15 =	sld [smem:$0x7B8];
	(v2sf) =	vpush v0, $0x3  }
0x33c: {  	s20 =	sld [smem:$0x7BD]  }
0x33d: {  	s21 =	sld [smem:$0x7BE];
	(v2sf) =	vpush v0, $0x4  }
0x33e: {  	s23 =	rddreg [dreg:$0x1e]  }
0x33f: {  	s24 =	rddreg [dreg:$0x1c];
	(v2sf) =	vpush v0, $0x5  }
0x340: {  	s14 =	sld [smem:$0x7B7]  }
0x341: {  	s16 =	sld [smem:$0x7B9];
	(v2sf) =	vpush v0, $0x6  }
0x342: {  	s13 =	sld [smem:$0x7B6]  }
0x343: {  	s19 =	sld [smem:$0x7BC];
	(v2sf) =	vpush v0, $0x7  }
0x344: {  	s12 =	sld [smem:$0x7B5]  }
0x345: {  	s22 =	rddreg [dreg:$0x1f];
	(v2sf) =	vpush v0, $0x8  }
0x346: {  	s11 =	sld [smem:$0x7B4];
	s30 =	spop (v2sf)  }
0x347: {  	s25 =	sand.u32 $0x1FFFFFF0, s30;
	s26 =	rddreg [dreg:$0x1d];
	s31 =	spop (v2sf);
	(v2sf) =	vpush v0, $0x9  }
0x348: {  	s25 =	sadd.s32 s4, s25;
	s28 =	sand.u32 $0x1FFFFFF0, s31;
	s29 =	spop (v2sf)  }
0x349: {  	(v2sf) =	vpush v0, $0xA;
	[tilespmem:s24], [sflag:$0x1] =	stream.linear.gather [hbm4b:s25+s2], $0x80, $0x38;
	[tilespmem:$0x3180] =	vst v63  }
0x34a: {  	s25 =	sadd.s32 s4, s28;
	s30 =	sand.u32 $0x1FFFFFF0, s29;
	s31 =	spop (v2sf)  }
0x34b: {  	(v2sf) =	vpush v0, $0xB;
	[tilespmem:s26], [sflag:$0x1] =	stream.linear.gather [hbm4b:s25+s2], $0x80, $0x38;
	[tilespmem:$0x3180] =	vst v63  }
0x34c: {  	s29 =	sadd.s32 s4, s30;
	s30 =	sand.u32 $0x1FFFFFF0, s31;
	s31 =	spop (v2sf)  }
0x34d: {  	(v2sf) =	vpush v0, $0xC;
	[tilespmem:s23], [sflag:$0x1] =	stream.linear.gather [hbm4b:s29+s2], $0x80, $0x38;
	[tilespmem:$0x3180] =	vst v63  }
0x34e: {  	s25 =	sadd.s32 s4, s30;
	s26 =	sand.u32 $0x1FFFFFF0, s31;
	s28 =	spop (v2sf)  }
0x34f: {  	(v2sf) =	vpush v0, $0xD;
	[tilespmem:s22], [sflag:$0x1] =	stream.linear.gather [hbm4b:s25+s2], $0x80, $0x38;
	[tilespmem:$0x3180] =	vst v63  }
0x350: {  	s30 =	sand.u32 $0x1FFFFFF0, s28;
	s31 =	spop (v2sf);
	s29 =	sadd.s32 s4, s26  }
0x351: {  	(v2sf) =	vpush v0, $0xE;
	[tilespmem:s21], [sflag:$0x1] =	stream.linear.gather [hbm4b:s29+s2], $0x80, $0x38;
	[tilespmem:$0x3180] =	vst v63  }
0x352: {  	s23 =	sand.u32 $0x1FFFFFF0, s31;
	s24 =	spop (v2sf);
	s22 =	sadd.s32 s4, s30  }
0x353: {  	(v2sf) =	vpush v0, $0xF;
	[tilespmem:s20], [sflag:$0x1] =	stream.linear.gather [hbm4b:s22+s2], $0x80, $0x38;
	[tilespmem:$0x3180] =	vst v63  }
0x354: {  	s26 =	sand.u32 $0x1FFFFFF0, s24;
	s28 =	spop (v2sf);
	s25 =	sadd.s32 s4, s23  }
0x355: {  	[tilespmem:s19], [sflag:$0x1] =	stream.linear.gather [hbm4b:s25+s2], $0x80, $0x38;
	[tilespmem:$0x3180] =	vst v63  }
0x356: {  	s30 =	sand.u32 $0x1FFFFFF0, s28;
	s29 =	sadd.s32 s4, s26;
	s31 =	spop (v2sf)  }
0x357: {  	[tilespmem:s18], [sflag:$0x1] =	stream.linear.gather [hbm4b:s29+s2], $0x80, $0x38;
	[tilespmem:$0x3180] =	vst v63  }
0x358: {  	s19 =	sadd.s32 s4, s30;
	s20 =	sand.u32 $0x1FFFFFF0, s31;
	s21 =	spop (v2sf)  }
0x359: {  	[tilespmem:s17], [sflag:$0x1] =	stream.linear.gather [hbm4b:s19+s2], $0x80, $0x38;
	[tilespmem:$0x3180] =	vst v63  }
0x35a: {  	s22 =	sadd.s32 s4, s20;
	s23 =	sand.u32 $0x1FFFFFF0, s21;
	s24 =	spop (v2sf)  }
0x35b: {  	[tilespmem:s16], [sflag:$0x1] =	stream.linear.gather [hbm4b:s22+s2], $0x80, $0x38;
	[tilespmem:$0x3180] =	vst v63  }
0x35c: {  	s25 =	sadd.s32 s4, s23;
	s26 =	sand.u32 $0x1FFFFFF0, s24;
	s28 =	spop (v2sf)  }
0x35d: {  	[tilespmem:s15], [sflag:$0x1] =	stream.linear.gather [hbm4b:s25+s2], $0x80, $0x38;
	[tilespmem:$0x3180] =	vst v63  }
0x35e: {  	s29 =	sadd.s32 s4, s26;
	s30 =	sand.u32 $0x1FFFFFF0, s28;
	s31 =	spop (v2sf)  }
0x35f: {  	[tilespmem:s14], [sflag:$0x1] =	stream.linear.gather [hbm4b:s29+s2], $0x80, $0x38;
	[tilespmem:$0x3180] =	vst v63  }
0x360: {  	s18 =	sadd.s32 s4, s30;
	s19 =	sand.u32 $0x1FFFFFF0, s31;
	s20 =	spop (v2sf)  }
0x361: {  	[tilespmem:s13], [sflag:$0x1] =	stream.linear.gather [hbm4b:s18+s2], $0x80, $0x38;
	[tilespmem:$0x3180] =	vst v63  }
0x362: {  	s21 =	sadd.s32 s4, s19;
	s22 =	sand.u32 $0x1FFFFFF0, s20;
	s23 =	spop (v2sf)  }
0x363: {  	[tilespmem:s12], [sflag:$0x1] =	stream.linear.gather [hbm4b:s21+s2], $0x80, $0x38;
	[tilespmem:$0x3180] =	vst v63  }
0x364: {  	s26 =	sld [smem:$0x7BF];
	s24 =	sadd.s32 s4, s22;
	s25 =	sand.u32 $0x1FFFFFF0, s23  }
0x365: {  	[tilespmem:s11], [sflag:$0x1] =	stream.linear.gather [hbm4b:s24+s2], $0x80, $0x38;
	[tilespmem:$0x3180] =	vst v63  }
0x366: {  	s28 =	sadd.s32 s4, s25  }
0x367: {  	[tilespmem:s26], [sflag:$0x1] =	stream.linear.gather [hbm4b:s28+s2], $0x80, $0x38;
	[tilespmem:$0x3180] =	vst v63  }
0x368: {  	v60 =	vld [tilespmem:$0x80];
	_ =	sdelay $0x4  }
0x369: {  	v0 =	vshll.u32 v60, $0x4  }
0x36a: {  	(v2sf) =	vpush v0, $0x0  }
0x36b: {  	(v2sf) =	vpush v0, $0x1  }
0x36c: {  	(v2sf) =	vpush v0, $0x2  }
0x36d: {  	s17 =	sld [smem:$0x7C7]  }
0x36e: {  	s16 =	sld [smem:$0x7C8];
	(v2sf) =	vpush v0, $0x3  }
0x36f: {  	s19 =	sld [smem:$0x7C5]  }
0x370: {  	s20 =	sld [smem:$0x7C4];
	(v2sf) =	vpush v0, $0x4  }
0x371: {  	s15 =	sld [smem:$0x7C9]  }
0x372: {  	s22 =	sld [smem:$0x7C2];
	(v2sf) =	vpush v0, $0x5  }
0x373: {  	s23 =	sld [smem:$0x7C1]  }
0x374: {  	s25 =	sld [smem:$0x7C0];
	(v2sf) =	vpush v0, $0x6  }
0x375: {  	s14 =	sld [smem:$0x7CA]  }
0x376: {  	s13 =	sld [smem:$0x7CB];
	(v2sf) =	vpush v0, $0x7  }
0x377: {  	s18 =	sld [smem:$0x7C6]  }
0x378: {  	s12 =	sld [smem:$0x7CC];
	(v2sf) =	vpush v0, $0x8  }
0x379: {  	s21 =	sld [smem:$0x7C3];
	s29 =	spop (v2sf)  }
0x37a: {  	s11 =	sld [smem:$0x7CD];
	s24 =	sand.u32 $0x1FFFFFF0, s29;
	s30 =	spop (v2sf);
	(v2sf) =	vpush v0, $0x9  }
0x37b: {  	s24 =	sadd.s32 s6, s24;
	s26 =	sand.u32 $0x1FFFFFF0, s30;
	s31 =	spop (v2sf)  }
0x37c: {  	(v2sf) =	vpush v0, $0xA;
	[tilespmem:s7], [sflag:$0x1] =	stream.linear.gather [hbm4b:s24+s2], $0x80, $0x38;
	[tilespmem:$0x3180] =	vst v63  }
0x37d: {  	s29 =	sadd.s32 s6, s26;
	s30 =	sand.u32 $0x1FFFFFF0, s31;
	s31 =	spop (v2sf)  }
0x37e: {  	(v2sf) =	vpush v0, $0xB;
	[tilespmem:s25], [sflag:$0x1] =	stream.linear.gather [hbm4b:s29+s2], $0x80, $0x38;
	[tilespmem:$0x3180] =	vst v63  }
0x37f: {  	s29 =	sadd.s32 s6, s30;
	s30 =	sand.u32 $0x1FFFFFF0, s31;
	s31 =	spop (v2sf)  }
0x380: {  	(v2sf) =	vpush v0, $0xC;
	[tilespmem:s23], [sflag:$0x1] =	stream.linear.gather [hbm4b:s29+s2], $0x80, $0x38;
	[tilespmem:$0x3180] =	vst v63  }
0x381: {  	s25 =	sadd.s32 s6, s30;
	s26 =	sand.u32 $0x1FFFFFF0, s31;
	s28 =	spop (v2sf)  }
0x382: {  	(v2sf) =	vpush v0, $0xD;
	[tilespmem:s22], [sflag:$0x1] =	stream.linear.gather [hbm4b:s25+s2], $0x80, $0x38;
	[tilespmem:$0x3180] =	vst v63  }
0x383: {  	s29 =	sadd.s32 s6, s26;
	s30 =	sand.u32 $0x1FFFFFF0, s28;
	s31 =	spop (v2sf)  }
0x384: {  	(v2sf) =	vpush v0, $0xE;
	[tilespmem:s21], [sflag:$0x1] =	stream.linear.gather [hbm4b:s29+s2], $0x80, $0x38;
	[tilespmem:$0x3180] =	vst v63  }
0x385: {  	s23 =	sand.u32 $0x1FFFFFF0, s31;
	s24 =	spop (v2sf);
	s22 =	sadd.s32 s6, s30  }
0x386: {  	(v2sf) =	vpush v0, $0xF;
	[tilespmem:s20], [sflag:$0x1] =	stream.linear.gather [hbm4b:s22+s2], $0x80, $0x38;
	[tilespmem:$0x3180] =	vst v63  }
0x387: {  	s25 =	sadd.s32 s6, s23;
	s26 =	sand.u32 $0x1FFFFFF0, s24;
	s28 =	spop (v2sf)  }
0x388: {  	[tilespmem:s19], [sflag:$0x1] =	stream.linear.gather [hbm4b:s25+s2], $0x80, $0x38;
	[tilespmem:$0x3180] =	vst v63  }
0x389: {  	s30 =	sand.u32 $0x1FFFFFF0, s28;
	s29 =	sadd.s32 s6, s26;
	s31 =	spop (v2sf)  }
0x38a: {  	[tilespmem:s18], [sflag:$0x1] =	stream.linear.gather [hbm4b:s29+s2], $0x80, $0x38;
	[tilespmem:$0x3180] =	vst v63  }
0x38b: {  	s19 =	sadd.s32 s6, s30;
	s20 =	sand.u32 $0x1FFFFFF0, s31;
	s21 =	spop (v2sf)  }
0x38c: {  	[tilespmem:s17], [sflag:$0x1] =	stream.linear.gather [hbm4b:s19+s2], $0x80, $0x38;
	[tilespmem:$0x3180] =	vst v63  }
0x38d: {  	s22 =	sadd.s32 s6, s20;
	s23 =	sand.u32 $0x1FFFFFF0, s21;
	s24 =	spop (v2sf)  }
0x38e: {  	[tilespmem:s16], [sflag:$0x1] =	stream.linear.gather [hbm4b:s22+s2], $0x80, $0x38;
	[tilespmem:$0x3180] =	vst v63  }
0x38f: {  	s25 =	sadd.s32 s6, s23;
	s26 =	sand.u32 $0x1FFFFFF0, s24;
	s28 =	spop (v2sf)  }
0x390: {  	[tilespmem:s15], [sflag:$0x1] =	stream.linear.gather [hbm4b:s25+s2], $0x80, $0x38;
	[tilespmem:$0x3180] =	vst v63  }
0x391: {  	s29 =	sadd.s32 s6, s26;
	s30 =	sand.u32 $0x1FFFFFF0, s28;
	s31 =	spop (v2sf)  }
0x392: {  	[tilespmem:s14], [sflag:$0x1] =	stream.linear.gather [hbm4b:s29+s2], $0x80, $0x38;
	[tilespmem:$0x3180] =	vst v63  }
0x393: {  	s18 =	sadd.s32 s6, s30;
	s19 =	sand.u32 $0x1FFFFFF0, s31;
	s20 =	spop (v2sf)  }
0x394: {  	[tilespmem:s13], [sflag:$0x1] =	stream.linear.gather [hbm4b:s18+s2], $0x80, $0x38;
	[tilespmem:$0x3180] =	vst v63  }
0x395: {  	s21 =	sadd.s32 s6, s19;
	s22 =	sand.u32 $0x1FFFFFF0, s20;
	s23 =	spop (v2sf)  }
0x396: {  	[tilespmem:s12], [sflag:$0x1] =	stream.linear.gather [hbm4b:s21+s2], $0x80, $0x38;
	[tilespmem:$0x3180] =	vst v63  }
0x397: {  	s26 =	sld [smem:$0x7CE];
	s24 =	sadd.s32 s6, s22;
	s25 =	sand.u32 $0x1FFFFFF0, s23  }
0x398: {  	[tilespmem:s11], [sflag:$0x1] =	stream.linear.gather [hbm4b:s24+s2], $0x80, $0x38;
	[tilespmem:$0x3180] =	vst v63  }
0x399: {  	s28 =	sadd.s32 s6, s25  }
0x39a: {  	[tilespmem:s26], [sflag:$0x1] =	stream.linear.gather [hbm4b:s28+s2], $0x80, $0x38;
	[tilespmem:$0x3180] =	vst v63  }
0x39b: {  	v61 =	vld [tilespmem:$0x90];
	_ =	sdelay $0x4  }
0x39c: {  	v0 =	vshll.u32 v61, $0x4  }
0x39d: {  	(v2sf) =	vpush v0, $0x0  }
0x39e: {  	(v2sf) =	vpush v0, $0x1  }
0x39f: {  	s17 =	sld [smem:$0x7D7];
	(v2sf) =	vpush v0, $0x2  }
0x3a0: {  	s16 =	sld [smem:$0x7D8]  }
0x3a1: {  	s15 =	sld [smem:$0x7D9];
	(v2sf) =	vpush v0, $0x3  }
0x3a2: {  	s19 =	sld [smem:$0x7D5]  }
0x3a3: {  	s20 =	sld [smem:$0x7D4];
	(v2sf) =	vpush v0, $0x4  }
0x3a4: {  	s22 =	sld [smem:$0x7D2]  }
0x3a5: {  	s23 =	sld [smem:$0x7D1];
	(v2sf) =	vpush v0, $0x5  }
0x3a6: {  	s14 =	sld [smem:$0x7DA]  }
0x3a7: {  	s13 =	sld [smem:$0x7DB];
	(v2sf) =	vpush v0, $0x6  }
0x3a8: {  	s18 =	sld [smem:$0x7D6]  }
0x3a9: {  	s12 =	sld [smem:$0x7DC];
	(v2sf) =	vpush v0, $0x7  }
0x3aa: {  	s21 =	sld [smem:$0x7D3]  }
0x3ab: {  	s11 =	sld [smem:$0x7DD];
	(v2sf) =	vpush v0, $0x8  }
0x3ac: {  	s24 =	sld [smem:$0x7CF];
	s29 =	spop (v2sf)  }
0x3ad: {  	s26 =	sld [smem:$0x7D0];
	s25 =	sand.u32 $0x1FFFFFF0, s29;
	s30 =	spop (v2sf);
	(v2sf) =	vpush v0, $0x9  }
0x3ae: {  	s25 =	sadd.s32 s6, s25;
	s28 =	sand.u32 $0x1FFFFFF0, s30;
	s31 =	spop (v2sf)  }
0x3af: {  	(v2sf) =	vpush v0, $0xA;
	[tilespmem:s24], [sflag:$0x1] =	stream.linear.gather [hbm4b:s25+s2], $0x80, $0x38;
	[tilespmem:$0x3180] =	vst v63  }
0x3b0: {  	s25 =	sadd.s32 s6, s28;
	s30 =	sand.u32 $0x1FFFFFF0, s31;
	s31 =	spop (v2sf)  }
0x3b1: {  	(v2sf) =	vpush v0, $0xB;
	[tilespmem:s26], [sflag:$0x1] =	stream.linear.gather [hbm4b:s25+s2], $0x80, $0x38;
	[tilespmem:$0x3180] =	vst v63  }
0x3b2: {  	s29 =	sadd.s32 s6, s30;
	s30 =	sand.u32 $0x1FFFFFF0, s31;
	s31 =	spop (v2sf)  }
0x3b3: {  	(v2sf) =	vpush v0, $0xC;
	[tilespmem:s23], [sflag:$0x1] =	stream.linear.gather [hbm4b:s29+s2], $0x80, $0x38;
	[tilespmem:$0x3180] =	vst v63  }
0x3b4: {  	s25 =	sadd.s32 s6, s30;
	s26 =	sand.u32 $0x1FFFFFF0, s31;
	s28 =	spop (v2sf)  }
0x3b5: {  	(v2sf) =	vpush v0, $0xD;
	[tilespmem:s22], [sflag:$0x1] =	stream.linear.gather [hbm4b:s25+s2], $0x80, $0x38;
	[tilespmem:$0x3180] =	vst v63  }
0x3b6: {  	s30 =	sand.u32 $0x1FFFFFF0, s28;
	s31 =	spop (v2sf);
	s29 =	sadd.s32 s6, s26  }
0x3b7: {  	(v2sf) =	vpush v0, $0xE;
	[tilespmem:s21], [sflag:$0x1] =	stream.linear.gather [hbm4b:s29+s2], $0x80, $0x38;
	[tilespmem:$0x3180] =	vst v63  }
0x3b8: {  	s23 =	sand.u32 $0x1FFFFFF0, s31;
	s24 =	spop (v2sf);
	s22 =	sadd.s32 s6, s30  }
0x3b9: {  	(v2sf) =	vpush v0, $0xF;
	[tilespmem:s20], [sflag:$0x1] =	stream.linear.gather [hbm4b:s22+s2], $0x80, $0x38;
	[tilespmem:$0x3180] =	vst v63  }
0x3ba: {  	s26 =	sand.u32 $0x1FFFFFF0, s24;
	s28 =	spop (v2sf);
	s25 =	sadd.s32 s6, s23  }
0x3bb: {  	[tilespmem:s19], [sflag:$0x1] =	stream.linear.gather [hbm4b:s25+s2], $0x80, $0x38;
	[tilespmem:$0x3180] =	vst v63  }
0x3bc: {  	s30 =	sand.u32 $0x1FFFFFF0, s28;
	s29 =	sadd.s32 s6, s26;
	s31 =	spop (v2sf)  }
0x3bd: {  	[tilespmem:s18], [sflag:$0x1] =	stream.linear.gather [hbm4b:s29+s2], $0x80, $0x38;
	[tilespmem:$0x3180] =	vst v63  }
0x3be: {  	s19 =	sadd.s32 s6, s30;
	s20 =	sand.u32 $0x1FFFFFF0, s31;
	s21 =	spop (v2sf)  }
0x3bf: {  	[tilespmem:s17], [sflag:$0x1] =	stream.linear.gather [hbm4b:s19+s2], $0x80, $0x38;
	[tilespmem:$0x3180] =	vst v63  }
0x3c0: {  	s22 =	sadd.s32 s6, s20;
	s23 =	sand.u32 $0x1FFFFFF0, s21;
	s24 =	spop (v2sf)  }
0x3c1: {  	[tilespmem:s16], [sflag:$0x1] =	stream.linear.gather [hbm4b:s22+s2], $0x80, $0x38;
	[tilespmem:$0x3180] =	vst v63  }
0x3c2: {  	s25 =	sadd.s32 s6, s23;
	s26 =	sand.u32 $0x1FFFFFF0, s24;
	s28 =	spop (v2sf)  }
0x3c3: {  	[tilespmem:s15], [sflag:$0x1] =	stream.linear.gather [hbm4b:s25+s2], $0x80, $0x38;
	[tilespmem:$0x3180] =	vst v63  }
0x3c4: {  	s29 =	sadd.s32 s6, s26;
	s30 =	sand.u32 $0x1FFFFFF0, s28;
	s31 =	spop (v2sf)  }
0x3c5: {  	[tilespmem:s14], [sflag:$0x1] =	stream.linear.gather [hbm4b:s29+s2], $0x80, $0x38;
	[tilespmem:$0x3180] =	vst v63  }
0x3c6: {  	s18 =	sadd.s32 s6, s30;
	s19 =	sand.u32 $0x1FFFFFF0, s31;
	s20 =	spop (v2sf)  }
0x3c7: {  	[tilespmem:s13], [sflag:$0x1] =	stream.linear.gather [hbm4b:s18+s2], $0x80, $0x38;
	[tilespmem:$0x3180] =	vst v63  }
0x3c8: {  	s21 =	sadd.s32 s6, s19;
	s22 =	sand.u32 $0x1FFFFFF0, s20;
	s23 =	spop (v2sf)  }
0x3c9: {  	[tilespmem:s12], [sflag:$0x1] =	stream.linear.gather [hbm4b:s21+s2], $0x80, $0x38;
	[tilespmem:$0x3180] =	vst v63  }
0x3ca: {  	s26 =	sld [smem:$0x7DE];
	s24 =	sadd.s32 s6, s22;
	s25 =	sand.u32 $0x1FFFFFF0, s23  }
0x3cb: {  	[tilespmem:s11], [sflag:$0x1] =	stream.linear.gather [hbm4b:s24+s2], $0x80, $0x38;
	[tilespmem:$0x3180] =	vst v63  }
0x3cc: {  	s28 =	sadd.s32 s6, s25  }
0x3cd: {  	[tilespmem:s26], [sflag:$0x1] =	stream.linear.gather [hbm4b:s28+s2], $0x80, $0x38;
	[tilespmem:$0x3180] =	vst v63  }
0x3ce: {  	v62 =	vld [tilespmem:$0x100];
	_ =	sdelay $0x4  }
0x3cf: {  	v0 =	vshll.u32 v62, $0x4  }
0x3d0: {  	(v2sf) =	vpush v0, $0x0  }
0x3d1: {  	(v2sf) =	vpush v0, $0x1  }
0x3d2: {  	(v2sf) =	vpush v0, $0x2  }
0x3d3: {  	s17 =	sld [smem:$0x7E6]  }
0x3d4: {  	s16 =	sld [smem:$0x7E7];
	(v2sf) =	vpush v0, $0x3  }
0x3d5: {  	s19 =	sld [smem:$0x7E4]  }
0x3d6: {  	s20 =	sld [smem:$0x7E3];
	(v2sf) =	vpush v0, $0x4  }
0x3d7: {  	s15 =	sld [smem:$0x7E8]  }
0x3d8: {  	s22 =	sld [smem:$0x7E1];
	(v2sf) =	vpush v0, $0x5  }
0x3d9: {  	s23 =	sld [smem:$0x7E0]  }
0x3da: {  	s25 =	sld [smem:$0x7DF];
	(v2sf) =	vpush v0, $0x6  }
0x3db: {  	s14 =	sld [smem:$0x7E9]  }
0x3dc: {  	s13 =	sld [smem:$0x7EA];
	(v2sf) =	vpush v0, $0x7  }
0x3dd: {  	s18 =	sld [smem:$0x7E5]  }
0x3de: {  	s12 =	sld [smem:$0x7EB];
	(v2sf) =	vpush v0, $0x8  }
0x3df: {  	s21 =	sld [smem:$0x7E2];
	s29 =	spop (v2sf)  }
0x3e0: {  	s11 =	sld [smem:$0x7EC];
	s24 =	sand.u32 $0x1FFFFFF0, s29;
	s30 =	spop (v2sf);
	(v2sf) =	vpush v0, $0x9  }
0x3e1: {  	s24 =	sadd.s32 s4, s24;
	s26 =	sand.u32 $0x1FFFFFF0, s30;
	s31 =	spop (v2sf)  }
0x3e2: {  	(v2sf) =	vpush v0, $0xA;
	[tilespmem:s8], [sflag:$0x1] =	stream.linear.gather [hbm4b:s24+s2], $0x80, $0x38;
	[tilespmem:$0x3180] =	vst v63  }
0x3e3: {  	s29 =	sadd.s32 s4, s26;
	s30 =	sand.u32 $0x1FFFFFF0, s31;
	s31 =	spop (v2sf)  }
0x3e4: {  	(v2sf) =	vpush v0, $0xB;
	[tilespmem:s25], [sflag:$0x1] =	stream.linear.gather [hbm4b:s29+s2], $0x80, $0x38;
	[tilespmem:$0x3180] =	vst v63  }
0x3e5: {  	s29 =	sadd.s32 s4, s30;
	s30 =	sand.u32 $0x1FFFFFF0, s31;
	s31 =	spop (v2sf)  }
0x3e6: {  	(v2sf) =	vpush v0, $0xC;
	[tilespmem:s23], [sflag:$0x1] =	stream.linear.gather [hbm4b:s29+s2], $0x80, $0x38;
	[tilespmem:$0x3180] =	vst v63  }
0x3e7: {  	s25 =	sadd.s32 s4, s30;
	s26 =	sand.u32 $0x1FFFFFF0, s31;
	s28 =	spop (v2sf)  }
0x3e8: {  	(v2sf) =	vpush v0, $0xD;
	[tilespmem:s22], [sflag:$0x1] =	stream.linear.gather [hbm4b:s25+s2], $0x80, $0x38;
	[tilespmem:$0x3180] =	vst v63  }
0x3e9: {  	s29 =	sadd.s32 s4, s26;
	s30 =	sand.u32 $0x1FFFFFF0, s28;
	s31 =	spop (v2sf)  }
0x3ea: {  	(v2sf) =	vpush v0, $0xE;
	[tilespmem:s21], [sflag:$0x1] =	stream.linear.gather [hbm4b:s29+s2], $0x80, $0x38;
	[tilespmem:$0x3180] =	vst v63  }
0x3eb: {  	s23 =	sand.u32 $0x1FFFFFF0, s31;
	s24 =	spop (v2sf);
	s22 =	sadd.s32 s4, s30  }
0x3ec: {  	(v2sf) =	vpush v0, $0xF;
	[tilespmem:s20], [sflag:$0x1] =	stream.linear.gather [hbm4b:s22+s2], $0x80, $0x38;
	[tilespmem:$0x3180] =	vst v63  }
0x3ed: {  	s25 =	sadd.s32 s4, s23;
	s26 =	sand.u32 $0x1FFFFFF0, s24;
	s28 =	spop (v2sf)  }
0x3ee: {  	[tilespmem:s19], [sflag:$0x1] =	stream.linear.gather [hbm4b:s25+s2], $0x80, $0x38;
	[tilespmem:$0x3180] =	vst v63  }
0x3ef: {  	s30 =	sand.u32 $0x1FFFFFF0, s28;
	s29 =	sadd.s32 s4, s26;
	s31 =	spop (v2sf)  }
0x3f0: {  	[tilespmem:s18], [sflag:$0x1] =	stream.linear.gather [hbm4b:s29+s2], $0x80, $0x38;
	[tilespmem:$0x3180] =	vst v63  }
0x3f1: {  	s19 =	sadd.s32 s4, s30;
	s20 =	sand.u32 $0x1FFFFFF0, s31;
	s21 =	spop (v2sf)  }
0x3f2: {  	[tilespmem:s17], [sflag:$0x1] =	stream.linear.gather [hbm4b:s19+s2], $0x80, $0x38;
	[tilespmem:$0x3180] =	vst v63  }
0x3f3: {  	s22 =	sadd.s32 s4, s20;
	s23 =	sand.u32 $0x1FFFFFF0, s21;
	s24 =	spop (v2sf)  }
0x3f4: {  	[tilespmem:s16], [sflag:$0x1] =	stream.linear.gather [hbm4b:s22+s2], $0x80, $0x38;
	[tilespmem:$0x3180] =	vst v63  }
0x3f5: {  	s25 =	sadd.s32 s4, s23;
	s26 =	sand.u32 $0x1FFFFFF0, s24;
	s28 =	spop (v2sf)  }
0x3f6: {  	[tilespmem:s15], [sflag:$0x1] =	stream.linear.gather [hbm4b:s25+s2], $0x80, $0x38;
	[tilespmem:$0x3180] =	vst v63  }
0x3f7: {  	s29 =	sadd.s32 s4, s26;
	s30 =	sand.u32 $0x1FFFFFF0, s28;
	s31 =	spop (v2sf)  }
0x3f8: {  	[tilespmem:s14], [sflag:$0x1] =	stream.linear.gather [hbm4b:s29+s2], $0x80, $0x38;
	[tilespmem:$0x3180] =	vst v63  }
0x3f9: {  	s18 =	sadd.s32 s4, s30;
	s19 =	sand.u32 $0x1FFFFFF0, s31;
	s20 =	spop (v2sf)  }
0x3fa: {  	[tilespmem:s13], [sflag:$0x1] =	stream.linear.gather [hbm4b:s18+s2], $0x80, $0x38;
	[tilespmem:$0x3180] =	vst v63  }
0x3fb: {  	s21 =	sadd.s32 s4, s19;
	s22 =	sand.u32 $0x1FFFFFF0, s20;
	s23 =	spop (v2sf)  }
0x3fc: {  	[tilespmem:s12], [sflag:$0x1] =	stream.linear.gather [hbm4b:s21+s2], $0x80, $0x38;
	[tilespmem:$0x3180] =	vst v63  }
0x3fd: {  	s26 =	sld [smem:$0x7ED];
	s24 =	sadd.s32 s4, s22;
	s25 =	sand.u32 $0x1FFFFFF0, s23  }
0x3fe: {  	[tilespmem:s11], [sflag:$0x1] =	stream.linear.gather [hbm4b:s24+s2], $0x80, $0x38;
	[tilespmem:$0x3180] =	vst v63  }
0x3ff: {  	s28 =	sadd.s32 s4, s25  }
0x400: {  	[tilespmem:s26], [sflag:$0x1] =	stream.linear.gather [hbm4b:s28+s2], $0x80, $0x38;
	[tilespmem:$0x3180] =	vst v63  }
0x401: {  	v63 =	vld [tilespmem:$0x110];
	_ =	sdelay $0x4  }
0x402: {  	v0 =	vshll.u32 v63, $0x4  }
0x403: {  	(v2sf) =	vpush v0, $0x0  }
0x404: {  	(v2sf) =	vpush v0, $0x1  }
0x405: {  	s17 =	sld [smem:$0x7F6];
	(v2sf) =	vpush v0, $0x2  }
0x406: {  	s16 =	sld [smem:$0x7F7]  }
0x407: {  	s15 =	sld [smem:$0x7F8];
	(v2sf) =	vpush v0, $0x3  }
0x408: {  	s19 =	sld [smem:$0x7F4]  }
0x409: {  	s20 =	sld [smem:$0x7F3];
	(v2sf) =	vpush v0, $0x4  }
0x40a: {  	s22 =	sld [smem:$0x7F1]  }
0x40b: {  	s23 =	sld [smem:$0x7F0];
	(v2sf) =	vpush v0, $0x5  }
0x40c: {  	s14 =	sld [smem:$0x7F9]  }
0x40d: {  	s13 =	sld [smem:$0x7FA];
	(v2sf) =	vpush v0, $0x6  }
0x40e: {  	s18 =	sld [smem:$0x7F5]  }
0x40f: {  	s12 =	sld [smem:$0x7FB];
	(v2sf) =	vpush v0, $0x7  }
0x410: {  	s21 =	sld [smem:$0x7F2]  }
0x411: {  	s11 =	sld [smem:$0x7FC];
	(v2sf) =	vpush v0, $0x8  }
0x412: {  	s24 =	sld [smem:$0x7EE];
	s29 =	spop (v2sf)  }
0x413: {  	s26 =	sld [smem:$0x7EF];
	s25 =	sand.u32 $0x1FFFFFF0, s29;
	s30 =	spop (v2sf);
	(v2sf) =	vpush v0, $0x9  }
0x414: {  	s25 =	sadd.s32 s4, s25;
	s28 =	sand.u32 $0x1FFFFFF0, s30;
	s31 =	spop (v2sf)  }
0x415: {  	(v2sf) =	vpush v0, $0xA;
	[tilespmem:s24], [sflag:$0x1] =	stream.linear.gather [hbm4b:s25+s2], $0x80, $0x38;
	[tilespmem:$0x3180] =	vst v63  }
0x416: {  	s25 =	sadd.s32 s4, s28;
	s30 =	sand.u32 $0x1FFFFFF0, s31;
	s31 =	spop (v2sf)  }
0x417: {  	(v2sf) =	vpush v0, $0xB;
	[tilespmem:s26], [sflag:$0x1] =	stream.linear.gather [hbm4b:s25+s2], $0x80, $0x38;
	[tilespmem:$0x3180] =	vst v63  }
0x418: {  	s29 =	sadd.s32 s4, s30;
	s30 =	sand.u32 $0x1FFFFFF0, s31;
	s31 =	spop (v2sf)  }
0x419: {  	(v2sf) =	vpush v0, $0xC;
	[tilespmem:s23], [sflag:$0x1] =	stream.linear.gather [hbm4b:s29+s2], $0x80, $0x38;
	[tilespmem:$0x3180] =	vst v63  }
0x41a: {  	s25 =	sadd.s32 s4, s30;
	s26 =	sand.u32 $0x1FFFFFF0, s31;
	s28 =	spop (v2sf)  }
0x41b: {  	(v2sf) =	vpush v0, $0xD;
	[tilespmem:s22], [sflag:$0x1] =	stream.linear.gather [hbm4b:s25+s2], $0x80, $0x38;
	[tilespmem:$0x3180] =	vst v63  }
0x41c: {  	s30 =	sand.u32 $0x1FFFFFF0, s28;
	s31 =	spop (v2sf);
	s29 =	sadd.s32 s4, s26  }
0x41d: {  	(v2sf) =	vpush v0, $0xE;
	[tilespmem:s21], [sflag:$0x1] =	stream.linear.gather [hbm4b:s29+s2], $0x80, $0x38;
	[tilespmem:$0x3180] =	vst v63  }
0x41e: {  	s23 =	sand.u32 $0x1FFFFFF0, s31;
	s24 =	spop (v2sf);
	s22 =	sadd.s32 s4, s30  }
0x41f: {  	(v2sf) =	vpush v0, $0xF;
	[tilespmem:s20], [sflag:$0x1] =	stream.linear.gather [hbm4b:s22+s2], $0x80, $0x38;
	[tilespmem:$0x3180] =	vst v63  }
0x420: {  	s26 =	sand.u32 $0x1FFFFFF0, s24;
	s28 =	spop (v2sf);
	s25 =	sadd.s32 s4, s23  }
0x421: {  	[tilespmem:s19], [sflag:$0x1] =	stream.linear.gather [hbm4b:s25+s2], $0x80, $0x38;
	[tilespmem:$0x3180] =	vst v63  }
0x422: {  	s30 =	sand.u32 $0x1FFFFFF0, s28;
	s29 =	sadd.s32 s4, s26;
	s31 =	spop (v2sf)  }
0x423: {  	[tilespmem:s18], [sflag:$0x1] =	stream.linear.gather [hbm4b:s29+s2], $0x80, $0x38;
	[tilespmem:$0x3180] =	vst v63  }
0x424: {  	s19 =	sadd.s32 s4, s30;
	s20 =	sand.u32 $0x1FFFFFF0, s31;
	s21 =	spop (v2sf)  }
0x425: {  	[tilespmem:s17], [sflag:$0x1] =	stream.linear.gather [hbm4b:s19+s2], $0x80, $0x38;
	[tilespmem:$0x3180] =	vst v63  }
0x426: {  	s22 =	sadd.s32 s4, s20;
	s23 =	sand.u32 $0x1FFFFFF0, s21;
	s24 =	spop (v2sf)  }
0x427: {  	[tilespmem:s16], [sflag:$0x1] =	stream.linear.gather [hbm4b:s22+s2], $0x80, $0x38;
	[tilespmem:$0x3180] =	vst v63  }
0x428: {  	s25 =	sadd.s32 s4, s23;
	s26 =	sand.u32 $0x1FFFFFF0, s24;
	s28 =	spop (v2sf)  }
0x429: {  	[tilespmem:s15], [sflag:$0x1] =	stream.linear.gather [hbm4b:s25+s2], $0x80, $0x38;
	[tilespmem:$0x3180] =	vst v63  }
0x42a: {  	s29 =	sadd.s32 s4, s26;
	s30 =	sand.u32 $0x1FFFFFF0, s28;
	s31 =	spop (v2sf)  }
0x42b: {  	[tilespmem:s14], [sflag:$0x1] =	stream.linear.gather [hbm4b:s29+s2], $0x80, $0x38;
	[tilespmem:$0x3180] =	vst v63  }
0x42c: {  	s18 =	sadd.s32 s4, s30;
	s19 =	sand.u32 $0x1FFFFFF0, s31;
	s20 =	spop (v2sf)  }
0x42d: {  	[tilespmem:s13], [sflag:$0x1] =	stream.linear.gather [hbm4b:s18+s2], $0x80, $0x38;
	[tilespmem:$0x3180] =	vst v63  }
0x42e: {  	s21 =	sadd.s32 s4, s19;
	s22 =	sand.u32 $0x1FFFFFF0, s20;
	s23 =	spop (v2sf)  }
0x42f: {  	[tilespmem:s12], [sflag:$0x1] =	stream.linear.gather [hbm4b:s21+s2], $0x80, $0x38;
	[tilespmem:$0x3180] =	vst v63  }
0x430: {  	s26 =	sld [smem:$0x7FD];
	s24 =	sadd.s32 s4, s22;
	s25 =	sand.u32 $0x1FFFFFF0, s23  }
0x431: {  	[tilespmem:s11], [sflag:$0x1] =	stream.linear.gather [hbm4b:s24+s2], $0x80, $0x38;
	[tilespmem:$0x3180] =	vst v63  }
0x432: {  	s28 =	sadd.s32 s4, s25  }
0x433: {  	[tilespmem:s26], [sflag:$0x1] =	stream.linear.gather [hbm4b:s28+s2], $0x80, $0x38;
	[tilespmem:$0x3180] =	vst v63  }
0x434: {  	_ =	swait.ge [sflag:s9], $0x80  }
0x435: {  	[sflag:s9] =	ssyncset.done $0x0  }
0x436: {  	[sflag:s9] =	ssyncadd.s32 $0xFFFFFF80  }
0x437: {  	_ =	swait.ge [sflag:s9], $0x80  }
0x438: {  	[sflag:s9] =	ssyncset.done $0x0  }
0x439: {  	[sflag:s9] =	ssyncadd.s32 $0xFFFFFF80  }
0x43a: {  	_ =	swait.ge [sflag:s9], $0x80  }
0x43b: {  	[sflag:s9] =	ssyncset.done $0x0  }
0x43c: {  	[sflag:s9] =	ssyncadd.s32 $0xFFFFFF80  }
0x43d: {  	_ =	swait.ge [sflag:s9], $0x80  }
0x43e: {  	[sflag:s9] =	ssyncset.done $0x0  }
0x43f: {  	[sflag:s9] =	ssyncadd.s32 $0xFFFFFF80  }
0x440: {  	_ =	swait.ge [sflag:s9], $0x80  }
0x441: {  	[sflag:s9] =	ssyncset.done $0x0  }
0x442: {  	[sflag:s9] =	ssyncadd.s32 $0xFFFFFF80  }
0x443: {  	_ =	swait.ge [sflag:s9], $0x80  }
0x444: {  	[sflag:s9] =	ssyncset.done $0x0  }
0x445: {  	[sflag:s9] =	ssyncadd.s32 $0xFFFFFF80  }
0x446: {  	_ =	swait.ge [sflag:s9], $0x80  }
0x447: {  	[sflag:s9] =	ssyncset.done $0x0  }
0x448: {  	[sflag:s9] =	ssyncadd.s32 $0xFFFFFF80  }
0x449: {  	_ =	swait.ge [sflag:s9], $0x80  }
0x44a: {  	[sflag:s9] =	ssyncset.done $0x0  }
0x44b: {  	[sflag:s9] =	ssyncadd.s32 $0xFFFFFF80  }
0x44c: {  	_ =	swait.ge [sflag:s9], $0x80  }
0x44d: {  	[sflag:s9] =	ssyncset.done $0x0  }
0x44e: {  	[sflag:s9] =	ssyncadd.s32 $0xFFFFFF80  }
0x44f: {  	_ =	swait.ge [sflag:s9], $0x80  }
0x450: {  	[sflag:s9] =	ssyncset.done $0x0  }
0x451: {  	[sflag:s9] =	ssyncadd.s32 $0xFFFFFF80  }
0x452: {  	_ =	swait.ge [sflag:s9], $0x80  }
0x453: {  	[sflag:s9] =	ssyncset.done $0x0  }
0x454: {  	[sflag:s9] =	ssyncadd.s32 $0xFFFFFF80  }
0x455: {  	_ =	swait.ge [sflag:s9], $0x80  }
0x456: {  	[sflag:s9] =	ssyncset.done $0x0  }
0x457: {  	[sflag:s9] =	ssyncadd.s32 $0xFFFFFF80  }
0x458: {  	_ =	swait.ge [sflag:s9], $0x80  }
0x459: {  	[sflag:s9] =	ssyncset.done $0x0  }
0x45a: {  	[sflag:s9] =	ssyncadd.s32 $0xFFFFFF80  }
0x45b: {  	_ =	swait.ge [sflag:s9], $0x80  }
0x45c: {  	[sflag:s9] =	ssyncset.done $0x0  }
0x45d: {  	[sflag:s9] =	ssyncadd.s32 $0xFFFFFF80  }
0x45e: {  	_ =	swait.ge [sflag:s9], $0x80  }
0x45f: {  	[sflag:s9] =	ssyncset.done $0x0  }
0x460: {  	[sflag:s9] =	ssyncadd.s32 $0xFFFFFF80  }
0x461: {  	_ =	swait.ge [sflag:s9], $0x80  }
0x462: {  	[sflag:s9] =	ssyncset.done $0x0  }
0x463: {  	[sflag:s9] =	ssyncadd.s32 $0xFFFFFF80  }
0x464: {  	_ =	swait.ge [sflag:s9], $0x80  }
0x465: {  	[sflag:s9] =	ssyncset.done $0x0  }
0x466: {  	[sflag:s9] =	ssyncadd.s32 $0xFFFFFF80  }
0x467: {  	_ =	swait.ge [sflag:s9], $0x80  }
0x468: {  	[sflag:s9] =	ssyncset.done $0x0  }
0x469: {  	[sflag:s9] =	ssyncadd.s32 $0xFFFFFF80  }
0x46a: {  	_ =	swait.ge [sflag:s9], $0x80  }
0x46b: {  	[sflag:s9] =	ssyncset.done $0x0  }
0x46c: {  	[sflag:s9] =	ssyncadd.s32 $0xFFFFFF80  }
0x46d: {  	_ =	swait.ge [sflag:s9], $0x80  }
0x46e: {  	[sflag:s9] =	ssyncset.done $0x0  }
0x46f: {  	[sflag:s9] =	ssyncadd.s32 $0xFFFFFF80  }
0x470: {  	_ =	swait.ge [sflag:s9], $0x80  }
0x471: {  	[sflag:s9] =	ssyncset.done $0x0  }
0x472: {  	[sflag:s9] =	ssyncadd.s32 $0xFFFFFF80  }
0x473: {  	_ =	swait.ge [sflag:s9], $0x80  }
0x474: {  	[sflag:s9] =	ssyncset.done $0x0  }
0x475: {  	[sflag:s9] =	ssyncadd.s32 $0xFFFFFF80  }
0x476: {  	_ =	swait.ge [sflag:s9], $0x80  }
0x477: {  	[sflag:s9] =	ssyncset.done $0x0  }
0x478: {  	[sflag:s9] =	ssyncadd.s32 $0xFFFFFF80  }
0x479: {  	_ =	swait.ge [sflag:s9], $0x80  }
0x47a: {  	[sflag:s9] =	ssyncset.done $0x0  }
0x47b: {  	[sflag:s9] =	ssyncadd.s32 $0xFFFFFF80  }
0x47c: {  	_ =	swait.ge [sflag:s9], $0x80  }
0x47d: {  	[sflag:s9] =	ssyncset.done $0x0  }
0x47e: {  	[sflag:s9] =	ssyncadd.s32 $0xFFFFFF80  }
0x47f: {  	_ =	swait.ge [sflag:s9], $0x80  }
0x480: {  	[sflag:s9] =	ssyncset.done $0x0  }
0x481: {  	[sflag:s9] =	ssyncadd.s32 $0xFFFFFF80  }
0x482: {  	_ =	swait.ge [sflag:s9], $0x80  }
0x483: {  	[sflag:s9] =	ssyncset.done $0x0  }
0x484: {  	[sflag:s9] =	ssyncadd.s32 $0xFFFFFF80  }
0x485: {  	_ =	swait.ge [sflag:s9], $0x80  }
0x486: {  	[sflag:s9] =	ssyncset.done $0x0  }
0x487: {  	[sflag:s9] =	ssyncadd.s32 $0xFFFFFF80  }
0x488: {  	_ =	swait.ge [sflag:s9], $0x80  }
0x489: {  	[sflag:s9] =	ssyncset.done $0x0  }
0x48a: {  	[sflag:s9] =	ssyncadd.s32 $0xFFFFFF80  }
0x48b: {  	_ =	swait.ge [sflag:s9], $0x80  }
0x48c: {  	[sflag:s9] =	ssyncset.done $0x0  }
0x48d: {  	[sflag:s9] =	ssyncadd.s32 $0xFFFFFF80  }
0x48e: {  	_ =	swait.ge [sflag:s9], $0x80  }
0x48f: {  	[sflag:s9] =	ssyncset.done $0x0  }
0x490: {  	[sflag:s9] =	ssyncadd.s32 $0xFFFFFF80  }
0x491: {  	_ =	swait.ge [sflag:s9], $0x80  }
0x492: {  	[sflag:s9] =	ssyncset.done $0x0  }
0x493: {  	[sflag:s9] =	ssyncadd.s32 $0xFFFFFF80  }
0x494: {  	_ =	swait.ge [sflag:s9], $0x80  }
0x495: {  	[sflag:s9] =	ssyncset.done $0x0  }
0x496: {  	[sflag:s9] =	ssyncadd.s32 $0xFFFFFF80  }
0x497: {  	_ =	swait.ge [sflag:s9], $0x80  }
0x498: {  	[sflag:s9] =	ssyncset.done $0x0  }
0x499: {  	[sflag:s9] =	ssyncadd.s32 $0xFFFFFF80  }
0x49a: {  	_ =	swait.ge [sflag:s9], $0x80  }
0x49b: {  	[sflag:s9] =	ssyncset.done $0x0  }
0x49c: {  	[sflag:s9] =	ssyncadd.s32 $0xFFFFFF80  }
0x49d: {  	_ =	swait.ge [sflag:s9], $0x80  }
0x49e: {  	[sflag:s9] =	ssyncset.done $0x0  }
0x49f: {  	[sflag:s9] =	ssyncadd.s32 $0xFFFFFF80  }
0x4a0: {  	_ =	swait.ge [sflag:s9], $0x80  }
0x4a1: {  	[sflag:s9] =	ssyncset.done $0x0  }
0x4a2: {  	[sflag:s9] =	ssyncadd.s32 $0xFFFFFF80  }
0x4a3: {  	_ =	swait.ge [sflag:s9], $0x80  }
0x4a4: {  	[sflag:s9] =	ssyncset.done $0x0  }
0x4a5: {  	[sflag:s9] =	ssyncadd.s32 $0xFFFFFF80  }
0x4a6: {  	_ =	swait.ge [sflag:s9], $0x80  }
0x4a7: {  	[sflag:s9] =	ssyncset.done $0x0  }
0x4a8: {  	[sflag:s9] =	ssyncadd.s32 $0xFFFFFF80  }
0x4a9: {  	_ =	swait.ge [sflag:s9], $0x80  }
0x4aa: {  	[sflag:s9] =	ssyncset.done $0x0  }
0x4ab: {  	[sflag:s9] =	ssyncadd.s32 $0xFFFFFF80  }
0x4ac: {  	_ =	swait.ge [sflag:s9], $0x80  }
0x4ad: {  	[sflag:s9] =	ssyncset.done $0x0  }
0x4ae: {  	[sflag:s9] =	ssyncadd.s32 $0xFFFFFF80  }
0x4af: {  	_ =	swait.ge [sflag:s9], $0x80  }
0x4b0: {  	[sflag:s9] =	ssyncset.done $0x0  }
0x4b1: {  	[sflag:s9] =	ssyncadd.s32 $0xFFFFFF80  }
0x4b2: {  	_ =	swait.ge [sflag:s9], $0x80  }
0x4b3: {  	[sflag:s9] =	ssyncset.done $0x0  }
0x4b4: {  	[sflag:s9] =	ssyncadd.s32 $0xFFFFFF80  }
0x4b5: {  	_ =	swait.ge [sflag:s9], $0x80  }
0x4b6: {  	[sflag:s9] =	ssyncset.done $0x0  }
0x4b7: {  	[sflag:s9] =	ssyncadd.s32 $0xFFFFFF80  }
0x4b8: {  	_ =	swait.ge [sflag:s9], $0x80  }
0x4b9: {  	[sflag:s9] =	ssyncset.done $0x0  }
0x4ba: {  	[sflag:s9] =	ssyncadd.s32 $0xFFFFFF80  }
0x4bb: {  	_ =	swait.ge [sflag:s9], $0x80  }
0x4bc: {  	[sflag:s9] =	ssyncset.done $0x0  }
0x4bd: {  	[sflag:s9] =	ssyncadd.s32 $0xFFFFFF80  }
0x4be: {  	_ =	swait.ge [sflag:s9], $0x80  }
0x4bf: {  	[sflag:s9] =	ssyncset.done $0x0  }
0x4c0: {  	[sflag:s9] =	ssyncadd.s32 $0xFFFFFF80  }
0x4c1: {  	_ =	swait.ge [sflag:s9], $0x80  }
0x4c2: {  	[sflag:s9] =	ssyncset.done $0x0  }
0x4c3: {  	[sflag:s9] =	ssyncadd.s32 $0xFFFFFF80  }
0x4c4: {  	_ =	swait.ge [sflag:s9], $0x80  }
0x4c5: {  	[sflag:s9] =	ssyncset.done $0x0  }
0x4c6: {  	[sflag:s9] =	ssyncadd.s32 $0xFFFFFF80  }
0x4c7: {  	_ =	swait.ge [sflag:s9], $0x80  }
0x4c8: {  	[sflag:s9] =	ssyncset.done $0x0  }
0x4c9: {  	[sflag:s9] =	ssyncadd.s32 $0xFFFFFF80  }
0x4ca: {  	_ =	swait.ge [sflag:s9], $0x80  }
0x4cb: {  	[sflag:s9] =	ssyncset.done $0x0  }
0x4cc: {  	[sflag:s9] =	ssyncadd.s32 $0xFFFFFF80  }
0x4cd: {  	_ =	swait.ge [sflag:s9], $0x80  }
0x4ce: {  	[sflag:s9] =	ssyncset.done $0x0  }
0x4cf: {  	[sflag:s9] =	ssyncadd.s32 $0xFFFFFF80  }
0x4d0: {  	_ =	swait.ge [sflag:s9], $0x80  }
0x4d1: {  	[sflag:s9] =	ssyncset.done $0x0  }
0x4d2: {  	[sflag:s9] =	ssyncadd.s32 $0xFFFFFF80  }
0x4d3: {  	_ =	swait.ge [sflag:s9], $0x80  }
0x4d4: {  	[sflag:s9] =	ssyncset.done $0x0  }
0x4d5: {  	[sflag:s9] =	ssyncadd.s32 $0xFFFFFF80  }
0x4d6: {  	_ =	swait.ge [sflag:s9], $0x80  }
0x4d7: {  	[sflag:s9] =	ssyncset.done $0x0  }
0x4d8: {  	[sflag:s9] =	ssyncadd.s32 $0xFFFFFF80  }
0x4d9: {  	_ =	swait.ge [sflag:s9], $0x80  }
0x4da: {  	[sflag:s9] =	ssyncset.done $0x0  }
0x4db: {  	[sflag:s9] =	ssyncadd.s32 $0xFFFFFF80  }
0x4dc: {  	_ =	swait.ge [sflag:s9], $0x80  }
0x4dd: {  	[sflag:s9] =	ssyncset.done $0x0  }
0x4de: {  	[sflag:s9] =	ssyncadd.s32 $0xFFFFFF80  }
0x4df: {  	_ =	swait.ge [sflag:s9], $0x80  }
0x4e0: {  	[sflag:s9] =	ssyncset.done $0x0  }
0x4e1: {  	[sflag:s9] =	ssyncadd.s32 $0xFFFFFF80  }
0x4e2: {  	_ =	swait.ge [sflag:s9], $0x80  }
0x4e3: {  	[sflag:s9] =	ssyncset.done $0x0  }
0x4e4: {  	[sflag:s9] =	ssyncadd.s32 $0xFFFFFF80  }
0x4e5: {  	_ =	swait.ge [sflag:s9], $0x80  }
0x4e6: {  	[sflag:s9] =	ssyncset.done $0x0  }
0x4e7: {  	[sflag:s9] =	ssyncadd.s32 $0xFFFFFF80  }
0x4e8: {  	_ =	swait.ge [sflag:s9], $0x80  }
0x4e9: {  	[sflag:s9] =	ssyncset.done $0x0  }
0x4ea: {  	[sflag:s9] =	ssyncadd.s32 $0xFFFFFF80  }
0x4eb: {  	_ =	swait.ge [sflag:s9], $0x80  }
0x4ec: {  	[sflag:s9] =	ssyncset.done $0x0  }
0x4ed: {  	[sflag:s9] =	ssyncadd.s32 $0xFFFFFF80  }
0x4ee: {  	_ =	swait.ge [sflag:s9], $0x80  }
0x4ef: {  	[sflag:s9] =	ssyncset.done $0x0  }
0x4f0: {  	[sflag:s9] =	ssyncadd.s32 $0xFFFFFF80  }
0x4f1: {  	_ =	swait.ge [sflag:s9], $0x80  }
0x4f2: {  	[sflag:s9] =	ssyncset.done $0x0  }
0x4f3: {  	[sflag:s9] =	ssyncadd.s32 $0xFFFFFF80  }
0x4f4: {  	_ =	swait.ge [sflag:s9], $0x80  }
0x4f5: {  	[sflag:s9] =	ssyncset.done $0x0  }
0x4f6: {  	[sflag:s9] =	ssyncadd.s32 $0xFFFFFF80  }
0x4f7: {  	_ =	swait.ge [sflag:s9], $0x80  }
0x4f8: {  	[sflag:s9] =	ssyncset.done $0x0  }
0x4f9: {  	[sflag:s9] =	ssyncadd.s32 $0xFFFFFF80  }
0x4fa: {  	_ =	swait.ge [sflag:s9], $0x80  }
0x4fb: {  	[sflag:s9] =	ssyncset.done $0x0  }
0x4fc: {  	[sflag:s9] =	ssyncadd.s32 $0xFFFFFF80  }
0x4fd: {  	_ =	swait.ge [sflag:s9], $0x80  }
0x4fe: {  	[sflag:s9] =	ssyncset.done $0x0  }
0x4ff: {  	[sflag:s9] =	ssyncadd.s32 $0xFFFFFF80  }
0x500: {  	_ =	swait.ge [sflag:s9], $0x80  }
0x501: {  	[sflag:s9] =	ssyncset.done $0x0  }
0x502: {  	[sflag:s9] =	ssyncadd.s32 $0xFFFFFF80  }
0x503: {  	_ =	swait.ge [sflag:s9], $0x80  }
0x504: {  	[sflag:s9] =	ssyncset.done $0x0  }
0x505: {  	[sflag:s9] =	ssyncadd.s32 $0xFFFFFF80  }
0x506: {  	_ =	swait.ge [sflag:s9], $0x80  }
0x507: {  	[sflag:s9] =	ssyncset.done $0x0  }
0x508: {  	[sflag:s9] =	ssyncadd.s32 $0xFFFFFF80  }
0x509: {  	_ =	swait.ge [sflag:s9], $0x80  }
0x50a: {  	[sflag:s9] =	ssyncset.done $0x0  }
0x50b: {  	[sflag:s9] =	ssyncadd.s32 $0xFFFFFF80  }
0x50c: {  	_ =	swait.ge [sflag:s9], $0x80  }
0x50d: {  	[sflag:s9] =	ssyncset.done $0x0  }
0x50e: {  	[sflag:s9] =	ssyncadd.s32 $0xFFFFFF80  }
0x50f: {  	_ =	swait.ge [sflag:s9], $0x80  }
0x510: {  	[sflag:s9] =	ssyncset.done $0x0  }
0x511: {  	[sflag:s9] =	ssyncadd.s32 $0xFFFFFF80  }
0x512: {  	_ =	swait.ge [sflag:s9], $0x80  }
0x513: {  	[sflag:s9] =	ssyncset.done $0x0  }
0x514: {  	[sflag:s9] =	ssyncadd.s32 $0xFFFFFF80  }
0x515: {  	_ =	swait.ge [sflag:s9], $0x80  }
0x516: {  	[sflag:s9] =	ssyncset.done $0x0  }
0x517: {  	[sflag:s9] =	ssyncadd.s32 $0xFFFFFF80  }
0x518: {  	_ =	swait.ge [sflag:s9], $0x80  }
0x519: {  	[sflag:s9] =	ssyncset.done $0x0  }
0x51a: {  	[sflag:s9] =	ssyncadd.s32 $0xFFFFFF80  }
0x51b: {  	_ =	swait.ge [sflag:s9], $0x80  }
0x51c: {  	[sflag:s9] =	ssyncset.done $0x0  }
0x51d: {  	[sflag:s9] =	ssyncadd.s32 $0xFFFFFF80  }
0x51e: {  	_ =	swait.ge [sflag:s9], $0x80  }
0x51f: {  	[sflag:s9] =	ssyncset.done $0x0  }
0x520: {  	[sflag:s9] =	ssyncadd.s32 $0xFFFFFF80  }
0x521: {  	_ =	swait.ge [sflag:s9], $0x80  }
0x522: {  	[sflag:s9] =	ssyncset.done $0x0  }
0x523: {  	[sflag:s9] =	ssyncadd.s32 $0xFFFFFF80  }
0x524: {  	_ =	swait.ge [sflag:s9], $0x80  }
0x525: {  	[sflag:s9] =	ssyncset.done $0x0  }
0x526: {  	[sflag:s9] =	ssyncadd.s32 $0xFFFFFF80  }
0x527: {  	_ =	swait.ge [sflag:s9], $0x80  }
0x528: {  	[sflag:s9] =	ssyncset.done $0x0  }
0x529: {  	[sflag:s9] =	ssyncadd.s32 $0xFFFFFF80  }
0x52a: {  	_ =	swait.ge [sflag:s9], $0x80  }
0x52b: {  	[sflag:s9] =	ssyncset.done $0x0  }
0x52c: {  	[sflag:s9] =	ssyncadd.s32 $0xFFFFFF80  }
0x52d: {  	_ =	swait.ge [sflag:s9], $0x80  }
0x52e: {  	[sflag:s9] =	ssyncset.done $0x0  }
0x52f: {  	[sflag:s9] =	ssyncadd.s32 $0xFFFFFF80  }
0x530: {  	_ =	swait.ge [sflag:s9], $0x80  }
0x531: {  	[sflag:s9] =	ssyncset.done $0x0  }
0x532: {  	[sflag:s9] =	ssyncadd.s32 $0xFFFFFF80  }
0x533: {  	_ =	swait.ge [sflag:s9], $0x80  }
0x534: {  	[sflag:s9] =	ssyncset.done $0x0  }
0x535: {  	[sflag:s9] =	ssyncadd.s32 $0xFFFFFF80  }
0x536: {  	_ =	swait.ge [sflag:s9], $0x80  }
0x537: {  	[sflag:s9] =	ssyncset.done $0x0  }
0x538: {  	[sflag:s9] =	ssyncadd.s32 $0xFFFFFF80  }
0x539: {  	_ =	swait.ge [sflag:s9], $0x80  }
0x53a: {  	[sflag:s9] =	ssyncset.done $0x0  }
0x53b: {  	[sflag:s9] =	ssyncadd.s32 $0xFFFFFF80  }
0x53c: {  	_ =	swait.ge [sflag:s9], $0x80  }
0x53d: {  	[sflag:s9] =	ssyncset.done $0x0  }
0x53e: {  	[sflag:s9] =	ssyncadd.s32 $0xFFFFFF80  }
0x53f: {  	_ =	swait.ge [sflag:s9], $0x80  }
0x540: {  	[sflag:s9] =	ssyncset.done $0x0  }
0x541: {  	[sflag:s9] =	ssyncadd.s32 $0xFFFFFF80  }
0x542: {  	_ =	swait.ge [sflag:s9], $0x80  }
0x543: {  	[sflag:s9] =	ssyncset.done $0x0  }
0x544: {  	[sflag:s9] =	ssyncadd.s32 $0xFFFFFF80  }
0x545: {  	_ =	swait.ge [sflag:s9], $0x80  }
0x546: {  	[sflag:s9] =	ssyncset.done $0x0  }
0x547: {  	[sflag:s9] =	ssyncadd.s32 $0xFFFFFF80  }
0x548: {  	_ =	swait.ge [sflag:s9], $0x80  }
0x549: {  	[sflag:s9] =	ssyncset.done $0x0  }
0x54a: {  	[sflag:s9] =	ssyncadd.s32 $0xFFFFFF80  }
0x54b: {  	_ =	swait.ge [sflag:s9], $0x80  }
0x54c: {  	[sflag:s9] =	ssyncset.done $0x0  }
0x54d: {  	[sflag:s9] =	ssyncadd.s32 $0xFFFFFF80  }
0x54e: {  	_ =	swait.ge [sflag:s9], $0x80  }
0x54f: {  	[sflag:s9] =	ssyncset.done $0x0  }
0x550: {  	[sflag:s9] =	ssyncadd.s32 $0xFFFFFF80  }
0x551: {  	_ =	swait.ge [sflag:s9], $0x80  }
0x552: {  	[sflag:s9] =	ssyncset.done $0x0  }
0x553: {  	s29 =	rddreg [dreg:$0x8];
	[sflag:s9] =	ssyncadd.s32 $0xFFFFFF80  }
0x554: {  	[hbm4b:s29+s2] =	stream.linear.scatter [tilespmem:s5], [sflag:$0x2], $0x1000, $0x38;
	[tilespmem:$0x3180] =	vst v63  }
0x555: {  	_ =	swait.ge [sflag:s3], $0x1000  }
0x556: {  	[sflag:s3] =	ssyncset.done $0x0  }
0x557: {  	p0 =	sne.s32 s10, $0x1;
	s30 =	rddreg [dreg:$0x9];
	[sflag:s3] =	ssyncadd.s32 $0xFFFFF000  }
0x558: {  	[hbm4b:s30+s2] =	stream.linear.scatter [tilespmem:s7], [sflag:$0x2], $0x1000, $0x38;
	[tilespmem:$0x3180] =	vst v63  }
.Ltmp1:
0x559: {  	_ = 	snop;
	(pc) =	sbr.rel @p0 .LBB2_1-.Ltmp1, $4  }
0x55a: {  	_ =	swait.ge [sflag:s3], $0x1000  }
0x55b: {  	[sflag:s3] =	ssyncset.done $0x0  }
0x55c: {  	s10 =	sadd.s32 $0xFFFFFFFF, s10;
	s31 =	rddreg [dreg:$0xa];
	[sflag:s3] =	ssyncadd.s32 $0xFFFFF000  }
0x55d: {  	[hbm4b:s31+s2] =	stream.linear.scatter [tilespmem:s8], [sflag:$0x2], $0x1000, $0x38;
	[tilespmem:$0x3180] =	vst v63  }
.LBB2_2:
0x55e: {  	_ =	swait.ge [sflag:s3], $0x1000  }
0x55f: {  	[sflag:s3] =	ssyncset.done $0x0  }
0x560: {  	[sflag:s3] =	ssyncadd.s32 $0xFFFFF000  }
0x561: {  	_ =	sfence.sel $0x180000  }
0x562: {  	[bflag:$0x0] =	sbarrier.arrive $0xFFFF  }
0x563: {  	p0 =	sne.s32 s0, $0x0;
	_ =	strace $0x90000047  }
0x564: {  	s0 =	sadd.s32 @!p0 $0x100000, s1;
	[bflag:$0x2] =	sbarrier.arrive $0xFFFF  }
0x565: {  	[sflag:s0] =	ssyncadd.tile.s32 @!p0 $0x1;
	_ =	shalt  }
.Lfunc_end2:
_tile_overlayer_lowered:
.L_overlay_start_2:
0x566: {  	(tag) =	ssettag $0x2  }
0x567: {  	s0 =	rddreg [dreg:$0x0];
	s2 =	stileid.u32  }
0x568: {  	s1 =	rddreg [dreg:$0x1];
	p0 =	sne.s32 s2, $0x0  }
0x569: {  	s3 =	rddreg [dreg:$0x2];
	[bflag:$0x3] =	sbarrier.arrive $0xFFFF;
	s2 =	simm.s32 @!p0 $0x1C02  }
0x56a: {  	[timem:s3], [sflag:s2] =	dma.local @!p0 [hbm:s0], s1  }
0x56b: {  	s0 =	simm.s32 @!p0 $0x2  }
0x56c: {  	_ =	swait.ge @!p0 [sflag:s0], s1  }
0x56d: {  	s1 =	ssub.s32 @!p0 $0x0, s1;
	[sflag:s0] =	ssyncset.done @!p0 $0x0  }
0x56e: {  	[sflag:s0] =	ssyncadd.s32 @!p0 s1  }
0x56f: {  	[bflag:$0x3] =	sbarrier.arrive $0xFFFF  }
0x570: {  	_ =	shalt  }

</sc_bundles>
